<compile_context>
chip_gen: v7x
topology: tpu7x:2x2x1
jax: 0.10.2.dev20260603
libtpu: 0.0.44.dev20260713+nightly
codegen_flags: <defaults>
</compile_context>

<pallas_src>
import functools

import jax
import jax.numpy as jnp
import numpy as np
from jax import lax
from jax.experimental import pallas as pl
from jax.experimental.pallas import tpu as pltpu
from jax.experimental.pallas import tpu_sc as plsc

NFT_SIZE = 1000000
SELLER_SIZE = 100000
BUYER_SIZE = 100000
LATENT_DIM = 16
N_EDGES = 1000000
SAMPLE_SIZE = 200

N_PAD = 1 << 20
NUM_TILES = 32
EPT = N_PAD // NUM_TILES
VPT = EPT // 16
CAP = 128
M_TOT = NUM_TILES * CAP
BITS_N = 31264
S_PAD = 256

ROW_PAD = 100352
RPT = ROW_PAD // 16
DUMP_ROW = ROW_PAD - 1
CAPR = 128
R_TOT = 16 * CAPR



def _rotl(v, r):
    return (v << np.uint32(r)) | (v >> np.uint32(32 - r))


def _tf2x32(k1, k2, x0, x1):
    rot = [[13, 15, 26, 6], [17, 29, 16, 24]]
    ks = [k1, k2, np.uint32(k1 ^ k2 ^ np.uint32(0x1BD11BDA))]
    x = [x0 + ks[0], x1 + ks[1]]
    for ri, a, b, c in [(0, 1, 2, 1), (1, 2, 0, 2), (0, 0, 1, 3),
                        (1, 1, 2, 4), (0, 2, 0, 5)]:
        for r in rot[ri]:
            x[0] = x[0] + x[1]
            x[1] = _rotl(x[1], r)
            x[1] = x[0] ^ x[1]
        x[0] = x[0] + ks[a]
        x[1] = x[1] + ks[b] + np.uint32(c)
    return x


def _sample_permutation_prefix(seed, n, k):
    key = (np.uint32(0), np.uint32(seed))
    x = np.arange(n, dtype=np.int32)
    for _ in range(2):
        b1, b2 = _tf2x32(key[0], key[1],
                         np.zeros(2, np.uint32), np.arange(2, dtype=np.uint32))
        key, sub = (b1[0], b2[0]), (b1[1], b2[1])
        s1, s2 = _tf2x32(sub[0], sub[1],
                         np.zeros(n, np.uint32), np.arange(n, dtype=np.uint32))
        x = x[np.argsort(s1 ^ s2, kind="stable")]
    return x[:k]


_SAMPLE_IDX = _sample_permutation_prefix(42, NFT_SIZE, SAMPLE_SIZE)
_BITS = np.zeros((BITS_N,), dtype=np.uint32)
np.bitwise_or.at(_BITS, _SAMPLE_IDX >> 5, np.uint32(1) << (_SAMPLE_IDX & 31))
_BITS_I32 = _BITS.view(np.int32)
_SAMPLE_GATHER = np.zeros((S_PAD,), np.int32)
_SAMPLE_GATHER[:SAMPLE_SIZE] = _SAMPLE_IDX
_SAMPLE_CMP = np.full((S_PAD,), -2, np.int32)
_SAMPLE_CMP[:SAMPLE_SIZE] = _SAMPLE_IDX


def _lane_ids(off):
    return lax.iota(jnp.int32, 16) + off


@functools.lru_cache(maxsize=1)
def _get_edge_compact():
    mesh = plsc.VectorSubcoreMesh(core_axis_name="c", subcore_axis_name="s")

    @functools.partial(
        pl.kernel,
        mesh=mesh,
        out_type=[
            jax.ShapeDtypeStruct((NUM_TILES, CAP), jnp.int32),
            jax.ShapeDtypeStruct((NUM_TILES, CAP), jnp.int32),
            jax.ShapeDtypeStruct((NUM_TILES, CAP), jnp.int32),
            jax.ShapeDtypeStruct((NUM_TILES, CAP), jnp.float32),
            jax.ShapeDtypeStruct((NUM_TILES, CAP), jnp.float32),
            jax.ShapeDtypeStruct((NUM_TILES, CAP, LATENT_DIM), jnp.float32),
            jax.ShapeDtypeStruct((NUM_TILES, CAP, LATENT_DIM), jnp.float32),
        ],
        scratch_types=[
            pltpu.VMEM((BITS_N,), jnp.int32),
            pltpu.VMEM((EPT,), jnp.int32),
            pltpu.VMEM((CAP,), jnp.int32),
            pltpu.VMEM((CAP,), jnp.int32),
            pltpu.VMEM((CAP,), jnp.int32),
            pltpu.VMEM((CAP,), jnp.int32),
            pltpu.VMEM((CAP,), jnp.float32),
            pltpu.VMEM((CAP,), jnp.float32),
            pltpu.VMEM((CAP,), jnp.float32),
            pltpu.VMEM((CAP, LATENT_DIM), jnp.float32),
            pltpu.VMEM((CAP, LATENT_DIM), jnp.float32),
            pltpu.SemaphoreType.DMA,
        ],
        compiler_params=pltpu.CompilerParams(needs_layout_passes=False,
                                             use_tc_tiling_on_sc=False),
    )
    def _edge_compact(bits_hbm, idx_hbm, sj_hbm, sk_hbm, sw_hbm,
                      nu_hbm, tau_hbm, lr_hbm, lu_hbm,
                      ei_out, ej_out, ek_out, w_out, bias_out, r_out, u_out,
                      bits_v, idx_v, ids_v, ei_v, ej_v, ek_v, w_v,
                      nu_v, tau_v, rrow_v, urow_v, sem):
        wid = lax.axis_index("s") * 2 + lax.axis_index("c")
        base = wid * EPT
        d1 = pltpu.async_copy(bits_hbm, bits_v, sem)
        d2 = pltpu.async_copy(idx_hbm.at[pl.ds(base, EPT)], idx_v, sem)
        d1.wait()
        d2.wait()

        zeros16 = jnp.zeros((16,), jnp.int32)
        for u in range(CAP // 16):
            ids_v[pl.ds(u * 16, 16)] = zeros16
            ei_v[pl.ds(u * 16, 16)] = zeros16

        def hit_bits(v):
            i16 = idx_v[pl.ds(v * 16, 16)]
            word = plsc.load_gather(bits_v, [lax.shift_right_logical(i16, 5)])
            return i16, lax.shift_right_logical(word, i16 & 31) & 1

        GRP = 16

        def group(g, off):
            acc = jnp.zeros((16,), jnp.int32)
            for u in range(GRP):
                _, bit = hit_bits(g * GRP + u)
                acc = acc | bit

            def detail(off2):
                for u in range(GRP):
                    v = g * GRP + u
                    i16, bit = hit_bits(v)
                    m = bit != 0
                    gids = (base + v * 16) + lax.iota(jnp.int32, 16)
                    off_c = jnp.minimum(off2, CAP - 16)
                    plsc.store_compressed(ids_v.at[pl.ds(off_c, 16)], gids,
                                          mask=m)
                    plsc.store_compressed(ei_v.at[pl.ds(off_c, 16)], i16,
                                          mask=m)
                    off2 = off2 + jnp.sum(m.astype(jnp.int32))
                return off2

            return lax.cond(jnp.sum(acc) > 0, detail, lambda o: o, off)

        cnt = lax.fori_loop(0, VPT // GRP, group, jnp.int32(0))

        c1 = pltpu.async_copy(sj_hbm.at[ids_v], ej_v, sem)
        c2 = pltpu.async_copy(sk_hbm.at[ids_v], ek_v, sem)
        c3 = pltpu.async_copy(sw_hbm.at[ids_v], w_v, sem)
        c1.wait()
        c2.wait()
        c4 = pltpu.async_copy(nu_hbm.at[ej_v], nu_v, sem)
        c5 = pltpu.async_copy(lr_hbm.at[ej_v], rrow_v, sem)
        c6 = pltpu.async_copy(tau_hbm.at[ek_v], tau_v, sem)
        c7 = pltpu.async_copy(lu_hbm.at[ek_v], urow_v, sem)
        c3.wait()
        c4.wait()
        c5.wait()
        c6.wait()
        c7.wait()

        for u in range(CAP // 16):
            sl = pl.ds(u * 16, 16)
            padm = _lane_ids(u * 16) >= cnt
            ei_v[sl] = jnp.where(padm, jnp.int32(-1), ei_v[sl])
            ej_v[sl] = jnp.where(padm, jnp.int32(DUMP_ROW), ej_v[sl])
            ek_v[sl] = jnp.where(padm, jnp.int32(DUMP_ROW), ek_v[sl])
            w_v[sl] = jnp.where(padm, jnp.float32(0.0), w_v[sl])
            nu_v[sl] = nu_v[sl] + tau_v[sl]

        pltpu.sync_copy(ei_v, ei_out.at[wid])
        pltpu.sync_copy(ej_v, ej_out.at[wid])
        pltpu.sync_copy(ek_v, ek_out.at[wid])
        pltpu.sync_copy(w_v, w_out.at[wid])
        pltpu.sync_copy(nu_v, bias_out.at[wid])
        pltpu.sync_copy(rrow_v, r_out.at[wid])
        pltpu.sync_copy(urow_v, u_out.at[wid])

    return _edge_compact


@functools.lru_cache(maxsize=1)
def _get_row_dedup():
    mesh = plsc.VectorSubcoreMesh(core_axis_name="c", subcore_axis_name="s")

    @functools.partial(
        pl.kernel,
        mesh=mesh,
        out_type=[
            jax.ShapeDtypeStruct((16, CAPR, LATENT_DIM), jnp.float32),
            jax.ShapeDtypeStruct((16, CAPR), jnp.float32),
            jax.ShapeDtypeStruct((16, CAPR, LATENT_DIM), jnp.float32),
            jax.ShapeDtypeStruct((16, CAPR), jnp.float32),
        ],
        scratch_types=[
            pltpu.VMEM_SHARED((ROW_PAD,), jnp.int32),
            pltpu.VMEM((2, CAP), jnp.int32),
            pltpu.VMEM((CAP,), jnp.int32),
            pltpu.VMEM((RPT,), jnp.int32),
            pltpu.VMEM((CAPR,), jnp.int32),
            pltpu.VMEM((CAPR,), jnp.float32),
            pltpu.VMEM((CAPR, LATENT_DIM), jnp.float32),
            pltpu.SemaphoreType.DMA,
        ],
        compiler_params=pltpu.CompilerParams(needs_layout_passes=False,
                                             use_tc_tiling_on_sc=False),
    )
    def _row_dedup(ej_hbm, ek_hbm, zeros_hbm, nu_hbm, tau_hbm, lr_hbm, lu_hbm,
                   rrows_out, nuv_out, urows_out, tauv_out,
                   sh_cnt, eids_v, ones_v, scan_v, rows_v, bval_v, rowbuf_v,
                   sem):
        cid = lax.axis_index("c")
        sid = lax.axis_index("s")

        def side(ed_hbm, bias_hbm, table_hbm, bias_out, rows_out):
            pltpu.sync_copy(zeros_hbm.at[pl.ds(sid * RPT, RPT)],
                            sh_cnt.at[pl.ds(sid * RPT, RPT)])
            for u in range(CAP // 16):
                ones_v[pl.ds(u * 16, 16)] = jnp.ones((16,), jnp.int32)
            plsc.subcore_barrier()
            pltpu.sync_copy(ed_hbm.at[pl.ds(2 * sid, 2)], eids_v)
            pltpu.sync_copy(ones_v, sh_cnt.at[eids_v.at[0]], add=True)
            pltpu.sync_copy(ones_v, sh_cnt.at[eids_v.at[1]], add=True)
            plsc.subcore_barrier()
            pltpu.sync_copy(sh_cnt.at[pl.ds(sid * RPT, RPT)], scan_v)
            zeros16 = jnp.zeros((16,), jnp.int32)
            for u in range(CAPR // 16):
                rows_v[pl.ds(u * 16, 16)] = zeros16

            GRP = 8

            def group(g, off):
                acc = jnp.zeros((16,), jnp.int32)
                for u in range(GRP):
                    acc = acc | scan_v[pl.ds((g * GRP + u) * 16, 16)]

                def detail(off2):
                    for u in range(GRP):
                        v = g * GRP + u
                        cnt16 = scan_v[pl.ds(v * 16, 16)]
                        rowid = (sid * RPT + v * 16) + lax.iota(jnp.int32, 16)
                        m = (cnt16 > 0) & (rowid < SELLER_SIZE)
                        off_c = jnp.minimum(off2, CAPR - 16)
                        plsc.store_compressed(rows_v.at[pl.ds(off_c, 16)],
                                              rowid, mask=m)
                        off2 = off2 + jnp.sum(m.astype(jnp.int32))
                    return off2

                return lax.cond(jnp.sum(acc) > 0, detail, lambda o: o, off)

            rcnt = lax.fori_loop(0, RPT // (16 * GRP), group, jnp.int32(0))
            g1 = pltpu.async_copy(bias_hbm.at[rows_v], bval_v, sem)
            g2 = pltpu.async_copy(table_hbm.at[rows_v], rowbuf_v, sem)
            g1.wait()
            g2.wait()
            for u in range(CAPR // 16):
                sl = pl.ds(u * 16, 16)
                padm = _lane_ids(u * 16) >= rcnt
                bval_v[sl] = jnp.where(padm, jnp.float32(-1e30), bval_v[sl])
            pltpu.sync_copy(bval_v, bias_out.at[sid])
            pltpu.sync_copy(rowbuf_v, rows_out.at[sid])

        @pl.when(cid == 0)
        def _():
            side(ej_hbm, nu_hbm, lr_hbm, nuv_out, rrows_out)

        @pl.when(cid == 1)
        def _():
            side(ek_hbm, tau_hbm, lu_hbm, tauv_out, urows_out)

    return _row_dedup


def _finish_body(rrow_ref, urow_ref, w_ref, bias2_ref, ei_ref,
                 rrows_ref, nuv_ref, urows_ref, tauv_ref, lats_ref,
                 rhosc_ref, rhosr_ref, scmp_ref, z2_ref, z1_ref):
    eq = ei_ref[...] == scmp_ref[...]
    eqf = eq.astype(jnp.float32)
    lrow = lax.dot_general(eqf, lats_ref[...], (((1,), (0,)), ((), ())),
                           preferred_element_type=jnp.float32)
    rho_e = lax.dot_general(eqf, rhosc_ref[...], (((1,), (0,)), ((), ())),
                            preferred_element_type=jnp.float32)
    dlr = jnp.sqrt(jnp.sum((lrow - rrow_ref[...] + 1e-6) ** 2, axis=-1,
                           keepdims=True))
    dlu = jnp.sqrt(jnp.sum((lrow - urow_ref[...] + 1e-6) ** 2, axis=-1,
                           keepdims=True))
    z2_ref[...] = jnp.sum(
        w_ref[...] * (bias2_ref[...] + rho_e - dlr - dlu)).reshape(1, 1)

    mask_i = jnp.any(eq, axis=0, keepdims=True)

    s = lats_ref[...]
    sn = jnp.sum(s * s, axis=-1)[None, :]

    r1 = rrows_ref[...] + 1e-6
    cross = lax.dot_general(r1, s, (((1,), (1,)), ((), ())),
                            preferred_element_type=jnp.float32)
    rn = jnp.sum(r1 * r1, axis=-1, keepdims=True)
    d = jnp.sqrt(jnp.maximum(rn + sn - 2.0 * cross, 0.0)) + 1e-6
    a = jnp.sum(jnp.exp(nuv_ref[...]) * jnp.exp(-d), axis=0, keepdims=True)

    u1 = urows_ref[...] + 1e-6
    cross_u = lax.dot_general(u1, s, (((1,), (1,)), ((), ())),
                              preferred_element_type=jnp.float32)
    un = jnp.sum(u1 * u1, axis=-1, keepdims=True)
    du = jnp.sqrt(jnp.maximum(un + sn - 2.0 * cross_u, 0.0)) + 1e-6
    b = jnp.sum(jnp.exp(tauv_ref[...]) * jnp.exp(-du), axis=0, keepdims=True)

    z1_ref[...] = jnp.sum(
        jnp.where(mask_i, a * jnp.exp(rhosr_ref[...]) * b, 0.0)).reshape(1, 1)


_finish = pl.pallas_call(
    _finish_body,
    out_shape=[
        jax.ShapeDtypeStruct((1, 1), jnp.float32),
        jax.ShapeDtypeStruct((1, 1), jnp.float32),
    ],
)


def kernel(latent_l, latent_r, latent_u, rho, nu, tau,
           sparse_w, sparse_i, sparse_j, sparse_k, epoch):
    bits = jnp.asarray(_BITS_I32)
    pad = jnp.full((N_PAD - N_EDGES,), NFT_SIZE, jnp.int32)
    idx_p = jnp.concatenate([sparse_i, pad])

    ei, ej, ek, w, bias2, rrow, urow = _get_edge_compact()(
        bits, idx_p, sparse_j, sparse_k, sparse_w,
        nu, tau, latent_r, latent_u)

    zeros_rows = jnp.zeros((ROW_PAD,), jnp.int32)
    rrows, nuv, urows, tauv = _get_row_dedup()(
        ej, ek, zeros_rows, nu, tau, latent_r, latent_u)

    samp = jnp.asarray(_SAMPLE_GATHER)
    lat_s = latent_l[samp]
    rho_s = rho[samp]

    z2, z1 = _finish(
        rrow.reshape(M_TOT, LATENT_DIM),
        urow.reshape(M_TOT, LATENT_DIM),
        w.reshape(M_TOT, 1),
        bias2.reshape(M_TOT, 1),
        ei.reshape(M_TOT, 1),
        rrows.reshape(R_TOT, LATENT_DIM),
        nuv.reshape(R_TOT, 1),
        urows.reshape(R_TOT, LATENT_DIM),
        tauv.reshape(R_TOT, 1),
        lat_s,
        rho_s.reshape(S_PAD, 1),
        rho_s.reshape(1, S_PAD),
        jnp.asarray(_SAMPLE_CMP).reshape(1, S_PAD),
    )
    return z2[0, 0] - z1[0, 0]

# --- scband reference (transcript-rebuilt; emitter-appended) ---
"""Pipeline reference for scband-ldm-tri-1245540516213 (READ-ONLY COPY).

The authoritative reference and input builder live on the scoring server;
editing this copy changes nothing except your own understanding.
"""

import jax, jax.numpy as jnp
import numpy as np

NFT_SIZE = 1000000
SELLER_SIZE = 100000
BUYER_SIZE = 100000
LATENT_DIM = 16
N_EDGES = 1000000
SAMPLE_SIZE = 200

def _cdist(a, b):
    return jnp.sqrt(jnp.sum((a[:, None, :] - b[None, :, :]) ** 2, axis=-1))

def setup_inputs(seed: int = 0):
    key = jax.random.key(seed)
    ks = jax.random.split(key, 10)
    return {
        "latent_l": jax.random.normal(ks[0], (NFT_SIZE, LATENT_DIM), dtype=jnp.float32),
        "latent_r": jax.random.normal(ks[1], (SELLER_SIZE, LATENT_DIM), dtype=jnp.float32),
        "latent_u": jax.random.normal(ks[2], (BUYER_SIZE, LATENT_DIM), dtype=jnp.float32),
        "rho": jax.random.normal(ks[3], (NFT_SIZE,), dtype=jnp.float32),
        "nu": jax.random.normal(ks[4], (SELLER_SIZE,), dtype=jnp.float32),
        "tau": jax.random.normal(ks[5], (BUYER_SIZE,), dtype=jnp.float32),
        "sparse_w": jax.random.uniform(ks[6], (N_EDGES,), dtype=jnp.float32),
        "sparse_i": jax.random.randint(ks[7], (N_EDGES,), 0, NFT_SIZE, dtype=jnp.int32),
        "sparse_j": jax.random.randint(ks[8], (N_EDGES,), 0, SELLER_SIZE, dtype=jnp.int32),
        "sparse_k": jax.random.randint(ks[9], (N_EDGES,), 0, BUYER_SIZE, dtype=jnp.int32),
        "epoch": 0,
    }

def reference(latent_l, latent_r, latent_u, rho, nu, tau, sparse_w, sparse_i, sparse_j, sparse_k, epoch):
    # sample_network: multinomial over uniform weights without replacement == random permutation prefix
    skey = jax.random.key(42)
    sample_idx = jax.random.permutation(skey, NFT_SIZE)[:SAMPLE_SIZE]
    member = jnp.zeros((NFT_SIZE,), dtype=bool).at[sample_idx].set(True)
    edge_mask = member[sparse_i]  # torch.isin(sparse_i, sample_idx) as gather
    mask_j = jnp.zeros((SELLER_SIZE,), dtype=bool).at[sparse_j].max(edge_mask)
    mask_k = jnp.zeros((BUYER_SIZE,), dtype=bool).at[sparse_k].max(edge_mask)
    mask_i_full = jnp.zeros((NFT_SIZE,), dtype=bool).at[sparse_i].max(edge_mask)
    mask_i = mask_i_full[sample_idx]
    lat_i = latent_l[sample_idx]
    d_rl = _cdist(latent_r + 1e-06, lat_i) + 1e-06
    d_ul = _cdist(latent_u + 1e-06, lat_i) + 1e-06
    non_link_rl = jnp.where(mask_j[:, None], jnp.exp(nu[:, None] - d_rl), 0.0)
    non_link_ul = jnp.where(mask_k[:, None], jnp.exp(rho[sample_idx][None, :] + tau[:, None] - d_ul), 0.0)
    sum_rl = jnp.sum(non_link_rl, axis=0)
    sum_ul = jnp.sum(non_link_ul, axis=0)
    z_pdist1 = jnp.sum(jnp.where(mask_i, sum_rl * sum_ul, 0.0))
    zqdist_lr = -jnp.sqrt(jnp.sum((latent_l[sparse_i] - latent_r[sparse_j] + 1e-06) ** 2, axis=-1))
    zqdist_lu = -jnp.sqrt(jnp.sum((latent_l[sparse_i] - latent_u[sparse_k] + 1e-06) ** 2, axis=-1))
    sum_bias = rho[sparse_i] + nu[sparse_j] + tau[sparse_k]
    z_pdist2 = jnp.sum(jnp.where(edge_mask, sparse_w * (sum_bias + zqdist_lr + zqdist_lu), 0.0))
    return z_pdist2 - z_pdist1

if __name__ == "__main__":
    import jax
    _d = setup_inputs()
    print(jax.jit(kernel)(*tuple(_d.values())))

</pallas_src>

<mosaic_0001>
#map = affine_map<(d0, d1) -> (0, 0)>
#map1 = affine_map<(d0, d1) -> (0)>
#map2 = affine_map<(d0, d1) -> (0, 0, 0)>
module attributes {stable_mosaic.version = 14 : i64} {
  func.func @_row_dedup(%arg0: i32, %arg1: i32, %arg2: memref<32x128xi32, #tpu.memory_space<hbm>>, %arg3: memref<32x128xi32, #tpu.memory_space<hbm>>, %arg4: memref<100352xi32, #tpu.memory_space<hbm>>, %arg5: memref<100000xf32, #tpu.memory_space<hbm>>, %arg6: memref<100000xf32, #tpu.memory_space<hbm>>, %arg7: memref<100000x16xf32, #tpu.memory_space<hbm>>, %arg8: memref<100000x16xf32, #tpu.memory_space<hbm>>, %arg9: memref<16x128x16xf32, #tpu.memory_space<hbm>>, %arg10: memref<16x128xf32, #tpu.memory_space<hbm>>, %arg11: memref<16x128x16xf32, #tpu.memory_space<hbm>>, %arg12: memref<16x128xf32, #tpu.memory_space<hbm>>, %arg13: memref<100352xi32, #tpu.memory_space<vmem_shared>>, %arg14: memref<2x128xi32, #tpu.memory_space<vmem>>, %arg15: memref<128xi32, #tpu.memory_space<vmem>>, %arg16: memref<6272xi32, #tpu.memory_space<vmem>>, %arg17: memref<128xi32, #tpu.memory_space<vmem>>, %arg18: memref<128xf32, #tpu.memory_space<vmem>>, %arg19: memref<128x16xf32, #tpu.memory_space<vmem>>, %arg20: memref<!tpu.dma_semaphore, #tpu.memory_space<semaphore_mem>>) attributes {dimension_semantics = [#tpu.dimension_semantics<core_parallel>, #tpu.dimension_semantics<subcore_parallel>], iteration_bounds = array<i64: 2, 16>, scalar_prefetch = 0 : i64, scratch_operands = 8 : i64, tpu.core_type = #tpu.core_type<sc_vector_subcore>, window_params = [{transform_indices = #map}, {transform_indices = #map}, {transform_indices = #map1}, {transform_indices = #map1}, {transform_indices = #map1}, {transform_indices = #map}, {transform_indices = #map}, {transform_indices = #map2}, {transform_indices = #map}, {transform_indices = #map2}, {transform_indices = #map}]} {
    %eq3A = arith.constant 0 : i32
    %eq3A_0 = arith.cmpi eq, %arg0, %eq3A : i32
    %convert_element_type3A = arith.extui %eq3A_0 : i1 to i32
    %cond3A = arith.constant 0 : i32
    %cond3A_1 = arith.cmpi ne, %convert_element_type3A, %cond3A : i32
    scf.if %cond3A_1 {
      %mul3A = arith.constant 6272 : i32
      %mul3A_7 = arith.muli %arg1, %mul3A : i32
      %mul3A_8 = arith.constant 6272 : i32
      %mul3A_9 = arith.muli %arg1, %mul3A_8 : i32
      "tpu.region"() ({
        %run_scoped3A_176 = tpu.sem_alloc : memref<!tpu.dma_semaphore, #tpu.memory_space<semaphore_mem>>
        %dma_start3A_177 = tpu.memref_slice %arg13[%mul3A_9] : memref<100352xi32, #tpu.memory_space<vmem_shared>> -> memref<6272xi32, #tpu.memory_space<vmem_shared>>
        %dma_start3A_178 = tpu.memref_slice %arg4[%mul3A_7] : memref<100352xi32, #tpu.memory_space<hbm>> -> memref<6272xi32, #tpu.memory_space<hbm>>
        tpu.enqueue_dma source(%dma_start3A_178 : memref<6272xi32, #tpu.memory_space<hbm>>) target(%dma_start3A_177 : memref<6272xi32, #tpu.memory_space<vmem_shared>>) target_semaphore(%run_scoped3A_176 : memref<!tpu.dma_semaphore, #tpu.memory_space<semaphore_mem>>)
        %dma_wait3A_179 = tpu.memref_slice %arg13[%mul3A_9] : memref<100352xi32, #tpu.memory_space<vmem_shared>> -> memref<6272xi32, #tpu.memory_space<vmem_shared>>
        %dma_wait3A_180 = tpu.memref_slice %arg4[%mul3A_7] : memref<100352xi32, #tpu.memory_space<hbm>> -> memref<6272xi32, #tpu.memory_space<hbm>>
        tpu.wait_dma2 semaphore(%run_scoped3A_176 : memref<!tpu.dma_semaphore, #tpu.memory_space<semaphore_mem>>) src(%dma_wait3A_180 : memref<6272xi32, #tpu.memory_space<hbm>>) dst(%dma_wait3A_179 : memref<6272xi32, #tpu.memory_space<vmem_shared>>)
        tpu.yield
      }) : () -> ()
      %broadcast_in_dim3A = arith.constant 1 : i32
      %broadcast_in_dim3A_10 = vector.broadcast %broadcast_in_dim3A : i32 to vector<16xi32>
      %swap3A = arith.constant 0 : index
      %swap3A_11 = tpu.vector_load %arg15[%swap3A] {strides = array<i32>} : memref<128xi32, #tpu.memory_space<vmem>>, vector<16xi32>,
      tpu.vector_store %arg15[%swap3A], %broadcast_in_dim3A_10 {strides = array<i32>} : memref<128xi32, #tpu.memory_space<vmem>>, vector<16xi32>,
      %broadcast_in_dim3A_12 = arith.constant 1 : i32
      %broadcast_in_dim3A_13 = vector.broadcast %broadcast_in_dim3A_12 : i32 to vector<16xi32>
      %swap3A_14 = arith.constant 16 : index
      %swap3A_15 = tpu.vector_load %arg15[%swap3A_14] {strides = array<i32>} : memref<128xi32, #tpu.memory_space<vmem>>, vector<16xi32>,
      tpu.vector_store %arg15[%swap3A_14], %broadcast_in_dim3A_13 {strides = array<i32>} : memref<128xi32, #tpu.memory_space<vmem>>, vector<16xi32>,
      %broadcast_in_dim3A_16 = arith.constant 1 : i32
      %broadcast_in_dim3A_17 = vector.broadcast %broadcast_in_dim3A_16 : i32 to vector<16xi32>
      %swap3A_18 = arith.constant 32 : index
      %swap3A_19 = tpu.vector_load %arg15[%swap3A_18] {strides = array<i32>} : memref<128xi32, #tpu.memory_space<vmem>>, vector<16xi32>,
      tpu.vector_store %arg15[%swap3A_18], %broadcast_in_dim3A_17 {strides = array<i32>} : memref<128xi32, #tpu.memory_space<vmem>>, vector<16xi32>,
      %broadcast_in_dim3A_20 = arith.constant 1 : i32
      %broadcast_in_dim3A_21 = vector.broadcast %broadcast_in_dim3A_20 : i32 to vector<16xi32>
      %swap3A_22 = arith.constant 48 : index
      %swap3A_23 = tpu.vector_load %arg15[%swap3A_22] {strides = array<i32>} : memref<128xi32, #tpu.memory_space<vmem>>, vector<16xi32>,
      tpu.vector_store %arg15[%swap3A_22], %broadcast_in_dim3A_21 {strides = array<i32>} : memref<128xi32, #tpu.memory_space<vmem>>, vector<16xi32>,
      %broadcast_in_dim3A_24 = arith.constant 1 : i32
      %broadcast_in_dim3A_25 = vector.broadcast %broadcast_in_dim3A_24 : i32 to vector<16xi32>
      %swap3A_26 = arith.constant 64 : index
      %swap3A_27 = tpu.vector_load %arg15[%swap3A_26] {strides = array<i32>} : memref<128xi32, #tpu.memory_space<vmem>>, vector<16xi32>,
      tpu.vector_store %arg15[%swap3A_26], %broadcast_in_dim3A_25 {strides = array<i32>} : memref<128xi32, #tpu.memory_space<vmem>>, vector<16xi32>,
      %broadcast_in_dim3A_28 = arith.constant 1 : i32
      %broadcast_in_dim3A_29 = vector.broadcast %broadcast_in_dim3A_28 : i32 to vector<16xi32>
      %swap3A_30 = arith.constant 80 : index
      %swap3A_31 = tpu.vector_load %arg15[%swap3A_30] {strides = array<i32>} : memref<128xi32, #tpu.memory_space<vmem>>, vector<16xi32>,
      tpu.vector_store %arg15[%swap3A_30], %broadcast_in_dim3A_29 {strides = array<i32>} : memref<128xi32, #tpu.memory_space<vmem>>, vector<16xi32>,
      %broadcast_in_dim3A_32 = arith.constant 1 : i32
      %broadcast_in_dim3A_33 = vector.broadcast %broadcast_in_dim3A_32 : i32 to vector<16xi32>
      %swap3A_34 = arith.constant 96 : index
      %swap3A_35 = tpu.vector_load %arg15[%swap3A_34] {strides = array<i32>} : memref<128xi32, #tpu.memory_space<vmem>>, vector<16xi32>,
      tpu.vector_store %arg15[%swap3A_34], %broadcast_in_dim3A_33 {strides = array<i32>} : memref<128xi32, #tpu.memory_space<vmem>>, vector<16xi32>,
      %broadcast_in_dim3A_36 = arith.constant 1 : i32
      %broadcast_in_dim3A_37 = vector.broadcast %broadcast_in_dim3A_36 : i32 to vector<16xi32>
      %swap3A_38 = arith.constant 112 : index
      %swap3A_39 = tpu.vector_load %arg15[%swap3A_38] {strides = array<i32>} : memref<128xi32, #tpu.memory_space<vmem>>, vector<16xi32>,
      tpu.vector_store %arg15[%swap3A_38], %broadcast_in_dim3A_37 {strides = array<i32>} : memref<128xi32, #tpu.memory_space<vmem>>, vector<16xi32>,
      %barrier3A = arith.constant 0 : index
      tpu.barrier barrier_id(%barrier3A)
      %mul3A_40 = arith.constant 2 : i32
      %mul3A_41 = arith.muli %mul3A_40, %arg1 : i32
      "tpu.region"() ({
        %run_scoped3A_176 = tpu.sem_alloc : memref<!tpu.dma_semaphore, #tpu.memory_space<semaphore_mem>>
        %dma_start3A_177 = arith.constant 0 : i32
        %dma_start3A_178 = tpu.memref_slice %arg2[%mul3A_41, %dma_start3A_177] : memref<32x128xi32, #tpu.memory_space<hbm>> -> memref<2x128xi32, #tpu.memory_space<hbm>>
        %dma_start3A_179 = arith.constant 0 : i32
        %dma_start3A_180 = tpu.memref_slice %arg2[%mul3A_41, %dma_start3A_179] : memref<32x128xi32, #tpu.memory_space<hbm>> -> memref<2x128xi32, #tpu.memory_space<hbm>>
        tpu.enqueue_dma source(%dma_start3A_180 : memref<2x128xi32, #tpu.memory_space<hbm>>) target(%arg14 : memref<2x128xi32, #tpu.memory_space<vmem>>) target_semaphore(%run_scoped3A_176 : memref<!tpu.dma_semaphore, #tpu.memory_space<semaphore_mem>>)
        %dma_wait3A_181 = arith.constant 0 : i32
        %dma_wait3A_182 = tpu.memref_slice %arg2[%mul3A_41, %dma_wait3A_181] : memref<32x128xi32, #tpu.memory_space<hbm>> -> memref<2x128xi32, #tpu.memory_space<hbm>>
        %dma_wait3A_183 = arith.constant 0 : i32
        %dma_wait3A_184 = tpu.memref_slice %arg2[%mul3A_41, %dma_wait3A_183] : memref<32x128xi32, #tpu.memory_space<hbm>> -> memref<2x128xi32, #tpu.memory_space<hbm>>
        tpu.wait_dma2 semaphore(%run_scoped3A_176 : memref<!tpu.dma_semaphore, #tpu.memory_space<semaphore_mem>>) src(%dma_wait3A_184 : memref<2x128xi32, #tpu.memory_space<hbm>>) dst(%arg14 : memref<2x128xi32, #tpu.memory_space<vmem>>)
        tpu.yield
      }) : () -> ()
      %run_scoped3A = arith.constant 0 : i32
      "tpu.region"() ({
        %run_scoped3A_176 = tpu.sem_alloc : memref<!tpu.dma_semaphore, #tpu.memory_space<semaphore_mem>>
        %dma_start3A_177 = arith.constant 0 : i32
        %dma_start3A_178 = tpu.memref_slice %arg14[%run_scoped3A, %dma_start3A_177] : memref<2x128xi32, #tpu.memory_space<vmem>> -> memref<1x128xi32, #tpu.memory_space<vmem>>
        %dma_start3A_179 = tpu.memref_squeeze %dma_start3A_178 : memref<1x128xi32, #tpu.memory_space<vmem>> -> memref<128xi32, #tpu.memory_space<vmem>>
        %dma_start3A_180 = arith.constant 0 : i32
        %dma_start3A_181 = tpu.memref_slice %arg13[%dma_start3A_180] : memref<100352xi32, #tpu.memory_space<vmem_shared>> -> memref<100352xi32, #tpu.memory_space<vmem_shared>>
        tpu.enqueue_indirect_dma source(%arg15 : memref<128xi32, #tpu.memory_space<vmem>>) target(%dma_start3A_181 : memref<100352xi32, #tpu.memory_space<vmem_shared>>) offsets(%dma_start3A_179 : memref<128xi32, #tpu.memory_space<vmem>>) semaphore(%run_scoped3A_176 : memref<!tpu.dma_semaphore, #tpu.memory_space<semaphore_mem>>) {add = true}
        %dma_wait3A_182 = arith.constant 0 : i32
        %dma_wait3A_183 = tpu.memref_slice %arg14[%run_scoped3A, %dma_wait3A_182] : memref<2x128xi32, #tpu.memory_space<vmem>> -> memref<1x128xi32, #tpu.memory_space<vmem>>
        %dma_wait3A_184 = tpu.memref_squeeze %dma_wait3A_183 : memref<1x128xi32, #tpu.memory_space<vmem>> -> memref<128xi32, #tpu.memory_space<vmem>>
        %dma_wait3A_185 = arith.constant 0 : i32
        %dma_wait3A_186 = tpu.memref_slice %arg13[%dma_wait3A_185] : memref<100352xi32, #tpu.memory_space<vmem_shared>> -> memref<100352xi32, #tpu.memory_space<vmem_shared>>
        tpu.wait_indirect_dma semaphore(%run_scoped3A_176 : memref<!tpu.dma_semaphore, #tpu.memory_space<semaphore_mem>>) src(%arg15 : memref<128xi32, #tpu.memory_space<vmem>>) dst(%dma_wait3A_186 : memref<100352xi32, #tpu.memory_space<vmem_shared>>)
        tpu.yield
      }) : () -> ()
      %run_scoped3A_42 = arith.constant 1 : i32
      "tpu.region"() ({
        %run_scoped3A_176 = tpu.sem_alloc : memref<!tpu.dma_semaphore, #tpu.memory_space<semaphore_mem>>
        %dma_start3A_177 = arith.constant 0 : i32
        %dma_start3A_178 = tpu.memref_slice %arg14[%run_scoped3A_42, %dma_start3A_177] : memref<2x128xi32, #tpu.memory_space<vmem>> -> memref<1x128xi32, #tpu.memory_space<vmem>>
        %dma_start3A_179 = tpu.memref_squeeze %dma_start3A_178 : memref<1x128xi32, #tpu.memory_space<vmem>> -> memref<128xi32, #tpu.memory_space<vmem>>
        %dma_start3A_180 = arith.constant 0 : i32
        %dma_start3A_181 = tpu.memref_slice %arg13[%dma_start3A_180] : memref<100352xi32, #tpu.memory_space<vmem_shared>> -> memref<100352xi32, #tpu.memory_space<vmem_shared>>
        tpu.enqueue_indirect_dma source(%arg15 : memref<128xi32, #tpu.memory_space<vmem>>) target(%dma_start3A_181 : memref<100352xi32, #tpu.memory_space<vmem_shared>>) offsets(%dma_start3A_179 : memref<128xi32, #tpu.memory_space<vmem>>) semaphore(%run_scoped3A_176 : memref<!tpu.dma_semaphore, #tpu.memory_space<semaphore_mem>>) {add = true}
        %dma_wait3A_182 = arith.constant 0 : i32
        %dma_wait3A_183 = tpu.memref_slice %arg14[%run_scoped3A_42, %dma_wait3A_182] : memref<2x128xi32, #tpu.memory_space<vmem>> -> memref<1x128xi32, #tpu.memory_space<vmem>>
        %dma_wait3A_184 = tpu.memref_squeeze %dma_wait3A_183 : memref<1x128xi32, #tpu.memory_space<vmem>> -> memref<128xi32, #tpu.memory_space<vmem>>
        %dma_wait3A_185 = arith.constant 0 : i32
        %dma_wait3A_186 = tpu.memref_slice %arg13[%dma_wait3A_185] : memref<100352xi32, #tpu.memory_space<vmem_shared>> -> memref<100352xi32, #tpu.memory_space<vmem_shared>>
        tpu.wait_indirect_dma semaphore(%run_scoped3A_176 : memref<!tpu.dma_semaphore, #tpu.memory_space<semaphore_mem>>) src(%arg15 : memref<128xi32, #tpu.memory_space<vmem>>) dst(%dma_wait3A_186 : memref<100352xi32, #tpu.memory_space<vmem_shared>>)
        tpu.yield
      }) : () -> ()
      %barrier3A_43 = arith.constant 0 : index
      tpu.barrier barrier_id(%barrier3A_43)
      %mul3A_44 = arith.constant 6272 : i32
      %mul3A_45 = arith.muli %arg1, %mul3A_44 : i32
      "tpu.region"() ({
        %run_scoped3A_176 = tpu.sem_alloc : memref<!tpu.dma_semaphore, #tpu.memory_space<semaphore_mem>>
        %dma_start3A_177 = tpu.memref_slice %arg13[%mul3A_45] : memref<100352xi32, #tpu.memory_space<vmem_shared>> -> memref<6272xi32, #tpu.memory_space<vmem_shared>>
        %dma_start3A_178 = tpu.memref_slice %arg13[%mul3A_45] : memref<100352xi32, #tpu.memory_space<vmem_shared>> -> memref<6272xi32, #tpu.memory_space<vmem_shared>>
        tpu.enqueue_dma source(%dma_start3A_178 : memref<6272xi32, #tpu.memory_space<vmem_shared>>) target(%arg16 : memref<6272xi32, #tpu.memory_space<vmem>>) target_semaphore(%run_scoped3A_176 : memref<!tpu.dma_semaphore, #tpu.memory_space<semaphore_mem>>)
        %dma_wait3A_179 = tpu.memref_slice %arg13[%mul3A_45] : memref<100352xi32, #tpu.memory_space<vmem_shared>> -> memref<6272xi32, #tpu.memory_space<vmem_shared>>
        %dma_wait3A_180 = tpu.memref_slice %arg13[%mul3A_45] : memref<100352xi32, #tpu.memory_space<vmem_shared>> -> memref<6272xi32, #tpu.memory_space<vmem_shared>>
        tpu.wait_dma2 semaphore(%run_scoped3A_176 : memref<!tpu.dma_semaphore, #tpu.memory_space<semaphore_mem>>) src(%dma_wait3A_180 : memref<6272xi32, #tpu.memory_space<vmem_shared>>) dst(%arg16 : memref<6272xi32, #tpu.memory_space<vmem>>)
        tpu.yield
      }) : () -> ()
      %broadcast_in_dim3A_46 = arith.constant 0 : i32
      %broadcast_in_dim3A_47 = vector.broadcast %broadcast_in_dim3A_46 : i32 to vector<16xi32>
      %swap3A_48 = arith.constant 0 : index
      %swap3A_49 = tpu.vector_load %arg17[%swap3A_48] {strides = array<i32>} : memref<128xi32, #tpu.memory_space<vmem>>, vector<16xi32>,
      tpu.vector_store %arg17[%swap3A_48], %broadcast_in_dim3A_47 {strides = array<i32>} : memref<128xi32, #tpu.memory_space<vmem>>, vector<16xi32>,
      %swap3A_50 = arith.constant 16 : index
      %swap3A_51 = tpu.vector_load %arg17[%swap3A_50] {strides = array<i32>} : memref<128xi32, #tpu.memory_space<vmem>>, vector<16xi32>,
      tpu.vector_store %arg17[%swap3A_50], %broadcast_in_dim3A_47 {strides = array<i32>} : memref<128xi32, #tpu.memory_space<vmem>>, vector<16xi32>,
      %swap3A_52 = arith.constant 32 : index
      %swap3A_53 = tpu.vector_load %arg17[%swap3A_52] {strides = array<i32>} : memref<128xi32, #tpu.memory_space<vmem>>, vector<16xi32>,
      tpu.vector_store %arg17[%swap3A_52], %broadcast_in_dim3A_47 {strides = array<i32>} : memref<128xi32, #tpu.memory_space<vmem>>, vector<16xi32>,
      %swap3A_54 = arith.constant 48 : index
      %swap3A_55 = tpu.vector_load %arg17[%swap3A_54] {strides = array<i32>} : memref<128xi32, #tpu.memory_space<vmem>>, vector<16xi32>,
      tpu.vector_store %arg17[%swap3A_54], %broadcast_in_dim3A_47 {strides = array<i32>} : memref<128xi32, #tpu.memory_space<vmem>>, vector<16xi32>,
      %swap3A_56 = arith.constant 64 : index
      %swap3A_57 = tpu.vector_load %arg17[%swap3A_56] {strides = array<i32>} : memref<128xi32, #tpu.memory_space<vmem>>, vector<16xi32>,
      tpu.vector_store %arg17[%swap3A_56], %broadcast_in_dim3A_47 {strides = array<i32>} : memref<128xi32, #tpu.memory_space<vmem>>, vector<16xi32>,
      %swap3A_58 = arith.constant 80 : index
      %swap3A_59 = tpu.vector_load %arg17[%swap3A_58] {strides = array<i32>} : memref<128xi32, #tpu.memory_space<vmem>>, vector<16xi32>,
      tpu.vector_store %arg17[%swap3A_58], %broadcast_in_dim3A_47 {strides = array<i32>} : memref<128xi32, #tpu.memory_space<vmem>>, vector<16xi32>,
      %swap3A_60 = arith.constant 96 : index
      %swap3A_61 = tpu.vector_load %arg17[%swap3A_60] {strides = array<i32>} : memref<128xi32, #tpu.memory_space<vmem>>, vector<16xi32>,
      tpu.vector_store %arg17[%swap3A_60], %broadcast_in_dim3A_47 {strides = array<i32>} : memref<128xi32, #tpu.memory_space<vmem>>, vector<16xi32>,
      %swap3A_62 = arith.constant 112 : index
      %swap3A_63 = tpu.vector_load %arg17[%swap3A_62] {strides = array<i32>} : memref<128xi32, #tpu.memory_space<vmem>>, vector<16xi32>,
      tpu.vector_store %arg17[%swap3A_62], %broadcast_in_dim3A_47 {strides = array<i32>} : memref<128xi32, #tpu.memory_space<vmem>>, vector<16xi32>,
      %scan3A = arith.constant 0 : i32
      %scan3A_64 = arith.constant 0 : i32
      %scan3A_65 = arith.constant 49 : i32
      %scan3A_66 = arith.addi %scan3A_64, %scan3A_65 : i32
      %scan3A_67 = arith.constant 1 : i32
      %scan3A_68 = scf.for %scan3A_176 = %scan3A_64 to %scan3A_66 step %scan3A_67 iter_args(%scan3A_177 = %scan3A) -> (i32)  : i32 {
        %broadcast_in_dim3A_178 = arith.constant 0 : i32
        %broadcast_in_dim3A_179 = vector.broadcast %broadcast_in_dim3A_178 : i32 to vector<16xi32>
        %mul3A_180 = arith.constant 8 : i32
        %mul3A_181 = arith.muli %scan3A_176, %mul3A_180 : i32
        %add3A_182 = arith.constant 0 : i32
        %add3A_183 = arith.addi %mul3A_181, %add3A_182 : i32
        %mul3A_184 = arith.constant 16 : i32
        %mul3A_185 = arith.muli %add3A_183, %mul3A_184 : i32
        %get3A_186 = arith.index_cast %mul3A_185 : i32 to index
        %get3A_187 = tpu.vector_load %arg16[%get3A_186] {strides = array<i32>} : memref<6272xi32, #tpu.memory_space<vmem>>, vector<16xi32>,
        %or3A = arith.ori %broadcast_in_dim3A_179, %get3A_187 : vector<16xi32>
        %mul3A_188 = arith.constant 8 : i32
        %mul3A_189 = arith.muli %scan3A_176, %mul3A_188 : i32
        %add3A_190 = arith.constant 1 : i32
        %add3A_191 = arith.addi %mul3A_189, %add3A_190 : i32
        %mul3A_192 = arith.constant 16 : i32
        %mul3A_193 = arith.muli %add3A_191, %mul3A_192 : i32
        %get3A_194 = arith.index_cast %mul3A_193 : i32 to index
        %get3A_195 = tpu.vector_load %arg16[%get3A_194] {strides = array<i32>} : memref<6272xi32, #tpu.memory_space<vmem>>, vector<16xi32>,
        %or3A_196 = arith.ori %or3A, %get3A_195 : vector<16xi32>
        %mul3A_197 = arith.constant 8 : i32
        %mul3A_198 = arith.muli %scan3A_176, %mul3A_197 : i32
        %add3A_199 = arith.constant 2 : i32
        %add3A_200 = arith.addi %mul3A_198, %add3A_199 : i32
        %mul3A_201 = arith.constant 16 : i32
        %mul3A_202 = arith.muli %add3A_200, %mul3A_201 : i32
        %get3A_203 = arith.index_cast %mul3A_202 : i32 to index
        %get3A_204 = tpu.vector_load %arg16[%get3A_203] {strides = array<i32>} : memref<6272xi32, #tpu.memory_space<vmem>>, vector<16xi32>,
        %or3A_205 = arith.ori %or3A_196, %get3A_204 : vector<16xi32>
        %mul3A_206 = arith.constant 8 : i32
        %mul3A_207 = arith.muli %scan3A_176, %mul3A_206 : i32
        %add3A_208 = arith.constant 3 : i32
        %add3A_209 = arith.addi %mul3A_207, %add3A_208 : i32
        %mul3A_210 = arith.constant 16 : i32
        %mul3A_211 = arith.muli %add3A_209, %mul3A_210 : i32
        %get3A_212 = arith.index_cast %mul3A_211 : i32 to index
        %get3A_213 = tpu.vector_load %arg16[%get3A_212] {strides = array<i32>} : memref<6272xi32, #tpu.memory_space<vmem>>, vector<16xi32>,
        %or3A_214 = arith.ori %or3A_205, %get3A_213 : vector<16xi32>
        %mul3A_215 = arith.constant 8 : i32
        %mul3A_216 = arith.muli %scan3A_176, %mul3A_215 : i32
        %add3A_217 = arith.constant 4 : i32
        %add3A_218 = arith.addi %mul3A_216, %add3A_217 : i32
        %mul3A_219 = arith.constant 16 : i32
        %mul3A_220 = arith.muli %add3A_218, %mul3A_219 : i32
        %get3A_221 = arith.index_cast %mul3A_220 : i32 to index
        %get3A_222 = tpu.vector_load %arg16[%get3A_221] {strides = array<i32>} : memref<6272xi32, #tpu.memory_space<vmem>>, vector<16xi32>,
        %or3A_223 = arith.ori %or3A_214, %get3A_222 : vector<16xi32>
        %mul3A_224 = arith.constant 8 : i32
        %mul3A_225 = arith.muli %scan3A_176, %mul3A_224 : i32
        %add3A_226 = arith.constant 5 : i32
        %add3A_227 = arith.addi %mul3A_225, %add3A_226 : i32
        %mul3A_228 = arith.constant 16 : i32
        %mul3A_229 = arith.muli %add3A_227, %mul3A_228 : i32
        %get3A_230 = arith.index_cast %mul3A_229 : i32 to index
        %get3A_231 = tpu.vector_load %arg16[%get3A_230] {strides = array<i32>} : memref<6272xi32, #tpu.memory_space<vmem>>, vector<16xi32>,
        %or3A_232 = arith.ori %or3A_223, %get3A_231 : vector<16xi32>
        %mul3A_233 = arith.constant 8 : i32
        %mul3A_234 = arith.muli %scan3A_176, %mul3A_233 : i32
        %add3A_235 = arith.constant 6 : i32
        %add3A_236 = arith.addi %mul3A_234, %add3A_235 : i32
        %mul3A_237 = arith.constant 16 : i32
        %mul3A_238 = arith.muli %add3A_236, %mul3A_237 : i32
        %get3A_239 = arith.index_cast %mul3A_238 : i32 to index
        %get3A_240 = tpu.vector_load %arg16[%get3A_239] {strides = array<i32>} : memref<6272xi32, #tpu.memory_space<vmem>>, vector<16xi32>,
        %or3A_241 = arith.ori %or3A_232, %get3A_240 : vector<16xi32>
        %mul3A_242 = arith.constant 8 : i32
        %mul3A_243 = arith.muli %scan3A_176, %mul3A_242 : i32
        %add3A_244 = arith.constant 7 : i32
        %add3A_245 = arith.addi %mul3A_243, %add3A_244 : i32
        %mul3A_246 = arith.constant 16 : i32
        %mul3A_247 = arith.muli %add3A_245, %mul3A_246 : i32
        %get3A_248 = arith.index_cast %mul3A_247 : i32 to index
        %get3A_249 = tpu.vector_load %arg16[%get3A_248] {strides = array<i32>} : memref<6272xi32, #tpu.memory_space<vmem>>, vector<16xi32>,
        %or3A_250 = arith.ori %or3A_241, %get3A_249 : vector<16xi32>
        %reduce_sum3A = arith.constant true
        %reduce_sum3A_251 = vector.broadcast %reduce_sum3A : i1 to vector<16xi1>
        %reduce_sum3A_252 = tpu.scan <sum>, %or3A_250 masked %reduce_sum3A_251 : vector<16xi32>, vector<16xi1> -> vector<16xi32>
        %reduce_sum3A_253 = vector.extract %reduce_sum3A_252[15] : i32 from vector<16xi32>
        %gt3A = arith.constant 0 : i32
        %gt3A_254 = arith.cmpi sgt, %reduce_sum3A_253, %gt3A : i32
        %convert_element_type3A_255 = arith.extui %gt3A_254 : i1 to i32
        %cond3A_256 = arith.constant 0 : i32
        %cond3A_257 = arith.cmpi ne, %convert_element_type3A_255, %cond3A_256 : i32
        %cond3A_258 = scf.if %cond3A_257 -> (i32) {
          %mul3A_259 = arith.constant 8 : i32
          %mul3A_260 = arith.muli %scan3A_176, %mul3A_259 : i32
          %add3A_261 = arith.constant 0 : i32
          %add3A_262 = arith.addi %mul3A_260, %add3A_261 : i32
          %mul3A_263 = arith.constant 16 : i32
          %mul3A_264 = arith.muli %add3A_262, %mul3A_263 : i32
          %get3A_265 = arith.index_cast %mul3A_264 : i32 to index
          %get3A_266 = tpu.vector_load %arg16[%get3A_265] {strides = array<i32>} : memref<6272xi32, #tpu.memory_space<vmem>>, vector<16xi32>,
          %mul3A_267 = arith.constant 6272 : i32
          %mul3A_268 = arith.muli %arg1, %mul3A_267 : i32
          %mul3A_269 = arith.constant 16 : i32
          %mul3A_270 = arith.muli %add3A_262, %mul3A_269 : i32
          %add3A_271 = arith.addi %mul3A_268, %mul3A_270 : i32
          %iota3A_272 = tpu.iota {dimensions = array<i32: 0>} : vector<16xi32>
          %add3A_273 = vector.broadcast %add3A_271 : i32 to vector<16xi32>
          %add3A_274 = arith.addi %add3A_273, %iota3A_272 : vector<16xi32>
          %gt3A_275 = arith.constant 0 : i32
          %gt3A_276 = vector.broadcast %gt3A_275 : i32 to vector<16xi32>
          %gt3A_277 = arith.cmpi sgt, %get3A_266, %gt3A_276 : vector<16xi32>
          %lt3A = arith.constant 100000 : i32
          %lt3A_278 = vector.broadcast %lt3A : i32 to vector<16xi32>
          %lt3A_279 = arith.cmpi slt, %add3A_274, %lt3A_278 : vector<16xi32>
          %and3A = arith.andi %gt3A_277, %lt3A_279 : vector<16xi1>
          %min3A = arith.constant 112 : i32
          %min3A_280 = arith.minsi %scan3A_177, %min3A : i32
          %swap3A_281 = arith.index_cast %min3A_280 : i32 to index
          %swap3A_282 = tpu.vector_load %arg17[%swap3A_281] masked %and3A {strides = array<i32>} : memref<128xi32, #tpu.memory_space<vmem>>, vector<16xi32>, vector<16xi1>
          tpu.vector_store %arg17[%swap3A_281], %add3A_274 masked %and3A {strides = array<i32>} : memref<128xi32, #tpu.memory_space<vmem>>, vector<16xi32>, vector<16xi1>
          %convert_element_type3A_283 = arith.extui %and3A : vector<16xi1> to vector<16xi32>
          %reduce_sum3A_284 = arith.constant true
          %reduce_sum3A_285 = vector.broadcast %reduce_sum3A_284 : i1 to vector<16xi1>
          %reduce_sum3A_286 = tpu.scan <sum>, %convert_element_type3A_283 masked %reduce_sum3A_285 : vector<16xi32>, vector<16xi1> -> vector<16xi32>
          %reduce_sum3A_287 = vector.extract %reduce_sum3A_286[15] : i32 from vector<16xi32>
          %add3A_288 = arith.addi %scan3A_177, %reduce_sum3A_287 : i32
          %mul3A_289 = arith.constant 8 : i32
          %mul3A_290 = arith.muli %scan3A_176, %mul3A_289 : i32
          %add3A_291 = arith.constant 1 : i32
          %add3A_292 = arith.addi %mul3A_290, %add3A_291 : i32
          %mul3A_293 = arith.constant 16 : i32
          %mul3A_294 = arith.muli %add3A_292, %mul3A_293 : i32
          %get3A_295 = arith.index_cast %mul3A_294 : i32 to index
          %get3A_296 = tpu.vector_load %arg16[%get3A_295] {strides = array<i32>} : memref<6272xi32, #tpu.memory_space<vmem>>, vector<16xi32>,
          %mul3A_297 = arith.constant 6272 : i32
          %mul3A_298 = arith.muli %arg1, %mul3A_297 : i32
          %mul3A_299 = arith.constant 16 : i32
          %mul3A_300 = arith.muli %add3A_292, %mul3A_299 : i32
          %add3A_301 = arith.addi %mul3A_298, %mul3A_300 : i32
          %iota3A_302 = tpu.iota {dimensions = array<i32: 0>} : vector<16xi32>
          %add3A_303 = vector.broadcast %add3A_301 : i32 to vector<16xi32>
          %add3A_304 = arith.addi %add3A_303, %iota3A_302 : vector<16xi32>
          %gt3A_305 = arith.constant 0 : i32
          %gt3A_306 = vector.broadcast %gt3A_305 : i32 to vector<16xi32>
          %gt3A_307 = arith.cmpi sgt, %get3A_296, %gt3A_306 : vector<16xi32>
          %lt3A_308 = arith.constant 100000 : i32
          %lt3A_309 = vector.broadcast %lt3A_308 : i32 to vector<16xi32>
          %lt3A_310 = arith.cmpi slt, %add3A_304, %lt3A_309 : vector<16xi32>
          %and3A_311 = arith.andi %gt3A_307, %lt3A_310 : vector<16xi1>
          %min3A_312 = arith.constant 112 : i32
          %min3A_313 = arith.minsi %add3A_288, %min3A_312 : i32
          %swap3A_314 = arith.index_cast %min3A_313 : i32 to index
          %swap3A_315 = tpu.vector_load %arg17[%swap3A_314] masked %and3A_311 {strides = array<i32>} : memref<128xi32, #tpu.memory_space<vmem>>, vector<16xi32>, vector<16xi1>
          tpu.vector_store %arg17[%swap3A_314], %add3A_304 masked %and3A_311 {strides = array<i32>} : memref<128xi32, #tpu.memory_space<vmem>>, vector<16xi32>, vector<16xi1>
          %convert_element_type3A_316 = arith.extui %and3A_311 : vector<16xi1> to vector<16xi32>
          %reduce_sum3A_317 = arith.constant true
          %reduce_sum3A_318 = vector.broadcast %reduce_sum3A_317 : i1 to vector<16xi1>
          %reduce_sum3A_319 = tpu.scan <sum>, %convert_element_type3A_316 masked %reduce_sum3A_318 : vector<16xi32>, vector<16xi1> -> vector<16xi32>
          %reduce_sum3A_320 = vector.extract %reduce_sum3A_319[15] : i32 from vector<16xi32>
          %add3A_321 = arith.addi %add3A_288, %reduce_sum3A_320 : i32
          %mul3A_322 = arith.constant 8 : i32
          %mul3A_323 = arith.muli %scan3A_176, %mul3A_322 : i32
          %add3A_324 = arith.constant 2 : i32
          %add3A_325 = arith.addi %mul3A_323, %add3A_324 : i32
          %mul3A_326 = arith.constant 16 : i32
          %mul3A_327 = arith.muli %add3A_325, %mul3A_326 : i32
          %get3A_328 = arith.index_cast %mul3A_327 : i32 to index
          %get3A_329 = tpu.vector_load %arg16[%get3A_328] {strides = array<i32>} : memref<6272xi32, #tpu.memory_space<vmem>>, vector<16xi32>,
          %mul3A_330 = arith.constant 6272 : i32
          %mul3A_331 = arith.muli %arg1, %mul3A_330 : i32
          %mul3A_332 = arith.constant 16 : i32
          %mul3A_333 = arith.muli %add3A_325, %mul3A_332 : i32
          %add3A_334 = arith.addi %mul3A_331, %mul3A_333 : i32
          %iota3A_335 = tpu.iota {dimensions = array<i32: 0>} : vector<16xi32>
          %add3A_336 = vector.broadcast %add3A_334 : i32 to vector<16xi32>
          %add3A_337 = arith.addi %add3A_336, %iota3A_335 : vector<16xi32>
          %gt3A_338 = arith.constant 0 : i32
          %gt3A_339 = vector.broadcast %gt3A_338 : i32 to vector<16xi32>
          %gt3A_340 = arith.cmpi sgt, %get3A_329, %gt3A_339 : vector<16xi32>
          %lt3A_341 = arith.constant 100000 : i32
          %lt3A_342 = vector.broadcast %lt3A_341 : i32 to vector<16xi32>
          %lt3A_343 = arith.cmpi slt, %add3A_337, %lt3A_342 : vector<16xi32>
          %and3A_344 = arith.andi %gt3A_340, %lt3A_343 : vector<16xi1>
          %min3A_345 = arith.constant 112 : i32
          %min3A_346 = arith.minsi %add3A_321, %min3A_345 : i32
          %swap3A_347 = arith.index_cast %min3A_346 : i32 to index
          %swap3A_348 = tpu.vector_load %arg17[%swap3A_347] masked %and3A_344 {strides = array<i32>} : memref<128xi32, #tpu.memory_space<vmem>>, vector<16xi32>, vector<16xi1>
          tpu.vector_store %arg17[%swap3A_347], %add3A_337 masked %and3A_344 {strides = array<i32>} : memref<128xi32, #tpu.memory_space<vmem>>, vector<16xi32>, vector<16xi1>
          %convert_element_type3A_349 = arith.extui %and3A_344 : vector<16xi1> to vector<16xi32>
          %reduce_sum3A_350 = arith.constant true
          %reduce_sum3A_351 = vector.broadcast %reduce_sum3A_350 : i1 to vector<16xi1>
          %reduce_sum3A_352 = tpu.scan <sum>, %convert_element_type3A_349 masked %reduce_sum3A_351 : vector<16xi32>, vector<16xi1> -> vector<16xi32>
          %reduce_sum3A_353 = vector.extract %reduce_sum3A_352[15] : i32 from vector<16xi32>
          %add3A_354 = arith.addi %add3A_321, %reduce_sum3A_353 : i32
          %mul3A_355 = arith.constant 8 : i32
          %mul3A_356 = arith.muli %scan3A_176, %mul3A_355 : i32
          %add3A_357 = arith.constant 3 : i32
          %add3A_358 = arith.addi %mul3A_356, %add3A_357 : i32
          %mul3A_359 = arith.constant 16 : i32
          %mul3A_360 = arith.muli %add3A_358, %mul3A_359 : i32
          %get3A_361 = arith.index_cast %mul3A_360 : i32 to index
          %get3A_362 = tpu.vector_load %arg16[%get3A_361] {strides = array<i32>} : memref<6272xi32, #tpu.memory_space<vmem>>, vector<16xi32>,
          %mul3A_363 = arith.constant 6272 : i32
          %mul3A_364 = arith.muli %arg1, %mul3A_363 : i32
          %mul3A_365 = arith.constant 16 : i32
          %mul3A_366 = arith.muli %add3A_358, %mul3A_365 : i32
          %add3A_367 = arith.addi %mul3A_364, %mul3A_366 : i32
          %iota3A_368 = tpu.iota {dimensions = array<i32: 0>} : vector<16xi32>
          %add3A_369 = vector.broadcast %add3A_367 : i32 to vector<16xi32>
          %add3A_370 = arith.addi %add3A_369, %iota3A_368 : vector<16xi32>
          %gt3A_371 = arith.constant 0 : i32
          %gt3A_372 = vector.broadcast %gt3A_371 : i32 to vector<16xi32>
          %gt3A_373 = arith.cmpi sgt, %get3A_362, %gt3A_372 : vector<16xi32>
          %lt3A_374 = arith.constant 100000 : i32
          %lt3A_375 = vector.broadcast %lt3A_374 : i32 to vector<16xi32>
          %lt3A_376 = arith.cmpi slt, %add3A_370, %lt3A_375 : vector<16xi32>
          %and3A_377 = arith.andi %gt3A_373, %lt3A_376 : vector<16xi1>
          %min3A_378 = arith.constant 112 : i32
          %min3A_379 = arith.minsi %add3A_354, %min3A_378 : i32
          %swap3A_380 = arith.index_cast %min3A_379 : i32 to index
          %swap3A_381 = tpu.vector_load %arg17[%swap3A_380] masked %and3A_377 {strides = array<i32>} : memref<128xi32, #tpu.memory_space<vmem>>, vector<16xi32>, vector<16xi1>
          tpu.vector_store %arg17[%swap3A_380], %add3A_370 masked %and3A_377 {strides = array<i32>} : memref<128xi32, #tpu.memory_space<vmem>>, vector<16xi32>, vector<16xi1>
          %convert_element_type3A_382 = arith.extui %and3A_377 : vector<16xi1> to vector<16xi32>
          %reduce_sum3A_383 = arith.constant true
          %reduce_sum3A_384 = vector.broadcast %reduce_sum3A_383 : i1 to vector<16xi1>
          %reduce_sum3A_385 = tpu.scan <sum>, %convert_element_type3A_382 masked %reduce_sum3A_384 : vector<16xi32>, vector<16xi1> -> vector<16xi32>
          %reduce_sum3A_386 = vector.extract %reduce_sum3A_385[15] : i32 from vector<16xi32>
          %add3A_387 = arith.addi %add3A_354, %reduce_sum3A_386 : i32
          %mul3A_388 = arith.constant 8 : i32
          %mul3A_389 = arith.muli %scan3A_176, %mul3A_388 : i32
          %add3A_390 = arith.constant 4 : i32
          %add3A_391 = arith.addi %mul3A_389, %add3A_390 : i32
          %mul3A_392 = arith.constant 16 : i32
          %mul3A_393 = arith.muli %add3A_391, %mul3A_392 : i32
          %get3A_394 = arith.index_cast %mul3A_393 : i32 to index
          %get3A_395 = tpu.vector_load %arg16[%get3A_394] {strides = array<i32>} : memref<6272xi32, #tpu.memory_space<vmem>>, vector<16xi32>,
          %mul3A_396 = arith.constant 6272 : i32
          %mul3A_397 = arith.muli %arg1, %mul3A_396 : i32
          %mul3A_398 = arith.constant 16 : i32
          %mul3A_399 = arith.muli %add3A_391, %mul3A_398 : i32
          %add3A_400 = arith.addi %mul3A_397, %mul3A_399 : i32
          %iota3A_401 = tpu.iota {dimensions = array<i32: 0>} : vector<16xi32>
          %add3A_402 = vector.broadcast %add3A_400 : i32 to vector<16xi32>
          %add3A_403 = arith.addi %add3A_402, %iota3A_401 : vector<16xi32>
          %gt3A_404 = arith.constant 0 : i32
          %gt3A_405 = vector.broadcast %gt3A_404 : i32 to vector<16xi32>
          %gt3A_406 = arith.cmpi sgt, %get3A_395, %gt3A_405 : vector<16xi32>
          %lt3A_407 = arith.constant 100000 : i32
          %lt3A_408 = vector.broadcast %lt3A_407 : i32 to vector<16xi32>
          %lt3A_409 = arith.cmpi slt, %add3A_403, %lt3A_408 : vector<16xi32>
          %and3A_410 = arith.andi %gt3A_406, %lt3A_409 : vector<16xi1>
          %min3A_411 = arith.constant 112 : i32
          %min3A_412 = arith.minsi %add3A_387, %min3A_411 : i32
          %swap3A_413 = arith.index_cast %min3A_412 : i32 to index
          %swap3A_414 = tpu.vector_load %arg17[%swap3A_413] masked %and3A_410 {strides = array<i32>} : memref<128xi32, #tpu.memory_space<vmem>>, vector<16xi32>, vector<16xi1>
          tpu.vector_store %arg17[%swap3A_413], %add3A_403 masked %and3A_410 {strides = array<i32>} : memref<128xi32, #tpu.memory_space<vmem>>, vector<16xi32>, vector<16xi1>
          %convert_element_type3A_415 = arith.extui %and3A_410 : vector<16xi1> to vector<16xi32>
          %reduce_sum3A_416 = arith.constant true
          %reduce_sum3A_417 = vector.broadcast %reduce_sum3A_416 : i1 to vector<16xi1>
          %reduce_sum3A_418 = tpu.scan <sum>, %convert_element_type3A_415 masked %reduce_sum3A_417 : vector<16xi32>, vector<16xi1> -> vector<16xi32>
          %reduce_sum3A_419 = vector.extract %reduce_sum3A_418[15] : i32 from vector<16xi32>
          %add3A_420 = arith.addi %add3A_387, %reduce_sum3A_419 : i32
          %mul3A_421 = arith.constant 8 : i32
          %mul3A_422 = arith.muli %scan3A_176, %mul3A_421 : i32
          %add3A_423 = arith.constant 5 : i32
          %add3A_424 = arith.addi %mul3A_422, %add3A_423 : i32
          %mul3A_425 = arith.constant 16 : i32
          %mul3A_426 = arith.muli %add3A_424, %mul3A_425 : i32
          %get3A_427 = arith.index_cast %mul3A_426 : i32 to index
          %get3A_428 = tpu.vector_load %arg16[%get3A_427] {strides = array<i32>} : memref<6272xi32, #tpu.memory_space<vmem>>, vector<16xi32>,
          %mul3A_429 = arith.constant 6272 : i32
          %mul3A_430 = arith.muli %arg1, %mul3A_429 : i32
          %mul3A_431 = arith.constant 16 : i32
          %mul3A_432 = arith.muli %add3A_424, %mul3A_431 : i32
          %add3A_433 = arith.addi %mul3A_430, %mul3A_432 : i32
          %iota3A_434 = tpu.iota {dimensions = array<i32: 0>} : vector<16xi32>
          %add3A_435 = vector.broadcast %add3A_433 : i32 to vector<16xi32>
          %add3A_436 = arith.addi %add3A_435, %iota3A_434 : vector<16xi32>
          %gt3A_437 = arith.constant 0 : i32
          %gt3A_438 = vector.broadcast %gt3A_437 : i32 to vector<16xi32>
          %gt3A_439 = arith.cmpi sgt, %get3A_428, %gt3A_438 : vector<16xi32>
          %lt3A_440 = arith.constant 100000 : i32
          %lt3A_441 = vector.broadcast %lt3A_440 : i32 to vector<16xi32>
          %lt3A_442 = arith.cmpi slt, %add3A_436, %lt3A_441 : vector<16xi32>
          %and3A_443 = arith.andi %gt3A_439, %lt3A_442 : vector<16xi1>
          %min3A_444 = arith.constant 112 : i32
          %min3A_445 = arith.minsi %add3A_420, %min3A_444 : i32
          %swap3A_446 = arith.index_cast %min3A_445 : i32 to index
          %swap3A_447 = tpu.vector_load %arg17[%swap3A_446] masked %and3A_443 {strides = array<i32>} : memref<128xi32, #tpu.memory_space<vmem>>, vector<16xi32>, vector<16xi1>
          tpu.vector_store %arg17[%swap3A_446], %add3A_436 masked %and3A_443 {strides = array<i32>} : memref<128xi32, #tpu.memory_space<vmem>>, vector<16xi32>, vector<16xi1>
          %convert_element_type3A_448 = arith.extui %and3A_443 : vector<16xi1> to vector<16xi32>
          %reduce_sum3A_449 = arith.constant true
          %reduce_sum3A_450 = vector.broadcast %reduce_sum3A_449 : i1 to vector<16xi1>
          %reduce_sum3A_451 = tpu.scan <sum>, %convert_element_type3A_448 masked %reduce_sum3A_450 : vector<16xi32>, vector<16xi1> -> vector<16xi32>
          %reduce_sum3A_452 = vector.extract %reduce_sum3A_451[15] : i32 from vector<16xi32>
          %add3A_453 = arith.addi %add3A_420, %reduce_sum3A_452 : i32
          %mul3A_454 = arith.constant 8 : i32
          %mul3A_455 = arith.muli %scan3A_176, %mul3A_454 : i32
          %add3A_456 = arith.constant 6 : i32
          %add3A_457 = arith.addi %mul3A_455, %add3A_456 : i32
          %mul3A_458 = arith.constant 16 : i32
          %mul3A_459 = arith.muli %add3A_457, %mul3A_458 : i32
          %get3A_460 = arith.index_cast %mul3A_459 : i32 to index
          %get3A_461 = tpu.vector_load %arg16[%get3A_460] {strides = array<i32>} : memref<6272xi32, #tpu.memory_space<vmem>>, vector<16xi32>,
          %mul3A_462 = arith.constant 6272 : i32
          %mul3A_463 = arith.muli %arg1, %mul3A_462 : i32
          %mul3A_464 = arith.constant 16 : i32
          %mul3A_465 = arith.muli %add3A_457, %mul3A_464 : i32
          %add3A_466 = arith.addi %mul3A_463, %mul3A_465 : i32
          %iota3A_467 = tpu.iota {dimensions = array<i32: 0>} : vector<16xi32>
          %add3A_468 = vector.broadcast %add3A_466 : i32 to vector<16xi32>
          %add3A_469 = arith.addi %add3A_468, %iota3A_467 : vector<16xi32>
          %gt3A_470 = arith.constant 0 : i32
          %gt3A_471 = vector.broadcast %gt3A_470 : i32 to vector<16xi32>
          %gt3A_472 = arith.cmpi sgt, %get3A_461, %gt3A_471 : vector<16xi32>
          %lt3A_473 = arith.constant 100000 : i32
          %lt3A_474 = vector.broadcast %lt3A_473 : i32 to vector<16xi32>
          %lt3A_475 = arith.cmpi slt, %add3A_469, %lt3A_474 : vector<16xi32>
          %and3A_476 = arith.andi %gt3A_472, %lt3A_475 : vector<16xi1>
          %min3A_477 = arith.constant 112 : i32
          %min3A_478 = arith.minsi %add3A_453, %min3A_477 : i32
          %swap3A_479 = arith.index_cast %min3A_478 : i32 to index
          %swap3A_480 = tpu.vector_load %arg17[%swap3A_479] masked %and3A_476 {strides = array<i32>} : memref<128xi32, #tpu.memory_space<vmem>>, vector<16xi32>, vector<16xi1>
          tpu.vector_store %arg17[%swap3A_479], %add3A_469 masked %and3A_476 {strides = array<i32>} : memref<128xi32, #tpu.memory_space<vmem>>, vector<16xi32>, vector<16xi1>
          %convert_element_type3A_481 = arith.extui %and3A_476 : vector<16xi1> to vector<16xi32>
          %reduce_sum3A_482 = arith.constant true
          %reduce_sum3A_483 = vector.broadcast %reduce_sum3A_482 : i1 to vector<16xi1>
          %reduce_sum3A_484 = tpu.scan <sum>, %convert_element_type3A_481 masked %reduce_sum3A_483 : vector<16xi32>, vector<16xi1> -> vector<16xi32>
          %reduce_sum3A_485 = vector.extract %reduce_sum3A_484[15] : i32 from vector<16xi32>
          %add3A_486 = arith.addi %add3A_453, %reduce_sum3A_485 : i32
          %mul3A_487 = arith.constant 8 : i32
          %mul3A_488 = arith.muli %scan3A_176, %mul3A_487 : i32
          %add3A_489 = arith.constant 7 : i32
          %add3A_490 = arith.addi %mul3A_488, %add3A_489 : i32
          %mul3A_491 = arith.constant 16 : i32
          %mul3A_492 = arith.muli %add3A_490, %mul3A_491 : i32
          %get3A_493 = arith.index_cast %mul3A_492 : i32 to index
          %get3A_494 = tpu.vector_load %arg16[%get3A_493] {strides = array<i32>} : memref<6272xi32, #tpu.memory_space<vmem>>, vector<16xi32>,
          %mul3A_495 = arith.constant 6272 : i32
          %mul3A_496 = arith.muli %arg1, %mul3A_495 : i32
          %mul3A_497 = arith.constant 16 : i32
          %mul3A_498 = arith.muli %add3A_490, %mul3A_497 : i32
          %add3A_499 = arith.addi %mul3A_496, %mul3A_498 : i32
          %iota3A_500 = tpu.iota {dimensions = array<i32: 0>} : vector<16xi32>
          %add3A_501 = vector.broadcast %add3A_499 : i32 to vector<16xi32>
          %add3A_502 = arith.addi %add3A_501, %iota3A_500 : vector<16xi32>
          %gt3A_503 = arith.constant 0 : i32
          %gt3A_504 = vector.broadcast %gt3A_503 : i32 to vector<16xi32>
          %gt3A_505 = arith.cmpi sgt, %get3A_494, %gt3A_504 : vector<16xi32>
          %lt3A_506 = arith.constant 100000 : i32
          %lt3A_507 = vector.broadcast %lt3A_506 : i32 to vector<16xi32>
          %lt3A_508 = arith.cmpi slt, %add3A_502, %lt3A_507 : vector<16xi32>
          %and3A_509 = arith.andi %gt3A_505, %lt3A_508 : vector<16xi1>
          %min3A_510 = arith.constant 112 : i32
          %min3A_511 = arith.minsi %add3A_486, %min3A_510 : i32
          %swap3A_512 = arith.index_cast %min3A_511 : i32 to index
          %swap3A_513 = tpu.vector_load %arg17[%swap3A_512] masked %and3A_509 {strides = array<i32>} : memref<128xi32, #tpu.memory_space<vmem>>, vector<16xi32>, vector<16xi1>
          tpu.vector_store %arg17[%swap3A_512], %add3A_502 masked %and3A_509 {strides = array<i32>} : memref<128xi32, #tpu.memory_space<vmem>>, vector<16xi32>, vector<16xi1>
          %convert_element_type3A_514 = arith.extui %and3A_509 : vector<16xi1> to vector<16xi32>
          %reduce_sum3A_515 = arith.constant true
          %reduce_sum3A_516 = vector.broadcast %reduce_sum3A_515 : i1 to vector<16xi1>
          %reduce_sum3A_517 = tpu.scan <sum>, %convert_element_type3A_514 masked %reduce_sum3A_516 : vector<16xi32>, vector<16xi1> -> vector<16xi32>
          %reduce_sum3A_518 = vector.extract %reduce_sum3A_517[15] : i32 from vector<16xi32>
          %add3A_519 = arith.addi %add3A_486, %reduce_sum3A_518 : i32
          scf.yield %add3A_519 : i32
        } else {
          scf.yield %scan3A_177 : i32
        }
        scf.yield %cond3A_258 : i32
      }
      %scan3A_69 = arith.constant 49 : i32
      %dma_start3A = arith.constant 0 : i32
      %dma_start3A_70 = tpu.memref_slice %arg5[%dma_start3A] : memref<100000xf32, #tpu.memory_space<hbm>> -> memref<100000xf32, #tpu.memory_space<hbm>>
      tpu.enqueue_indirect_dma source(%dma_start3A_70 : memref<100000xf32, #tpu.memory_space<hbm>>) target(%arg18 : memref<128xf32, #tpu.memory_space<vmem>>) offsets(%arg17 : memref<128xi32, #tpu.memory_space<vmem>>) semaphore(%arg20 : memref<!tpu.dma_semaphore, #tpu.memory_space<semaphore_mem>>)
      %dma_start3A_71 = arith.constant 0 : i32
      %dma_start3A_72 = arith.constant 0 : i32
      %dma_start3A_73 = tpu.memref_slice %arg7[%dma_start3A_71, %dma_start3A_72] : memref<100000x16xf32, #tpu.memory_space<hbm>> -> memref<100000x16xf32, #tpu.memory_space<hbm>>
      tpu.enqueue_indirect_dma source(%dma_start3A_73 : memref<100000x16xf32, #tpu.memory_space<hbm>>) target(%arg19 : memref<128x16xf32, #tpu.memory_space<vmem>>) offsets(%arg17 : memref<128xi32, #tpu.memory_space<vmem>>) semaphore(%arg20 : memref<!tpu.dma_semaphore, #tpu.memory_space<semaphore_mem>>)
      %dma_wait3A = arith.constant 0 : i32
      %dma_wait3A_74 = tpu.memref_slice %arg5[%dma_wait3A] : memref<100000xf32, #tpu.memory_space<hbm>> -> memref<100000xf32, #tpu.memory_space<hbm>>
      tpu.wait_indirect_dma semaphore(%arg20 : memref<!tpu.dma_semaphore, #tpu.memory_space<semaphore_mem>>) src(%dma_wait3A_74 : memref<100000xf32, #tpu.memory_space<hbm>>) dst(%arg18 : memref<128xf32, #tpu.memory_space<vmem>>)
      %dma_wait3A_75 = arith.constant 0 : i32
      %dma_wait3A_76 = arith.constant 0 : i32
      %dma_wait3A_77 = tpu.memref_slice %arg7[%dma_wait3A_75, %dma_wait3A_76] : memref<100000x16xf32, #tpu.memory_space<hbm>> -> memref<100000x16xf32, #tpu.memory_space<hbm>>
      tpu.wait_indirect_dma semaphore(%arg20 : memref<!tpu.dma_semaphore, #tpu.memory_space<semaphore_mem>>) src(%dma_wait3A_77 : memref<100000x16xf32, #tpu.memory_space<hbm>>) dst(%arg19 : memref<128x16xf32, #tpu.memory_space<vmem>>)
      %iota3A = tpu.iota {dimensions = array<i32: 0>} : vector<16xi32>
      %add3A = arith.constant 0 : i32
      %add3A_78 = vector.broadcast %add3A : i32 to vector<16xi32>
      %add3A_79 = arith.addi %iota3A, %add3A_78 : vector<16xi32>
      %ge3A = vector.broadcast %scan3A_68 : i32 to vector<16xi32>
      %ge3A_80 = arith.cmpi sge, %add3A_79, %ge3A : vector<16xi32>
      %get3A = arith.constant 0 : index
      %get3A_81 = tpu.vector_load %arg18[%get3A] {strides = array<i32>} : memref<128xf32, #tpu.memory_space<vmem>>, vector<16xf32>,
      %jit3A = arith.constant -1.000000e+30 : f32
      %broadcast_in_dim3A_82 = vector.broadcast %jit3A : f32 to vector<16xf32>
      %select_n3A = arith.select %ge3A_80, %broadcast_in_dim3A_82, %get3A_81 : vector<16xi1>, vector<16xf32>
      %swap3A_83 = arith.constant 0 : index
      %swap3A_84 = tpu.vector_load %arg18[%swap3A_83] {strides = array<i32>} : memref<128xf32, #tpu.memory_space<vmem>>, vector<16xf32>,
      tpu.vector_store %arg18[%swap3A_83], %select_n3A {strides = array<i32>} : memref<128xf32, #tpu.memory_space<vmem>>, vector<16xf32>,
      %iota3A_85 = tpu.iota {dimensions = array<i32: 0>} : vector<16xi32>
      %add3A_86 = arith.constant 16 : i32
      %add3A_87 = vector.broadcast %add3A_86 : i32 to vector<16xi32>
      %add3A_88 = arith.addi %iota3A_85, %add3A_87 : vector<16xi32>
      %ge3A_89 = vector.broadcast %scan3A_68 : i32 to vector<16xi32>
      %ge3A_90 = arith.cmpi sge, %add3A_88, %ge3A_89 : vector<16xi32>
      %get3A_91 = arith.constant 16 : index
      %get3A_92 = tpu.vector_load %arg18[%get3A_91] {strides = array<i32>} : memref<128xf32, #tpu.memory_space<vmem>>, vector<16xf32>,
      %jit3A_93 = arith.constant -1.000000e+30 : f32
      %broadcast_in_dim3A_94 = vector.broadcast %jit3A_93 : f32 to vector<16xf32>
      %select_n3A_95 = arith.select %ge3A_90, %broadcast_in_dim3A_94, %get3A_92 : vector<16xi1>, vector<16xf32>
      %swap3A_96 = arith.constant 16 : index
      %swap3A_97 = tpu.vector_load %arg18[%swap3A_96] {strides = array<i32>} : memref<128xf32, #tpu.memory_space<vmem>>, vector<16xf32>,
      tpu.vector_store %arg18[%swap3A_96], %select_n3A_95 {strides = array<i32>} : memref<128xf32, #tpu.memory_space<vmem>>, vector<16xf32>,
      %iota3A_98 = tpu.iota {dimensions = array<i32: 0>} : vector<16xi32>
      %add3A_99 = arith.constant 32 : i32
      %add3A_100 = vector.broadcast %add3A_99 : i32 to vector<16xi32>
      %add3A_101 = arith.addi %iota3A_98, %add3A_100 : vector<16xi32>
      %ge3A_102 = vector.broadcast %scan3A_68 : i32 to vector<16xi32>
      %ge3A_103 = arith.cmpi sge, %add3A_101, %ge3A_102 : vector<16xi32>
      %get3A_104 = arith.constant 32 : index
      %get3A_105 = tpu.vector_load %arg18[%get3A_104] {strides = array<i32>} : memref<128xf32, #tpu.memory_space<vmem>>, vector<16xf32>,
      %jit3A_106 = arith.constant -1.000000e+30 : f32
      %broadcast_in_dim3A_107 = vector.broadcast %jit3A_106 : f32 to vector<16xf32>
      %select_n3A_108 = arith.select %ge3A_103, %broadcast_in_dim3A_107, %get3A_105 : vector<16xi1>, vector<16xf32>
      %swap3A_109 = arith.constant 32 : index
      %swap3A_110 = tpu.vector_load %arg18[%swap3A_109] {strides = array<i32>} : memref<128xf32, #tpu.memory_space<vmem>>, vector<16xf32>,
      tpu.vector_store %arg18[%swap3A_109], %select_n3A_108 {strides = array<i32>} : memref<128xf32, #tpu.memory_space<vmem>>, vector<16xf32>,
      %iota3A_111 = tpu.iota {dimensions = array<i32: 0>} : vector<16xi32>
      %add3A_112 = arith.constant 48 : i32
      %add3A_113 = vector.broadcast %add3A_112 : i32 to vector<16xi32>
      %add3A_114 = arith.addi %iota3A_111, %add3A_113 : vector<16xi32>
      %ge3A_115 = vector.broadcast %scan3A_68 : i32 to vector<16xi32>
      %ge3A_116 = arith.cmpi sge, %add3A_114, %ge3A_115 : vector<16xi32>
      %get3A_117 = arith.constant 48 : index
      %get3A_118 = tpu.vector_load %arg18[%get3A_117] {strides = array<i32>} : memref<128xf32, #tpu.memory_space<vmem>>, vector<16xf32>,
      %jit3A_119 = arith.constant -1.000000e+30 : f32
      %broadcast_in_dim3A_120 = vector.broadcast %jit3A_119 : f32 to vector<16xf32>
      %select_n3A_121 = arith.select %ge3A_116, %broadcast_in_dim3A_120, %get3A_118 : vector<16xi1>, vector<16xf32>
      %swap3A_122 = arith.constant 48 : index
      %swap3A_123 = tpu.vector_load %arg18[%swap3A_122] {strides = array<i32>} : memref<128xf32, #tpu.memory_space<vmem>>, vector<16xf32>,
      tpu.vector_store %arg18[%swap3A_122], %select_n3A_121 {strides = array<i32>} : memref<128xf32, #tpu.memory_space<vmem>>, vector<16xf32>,
      %iota3A_124 = tpu.iota {dimensions = array<i32: 0>} : vector<16xi32>
      %add3A_125 = arith.constant 64 : i32
      %add3A_126 = vector.broadcast %add3A_125 : i32 to vector<16xi32>
      %add3A_127 = arith.addi %iota3A_124, %add3A_126 : vector<16xi32>
      %ge3A_128 = vector.broadcast %scan3A_68 : i32 to vector<16xi32>
      %ge3A_129 = arith.cmpi sge, %add3A_127, %ge3A_128 : vector<16xi32>
      %get3A_130 = arith.constant 64 : index
      %get3A_131 = tpu.vector_load %arg18[%get3A_130] {strides = array<i32>} : memref<128xf32, #tpu.memory_space<vmem>>, vector<16xf32>,
      %jit3A_132 = arith.constant -1.000000e+30 : f32
      %broadcast_in_dim3A_133 = vector.broadcast %jit3A_132 : f32 to vector<16xf32>
      %select_n3A_134 = arith.select %ge3A_129, %broadcast_in_dim3A_133, %get3A_131 : vector<16xi1>, vector<16xf32>
      %swap3A_135 = arith.constant 64 : index
      %swap3A_136 = tpu.vector_load %arg18[%swap3A_135] {strides = array<i32>} : memref<128xf32, #tpu.memory_space<vmem>>, vector<16xf32>,
      tpu.vector_store %arg18[%swap3A_135], %select_n3A_134 {strides = array<i32>} : memref<128xf32, #tpu.memory_space<vmem>>, vector<16xf32>,
      %iota3A_137 = tpu.iota {dimensions = array<i32: 0>} : vector<16xi32>
      %add3A_138 = arith.constant 80 : i32
      %add3A_139 = vector.broadcast %add3A_138 : i32 to vector<16xi32>
      %add3A_140 = arith.addi %iota3A_137, %add3A_139 : vector<16xi32>
      %ge3A_141 = vector.broadcast %scan3A_68 : i32 to vector<16xi32>
      %ge3A_142 = arith.cmpi sge, %add3A_140, %ge3A_141 : vector<16xi32>
      %get3A_143 = arith.constant 80 : index
      %get3A_144 = tpu.vector_load %arg18[%get3A_143] {strides = array<i32>} : memref<128xf32, #tpu.memory_space<vmem>>, vector<16xf32>,
      %jit3A_145 = arith.constant -1.000000e+30 : f32
      %broadcast_in_dim3A_146 = vector.broadcast %jit3A_145 : f32 to vector<16xf32>
      %select_n3A_147 = arith.select %ge3A_142, %broadcast_in_dim3A_146, %get3A_144 : vector<16xi1>, vector<16xf32>
      %swap3A_148 = arith.constant 80 : index
      %swap3A_149 = tpu.vector_load %arg18[%swap3A_148] {strides = array<i32>} : memref<128xf32, #tpu.memory_space<vmem>>, vector<16xf32>,
      tpu.vector_store %arg18[%swap3A_148], %select_n3A_147 {strides = array<i32>} : memref<128xf32, #tpu.memory_space<vmem>>, vector<16xf32>,
      %iota3A_150 = tpu.iota {dimensions = array<i32: 0>} : vector<16xi32>
      %add3A_151 = arith.constant 96 : i32
      %add3A_152 = vector.broadcast %add3A_151 : i32 to vector<16xi32>
      %add3A_153 = arith.addi %iota3A_150, %add3A_152 : vector<16xi32>
      %ge3A_154 = vector.broadcast %scan3A_68 : i32 to vector<16xi32>
      %ge3A_155 = arith.cmpi sge, %add3A_153, %ge3A_154 : vector<16xi32>
      %get3A_156 = arith.constant 96 : index
      %get3A_157 = tpu.vector_load %arg18[%get3A_156] {strides = array<i32>} : memref<128xf32, #tpu.memory_space<vmem>>, vector<16xf32>,
      %jit3A_158 = arith.constant -1.000000e+30 : f32
      %broadcast_in_dim3A_159 = vector.broadcast %jit3A_158 : f32 to vector<16xf32>
      %select_n3A_160 = arith.select %ge3A_155, %broadcast_in_dim3A_159, %get3A_157 : vector<16xi1>, vector<16xf32>
      %swap3A_161 = arith.constant 96 : index
      %swap3A_162 = tpu.vector_load %arg18[%swap3A_161] {strides = array<i32>} : memref<128xf32, #tpu.memory_space<vmem>>, vector<16xf32>,
      tpu.vector_store %arg18[%swap3A_161], %select_n3A_160 {strides = array<i32>} : memref<128xf32, #tpu.memory_space<vmem>>, vector<16xf32>,
      %iota3A_163 = tpu.iota {dimensions = array<i32: 0>} : vector<16xi32>
      %add3A_164 = arith.constant 112 : i32
      %add3A_165 = vector.broadcast %add3A_164 : i32 to vector<16xi32>
      %add3A_166 = arith.addi %iota3A_163, %add3A_165 : vector<16xi32>
      %ge3A_167 = vector.broadcast %scan3A_68 : i32 to vector<16xi32>
      %ge3A_168 = arith.cmpi sge, %add3A_166, %ge3A_167 : vector<16xi32>
      %get3A_169 = arith.constant 112 : index
      %get3A_170 = tpu.vector_load %arg18[%get3A_169] {strides = array<i32>} : memref<128xf32, #tpu.memory_space<vmem>>, vector<16xf32>,
      %jit3A_171 = arith.constant -1.000000e+30 : f32
      %broadcast_in_dim3A_172 = vector.broadcast %jit3A_171 : f32 to vector<16xf32>
      %select_n3A_173 = arith.select %ge3A_168, %broadcast_in_dim3A_172, %get3A_170 : vector<16xi1>, vector<16xf32>
      %swap3A_174 = arith.constant 112 : index
      %swap3A_175 = tpu.vector_load %arg18[%swap3A_174] {strides = array<i32>} : memref<128xf32, #tpu.memory_space<vmem>>, vector<16xf32>,
      tpu.vector_store %arg18[%swap3A_174], %select_n3A_173 {strides = array<i32>} : memref<128xf32, #tpu.memory_space<vmem>>, vector<16xf32>,
      "tpu.region"() ({
        %run_scoped3A_176 = tpu.sem_alloc : memref<!tpu.dma_semaphore, #tpu.memory_space<semaphore_mem>>
        %dma_start3A_177 = arith.constant 0 : i32
        %dma_start3A_178 = tpu.memref_slice %arg10[%arg1, %dma_start3A_177] : memref<16x128xf32, #tpu.memory_space<hbm>> -> memref<1x128xf32, #tpu.memory_space<hbm>>
        %dma_start3A_179 = tpu.memref_squeeze %dma_start3A_178 : memref<1x128xf32, #tpu.memory_space<hbm>> -> memref<128xf32, #tpu.memory_space<hbm>>
        %dma_start3A_180 = arith.constant 0 : i32
        %dma_start3A_181 = tpu.memref_slice %arg10[%arg1, %dma_start3A_180] : memref<16x128xf32, #tpu.memory_space<hbm>> -> memref<1x128xf32, #tpu.memory_space<hbm>>
        %dma_start3A_182 = tpu.memref_squeeze %dma_start3A_181 : memref<1x128xf32, #tpu.memory_space<hbm>> -> memref<128xf32, #tpu.memory_space<hbm>>
        tpu.enqueue_dma source(%arg18 : memref<128xf32, #tpu.memory_space<vmem>>) target(%dma_start3A_182 : memref<128xf32, #tpu.memory_space<hbm>>) target_semaphore(%run_scoped3A_176 : memref<!tpu.dma_semaphore, #tpu.memory_space<semaphore_mem>>)
        %dma_wait3A_183 = arith.constant 0 : i32
        %dma_wait3A_184 = tpu.memref_slice %arg10[%arg1, %dma_wait3A_183] : memref<16x128xf32, #tpu.memory_space<hbm>> -> memref<1x128xf32, #tpu.memory_space<hbm>>
        %dma_wait3A_185 = tpu.memref_squeeze %dma_wait3A_184 : memref<1x128xf32, #tpu.memory_space<hbm>> -> memref<128xf32, #tpu.memory_space<hbm>>
        %dma_wait3A_186 = arith.constant 0 : i32
        %dma_wait3A_187 = tpu.memref_slice %arg10[%arg1, %dma_wait3A_186] : memref<16x128xf32, #tpu.memory_space<hbm>> -> memref<1x128xf32, #tpu.memory_space<hbm>>
        %dma_wait3A_188 = tpu.memref_squeeze %dma_wait3A_187 : memref<1x128xf32, #tpu.memory_space<hbm>> -> memref<128xf32, #tpu.memory_space<hbm>>
        tpu.wait_dma2 semaphore(%run_scoped3A_176 : memref<!tpu.dma_semaphore, #tpu.memory_space<semaphore_mem>>) src(%arg18 : memref<128xf32, #tpu.memory_space<vmem>>) dst(%dma_wait3A_188 : memref<128xf32, #tpu.memory_space<hbm>>)
        tpu.yield
      }) : () -> ()
      "tpu.region"() ({
        %run_scoped3A_176 = tpu.sem_alloc : memref<!tpu.dma_semaphore, #tpu.memory_space<semaphore_mem>>
        %dma_start3A_177 = arith.constant 0 : i32
        %dma_start3A_178 = arith.constant 0 : i32
        %dma_start3A_179 = tpu.memref_slice %arg9[%arg1, %dma_start3A_177, %dma_start3A_178] : memref<16x128x16xf32, #tpu.memory_space<hbm>> -> memref<1x128x16xf32, #tpu.memory_space<hbm>>
        %dma_start3A_180 = tpu.memref_squeeze %dma_start3A_179 : memref<1x128x16xf32, #tpu.memory_space<hbm>> -> memref<128x16xf32, #tpu.memory_space<hbm>>
        %dma_start3A_181 = arith.constant 0 : i32
        %dma_start3A_182 = arith.constant 0 : i32
        %dma_start3A_183 = tpu.memref_slice %arg9[%arg1, %dma_start3A_181, %dma_start3A_182] : memref<16x128x16xf32, #tpu.memory_space<hbm>> -> memref<1x128x16xf32, #tpu.memory_space<hbm>>
        %dma_start3A_184 = tpu.memref_squeeze %dma_start3A_183 : memref<1x128x16xf32, #tpu.memory_space<hbm>> -> memref<128x16xf32, #tpu.memory_space<hbm>>
        tpu.enqueue_dma source(%arg19 : memref<128x16xf32, #tpu.memory_space<vmem>>) target(%dma_start3A_184 : memref<128x16xf32, #tpu.memory_space<hbm>>) target_semaphore(%run_scoped3A_176 : memref<!tpu.dma_semaphore, #tpu.memory_space<semaphore_mem>>)
        %dma_wait3A_185 = arith.constant 0 : i32
        %dma_wait3A_186 = arith.constant 0 : i32
        %dma_wait3A_187 = tpu.memref_slice %arg9[%arg1, %dma_wait3A_185, %dma_wait3A_186] : memref<16x128x16xf32, #tpu.memory_space<hbm>> -> memref<1x128x16xf32, #tpu.memory_space<hbm>>
        %dma_wait3A_188 = tpu.memref_squeeze %dma_wait3A_187 : memref<1x128x16xf32, #tpu.memory_space<hbm>> -> memref<128x16xf32, #tpu.memory_space<hbm>>
        %dma_wait3A_189 = arith.constant 0 : i32
        %dma_wait3A_190 = arith.constant 0 : i32
        %dma_wait3A_191 = tpu.memref_slice %arg9[%arg1, %dma_wait3A_189, %dma_wait3A_190] : memref<16x128x16xf32, #tpu.memory_space<hbm>> -> memref<1x128x16xf32, #tpu.memory_space<hbm>>
        %dma_wait3A_192 = tpu.memref_squeeze %dma_wait3A_191 : memref<1x128x16xf32, #tpu.memory_space<hbm>> -> memref<128x16xf32, #tpu.memory_space<hbm>>
        tpu.wait_dma2 semaphore(%run_scoped3A_176 : memref<!tpu.dma_semaphore, #tpu.memory_space<semaphore_mem>>) src(%arg19 : memref<128x16xf32, #tpu.memory_space<vmem>>) dst(%dma_wait3A_192 : memref<128x16xf32, #tpu.memory_space<hbm>>)
        tpu.yield
      }) : () -> ()
    } else {
    }
    %eq3A_2 = arith.constant 1 : i32
    %eq3A_3 = arith.cmpi eq, %arg0, %eq3A_2 : i32
    %convert_element_type3A_4 = arith.extui %eq3A_3 : i1 to i32
    %cond3A_5 = arith.constant 0 : i32
    %cond3A_6 = arith.cmpi ne, %convert_element_type3A_4, %cond3A_5 : i32
    scf.if %cond3A_6 {
      %mul3A = arith.constant 6272 : i32
      %mul3A_7 = arith.muli %arg1, %mul3A : i32
      %mul3A_8 = arith.constant 6272 : i32
      %mul3A_9 = arith.muli %arg1, %mul3A_8 : i32
      "tpu.region"() ({
        %run_scoped3A_176 = tpu.sem_alloc : memref<!tpu.dma_semaphore, #tpu.memory_space<semaphore_mem>>
        %dma_start3A_177 = tpu.memref_slice %arg13[%mul3A_9] : memref<100352xi32, #tpu.memory_space<vmem_shared>> -> memref<6272xi32, #tpu.memory_space<vmem_shared>>
        %dma_start3A_178 = tpu.memref_slice %arg4[%mul3A_7] : memref<100352xi32, #tpu.memory_space<hbm>> -> memref<6272xi32, #tpu.memory_space<hbm>>
        tpu.enqueue_dma source(%dma_start3A_178 : memref<6272xi32, #tpu.memory_space<hbm>>) target(%dma_start3A_177 : memref<6272xi32, #tpu.memory_space<vmem_shared>>) target_semaphore(%run_scoped3A_176 : memref<!tpu.dma_semaphore, #tpu.memory_space<semaphore_mem>>)
        %dma_wait3A_179 = tpu.memref_slice %arg13[%mul3A_9] : memref<100352xi32, #tpu.memory_space<vmem_shared>> -> memref<6272xi32, #tpu.memory_space<vmem_shared>>
        %dma_wait3A_180 = tpu.memref_slice %arg4[%mul3A_7] : memref<100352xi32, #tpu.memory_space<hbm>> -> memref<6272xi32, #tpu.memory_space<hbm>>
        tpu.wait_dma2 semaphore(%run_scoped3A_176 : memref<!tpu.dma_semaphore, #tpu.memory_space<semaphore_mem>>) src(%dma_wait3A_180 : memref<6272xi32, #tpu.memory_space<hbm>>) dst(%dma_wait3A_179 : memref<6272xi32, #tpu.memory_space<vmem_shared>>)
        tpu.yield
      }) : () -> ()
      %broadcast_in_dim3A = arith.constant 1 : i32
      %broadcast_in_dim3A_10 = vector.broadcast %broadcast_in_dim3A : i32 to vector<16xi32>
      %swap3A = arith.constant 0 : index
      %swap3A_11 = tpu.vector_load %arg15[%swap3A] {strides = array<i32>} : memref<128xi32, #tpu.memory_space<vmem>>, vector<16xi32>,
      tpu.vector_store %arg15[%swap3A], %broadcast_in_dim3A_10 {strides = array<i32>} : memref<128xi32, #tpu.memory_space<vmem>>, vector<16xi32>,
      %broadcast_in_dim3A_12 = arith.constant 1 : i32
      %broadcast_in_dim3A_13 = vector.broadcast %broadcast_in_dim3A_12 : i32 to vector<16xi32>
      %swap3A_14 = arith.constant 16 : index
      %swap3A_15 = tpu.vector_load %arg15[%swap3A_14] {strides = array<i32>} : memref<128xi32, #tpu.memory_space<vmem>>, vector<16xi32>,
      tpu.vector_store %arg15[%swap3A_14], %broadcast_in_dim3A_13 {strides = array<i32>} : memref<128xi32, #tpu.memory_space<vmem>>, vector<16xi32>,
      %broadcast_in_dim3A_16 = arith.constant 1 : i32
      %broadcast_in_dim3A_17 = vector.broadcast %broadcast_in_dim3A_16 : i32 to vector<16xi32>
      %swap3A_18 = arith.constant 32 : index
      %swap3A_19 = tpu.vector_load %arg15[%swap3A_18] {strides = array<i32>} : memref<128xi32, #tpu.memory_space<vmem>>, vector<16xi32>,
      tpu.vector_store %arg15[%swap3A_18], %broadcast_in_dim3A_17 {strides = array<i32>} : memref<128xi32, #tpu.memory_space<vmem>>, vector<16xi32>,
      %broadcast_in_dim3A_20 = arith.constant 1 : i32
      %broadcast_in_dim3A_21 = vector.broadcast %broadcast_in_dim3A_20 : i32 to vector<16xi32>
      %swap3A_22 = arith.constant 48 : index
      %swap3A_23 = tpu.vector_load %arg15[%swap3A_22] {strides = array<i32>} : memref<128xi32, #tpu.memory_space<vmem>>, vector<16xi32>,
      tpu.vector_store %arg15[%swap3A_22], %broadcast_in_dim3A_21 {strides = array<i32>} : memref<128xi32, #tpu.memory_space<vmem>>, vector<16xi32>,
      %broadcast_in_dim3A_24 = arith.constant 1 : i32
      %broadcast_in_dim3A_25 = vector.broadcast %broadcast_in_dim3A_24 : i32 to vector<16xi32>
      %swap3A_26 = arith.constant 64 : index
      %swap3A_27 = tpu.vector_load %arg15[%swap3A_26] {strides = array<i32>} : memref<128xi32, #tpu.memory_space<vmem>>, vector<16xi32>,
      tpu.vector_store %arg15[%swap3A_26], %broadcast_in_dim3A_25 {strides = array<i32>} : memref<128xi32, #tpu.memory_space<vmem>>, vector<16xi32>,
      %broadcast_in_dim3A_28 = arith.constant 1 : i32
      %broadcast_in_dim3A_29 = vector.broadcast %broadcast_in_dim3A_28 : i32 to vector<16xi32>
      %swap3A_30 = arith.constant 80 : index
      %swap3A_31 = tpu.vector_load %arg15[%swap3A_30] {strides = array<i32>} : memref<128xi32, #tpu.memory_space<vmem>>, vector<16xi32>,
      tpu.vector_store %arg15[%swap3A_30], %broadcast_in_dim3A_29 {strides = array<i32>} : memref<128xi32, #tpu.memory_space<vmem>>, vector<16xi32>,
      %broadcast_in_dim3A_32 = arith.constant 1 : i32
      %broadcast_in_dim3A_33 = vector.broadcast %broadcast_in_dim3A_32 : i32 to vector<16xi32>
      %swap3A_34 = arith.constant 96 : index
      %swap3A_35 = tpu.vector_load %arg15[%swap3A_34] {strides = array<i32>} : memref<128xi32, #tpu.memory_space<vmem>>, vector<16xi32>,
      tpu.vector_store %arg15[%swap3A_34], %broadcast_in_dim3A_33 {strides = array<i32>} : memref<128xi32, #tpu.memory_space<vmem>>, vector<16xi32>,
      %broadcast_in_dim3A_36 = arith.constant 1 : i32
      %broadcast_in_dim3A_37 = vector.broadcast %broadcast_in_dim3A_36 : i32 to vector<16xi32>
      %swap3A_38 = arith.constant 112 : index
      %swap3A_39 = tpu.vector_load %arg15[%swap3A_38] {strides = array<i32>} : memref<128xi32, #tpu.memory_space<vmem>>, vector<16xi32>,
      tpu.vector_store %arg15[%swap3A_38], %broadcast_in_dim3A_37 {strides = array<i32>} : memref<128xi32, #tpu.memory_space<vmem>>, vector<16xi32>,
      %barrier3A = arith.constant 0 : index
      tpu.barrier barrier_id(%barrier3A)
      %mul3A_40 = arith.constant 2 : i32
      %mul3A_41 = arith.muli %mul3A_40, %arg1 : i32
      "tpu.region"() ({
        %run_scoped3A_176 = tpu.sem_alloc : memref<!tpu.dma_semaphore, #tpu.memory_space<semaphore_mem>>
        %dma_start3A_177 = arith.constant 0 : i32
        %dma_start3A_178 = tpu.memref_slice %arg3[%mul3A_41, %dma_start3A_177] : memref<32x128xi32, #tpu.memory_space<hbm>> -> memref<2x128xi32, #tpu.memory_space<hbm>>
        %dma_start3A_179 = arith.constant 0 : i32
        %dma_start3A_180 = tpu.memref_slice %arg3[%mul3A_41, %dma_start3A_179] : memref<32x128xi32, #tpu.memory_space<hbm>> -> memref<2x128xi32, #tpu.memory_space<hbm>>
        tpu.enqueue_dma source(%dma_start3A_180 : memref<2x128xi32, #tpu.memory_space<hbm>>) target(%arg14 : memref<2x128xi32, #tpu.memory_space<vmem>>) target_semaphore(%run_scoped3A_176 : memref<!tpu.dma_semaphore, #tpu.memory_space<semaphore_mem>>)
        %dma_wait3A_181 = arith.constant 0 : i32
        %dma_wait3A_182 = tpu.memref_slice %arg3[%mul3A_41, %dma_wait3A_181] : memref<32x128xi32, #tpu.memory_space<hbm>> -> memref<2x128xi32, #tpu.memory_space<hbm>>
        %dma_wait3A_183 = arith.constant 0 : i32
        %dma_wait3A_184 = tpu.memref_slice %arg3[%mul3A_41, %dma_wait3A_183] : memref<32x128xi32, #tpu.memory_space<hbm>> -> memref<2x128xi32, #tpu.memory_space<hbm>>
        tpu.wait_dma2 semaphore(%run_scoped3A_176 : memref<!tpu.dma_semaphore, #tpu.memory_space<semaphore_mem>>) src(%dma_wait3A_184 : memref<2x128xi32, #tpu.memory_space<hbm>>) dst(%arg14 : memref<2x128xi32, #tpu.memory_space<vmem>>)
        tpu.yield
      }) : () -> ()
      %run_scoped3A = arith.constant 0 : i32
      "tpu.region"() ({
        %run_scoped3A_176 = tpu.sem_alloc : memref<!tpu.dma_semaphore, #tpu.memory_space<semaphore_mem>>
        %dma_start3A_177 = arith.constant 0 : i32
        %dma_start3A_178 = tpu.memref_slice %arg14[%run_scoped3A, %dma_start3A_177] : memref<2x128xi32, #tpu.memory_space<vmem>> -> memref<1x128xi32, #tpu.memory_space<vmem>>
        %dma_start3A_179 = tpu.memref_squeeze %dma_start3A_178 : memref<1x128xi32, #tpu.memory_space<vmem>> -> memref<128xi32, #tpu.memory_space<vmem>>
        %dma_start3A_180 = arith.constant 0 : i32
        %dma_start3A_181 = tpu.memref_slice %arg13[%dma_start3A_180] : memref<100352xi32, #tpu.memory_space<vmem_shared>> -> memref<100352xi32, #tpu.memory_space<vmem_shared>>
        tpu.enqueue_indirect_dma source(%arg15 : memref<128xi32, #tpu.memory_space<vmem>>) target(%dma_start3A_181 : memref<100352xi32, #tpu.memory_space<vmem_shared>>) offsets(%dma_start3A_179 : memref<128xi32, #tpu.memory_space<vmem>>) semaphore(%run_scoped3A_176 : memref<!tpu.dma_semaphore, #tpu.memory_space<semaphore_mem>>) {add = true}
        %dma_wait3A_182 = arith.constant 0 : i32
        %dma_wait3A_183 = tpu.memref_slice %arg14[%run_scoped3A, %dma_wait3A_182] : memref<2x128xi32, #tpu.memory_space<vmem>> -> memref<1x128xi32, #tpu.memory_space<vmem>>
        %dma_wait3A_184 = tpu.memref_squeeze %dma_wait3A_183 : memref<1x128xi32, #tpu.memory_space<vmem>> -> memref<128xi32, #tpu.memory_space<vmem>>
        %dma_wait3A_185 = arith.constant 0 : i32
        %dma_wait3A_186 = tpu.memref_slice %arg13[%dma_wait3A_185] : memref<100352xi32, #tpu.memory_space<vmem_shared>> -> memref<100352xi32, #tpu.memory_space<vmem_shared>>
        tpu.wait_indirect_dma semaphore(%run_scoped3A_176 : memref<!tpu.dma_semaphore, #tpu.memory_space<semaphore_mem>>) src(%arg15 : memref<128xi32, #tpu.memory_space<vmem>>) dst(%dma_wait3A_186 : memref<100352xi32, #tpu.memory_space<vmem_shared>>)
        tpu.yield
      }) : () -> ()
      %run_scoped3A_42 = arith.constant 1 : i32
      "tpu.region"() ({
        %run_scoped3A_176 = tpu.sem_alloc : memref<!tpu.dma_semaphore, #tpu.memory_space<semaphore_mem>>
        %dma_start3A_177 = arith.constant 0 : i32
        %dma_start3A_178 = tpu.memref_slice %arg14[%run_scoped3A_42, %dma_start3A_177] : memref<2x128xi32, #tpu.memory_space<vmem>> -> memref<1x128xi32, #tpu.memory_space<vmem>>
        %dma_start3A_179 = tpu.memref_squeeze %dma_start3A_178 : memref<1x128xi32, #tpu.memory_space<vmem>> -> memref<128xi32, #tpu.memory_space<vmem>>
        %dma_start3A_180 = arith.constant 0 : i32
        %dma_start3A_181 = tpu.memref_slice %arg13[%dma_start3A_180] : memref<100352xi32, #tpu.memory_space<vmem_shared>> -> memref<100352xi32, #tpu.memory_space<vmem_shared>>
        tpu.enqueue_indirect_dma source(%arg15 : memref<128xi32, #tpu.memory_space<vmem>>) target(%dma_start3A_181 : memref<100352xi32, #tpu.memory_space<vmem_shared>>) offsets(%dma_start3A_179 : memref<128xi32, #tpu.memory_space<vmem>>) semaphore(%run_scoped3A_176 : memref<!tpu.dma_semaphore, #tpu.memory_space<semaphore_mem>>) {add = true}
        %dma_wait3A_182 = arith.constant 0 : i32
        %dma_wait3A_183 = tpu.memref_slice %arg14[%run_scoped3A_42, %dma_wait3A_182] : memref<2x128xi32, #tpu.memory_space<vmem>> -> memref<1x128xi32, #tpu.memory_space<vmem>>
        %dma_wait3A_184 = tpu.memref_squeeze %dma_wait3A_183 : memref<1x128xi32, #tpu.memory_space<vmem>> -> memref<128xi32, #tpu.memory_space<vmem>>
        %dma_wait3A_185 = arith.constant 0 : i32
        %dma_wait3A_186 = tpu.memref_slice %arg13[%dma_wait3A_185] : memref<100352xi32, #tpu.memory_space<vmem_shared>> -> memref<100352xi32, #tpu.memory_space<vmem_shared>>
        tpu.wait_indirect_dma semaphore(%run_scoped3A_176 : memref<!tpu.dma_semaphore, #tpu.memory_space<semaphore_mem>>) src(%arg15 : memref<128xi32, #tpu.memory_space<vmem>>) dst(%dma_wait3A_186 : memref<100352xi32, #tpu.memory_space<vmem_shared>>)
        tpu.yield
      }) : () -> ()
      %barrier3A_43 = arith.constant 0 : index
      tpu.barrier barrier_id(%barrier3A_43)
      %mul3A_44 = arith.constant 6272 : i32
      %mul3A_45 = arith.muli %arg1, %mul3A_44 : i32
      "tpu.region"() ({
        %run_scoped3A_176 = tpu.sem_alloc : memref<!tpu.dma_semaphore, #tpu.memory_space<semaphore_mem>>
        %dma_start3A_177 = tpu.memref_slice %arg13[%mul3A_45] : memref<100352xi32, #tpu.memory_space<vmem_shared>> -> memref<6272xi32, #tpu.memory_space<vmem_shared>>
        %dma_start3A_178 = tpu.memref_slice %arg13[%mul3A_45] : memref<100352xi32, #tpu.memory_space<vmem_shared>> -> memref<6272xi32, #tpu.memory_space<vmem_shared>>
        tpu.enqueue_dma source(%dma_start3A_178 : memref<6272xi32, #tpu.memory_space<vmem_shared>>) target(%arg16 : memref<6272xi32, #tpu.memory_space<vmem>>) target_semaphore(%run_scoped3A_176 : memref<!tpu.dma_semaphore, #tpu.memory_space<semaphore_mem>>)
        %dma_wait3A_179 = tpu.memref_slice %arg13[%mul3A_45] : memref<100352xi32, #tpu.memory_space<vmem_shared>> -> memref<6272xi32, #tpu.memory_space<vmem_shared>>
        %dma_wait3A_180 = tpu.memref_slice %arg13[%mul3A_45] : memref<100352xi32, #tpu.memory_space<vmem_shared>> -> memref<6272xi32, #tpu.memory_space<vmem_shared>>
        tpu.wait_dma2 semaphore(%run_scoped3A_176 : memref<!tpu.dma_semaphore, #tpu.memory_space<semaphore_mem>>) src(%dma_wait3A_180 : memref<6272xi32, #tpu.memory_space<vmem_shared>>) dst(%arg16 : memref<6272xi32, #tpu.memory_space<vmem>>)
        tpu.yield
      }) : () -> ()
      %broadcast_in_dim3A_46 = arith.constant 0 : i32
      %broadcast_in_dim3A_47 = vector.broadcast %broadcast_in_dim3A_46 : i32 to vector<16xi32>
      %swap3A_48 = arith.constant 0 : index
      %swap3A_49 = tpu.vector_load %arg17[%swap3A_48] {strides = array<i32>} : memref<128xi32, #tpu.memory_space<vmem>>, vector<16xi32>,
      tpu.vector_store %arg17[%swap3A_48], %broadcast_in_dim3A_47 {strides = array<i32>} : memref<128xi32, #tpu.memory_space<vmem>>, vector<16xi32>,
      %swap3A_50 = arith.constant 16 : index
      %swap3A_51 = tpu.vector_load %arg17[%swap3A_50] {strides = array<i32>} : memref<128xi32, #tpu.memory_space<vmem>>, vector<16xi32>,
      tpu.vector_store %arg17[%swap3A_50], %broadcast_in_dim3A_47 {strides = array<i32>} : memref<128xi32, #tpu.memory_space<vmem>>, vector<16xi32>,
      %swap3A_52 = arith.constant 32 : index
      %swap3A_53 = tpu.vector_load %arg17[%swap3A_52] {strides = array<i32>} : memref<128xi32, #tpu.memory_space<vmem>>, vector<16xi32>,
      tpu.vector_store %arg17[%swap3A_52], %broadcast_in_dim3A_47 {strides = array<i32>} : memref<128xi32, #tpu.memory_space<vmem>>, vector<16xi32>,
      %swap3A_54 = arith.constant 48 : index
      %swap3A_55 = tpu.vector_load %arg17[%swap3A_54] {strides = array<i32>} : memref<128xi32, #tpu.memory_space<vmem>>, vector<16xi32>,
      tpu.vector_store %arg17[%swap3A_54], %broadcast_in_dim3A_47 {strides = array<i32>} : memref<128xi32, #tpu.memory_space<vmem>>, vector<16xi32>,
      %swap3A_56 = arith.constant 64 : index
      %swap3A_57 = tpu.vector_load %arg17[%swap3A_56] {strides = array<i32>} : memref<128xi32, #tpu.memory_space<vmem>>, vector<16xi32>,
      tpu.vector_store %arg17[%swap3A_56], %broadcast_in_dim3A_47 {strides = array<i32>} : memref<128xi32, #tpu.memory_space<vmem>>, vector<16xi32>,
      %swap3A_58 = arith.constant 80 : index
      %swap3A_59 = tpu.vector_load %arg17[%swap3A_58] {strides = array<i32>} : memref<128xi32, #tpu.memory_space<vmem>>, vector<16xi32>,
      tpu.vector_store %arg17[%swap3A_58], %broadcast_in_dim3A_47 {strides = array<i32>} : memref<128xi32, #tpu.memory_space<vmem>>, vector<16xi32>,
      %swap3A_60 = arith.constant 96 : index
      %swap3A_61 = tpu.vector_load %arg17[%swap3A_60] {strides = array<i32>} : memref<128xi32, #tpu.memory_space<vmem>>, vector<16xi32>,
      tpu.vector_store %arg17[%swap3A_60], %broadcast_in_dim3A_47 {strides = array<i32>} : memref<128xi32, #tpu.memory_space<vmem>>, vector<16xi32>,
      %swap3A_62 = arith.constant 112 : index
      %swap3A_63 = tpu.vector_load %arg17[%swap3A_62] {strides = array<i32>} : memref<128xi32, #tpu.memory_space<vmem>>, vector<16xi32>,
      tpu.vector_store %arg17[%swap3A_62], %broadcast_in_dim3A_47 {strides = array<i32>} : memref<128xi32, #tpu.memory_space<vmem>>, vector<16xi32>,
      %scan3A = arith.constant 0 : i32
      %scan3A_64 = arith.constant 0 : i32
      %scan3A_65 = arith.constant 49 : i32
      %scan3A_66 = arith.addi %scan3A_64, %scan3A_65 : i32
      %scan3A_67 = arith.constant 1 : i32
      %scan3A_68 = scf.for %scan3A_176 = %scan3A_64 to %scan3A_66 step %scan3A_67 iter_args(%scan3A_177 = %scan3A) -> (i32)  : i32 {
        %broadcast_in_dim3A_178 = arith.constant 0 : i32
        %broadcast_in_dim3A_179 = vector.broadcast %broadcast_in_dim3A_178 : i32 to vector<16xi32>
        %mul3A_180 = arith.constant 8 : i32
        %mul3A_181 = arith.muli %scan3A_176, %mul3A_180 : i32
        %add3A_182 = arith.constant 0 : i32
        %add3A_183 = arith.addi %mul3A_181, %add3A_182 : i32
        %mul3A_184 = arith.constant 16 : i32
        %mul3A_185 = arith.muli %add3A_183, %mul3A_184 : i32
        %get3A_186 = arith.index_cast %mul3A_185 : i32 to index
        %get3A_187 = tpu.vector_load %arg16[%get3A_186] {strides = array<i32>} : memref<6272xi32, #tpu.memory_space<vmem>>, vector<16xi32>,
        %or3A = arith.ori %broadcast_in_dim3A_179, %get3A_187 : vector<16xi32>
        %mul3A_188 = arith.constant 8 : i32
        %mul3A_189 = arith.muli %scan3A_176, %mul3A_188 : i32
        %add3A_190 = arith.constant 1 : i32
        %add3A_191 = arith.addi %mul3A_189, %add3A_190 : i32
        %mul3A_192 = arith.constant 16 : i32
        %mul3A_193 = arith.muli %add3A_191, %mul3A_192 : i32
        %get3A_194 = arith.index_cast %mul3A_193 : i32 to index
        %get3A_195 = tpu.vector_load %arg16[%get3A_194] {strides = array<i32>} : memref<6272xi32, #tpu.memory_space<vmem>>, vector<16xi32>,
        %or3A_196 = arith.ori %or3A, %get3A_195 : vector<16xi32>
        %mul3A_197 = arith.constant 8 : i32
        %mul3A_198 = arith.muli %scan3A_176, %mul3A_197 : i32
        %add3A_199 = arith.constant 2 : i32
        %add3A_200 = arith.addi %mul3A_198, %add3A_199 : i32
        %mul3A_201 = arith.constant 16 : i32
        %mul3A_202 = arith.muli %add3A_200, %mul3A_201 : i32
        %get3A_203 = arith.index_cast %mul3A_202 : i32 to index
        %get3A_204 = tpu.vector_load %arg16[%get3A_203] {strides = array<i32>} : memref<6272xi32, #tpu.memory_space<vmem>>, vector<16xi32>,
        %or3A_205 = arith.ori %or3A_196, %get3A_204 : vector<16xi32>
        %mul3A_206 = arith.constant 8 : i32
        %mul3A_207 = arith.muli %scan3A_176, %mul3A_206 : i32
        %add3A_208 = arith.constant 3 : i32
        %add3A_209 = arith.addi %mul3A_207, %add3A_208 : i32
        %mul3A_210 = arith.constant 16 : i32
        %mul3A_211 = arith.muli %add3A_209, %mul3A_210 : i32
        %get3A_212 = arith.index_cast %mul3A_211 : i32 to index
        %get3A_213 = tpu.vector_load %arg16[%get3A_212] {strides = array<i32>} : memref<6272xi32, #tpu.memory_space<vmem>>, vector<16xi32>,
        %or3A_214 = arith.ori %or3A_205, %get3A_213 : vector<16xi32>
        %mul3A_215 = arith.constant 8 : i32
        %mul3A_216 = arith.muli %scan3A_176, %mul3A_215 : i32
        %add3A_217 = arith.constant 4 : i32
        %add3A_218 = arith.addi %mul3A_216, %add3A_217 : i32
        %mul3A_219 = arith.constant 16 : i32
        %mul3A_220 = arith.muli %add3A_218, %mul3A_219 : i32
        %get3A_221 = arith.index_cast %mul3A_220 : i32 to index
        %get3A_222 = tpu.vector_load %arg16[%get3A_221] {strides = array<i32>} : memref<6272xi32, #tpu.memory_space<vmem>>, vector<16xi32>,
        %or3A_223 = arith.ori %or3A_214, %get3A_222 : vector<16xi32>
        %mul3A_224 = arith.constant 8 : i32
        %mul3A_225 = arith.muli %scan3A_176, %mul3A_224 : i32
        %add3A_226 = arith.constant 5 : i32
        %add3A_227 = arith.addi %mul3A_225, %add3A_226 : i32
        %mul3A_228 = arith.constant 16 : i32
        %mul3A_229 = arith.muli %add3A_227, %mul3A_228 : i32
        %get3A_230 = arith.index_cast %mul3A_229 : i32 to index
        %get3A_231 = tpu.vector_load %arg16[%get3A_230] {strides = array<i32>} : memref<6272xi32, #tpu.memory_space<vmem>>, vector<16xi32>,
        %or3A_232 = arith.ori %or3A_223, %get3A_231 : vector<16xi32>
        %mul3A_233 = arith.constant 8 : i32
        %mul3A_234 = arith.muli %scan3A_176, %mul3A_233 : i32
        %add3A_235 = arith.constant 6 : i32
        %add3A_236 = arith.addi %mul3A_234, %add3A_235 : i32
        %mul3A_237 = arith.constant 16 : i32
        %mul3A_238 = arith.muli %add3A_236, %mul3A_237 : i32
        %get3A_239 = arith.index_cast %mul3A_238 : i32 to index
        %get3A_240 = tpu.vector_load %arg16[%get3A_239] {strides = array<i32>} : memref<6272xi32, #tpu.memory_space<vmem>>, vector<16xi32>,
        %or3A_241 = arith.ori %or3A_232, %get3A_240 : vector<16xi32>
        %mul3A_242 = arith.constant 8 : i32
        %mul3A_243 = arith.muli %scan3A_176, %mul3A_242 : i32
        %add3A_244 = arith.constant 7 : i32
        %add3A_245 = arith.addi %mul3A_243, %add3A_244 : i32
        %mul3A_246 = arith.constant 16 : i32
        %mul3A_247 = arith.muli %add3A_245, %mul3A_246 : i32
        %get3A_248 = arith.index_cast %mul3A_247 : i32 to index
        %get3A_249 = tpu.vector_load %arg16[%get3A_248] {strides = array<i32>} : memref<6272xi32, #tpu.memory_space<vmem>>, vector<16xi32>,
        %or3A_250 = arith.ori %or3A_241, %get3A_249 : vector<16xi32>
        %reduce_sum3A = arith.constant true
        %reduce_sum3A_251 = vector.broadcast %reduce_sum3A : i1 to vector<16xi1>
        %reduce_sum3A_252 = tpu.scan <sum>, %or3A_250 masked %reduce_sum3A_251 : vector<16xi32>, vector<16xi1> -> vector<16xi32>
        %reduce_sum3A_253 = vector.extract %reduce_sum3A_252[15] : i32 from vector<16xi32>
        %gt3A = arith.constant 0 : i32
        %gt3A_254 = arith.cmpi sgt, %reduce_sum3A_253, %gt3A : i32
        %convert_element_type3A_255 = arith.extui %gt3A_254 : i1 to i32
        %cond3A_256 = arith.constant 0 : i32
        %cond3A_257 = arith.cmpi ne, %convert_element_type3A_255, %cond3A_256 : i32
        %cond3A_258 = scf.if %cond3A_257 -> (i32) {
          %mul3A_259 = arith.constant 8 : i32
          %mul3A_260 = arith.muli %scan3A_176, %mul3A_259 : i32
          %add3A_261 = arith.constant 0 : i32
          %add3A_262 = arith.addi %mul3A_260, %add3A_261 : i32
          %mul3A_263 = arith.constant 16 : i32
          %mul3A_264 = arith.muli %add3A_262, %mul3A_263 : i32
          %get3A_265 = arith.index_cast %mul3A_264 : i32 to index
          %get3A_266 = tpu.vector_load %arg16[%get3A_265] {strides = array<i32>} : memref<6272xi32, #tpu.memory_space<vmem>>, vector<16xi32>,
          %mul3A_267 = arith.constant 6272 : i32
          %mul3A_268 = arith.muli %arg1, %mul3A_267 : i32
          %mul3A_269 = arith.constant 16 : i32
          %mul3A_270 = arith.muli %add3A_262, %mul3A_269 : i32
          %add3A_271 = arith.addi %mul3A_268, %mul3A_270 : i32
          %iota3A_272 = tpu.iota {dimensions = array<i32: 0>} : vector<16xi32>
          %add3A_273 = vector.broadcast %add3A_271 : i32 to vector<16xi32>
          %add3A_274 = arith.addi %add3A_273, %iota3A_272 : vector<16xi32>
          %gt3A_275 = arith.constant 0 : i32
          %gt3A_276 = vector.broadcast %gt3A_275 : i32 to vector<16xi32>
          %gt3A_277 = arith.cmpi sgt, %get3A_266, %gt3A_276 : vector<16xi32>
          %lt3A = arith.constant 100000 : i32
          %lt3A_278 = vector.broadcast %lt3A : i32 to vector<16xi32>
          %lt3A_279 = arith.cmpi slt, %add3A_274, %lt3A_278 : vector<16xi32>
          %and3A = arith.andi %gt3A_277, %lt3A_279 : vector<16xi1>
          %min3A = arith.constant 112 : i32
          %min3A_280 = arith.minsi %scan3A_177, %min3A : i32
          %swap3A_281 = arith.index_cast %min3A_280 : i32 to index
          %swap3A_282 = tpu.vector_load %arg17[%swap3A_281] masked %and3A {strides = array<i32>} : memref<128xi32, #tpu.memory_space<vmem>>, vector<16xi32>, vector<16xi1>
          tpu.vector_store %arg17[%swap3A_281], %add3A_274 masked %and3A {strides = array<i32>} : memref<128xi32, #tpu.memory_space<vmem>>, vector<16xi32>, vector<16xi1>
          %convert_element_type3A_283 = arith.extui %and3A : vector<16xi1> to vector<16xi32>
          %reduce_sum3A_284 = arith.constant true
          %reduce_sum3A_285 = vector.broadcast %reduce_sum3A_284 : i1 to vector<16xi1>
          %reduce_sum3A_286 = tpu.scan <sum>, %convert_element_type3A_283 masked %reduce_sum3A_285 : vector<16xi32>, vector<16xi1> -> vector<16xi32>
          %reduce_sum3A_287 = vector.extract %reduce_sum3A_286[15] : i32 from vector<16xi32>
          %add3A_288 = arith.addi %scan3A_177, %reduce_sum3A_287 : i32
          %mul3A_289 = arith.constant 8 : i32
          %mul3A_290 = arith.muli %scan3A_176, %mul3A_289 : i32
          %add3A_291 = arith.constant 1 : i32
          %add3A_292 = arith.addi %mul3A_290, %add3A_291 : i32
          %mul3A_293 = arith.constant 16 : i32
          %mul3A_294 = arith.muli %add3A_292, %mul3A_293 : i32
          %get3A_295 = arith.index_cast %mul3A_294 : i32 to index
          %get3A_296 = tpu.vector_load %arg16[%get3A_295] {strides = array<i32>} : memref<6272xi32, #tpu.memory_space<vmem>>, vector<16xi32>,
          %mul3A_297 = arith.constant 6272 : i32
          %mul3A_298 = arith.muli %arg1, %mul3A_297 : i32
          %mul3A_299 = arith.constant 16 : i32
          %mul3A_300 = arith.muli %add3A_292, %mul3A_299 : i32
          %add3A_301 = arith.addi %mul3A_298, %mul3A_300 : i32
          %iota3A_302 = tpu.iota {dimensions = array<i32: 0>} : vector<16xi32>
          %add3A_303 = vector.broadcast %add3A_301 : i32 to vector<16xi32>
          %add3A_304 = arith.addi %add3A_303, %iota3A_302 : vector<16xi32>
          %gt3A_305 = arith.constant 0 : i32
          %gt3A_306 = vector.broadcast %gt3A_305 : i32 to vector<16xi32>
          %gt3A_307 = arith.cmpi sgt, %get3A_296, %gt3A_306 : vector<16xi32>
          %lt3A_308 = arith.constant 100000 : i32
          %lt3A_309 = vector.broadcast %lt3A_308 : i32 to vector<16xi32>
          %lt3A_310 = arith.cmpi slt, %add3A_304, %lt3A_309 : vector<16xi32>
          %and3A_311 = arith.andi %gt3A_307, %lt3A_310 : vector<16xi1>
          %min3A_312 = arith.constant 112 : i32
          %min3A_313 = arith.minsi %add3A_288, %min3A_312 : i32
          %swap3A_314 = arith.index_cast %min3A_313 : i32 to index
          %swap3A_315 = tpu.vector_load %arg17[%swap3A_314] masked %and3A_311 {strides = array<i32>} : memref<128xi32, #tpu.memory_space<vmem>>, vector<16xi32>, vector<16xi1>
          tpu.vector_store %arg17[%swap3A_314], %add3A_304 masked %and3A_311 {strides = array<i32>} : memref<128xi32, #tpu.memory_space<vmem>>, vector<16xi32>, vector<16xi1>
          %convert_element_type3A_316 = arith.extui %and3A_311 : vector<16xi1> to vector<16xi32>
          %reduce_sum3A_317 = arith.constant true
          %reduce_sum3A_318 = vector.broadcast %reduce_sum3A_317 : i1 to vector<16xi1>
          %reduce_sum3A_319 = tpu.scan <sum>, %convert_element_type3A_316 masked %reduce_sum3A_318 : vector<16xi32>, vector<16xi1> -> vector<16xi32>
          %reduce_sum3A_320 = vector.extract %reduce_sum3A_319[15] : i32 from vector<16xi32>
          %add3A_321 = arith.addi %add3A_288, %reduce_sum3A_320 : i32
          %mul3A_322 = arith.constant 8 : i32
          %mul3A_323 = arith.muli %scan3A_176, %mul3A_322 : i32
          %add3A_324 = arith.constant 2 : i32
          %add3A_325 = arith.addi %mul3A_323, %add3A_324 : i32
          %mul3A_326 = arith.constant 16 : i32
          %mul3A_327 = arith.muli %add3A_325, %mul3A_326 : i32
          %get3A_328 = arith.index_cast %mul3A_327 : i32 to index
          %get3A_329 = tpu.vector_load %arg16[%get3A_328] {strides = array<i32>} : memref<6272xi32, #tpu.memory_space<vmem>>, vector<16xi32>,
          %mul3A_330 = arith.constant 6272 : i32
          %mul3A_331 = arith.muli %arg1, %mul3A_330 : i32
          %mul3A_332 = arith.constant 16 : i32
          %mul3A_333 = arith.muli %add3A_325, %mul3A_332 : i32
          %add3A_334 = arith.addi %mul3A_331, %mul3A_333 : i32
          %iota3A_335 = tpu.iota {dimensions = array<i32: 0>} : vector<16xi32>
          %add3A_336 = vector.broadcast %add3A_334 : i32 to vector<16xi32>
          %add3A_337 = arith.addi %add3A_336, %iota3A_335 : vector<16xi32>
          %gt3A_338 = arith.constant 0 : i32
          %gt3A_339 = vector.broadcast %gt3A_338 : i32 to vector<16xi32>
          %gt3A_340 = arith.cmpi sgt, %get3A_329, %gt3A_339 : vector<16xi32>
          %lt3A_341 = arith.constant 100000 : i32
          %lt3A_342 = vector.broadcast %lt3A_341 : i32 to vector<16xi32>
          %lt3A_343 = arith.cmpi slt, %add3A_337, %lt3A_342 : vector<16xi32>
          %and3A_344 = arith.andi %gt3A_340, %lt3A_343 : vector<16xi1>
          %min3A_345 = arith.constant 112 : i32
          %min3A_346 = arith.minsi %add3A_321, %min3A_345 : i32
          %swap3A_347 = arith.index_cast %min3A_346 : i32 to index
          %swap3A_348 = tpu.vector_load %arg17[%swap3A_347] masked %and3A_344 {strides = array<i32>} : memref<128xi32, #tpu.memory_space<vmem>>, vector<16xi32>, vector<16xi1>
          tpu.vector_store %arg17[%swap3A_347], %add3A_337 masked %and3A_344 {strides = array<i32>} : memref<128xi32, #tpu.memory_space<vmem>>, vector<16xi32>, vector<16xi1>
          %convert_element_type3A_349 = arith.extui %and3A_344 : vector<16xi1> to vector<16xi32>
          %reduce_sum3A_350 = arith.constant true
          %reduce_sum3A_351 = vector.broadcast %reduce_sum3A_350 : i1 to vector<16xi1>
          %reduce_sum3A_352 = tpu.scan <sum>, %convert_element_type3A_349 masked %reduce_sum3A_351 : vector<16xi32>, vector<16xi1> -> vector<16xi32>
          %reduce_sum3A_353 = vector.extract %reduce_sum3A_352[15] : i32 from vector<16xi32>
          %add3A_354 = arith.addi %add3A_321, %reduce_sum3A_353 : i32
          %mul3A_355 = arith.constant 8 : i32
          %mul3A_356 = arith.muli %scan3A_176, %mul3A_355 : i32
          %add3A_357 = arith.constant 3 : i32
          %add3A_358 = arith.addi %mul3A_356, %add3A_357 : i32
          %mul3A_359 = arith.constant 16 : i32
          %mul3A_360 = arith.muli %add3A_358, %mul3A_359 : i32
          %get3A_361 = arith.index_cast %mul3A_360 : i32 to index
          %get3A_362 = tpu.vector_load %arg16[%get3A_361] {strides = array<i32>} : memref<6272xi32, #tpu.memory_space<vmem>>, vector<16xi32>,
          %mul3A_363 = arith.constant 6272 : i32
          %mul3A_364 = arith.muli %arg1, %mul3A_363 : i32
          %mul3A_365 = arith.constant 16 : i32
          %mul3A_366 = arith.muli %add3A_358, %mul3A_365 : i32
          %add3A_367 = arith.addi %mul3A_364, %mul3A_366 : i32
          %iota3A_368 = tpu.iota {dimensions = array<i32: 0>} : vector<16xi32>
          %add3A_369 = vector.broadcast %add3A_367 : i32 to vector<16xi32>
          %add3A_370 = arith.addi %add3A_369, %iota3A_368 : vector<16xi32>
          %gt3A_371 = arith.constant 0 : i32
          %gt3A_372 = vector.broadcast %gt3A_371 : i32 to vector<16xi32>
          %gt3A_373 = arith.cmpi sgt, %get3A_362, %gt3A_372 : vector<16xi32>
          %lt3A_374 = arith.constant 100000 : i32
          %lt3A_375 = vector.broadcast %lt3A_374 : i32 to vector<16xi32>
          %lt3A_376 = arith.cmpi slt, %add3A_370, %lt3A_375 : vector<16xi32>
          %and3A_377 = arith.andi %gt3A_373, %lt3A_376 : vector<16xi1>
          %min3A_378 = arith.constant 112 : i32
          %min3A_379 = arith.minsi %add3A_354, %min3A_378 : i32
          %swap3A_380 = arith.index_cast %min3A_379 : i32 to index
          %swap3A_381 = tpu.vector_load %arg17[%swap3A_380] masked %and3A_377 {strides = array<i32>} : memref<128xi32, #tpu.memory_space<vmem>>, vector<16xi32>, vector<16xi1>
          tpu.vector_store %arg17[%swap3A_380], %add3A_370 masked %and3A_377 {strides = array<i32>} : memref<128xi32, #tpu.memory_space<vmem>>, vector<16xi32>, vector<16xi1>
          %convert_element_type3A_382 = arith.extui %and3A_377 : vector<16xi1> to vector<16xi32>
          %reduce_sum3A_383 = arith.constant true
          %reduce_sum3A_384 = vector.broadcast %reduce_sum3A_383 : i1 to vector<16xi1>
          %reduce_sum3A_385 = tpu.scan <sum>, %convert_element_type3A_382 masked %reduce_sum3A_384 : vector<16xi32>, vector<16xi1> -> vector<16xi32>
          %reduce_sum3A_386 = vector.extract %reduce_sum3A_385[15] : i32 from vector<16xi32>
          %add3A_387 = arith.addi %add3A_354, %reduce_sum3A_386 : i32
          %mul3A_388 = arith.constant 8 : i32
          %mul3A_389 = arith.muli %scan3A_176, %mul3A_388 : i32
          %add3A_390 = arith.constant 4 : i32
          %add3A_391 = arith.addi %mul3A_389, %add3A_390 : i32
          %mul3A_392 = arith.constant 16 : i32
          %mul3A_393 = arith.muli %add3A_391, %mul3A_392 : i32
          %get3A_394 = arith.index_cast %mul3A_393 : i32 to index
          %get3A_395 = tpu.vector_load %arg16[%get3A_394] {strides = array<i32>} : memref<6272xi32, #tpu.memory_space<vmem>>, vector<16xi32>,
          %mul3A_396 = arith.constant 6272 : i32
          %mul3A_397 = arith.muli %arg1, %mul3A_396 : i32
          %mul3A_398 = arith.constant 16 : i32
          %mul3A_399 = arith.muli %add3A_391, %mul3A_398 : i32
          %add3A_400 = arith.addi %mul3A_397, %mul3A_399 : i32
          %iota3A_401 = tpu.iota {dimensions = array<i32: 0>} : vector<16xi32>
          %add3A_402 = vector.broadcast %add3A_400 : i32 to vector<16xi32>
          %add3A_403 = arith.addi %add3A_402, %iota3A_401 : vector<16xi32>
          %gt3A_404 = arith.constant 0 : i32
          %gt3A_405 = vector.broadcast %gt3A_404 : i32 to vector<16xi32>
          %gt3A_406 = arith.cmpi sgt, %get3A_395, %gt3A_405 : vector<16xi32>
          %lt3A_407 = arith.constant 100000 : i32
          %lt3A_408 = vector.broadcast %lt3A_407 : i32 to vector<16xi32>
          %lt3A_409 = arith.cmpi slt, %add3A_403, %lt3A_408 : vector<16xi32>
          %and3A_410 = arith.andi %gt3A_406, %lt3A_409 : vector<16xi1>
          %min3A_411 = arith.constant 112 : i32
          %min3A_412 = arith.minsi %add3A_387, %min3A_411 : i32
          %swap3A_413 = arith.index_cast %min3A_412 : i32 to index
          %swap3A_414 = tpu.vector_load %arg17[%swap3A_413] masked %and3A_410 {strides = array<i32>} : memref<128xi32, #tpu.memory_space<vmem>>, vector<16xi32>, vector<16xi1>
          tpu.vector_store %arg17[%swap3A_413], %add3A_403 masked %and3A_410 {strides = array<i32>} : memref<128xi32, #tpu.memory_space<vmem>>, vector<16xi32>, vector<16xi1>
          %convert_element_type3A_415 = arith.extui %and3A_410 : vector<16xi1> to vector<16xi32>
          %reduce_sum3A_416 = arith.constant true
          %reduce_sum3A_417 = vector.broadcast %reduce_sum3A_416 : i1 to vector<16xi1>
          %reduce_sum3A_418 = tpu.scan <sum>, %convert_element_type3A_415 masked %reduce_sum3A_417 : vector<16xi32>, vector<16xi1> -> vector<16xi32>
          %reduce_sum3A_419 = vector.extract %reduce_sum3A_418[15] : i32 from vector<16xi32>
          %add3A_420 = arith.addi %add3A_387, %reduce_sum3A_419 : i32
          %mul3A_421 = arith.constant 8 : i32
          %mul3A_422 = arith.muli %scan3A_176, %mul3A_421 : i32
          %add3A_423 = arith.constant 5 : i32
          %add3A_424 = arith.addi %mul3A_422, %add3A_423 : i32
          %mul3A_425 = arith.constant 16 : i32
          %mul3A_426 = arith.muli %add3A_424, %mul3A_425 : i32
          %get3A_427 = arith.index_cast %mul3A_426 : i32 to index
          %get3A_428 = tpu.vector_load %arg16[%get3A_427] {strides = array<i32>} : memref<6272xi32, #tpu.memory_space<vmem>>, vector<16xi32>,
          %mul3A_429 = arith.constant 6272 : i32
          %mul3A_430 = arith.muli %arg1, %mul3A_429 : i32
          %mul3A_431 = arith.constant 16 : i32
          %mul3A_432 = arith.muli %add3A_424, %mul3A_431 : i32
          %add3A_433 = arith.addi %mul3A_430, %mul3A_432 : i32
          %iota3A_434 = tpu.iota {dimensions = array<i32: 0>} : vector<16xi32>
          %add3A_435 = vector.broadcast %add3A_433 : i32 to vector<16xi32>
          %add3A_436 = arith.addi %add3A_435, %iota3A_434 : vector<16xi32>
          %gt3A_437 = arith.constant 0 : i32
          %gt3A_438 = vector.broadcast %gt3A_437 : i32 to vector<16xi32>
          %gt3A_439 = arith.cmpi sgt, %get3A_428, %gt3A_438 : vector<16xi32>
          %lt3A_440 = arith.constant 100000 : i32
          %lt3A_441 = vector.broadcast %lt3A_440 : i32 to vector<16xi32>
          %lt3A_442 = arith.cmpi slt, %add3A_436, %lt3A_441 : vector<16xi32>
          %and3A_443 = arith.andi %gt3A_439, %lt3A_442 : vector<16xi1>
          %min3A_444 = arith.constant 112 : i32
          %min3A_445 = arith.minsi %add3A_420, %min3A_444 : i32
          %swap3A_446 = arith.index_cast %min3A_445 : i32 to index
          %swap3A_447 = tpu.vector_load %arg17[%swap3A_446] masked %and3A_443 {strides = array<i32>} : memref<128xi32, #tpu.memory_space<vmem>>, vector<16xi32>, vector<16xi1>
          tpu.vector_store %arg17[%swap3A_446], %add3A_436 masked %and3A_443 {strides = array<i32>} : memref<128xi32, #tpu.memory_space<vmem>>, vector<16xi32>, vector<16xi1>
          %convert_element_type3A_448 = arith.extui %and3A_443 : vector<16xi1> to vector<16xi32>
          %reduce_sum3A_449 = arith.constant true
          %reduce_sum3A_450 = vector.broadcast %reduce_sum3A_449 : i1 to vector<16xi1>
          %reduce_sum3A_451 = tpu.scan <sum>, %convert_element_type3A_448 masked %reduce_sum3A_450 : vector<16xi32>, vector<16xi1> -> vector<16xi32>
          %reduce_sum3A_452 = vector.extract %reduce_sum3A_451[15] : i32 from vector<16xi32>
          %add3A_453 = arith.addi %add3A_420, %reduce_sum3A_452 : i32
          %mul3A_454 = arith.constant 8 : i32
          %mul3A_455 = arith.muli %scan3A_176, %mul3A_454 : i32
          %add3A_456 = arith.constant 6 : i32
          %add3A_457 = arith.addi %mul3A_455, %add3A_456 : i32
          %mul3A_458 = arith.constant 16 : i32
          %mul3A_459 = arith.muli %add3A_457, %mul3A_458 : i32
          %get3A_460 = arith.index_cast %mul3A_459 : i32 to index
          %get3A_461 = tpu.vector_load %arg16[%get3A_460] {strides = array<i32>} : memref<6272xi32, #tpu.memory_space<vmem>>, vector<16xi32>,
          %mul3A_462 = arith.constant 6272 : i32
          %mul3A_463 = arith.muli %arg1, %mul3A_462 : i32
          %mul3A_464 = arith.constant 16 : i32
          %mul3A_465 = arith.muli %add3A_457, %mul3A_464 : i32
          %add3A_466 = arith.addi %mul3A_463, %mul3A_465 : i32
          %iota3A_467 = tpu.iota {dimensions = array<i32: 0>} : vector<16xi32>
          %add3A_468 = vector.broadcast %add3A_466 : i32 to vector<16xi32>
          %add3A_469 = arith.addi %add3A_468, %iota3A_467 : vector<16xi32>
          %gt3A_470 = arith.constant 0 : i32
          %gt3A_471 = vector.broadcast %gt3A_470 : i32 to vector<16xi32>
          %gt3A_472 = arith.cmpi sgt, %get3A_461, %gt3A_471 : vector<16xi32>
          %lt3A_473 = arith.constant 100000 : i32
          %lt3A_474 = vector.broadcast %lt3A_473 : i32 to vector<16xi32>
          %lt3A_475 = arith.cmpi slt, %add3A_469, %lt3A_474 : vector<16xi32>
          %and3A_476 = arith.andi %gt3A_472, %lt3A_475 : vector<16xi1>
          %min3A_477 = arith.constant 112 : i32
          %min3A_478 = arith.minsi %add3A_453, %min3A_477 : i32
          %swap3A_479 = arith.index_cast %min3A_478 : i32 to index
          %swap3A_480 = tpu.vector_load %arg17[%swap3A_479] masked %and3A_476 {strides = array<i32>} : memref<128xi32, #tpu.memory_space<vmem>>, vector<16xi32>, vector<16xi1>
          tpu.vector_store %arg17[%swap3A_479], %add3A_469 masked %and3A_476 {strides = array<i32>} : memref<128xi32, #tpu.memory_space<vmem>>, vector<16xi32>, vector<16xi1>
          %convert_element_type3A_481 = arith.extui %and3A_476 : vector<16xi1> to vector<16xi32>
          %reduce_sum3A_482 = arith.constant true
          %reduce_sum3A_483 = vector.broadcast %reduce_sum3A_482 : i1 to vector<16xi1>
          %reduce_sum3A_484 = tpu.scan <sum>, %convert_element_type3A_481 masked %reduce_sum3A_483 : vector<16xi32>, vector<16xi1> -> vector<16xi32>
          %reduce_sum3A_485 = vector.extract %reduce_sum3A_484[15] : i32 from vector<16xi32>
          %add3A_486 = arith.addi %add3A_453, %reduce_sum3A_485 : i32
          %mul3A_487 = arith.constant 8 : i32
          %mul3A_488 = arith.muli %scan3A_176, %mul3A_487 : i32
          %add3A_489 = arith.constant 7 : i32
          %add3A_490 = arith.addi %mul3A_488, %add3A_489 : i32
          %mul3A_491 = arith.constant 16 : i32
          %mul3A_492 = arith.muli %add3A_490, %mul3A_491 : i32
          %get3A_493 = arith.index_cast %mul3A_492 : i32 to index
          %get3A_494 = tpu.vector_load %arg16[%get3A_493] {strides = array<i32>} : memref<6272xi32, #tpu.memory_space<vmem>>, vector<16xi32>,
          %mul3A_495 = arith.constant 6272 : i32
          %mul3A_496 = arith.muli %arg1, %mul3A_495 : i32
          %mul3A_497 = arith.constant 16 : i32
          %mul3A_498 = arith.muli %add3A_490, %mul3A_497 : i32
          %add3A_499 = arith.addi %mul3A_496, %mul3A_498 : i32
          %iota3A_500 = tpu.iota {dimensions = array<i32: 0>} : vector<16xi32>
          %add3A_501 = vector.broadcast %add3A_499 : i32 to vector<16xi32>
          %add3A_502 = arith.addi %add3A_501, %iota3A_500 : vector<16xi32>
          %gt3A_503 = arith.constant 0 : i32
          %gt3A_504 = vector.broadcast %gt3A_503 : i32 to vector<16xi32>
          %gt3A_505 = arith.cmpi sgt, %get3A_494, %gt3A_504 : vector<16xi32>
          %lt3A_506 = arith.constant 100000 : i32
          %lt3A_507 = vector.broadcast %lt3A_506 : i32 to vector<16xi32>
          %lt3A_508 = arith.cmpi slt, %add3A_502, %lt3A_507 : vector<16xi32>
          %and3A_509 = arith.andi %gt3A_505, %lt3A_508 : vector<16xi1>
          %min3A_510 = arith.constant 112 : i32
          %min3A_511 = arith.minsi %add3A_486, %min3A_510 : i32
          %swap3A_512 = arith.index_cast %min3A_511 : i32 to index
          %swap3A_513 = tpu.vector_load %arg17[%swap3A_512] masked %and3A_509 {strides = array<i32>} : memref<128xi32, #tpu.memory_space<vmem>>, vector<16xi32>, vector<16xi1>
          tpu.vector_store %arg17[%swap3A_512], %add3A_502 masked %and3A_509 {strides = array<i32>} : memref<128xi32, #tpu.memory_space<vmem>>, vector<16xi32>, vector<16xi1>
          %convert_element_type3A_514 = arith.extui %and3A_509 : vector<16xi1> to vector<16xi32>
          %reduce_sum3A_515 = arith.constant true
          %reduce_sum3A_516 = vector.broadcast %reduce_sum3A_515 : i1 to vector<16xi1>
          %reduce_sum3A_517 = tpu.scan <sum>, %convert_element_type3A_514 masked %reduce_sum3A_516 : vector<16xi32>, vector<16xi1> -> vector<16xi32>
          %reduce_sum3A_518 = vector.extract %reduce_sum3A_517[15] : i32 from vector<16xi32>
          %add3A_519 = arith.addi %add3A_486, %reduce_sum3A_518 : i32
          scf.yield %add3A_519 : i32
        } else {
          scf.yield %scan3A_177 : i32
        }
        scf.yield %cond3A_258 : i32
      }
      %scan3A_69 = arith.constant 49 : i32
      %dma_start3A = arith.constant 0 : i32
      %dma_start3A_70 = tpu.memref_slice %arg6[%dma_start3A] : memref<100000xf32, #tpu.memory_space<hbm>> -> memref<100000xf32, #tpu.memory_space<hbm>>
      tpu.enqueue_indirect_dma source(%dma_start3A_70 : memref<100000xf32, #tpu.memory_space<hbm>>) target(%arg18 : memref<128xf32, #tpu.memory_space<vmem>>) offsets(%arg17 : memref<128xi32, #tpu.memory_space<vmem>>) semaphore(%arg20 : memref<!tpu.dma_semaphore, #tpu.memory_space<semaphore_mem>>)
      %dma_start3A_71 = arith.constant 0 : i32
      %dma_start3A_72 = arith.constant 0 : i32
      %dma_start3A_73 = tpu.memref_slice %arg8[%dma_start3A_71, %dma_start3A_72] : memref<100000x16xf32, #tpu.memory_space<hbm>> -> memref<100000x16xf32, #tpu.memory_space<hbm>>
      tpu.enqueue_indirect_dma source(%dma_start3A_73 : memref<100000x16xf32, #tpu.memory_space<hbm>>) target(%arg19 : memref<128x16xf32, #tpu.memory_space<vmem>>) offsets(%arg17 : memref<128xi32, #tpu.memory_space<vmem>>) semaphore(%arg20 : memref<!tpu.dma_semaphore, #tpu.memory_space<semaphore_mem>>)
      %dma_wait3A = arith.constant 0 : i32
      %dma_wait3A_74 = tpu.memref_slice %arg6[%dma_wait3A] : memref<100000xf32, #tpu.memory_space<hbm>> -> memref<100000xf32, #tpu.memory_space<hbm>>
      tpu.wait_indirect_dma semaphore(%arg20 : memref<!tpu.dma_semaphore, #tpu.memory_space<semaphore_mem>>) src(%dma_wait3A_74 : memref<100000xf32, #tpu.memory_space<hbm>>) dst(%arg18 : memref<128xf32, #tpu.memory_space<vmem>>)
      %dma_wait3A_75 = arith.constant 0 : i32
      %dma_wait3A_76 = arith.constant 0 : i32
      %dma_wait3A_77 = tpu.memref_slice %arg8[%dma_wait3A_75, %dma_wait3A_76] : memref<100000x16xf32, #tpu.memory_space<hbm>> -> memref<100000x16xf32, #tpu.memory_space<hbm>>
      tpu.wait_indirect_dma semaphore(%arg20 : memref<!tpu.dma_semaphore, #tpu.memory_space<semaphore_mem>>) src(%dma_wait3A_77 : memref<100000x16xf32, #tpu.memory_space<hbm>>) dst(%arg19 : memref<128x16xf32, #tpu.memory_space<vmem>>)
      %iota3A = tpu.iota {dimensions = array<i32: 0>} : vector<16xi32>
      %add3A = arith.constant 0 : i32
      %add3A_78 = vector.broadcast %add3A : i32 to vector<16xi32>
      %add3A_79 = arith.addi %iota3A, %add3A_78 : vector<16xi32>
      %ge3A = vector.broadcast %scan3A_68 : i32 to vector<16xi32>
      %ge3A_80 = arith.cmpi sge, %add3A_79, %ge3A : vector<16xi32>
      %get3A = arith.constant 0 : index
      %get3A_81 = tpu.vector_load %arg18[%get3A] {strides = array<i32>} : memref<128xf32, #tpu.memory_space<vmem>>, vector<16xf32>,
      %jit3A = arith.constant -1.000000e+30 : f32
      %broadcast_in_dim3A_82 = vector.broadcast %jit3A : f32 to vector<16xf32>
      %select_n3A = arith.select %ge3A_80, %broadcast_in_dim3A_82, %get3A_81 : vector<16xi1>, vector<16xf32>
      %swap3A_83 = arith.constant 0 : index
      %swap3A_84 = tpu.vector_load %arg18[%swap3A_83] {strides = array<i32>} : memref<128xf32, #tpu.memory_space<vmem>>, vector<16xf32>,
      tpu.vector_store %arg18[%swap3A_83], %select_n3A {strides = array<i32>} : memref<128xf32, #tpu.memory_space<vmem>>, vector<16xf32>,
      %iota3A_85 = tpu.iota {dimensions = array<i32: 0>} : vector<16xi32>
      %add3A_86 = arith.constant 16 : i32
      %add3A_87 = vector.broadcast %add3A_86 : i32 to vector<16xi32>
      %add3A_88 = arith.addi %iota3A_85, %add3A_87 : vector<16xi32>
      %ge3A_89 = vector.broadcast %scan3A_68 : i32 to vector<16xi32>
      %ge3A_90 = arith.cmpi sge, %add3A_88, %ge3A_89 : vector<16xi32>
      %get3A_91 = arith.constant 16 : index
      %get3A_92 = tpu.vector_load %arg18[%get3A_91] {strides = array<i32>} : memref<128xf32, #tpu.memory_space<vmem>>, vector<16xf32>,
      %jit3A_93 = arith.constant -1.000000e+30 : f32
      %broadcast_in_dim3A_94 = vector.broadcast %jit3A_93 : f32 to vector<16xf32>
      %select_n3A_95 = arith.select %ge3A_90, %broadcast_in_dim3A_94, %get3A_92 : vector<16xi1>, vector<16xf32>
      %swap3A_96 = arith.constant 16 : index
      %swap3A_97 = tpu.vector_load %arg18[%swap3A_96] {strides = array<i32>} : memref<128xf32, #tpu.memory_space<vmem>>, vector<16xf32>,
      tpu.vector_store %arg18[%swap3A_96], %select_n3A_95 {strides = array<i32>} : memref<128xf32, #tpu.memory_space<vmem>>, vector<16xf32>,
      %iota3A_98 = tpu.iota {dimensions = array<i32: 0>} : vector<16xi32>
      %add3A_99 = arith.constant 32 : i32
      %add3A_100 = vector.broadcast %add3A_99 : i32 to vector<16xi32>
      %add3A_101 = arith.addi %iota3A_98, %add3A_100 : vector<16xi32>
      %ge3A_102 = vector.broadcast %scan3A_68 : i32 to vector<16xi32>
      %ge3A_103 = arith.cmpi sge, %add3A_101, %ge3A_102 : vector<16xi32>
      %get3A_104 = arith.constant 32 : index
      %get3A_105 = tpu.vector_load %arg18[%get3A_104] {strides = array<i32>} : memref<128xf32, #tpu.memory_space<vmem>>, vector<16xf32>,
      %jit3A_106 = arith.constant -1.000000e+30 : f32
      %broadcast_in_dim3A_107 = vector.broadcast %jit3A_106 : f32 to vector<16xf32>
      %select_n3A_108 = arith.select %ge3A_103, %broadcast_in_dim3A_107, %get3A_105 : vector<16xi1>, vector<16xf32>
      %swap3A_109 = arith.constant 32 : index
      %swap3A_110 = tpu.vector_load %arg18[%swap3A_109] {strides = array<i32>} : memref<128xf32, #tpu.memory_space<vmem>>, vector<16xf32>,
      tpu.vector_store %arg18[%swap3A_109], %select_n3A_108 {strides = array<i32>} : memref<128xf32, #tpu.memory_space<vmem>>, vector<16xf32>,
      %iota3A_111 = tpu.iota {dimensions = array<i32: 0>} : vector<16xi32>
      %add3A_112 = arith.constant 48 : i32
      %add3A_113 = vector.broadcast %add3A_112 : i32 to vector<16xi32>
      %add3A_114 = arith.addi %iota3A_111, %add3A_113 : vector<16xi32>
      %ge3A_115 = vector.broadcast %scan3A_68 : i32 to vector<16xi32>
      %ge3A_116 = arith.cmpi sge, %add3A_114, %ge3A_115 : vector<16xi32>
      %get3A_117 = arith.constant 48 : index
      %get3A_118 = tpu.vector_load %arg18[%get3A_117] {strides = array<i32>} : memref<128xf32, #tpu.memory_space<vmem>>, vector<16xf32>,
      %jit3A_119 = arith.constant -1.000000e+30 : f32
      %broadcast_in_dim3A_120 = vector.broadcast %jit3A_119 : f32 to vector<16xf32>
      %select_n3A_121 = arith.select %ge3A_116, %broadcast_in_dim3A_120, %get3A_118 : vector<16xi1>, vector<16xf32>
      %swap3A_122 = arith.constant 48 : index
      %swap3A_123 = tpu.vector_load %arg18[%swap3A_122] {strides = array<i32>} : memref<128xf32, #tpu.memory_space<vmem>>, vector<16xf32>,
      tpu.vector_store %arg18[%swap3A_122], %select_n3A_121 {strides = array<i32>} : memref<128xf32, #tpu.memory_space<vmem>>, vector<16xf32>,
      %iota3A_124 = tpu.iota {dimensions = array<i32: 0>} : vector<16xi32>
      %add3A_125 = arith.constant 64 : i32
      %add3A_126 = vector.broadcast %add3A_125 : i32 to vector<16xi32>
      %add3A_127 = arith.addi %iota3A_124, %add3A_126 : vector<16xi32>
      %ge3A_128 = vector.broadcast %scan3A_68 : i32 to vector<16xi32>
      %ge3A_129 = arith.cmpi sge, %add3A_127, %ge3A_128 : vector<16xi32>
      %get3A_130 = arith.constant 64 : index
      %get3A_131 = tpu.vector_load %arg18[%get3A_130] {strides = array<i32>} : memref<128xf32, #tpu.memory_space<vmem>>, vector<16xf32>,
      %jit3A_132 = arith.constant -1.000000e+30 : f32
      %broadcast_in_dim3A_133 = vector.broadcast %jit3A_132 : f32 to vector<16xf32>
      %select_n3A_134 = arith.select %ge3A_129, %broadcast_in_dim3A_133, %get3A_131 : vector<16xi1>, vector<16xf32>
      %swap3A_135 = arith.constant 64 : index
      %swap3A_136 = tpu.vector_load %arg18[%swap3A_135] {strides = array<i32>} : memref<128xf32, #tpu.memory_space<vmem>>, vector<16xf32>,
      tpu.vector_store %arg18[%swap3A_135], %select_n3A_134 {strides = array<i32>} : memref<128xf32, #tpu.memory_space<vmem>>, vector<16xf32>,
      %iota3A_137 = tpu.iota {dimensions = array<i32: 0>} : vector<16xi32>
      %add3A_138 = arith.constant 80 : i32
      %add3A_139 = vector.broadcast %add3A_138 : i32 to vector<16xi32>
      %add3A_140 = arith.addi %iota3A_137, %add3A_139 : vector<16xi32>
      %ge3A_141 = vector.broadcast %scan3A_68 : i32 to vector<16xi32>
      %ge3A_142 = arith.cmpi sge, %add3A_140, %ge3A_141 : vector<16xi32>
      %get3A_143 = arith.constant 80 : index
      %get3A_144 = tpu.vector_load %arg18[%get3A_143] {strides = array<i32>} : memref<128xf32, #tpu.memory_space<vmem>>, vector<16xf32>,
      %jit3A_145 = arith.constant -1.000000e+30 : f32
      %broadcast_in_dim3A_146 = vector.broadcast %jit3A_145 : f32 to vector<16xf32>
      %select_n3A_147 = arith.select %ge3A_142, %broadcast_in_dim3A_146, %get3A_144 : vector<16xi1>, vector<16xf32>
      %swap3A_148 = arith.constant 80 : index
      %swap3A_149 = tpu.vector_load %arg18[%swap3A_148] {strides = array<i32>} : memref<128xf32, #tpu.memory_space<vmem>>, vector<16xf32>,
      tpu.vector_store %arg18[%swap3A_148], %select_n3A_147 {strides = array<i32>} : memref<128xf32, #tpu.memory_space<vmem>>, vector<16xf32>,
      %iota3A_150 = tpu.iota {dimensions = array<i32: 0>} : vector<16xi32>
      %add3A_151 = arith.constant 96 : i32
      %add3A_152 = vector.broadcast %add3A_151 : i32 to vector<16xi32>
      %add3A_153 = arith.addi %iota3A_150, %add3A_152 : vector<16xi32>
      %ge3A_154 = vector.broadcast %scan3A_68 : i32 to vector<16xi32>
      %ge3A_155 = arith.cmpi sge, %add3A_153, %ge3A_154 : vector<16xi32>
      %get3A_156 = arith.constant 96 : index
      %get3A_157 = tpu.vector_load %arg18[%get3A_156] {strides = array<i32>} : memref<128xf32, #tpu.memory_space<vmem>>, vector<16xf32>,
      %jit3A_158 = arith.constant -1.000000e+30 : f32
      %broadcast_in_dim3A_159 = vector.broadcast %jit3A_158 : f32 to vector<16xf32>
      %select_n3A_160 = arith.select %ge3A_155, %broadcast_in_dim3A_159, %get3A_157 : vector<16xi1>, vector<16xf32>
      %swap3A_161 = arith.constant 96 : index
      %swap3A_162 = tpu.vector_load %arg18[%swap3A_161] {strides = array<i32>} : memref<128xf32, #tpu.memory_space<vmem>>, vector<16xf32>,
      tpu.vector_store %arg18[%swap3A_161], %select_n3A_160 {strides = array<i32>} : memref<128xf32, #tpu.memory_space<vmem>>, vector<16xf32>,
      %iota3A_163 = tpu.iota {dimensions = array<i32: 0>} : vector<16xi32>
      %add3A_164 = arith.constant 112 : i32
      %add3A_165 = vector.broadcast %add3A_164 : i32 to vector<16xi32>
      %add3A_166 = arith.addi %iota3A_163, %add3A_165 : vector<16xi32>
      %ge3A_167 = vector.broadcast %scan3A_68 : i32 to vector<16xi32>
      %ge3A_168 = arith.cmpi sge, %add3A_166, %ge3A_167 : vector<16xi32>
      %get3A_169 = arith.constant 112 : index
      %get3A_170 = tpu.vector_load %arg18[%get3A_169] {strides = array<i32>} : memref<128xf32, #tpu.memory_space<vmem>>, vector<16xf32>,
      %jit3A_171 = arith.constant -1.000000e+30 : f32
      %broadcast_in_dim3A_172 = vector.broadcast %jit3A_171 : f32 to vector<16xf32>
      %select_n3A_173 = arith.select %ge3A_168, %broadcast_in_dim3A_172, %get3A_170 : vector<16xi1>, vector<16xf32>
      %swap3A_174 = arith.constant 112 : index
      %swap3A_175 = tpu.vector_load %arg18[%swap3A_174] {strides = array<i32>} : memref<128xf32, #tpu.memory_space<vmem>>, vector<16xf32>,
      tpu.vector_store %arg18[%swap3A_174], %select_n3A_173 {strides = array<i32>} : memref<128xf32, #tpu.memory_space<vmem>>, vector<16xf32>,
      "tpu.region"() ({
        %run_scoped3A_176 = tpu.sem_alloc : memref<!tpu.dma_semaphore, #tpu.memory_space<semaphore_mem>>
        %dma_start3A_177 = arith.constant 0 : i32
        %dma_start3A_178 = tpu.memref_slice %arg12[%arg1, %dma_start3A_177] : memref<16x128xf32, #tpu.memory_space<hbm>> -> memref<1x128xf32, #tpu.memory_space<hbm>>
        %dma_start3A_179 = tpu.memref_squeeze %dma_start3A_178 : memref<1x128xf32, #tpu.memory_space<hbm>> -> memref<128xf32, #tpu.memory_space<hbm>>
        %dma_start3A_180 = arith.constant 0 : i32
        %dma_start3A_181 = tpu.memref_slice %arg12[%arg1, %dma_start3A_180] : memref<16x128xf32, #tpu.memory_space<hbm>> -> memref<1x128xf32, #tpu.memory_space<hbm>>
        %dma_start3A_182 = tpu.memref_squeeze %dma_start3A_181 : memref<1x128xf32, #tpu.memory_space<hbm>> -> memref<128xf32, #tpu.memory_space<hbm>>
        tpu.enqueue_dma source(%arg18 : memref<128xf32, #tpu.memory_space<vmem>>) target(%dma_start3A_182 : memref<128xf32, #tpu.memory_space<hbm>>) target_semaphore(%run_scoped3A_176 : memref<!tpu.dma_semaphore, #tpu.memory_space<semaphore_mem>>)
        %dma_wait3A_183 = arith.constant 0 : i32
        %dma_wait3A_184 = tpu.memref_slice %arg12[%arg1, %dma_wait3A_183] : memref<16x128xf32, #tpu.memory_space<hbm>> -> memref<1x128xf32, #tpu.memory_space<hbm>>
        %dma_wait3A_185 = tpu.memref_squeeze %dma_wait3A_184 : memref<1x128xf32, #tpu.memory_space<hbm>> -> memref<128xf32, #tpu.memory_space<hbm>>
        %dma_wait3A_186 = arith.constant 0 : i32
        %dma_wait3A_187 = tpu.memref_slice %arg12[%arg1, %dma_wait3A_186] : memref<16x128xf32, #tpu.memory_space<hbm>> -> memref<1x128xf32, #tpu.memory_space<hbm>>
        %dma_wait3A_188 = tpu.memref_squeeze %dma_wait3A_187 : memref<1x128xf32, #tpu.memory_space<hbm>> -> memref<128xf32, #tpu.memory_space<hbm>>
        tpu.wait_dma2 semaphore(%run_scoped3A_176 : memref<!tpu.dma_semaphore, #tpu.memory_space<semaphore_mem>>) src(%arg18 : memref<128xf32, #tpu.memory_space<vmem>>) dst(%dma_wait3A_188 : memref<128xf32, #tpu.memory_space<hbm>>)
        tpu.yield
      }) : () -> ()
      "tpu.region"() ({
        %run_scoped3A_176 = tpu.sem_alloc : memref<!tpu.dma_semaphore, #tpu.memory_space<semaphore_mem>>
        %dma_start3A_177 = arith.constant 0 : i32
        %dma_start3A_178 = arith.constant 0 : i32
        %dma_start3A_179 = tpu.memref_slice %arg11[%arg1, %dma_start3A_177, %dma_start3A_178] : memref<16x128x16xf32, #tpu.memory_space<hbm>> -> memref<1x128x16xf32, #tpu.memory_space<hbm>>
        %dma_start3A_180 = tpu.memref_squeeze %dma_start3A_179 : memref<1x128x16xf32, #tpu.memory_space<hbm>> -> memref<128x16xf32, #tpu.memory_space<hbm>>
        %dma_start3A_181 = arith.constant 0 : i32
        %dma_start3A_182 = arith.constant 0 : i32
        %dma_start3A_183 = tpu.memref_slice %arg11[%arg1, %dma_start3A_181, %dma_start3A_182] : memref<16x128x16xf32, #tpu.memory_space<hbm>> -> memref<1x128x16xf32, #tpu.memory_space<hbm>>
        %dma_start3A_184 = tpu.memref_squeeze %dma_start3A_183 : memref<1x128x16xf32, #tpu.memory_space<hbm>> -> memref<128x16xf32, #tpu.memory_space<hbm>>
        tpu.enqueue_dma source(%arg19 : memref<128x16xf32, #tpu.memory_space<vmem>>) target(%dma_start3A_184 : memref<128x16xf32, #tpu.memory_space<hbm>>) target_semaphore(%run_scoped3A_176 : memref<!tpu.dma_semaphore, #tpu.memory_space<semaphore_mem>>)
        %dma_wait3A_185 = arith.constant 0 : i32
        %dma_wait3A_186 = arith.constant 0 : i32
        %dma_wait3A_187 = tpu.memref_slice %arg11[%arg1, %dma_wait3A_185, %dma_wait3A_186] : memref<16x128x16xf32, #tpu.memory_space<hbm>> -> memref<1x128x16xf32, #tpu.memory_space<hbm>>
        %dma_wait3A_188 = tpu.memref_squeeze %dma_wait3A_187 : memref<1x128x16xf32, #tpu.memory_space<hbm>> -> memref<128x16xf32, #tpu.memory_space<hbm>>
        %dma_wait3A_189 = arith.constant 0 : i32
        %dma_wait3A_190 = arith.constant 0 : i32
        %dma_wait3A_191 = tpu.memref_slice %arg11[%arg1, %dma_wait3A_189, %dma_wait3A_190] : memref<16x128x16xf32, #tpu.memory_space<hbm>> -> memref<1x128x16xf32, #tpu.memory_space<hbm>>
        %dma_wait3A_192 = tpu.memref_squeeze %dma_wait3A_191 : memref<1x128x16xf32, #tpu.memory_space<hbm>> -> memref<128x16xf32, #tpu.memory_space<hbm>>
        tpu.wait_dma2 semaphore(%run_scoped3A_176 : memref<!tpu.dma_semaphore, #tpu.memory_space<semaphore_mem>>) src(%arg19 : memref<128x16xf32, #tpu.memory_space<vmem>>) dst(%dma_wait3A_192 : memref<128x16xf32, #tpu.memory_space<hbm>>)
        tpu.yield
      }) : () -> ()
    } else {
    }
    return
  }
}

#map = affine_map<(d0, d1) -> (0)>
#map1 = affine_map<(d0, d1) -> (0, 0)>
#map2 = affine_map<(d0, d1) -> (0, 0, 0)>
module attributes {stable_mosaic.version = 14 : i64} {
  func.func @_edge_compact(%arg0: i32, %arg1: i32, %arg2: memref<31264xi32, #tpu.memory_space<hbm>>, %arg3: memref<1048576xi32, #tpu.memory_space<hbm>>, %arg4: memref<1000000xi32, #tpu.memory_space<hbm>>, %arg5: memref<1000000xi32, #tpu.memory_space<hbm>>, %arg6: memref<1000000xf32, #tpu.memory_space<hbm>>, %arg7: memref<100000xf32, #tpu.memory_space<hbm>>, %arg8: memref<100000xf32, #tpu.memory_space<hbm>>, %arg9: memref<100000x16xf32, #tpu.memory_space<hbm>>, %arg10: memref<100000x16xf32, #tpu.memory_space<hbm>>, %arg11: memref<32x128xi32, #tpu.memory_space<hbm>>, %arg12: memref<32x128xi32, #tpu.memory_space<hbm>>, %arg13: memref<32x128xi32, #tpu.memory_space<hbm>>, %arg14: memref<32x128xf32, #tpu.memory_space<hbm>>, %arg15: memref<32x128xf32, #tpu.memory_space<hbm>>, %arg16: memref<32x128x16xf32, #tpu.memory_space<hbm>>, %arg17: memref<32x128x16xf32, #tpu.memory_space<hbm>>, %arg18: memref<31264xi32, #tpu.memory_space<vmem>>, %arg19: memref<32768xi32, #tpu.memory_space<vmem>>, %arg20: memref<128xi32, #tpu.memory_space<vmem>>, %arg21: memref<128xi32, #tpu.memory_space<vmem>>, %arg22: memref<128xi32, #tpu.memory_space<vmem>>, %arg23: memref<128xi32, #tpu.memory_space<vmem>>, %arg24: memref<128xf32, #tpu.memory_space<vmem>>, %arg25: memref<128xf32, #tpu.memory_space<vmem>>, %arg26: memref<128xf32, #tpu.memory_space<vmem>>, %arg27: memref<128x16xf32, #tpu.memory_space<vmem>>, %arg28: memref<128x16xf32, #tpu.memory_space<vmem>>, %arg29: memref<!tpu.dma_semaphore, #tpu.memory_space<semaphore_mem>>) attributes {dimension_semantics = [#tpu.dimension_semantics<core_parallel>, #tpu.dimension_semantics<subcore_parallel>], iteration_bounds = array<i64: 2, 16>, scalar_prefetch = 0 : i64, scratch_operands = 12 : i64, tpu.core_type = #tpu.core_type<sc_vector_subcore>, window_params = [{transform_indices = #map}, {transform_indices = #map}, {transform_indices = #map}, {transform_indices = #map}, {transform_indices = #map}, {transform_indices = #map}, {transform_indices = #map}, {transform_indices = #map1}, {transform_indices = #map1}, {transform_indices = #map1}, {transform_indices = #map1}, {transform_indices = #map1}, {transform_indices = #map1}, {transform_indices = #map1}, {transform_indices = #map2}, {transform_indices = #map2}]} {
    %mul3A = arith.constant 2 : i32
    %mul3A_0 = arith.muli %arg1, %mul3A : i32
    %add3A = arith.addi %mul3A_0, %arg0 : i32
    %mul3A_1 = arith.constant 32768 : i32
    %mul3A_2 = arith.muli %add3A, %mul3A_1 : i32
    tpu.enqueue_dma source(%arg2 : memref<31264xi32, #tpu.memory_space<hbm>>) target(%arg18 : memref<31264xi32, #tpu.memory_space<vmem>>) target_semaphore(%arg29 : memref<!tpu.dma_semaphore, #tpu.memory_space<semaphore_mem>>)
    %dma_start3A = tpu.memref_slice %arg3[%mul3A_2] : memref<1048576xi32, #tpu.memory_space<hbm>> -> memref<32768xi32, #tpu.memory_space<hbm>>
    %dma_start3A_3 = tpu.memref_slice %arg3[%mul3A_2] : memref<1048576xi32, #tpu.memory_space<hbm>> -> memref<32768xi32, #tpu.memory_space<hbm>>
    tpu.enqueue_dma source(%dma_start3A_3 : memref<32768xi32, #tpu.memory_space<hbm>>) target(%arg19 : memref<32768xi32, #tpu.memory_space<vmem>>) target_semaphore(%arg29 : memref<!tpu.dma_semaphore, #tpu.memory_space<semaphore_mem>>)
    tpu.wait_dma2 semaphore(%arg29 : memref<!tpu.dma_semaphore, #tpu.memory_space<semaphore_mem>>) src(%arg2 : memref<31264xi32, #tpu.memory_space<hbm>>) dst(%arg18 : memref<31264xi32, #tpu.memory_space<vmem>>)
    %dma_wait3A = tpu.memref_slice %arg3[%mul3A_2] : memref<1048576xi32, #tpu.memory_space<hbm>> -> memref<32768xi32, #tpu.memory_space<hbm>>
    %dma_wait3A_4 = tpu.memref_slice %arg3[%mul3A_2] : memref<1048576xi32, #tpu.memory_space<hbm>> -> memref<32768xi32, #tpu.memory_space<hbm>>
    tpu.wait_dma2 semaphore(%arg29 : memref<!tpu.dma_semaphore, #tpu.memory_space<semaphore_mem>>) src(%dma_wait3A_4 : memref<32768xi32, #tpu.memory_space<hbm>>) dst(%arg19 : memref<32768xi32, #tpu.memory_space<vmem>>)
    %broadcast_in_dim3A = arith.constant 0 : i32
    %broadcast_in_dim3A_5 = vector.broadcast %broadcast_in_dim3A : i32 to vector<16xi32>
    %swap3A = arith.constant 0 : index
    %swap3A_6 = tpu.vector_load %arg20[%swap3A] {strides = array<i32>} : memref<128xi32, #tpu.memory_space<vmem>>, vector<16xi32>,
    tpu.vector_store %arg20[%swap3A], %broadcast_in_dim3A_5 {strides = array<i32>} : memref<128xi32, #tpu.memory_space<vmem>>, vector<16xi32>,
    %swap3A_7 = arith.constant 0 : index
    %swap3A_8 = tpu.vector_load %arg21[%swap3A_7] {strides = array<i32>} : memref<128xi32, #tpu.memory_space<vmem>>, vector<16xi32>,
    tpu.vector_store %arg21[%swap3A_7], %broadcast_in_dim3A_5 {strides = array<i32>} : memref<128xi32, #tpu.memory_space<vmem>>, vector<16xi32>,
    %swap3A_9 = arith.constant 16 : index
    %swap3A_10 = tpu.vector_load %arg20[%swap3A_9] {strides = array<i32>} : memref<128xi32, #tpu.memory_space<vmem>>, vector<16xi32>,
    tpu.vector_store %arg20[%swap3A_9], %broadcast_in_dim3A_5 {strides = array<i32>} : memref<128xi32, #tpu.memory_space<vmem>>, vector<16xi32>,
    %swap3A_11 = arith.constant 16 : index
    %swap3A_12 = tpu.vector_load %arg21[%swap3A_11] {strides = array<i32>} : memref<128xi32, #tpu.memory_space<vmem>>, vector<16xi32>,
    tpu.vector_store %arg21[%swap3A_11], %broadcast_in_dim3A_5 {strides = array<i32>} : memref<128xi32, #tpu.memory_space<vmem>>, vector<16xi32>,
    %swap3A_13 = arith.constant 32 : index
    %swap3A_14 = tpu.vector_load %arg20[%swap3A_13] {strides = array<i32>} : memref<128xi32, #tpu.memory_space<vmem>>, vector<16xi32>,
    tpu.vector_store %arg20[%swap3A_13], %broadcast_in_dim3A_5 {strides = array<i32>} : memref<128xi32, #tpu.memory_space<vmem>>, vector<16xi32>,
    %swap3A_15 = arith.constant 32 : index
    %swap3A_16 = tpu.vector_load %arg21[%swap3A_15] {strides = array<i32>} : memref<128xi32, #tpu.memory_space<vmem>>, vector<16xi32>,
    tpu.vector_store %arg21[%swap3A_15], %broadcast_in_dim3A_5 {strides = array<i32>} : memref<128xi32, #tpu.memory_space<vmem>>, vector<16xi32>,
    %swap3A_17 = arith.constant 48 : index
    %swap3A_18 = tpu.vector_load %arg20[%swap3A_17] {strides = array<i32>} : memref<128xi32, #tpu.memory_space<vmem>>, vector<16xi32>,
    tpu.vector_store %arg20[%swap3A_17], %broadcast_in_dim3A_5 {strides = array<i32>} : memref<128xi32, #tpu.memory_space<vmem>>, vector<16xi32>,
    %swap3A_19 = arith.constant 48 : index
    %swap3A_20 = tpu.vector_load %arg21[%swap3A_19] {strides = array<i32>} : memref<128xi32, #tpu.memory_space<vmem>>, vector<16xi32>,
    tpu.vector_store %arg21[%swap3A_19], %broadcast_in_dim3A_5 {strides = array<i32>} : memref<128xi32, #tpu.memory_space<vmem>>, vector<16xi32>,
    %swap3A_21 = arith.constant 64 : index
    %swap3A_22 = tpu.vector_load %arg20[%swap3A_21] {strides = array<i32>} : memref<128xi32, #tpu.memory_space<vmem>>, vector<16xi32>,
    tpu.vector_store %arg20[%swap3A_21], %broadcast_in_dim3A_5 {strides = array<i32>} : memref<128xi32, #tpu.memory_space<vmem>>, vector<16xi32>,
    %swap3A_23 = arith.constant 64 : index
    %swap3A_24 = tpu.vector_load %arg21[%swap3A_23] {strides = array<i32>} : memref<128xi32, #tpu.memory_space<vmem>>, vector<16xi32>,
    tpu.vector_store %arg21[%swap3A_23], %broadcast_in_dim3A_5 {strides = array<i32>} : memref<128xi32, #tpu.memory_space<vmem>>, vector<16xi32>,
    %swap3A_25 = arith.constant 80 : index
    %swap3A_26 = tpu.vector_load %arg20[%swap3A_25] {strides = array<i32>} : memref<128xi32, #tpu.memory_space<vmem>>, vector<16xi32>,
    tpu.vector_store %arg20[%swap3A_25], %broadcast_in_dim3A_5 {strides = array<i32>} : memref<128xi32, #tpu.memory_space<vmem>>, vector<16xi32>,
    %swap3A_27 = arith.constant 80 : index
    %swap3A_28 = tpu.vector_load %arg21[%swap3A_27] {strides = array<i32>} : memref<128xi32, #tpu.memory_space<vmem>>, vector<16xi32>,
    tpu.vector_store %arg21[%swap3A_27], %broadcast_in_dim3A_5 {strides = array<i32>} : memref<128xi32, #tpu.memory_space<vmem>>, vector<16xi32>,
    %swap3A_29 = arith.constant 96 : index
    %swap3A_30 = tpu.vector_load %arg20[%swap3A_29] {strides = array<i32>} : memref<128xi32, #tpu.memory_space<vmem>>, vector<16xi32>,
    tpu.vector_store %arg20[%swap3A_29], %broadcast_in_dim3A_5 {strides = array<i32>} : memref<128xi32, #tpu.memory_space<vmem>>, vector<16xi32>,
    %swap3A_31 = arith.constant 96 : index
    %swap3A_32 = tpu.vector_load %arg21[%swap3A_31] {strides = array<i32>} : memref<128xi32, #tpu.memory_space<vmem>>, vector<16xi32>,
    tpu.vector_store %arg21[%swap3A_31], %broadcast_in_dim3A_5 {strides = array<i32>} : memref<128xi32, #tpu.memory_space<vmem>>, vector<16xi32>,
    %swap3A_33 = arith.constant 112 : index
    %swap3A_34 = tpu.vector_load %arg20[%swap3A_33] {strides = array<i32>} : memref<128xi32, #tpu.memory_space<vmem>>, vector<16xi32>,
    tpu.vector_store %arg20[%swap3A_33], %broadcast_in_dim3A_5 {strides = array<i32>} : memref<128xi32, #tpu.memory_space<vmem>>, vector<16xi32>,
    %swap3A_35 = arith.constant 112 : index
    %swap3A_36 = tpu.vector_load %arg21[%swap3A_35] {strides = array<i32>} : memref<128xi32, #tpu.memory_space<vmem>>, vector<16xi32>,
    tpu.vector_store %arg21[%swap3A_35], %broadcast_in_dim3A_5 {strides = array<i32>} : memref<128xi32, #tpu.memory_space<vmem>>, vector<16xi32>,
    %scan3A = arith.constant 0 : i32
    %scan3A_37 = arith.constant 0 : i32
    %scan3A_38 = arith.constant 128 : i32
    %scan3A_39 = arith.addi %scan3A_37, %scan3A_38 : i32
    %scan3A_40 = arith.constant 1 : i32
    %scan3A_41 = scf.for %scan3A_398 = %scan3A_37 to %scan3A_39 step %scan3A_40 iter_args(%scan3A_399 = %scan3A) -> (i32)  : i32 {
      %broadcast_in_dim3A_400 = arith.constant 0 : i32
      %broadcast_in_dim3A_401 = vector.broadcast %broadcast_in_dim3A_400 : i32 to vector<16xi32>
      %mul3A_402 = arith.constant 16 : i32
      %mul3A_403 = arith.muli %scan3A_398, %mul3A_402 : i32
      %add3A_404 = arith.constant 0 : i32
      %add3A_405 = arith.addi %mul3A_403, %add3A_404 : i32
      %mul3A_406 = arith.constant 16 : i32
      %mul3A_407 = arith.muli %add3A_405, %mul3A_406 : i32
      %get3A_408 = arith.index_cast %mul3A_407 : i32 to index
      %get3A_409 = tpu.vector_load %arg19[%get3A_408] {strides = array<i32>} : memref<32768xi32, #tpu.memory_space<vmem>>, vector<16xi32>,
      %shift_right_logical3A = arith.constant 5 : i32
      %shift_right_logical3A_410 = vector.broadcast %shift_right_logical3A : i32 to vector<16xi32>
      %shift_right_logical3A_411 = arith.shrui %get3A_409, %shift_right_logical3A_410 : vector<16xi32>
      %gather3A = tpu.vector_load_idx %arg18[%shift_right_logical3A_411] : memref<31264xi32, #tpu.memory_space<vmem>>[vector<16xi32>], vector<16xi32>,
      %and3A = arith.constant 31 : i32
      %and3A_412 = vector.broadcast %and3A : i32 to vector<16xi32>
      %and3A_413 = arith.andi %get3A_409, %and3A_412 : vector<16xi32>
      %shift_right_logical3A_414 = arith.shrui %gather3A, %and3A_413 : vector<16xi32>
      %and3A_415 = arith.constant 1 : i32
      %and3A_416 = vector.broadcast %and3A_415 : i32 to vector<16xi32>
      %and3A_417 = arith.andi %shift_right_logical3A_414, %and3A_416 : vector<16xi32>
      %or3A = arith.ori %broadcast_in_dim3A_401, %and3A_417 : vector<16xi32>
      %mul3A_418 = arith.constant 16 : i32
      %mul3A_419 = arith.muli %scan3A_398, %mul3A_418 : i32
      %add3A_420 = arith.constant 1 : i32
      %add3A_421 = arith.addi %mul3A_419, %add3A_420 : i32
      %mul3A_422 = arith.constant 16 : i32
      %mul3A_423 = arith.muli %add3A_421, %mul3A_422 : i32
      %get3A_424 = arith.index_cast %mul3A_423 : i32 to index
      %get3A_425 = tpu.vector_load %arg19[%get3A_424] {strides = array<i32>} : memref<32768xi32, #tpu.memory_space<vmem>>, vector<16xi32>,
      %shift_right_logical3A_426 = arith.constant 5 : i32
      %shift_right_logical3A_427 = vector.broadcast %shift_right_logical3A_426 : i32 to vector<16xi32>
      %shift_right_logical3A_428 = arith.shrui %get3A_425, %shift_right_logical3A_427 : vector<16xi32>
      %gather3A_429 = tpu.vector_load_idx %arg18[%shift_right_logical3A_428] : memref<31264xi32, #tpu.memory_space<vmem>>[vector<16xi32>], vector<16xi32>,
      %and3A_430 = arith.constant 31 : i32
      %and3A_431 = vector.broadcast %and3A_430 : i32 to vector<16xi32>
      %and3A_432 = arith.andi %get3A_425, %and3A_431 : vector<16xi32>
      %shift_right_logical3A_433 = arith.shrui %gather3A_429, %and3A_432 : vector<16xi32>
      %and3A_434 = arith.constant 1 : i32
      %and3A_435 = vector.broadcast %and3A_434 : i32 to vector<16xi32>
      %and3A_436 = arith.andi %shift_right_logical3A_433, %and3A_435 : vector<16xi32>
      %or3A_437 = arith.ori %or3A, %and3A_436 : vector<16xi32>
      %mul3A_438 = arith.constant 16 : i32
      %mul3A_439 = arith.muli %scan3A_398, %mul3A_438 : i32
      %add3A_440 = arith.constant 2 : i32
      %add3A_441 = arith.addi %mul3A_439, %add3A_440 : i32
      %mul3A_442 = arith.constant 16 : i32
      %mul3A_443 = arith.muli %add3A_441, %mul3A_442 : i32
      %get3A_444 = arith.index_cast %mul3A_443 : i32 to index
      %get3A_445 = tpu.vector_load %arg19[%get3A_444] {strides = array<i32>} : memref<32768xi32, #tpu.memory_space<vmem>>, vector<16xi32>,
      %shift_right_logical3A_446 = arith.constant 5 : i32
      %shift_right_logical3A_447 = vector.broadcast %shift_right_logical3A_446 : i32 to vector<16xi32>
      %shift_right_logical3A_448 = arith.shrui %get3A_445, %shift_right_logical3A_447 : vector<16xi32>
      %gather3A_449 = tpu.vector_load_idx %arg18[%shift_right_logical3A_448] : memref<31264xi32, #tpu.memory_space<vmem>>[vector<16xi32>], vector<16xi32>,
      %and3A_450 = arith.constant 31 : i32
      %and3A_451 = vector.broadcast %and3A_450 : i32 to vector<16xi32>
      %and3A_452 = arith.andi %get3A_445, %and3A_451 : vector<16xi32>
      %shift_right_logical3A_453 = arith.shrui %gather3A_449, %and3A_452 : vector<16xi32>
      %and3A_454 = arith.constant 1 : i32
      %and3A_455 = vector.broadcast %and3A_454 : i32 to vector<16xi32>
      %and3A_456 = arith.andi %shift_right_logical3A_453, %and3A_455 : vector<16xi32>
      %or3A_457 = arith.ori %or3A_437, %and3A_456 : vector<16xi32>
      %mul3A_458 = arith.constant 16 : i32
      %mul3A_459 = arith.muli %scan3A_398, %mul3A_458 : i32
      %add3A_460 = arith.constant 3 : i32
      %add3A_461 = arith.addi %mul3A_459, %add3A_460 : i32
      %mul3A_462 = arith.constant 16 : i32
      %mul3A_463 = arith.muli %add3A_461, %mul3A_462 : i32
      %get3A_464 = arith.index_cast %mul3A_463 : i32 to index
      %get3A_465 = tpu.vector_load %arg19[%get3A_464] {strides = array<i32>} : memref<32768xi32, #tpu.memory_space<vmem>>, vector<16xi32>,
      %shift_right_logical3A_466 = arith.constant 5 : i32
      %shift_right_logical3A_467 = vector.broadcast %shift_right_logical3A_466 : i32 to vector<16xi32>
      %shift_right_logical3A_468 = arith.shrui %get3A_465, %shift_right_logical3A_467 : vector<16xi32>
      %gather3A_469 = tpu.vector_load_idx %arg18[%shift_right_logical3A_468] : memref<31264xi32, #tpu.memory_space<vmem>>[vector<16xi32>], vector<16xi32>,
      %and3A_470 = arith.constant 31 : i32
      %and3A_471 = vector.broadcast %and3A_470 : i32 to vector<16xi32>
      %and3A_472 = arith.andi %get3A_465, %and3A_471 : vector<16xi32>
      %shift_right_logical3A_473 = arith.shrui %gather3A_469, %and3A_472 : vector<16xi32>
      %and3A_474 = arith.constant 1 : i32
      %and3A_475 = vector.broadcast %and3A_474 : i32 to vector<16xi32>
      %and3A_476 = arith.andi %shift_right_logical3A_473, %and3A_475 : vector<16xi32>
      %or3A_477 = arith.ori %or3A_457, %and3A_476 : vector<16xi32>
      %mul3A_478 = arith.constant 16 : i32
      %mul3A_479 = arith.muli %scan3A_398, %mul3A_478 : i32
      %add3A_480 = arith.constant 4 : i32
      %add3A_481 = arith.addi %mul3A_479, %add3A_480 : i32
      %mul3A_482 = arith.constant 16 : i32
      %mul3A_483 = arith.muli %add3A_481, %mul3A_482 : i32
      %get3A_484 = arith.index_cast %mul3A_483 : i32 to index
      %get3A_485 = tpu.vector_load %arg19[%get3A_484] {strides = array<i32>} : memref<32768xi32, #tpu.memory_space<vmem>>, vector<16xi32>,
      %shift_right_logical3A_486 = arith.constant 5 : i32
      %shift_right_logical3A_487 = vector.broadcast %shift_right_logical3A_486 : i32 to vector<16xi32>
      %shift_right_logical3A_488 = arith.shrui %get3A_485, %shift_right_logical3A_487 : vector<16xi32>
      %gather3A_489 = tpu.vector_load_idx %arg18[%shift_right_logical3A_488] : memref<31264xi32, #tpu.memory_space<vmem>>[vector<16xi32>], vector<16xi32>,
      %and3A_490 = arith.constant 31 : i32
      %and3A_491 = vector.broadcast %and3A_490 : i32 to vector<16xi32>
      %and3A_492 = arith.andi %get3A_485, %and3A_491 : vector<16xi32>
      %shift_right_logical3A_493 = arith.shrui %gather3A_489, %and3A_492 : vector<16xi32>
      %and3A_494 = arith.constant 1 : i32
      %and3A_495 = vector.broadcast %and3A_494 : i32 to vector<16xi32>
      %and3A_496 = arith.andi %shift_right_logical3A_493, %and3A_495 : vector<16xi32>
      %or3A_497 = arith.ori %or3A_477, %and3A_496 : vector<16xi32>
      %mul3A_498 = arith.constant 16 : i32
      %mul3A_499 = arith.muli %scan3A_398, %mul3A_498 : i32
      %add3A_500 = arith.constant 5 : i32
      %add3A_501 = arith.addi %mul3A_499, %add3A_500 : i32
      %mul3A_502 = arith.constant 16 : i32
      %mul3A_503 = arith.muli %add3A_501, %mul3A_502 : i32
      %get3A_504 = arith.index_cast %mul3A_503 : i32 to index
      %get3A_505 = tpu.vector_load %arg19[%get3A_504] {strides = array<i32>} : memref<32768xi32, #tpu.memory_space<vmem>>, vector<16xi32>,
      %shift_right_logical3A_506 = arith.constant 5 : i32
      %shift_right_logical3A_507 = vector.broadcast %shift_right_logical3A_506 : i32 to vector<16xi32>
      %shift_right_logical3A_508 = arith.shrui %get3A_505, %shift_right_logical3A_507 : vector<16xi32>
      %gather3A_509 = tpu.vector_load_idx %arg18[%shift_right_logical3A_508] : memref<31264xi32, #tpu.memory_space<vmem>>[vector<16xi32>], vector<16xi32>,
      %and3A_510 = arith.constant 31 : i32
      %and3A_511 = vector.broadcast %and3A_510 : i32 to vector<16xi32>
      %and3A_512 = arith.andi %get3A_505, %and3A_511 : vector<16xi32>
      %shift_right_logical3A_513 = arith.shrui %gather3A_509, %and3A_512 : vector<16xi32>
      %and3A_514 = arith.constant 1 : i32
      %and3A_515 = vector.broadcast %and3A_514 : i32 to vector<16xi32>
      %and3A_516 = arith.andi %shift_right_logical3A_513, %and3A_515 : vector<16xi32>
      %or3A_517 = arith.ori %or3A_497, %and3A_516 : vector<16xi32>
      %mul3A_518 = arith.constant 16 : i32
      %mul3A_519 = arith.muli %scan3A_398, %mul3A_518 : i32
      %add3A_520 = arith.constant 6 : i32
      %add3A_521 = arith.addi %mul3A_519, %add3A_520 : i32
      %mul3A_522 = arith.constant 16 : i32
      %mul3A_523 = arith.muli %add3A_521, %mul3A_522 : i32
      %get3A_524 = arith.index_cast %mul3A_523 : i32 to index
      %get3A_525 = tpu.vector_load %arg19[%get3A_524] {strides = array<i32>} : memref<32768xi32, #tpu.memory_space<vmem>>, vector<16xi32>,
      %shift_right_logical3A_526 = arith.constant 5 : i32
      %shift_right_logical3A_527 = vector.broadcast %shift_right_logical3A_526 : i32 to vector<16xi32>
      %shift_right_logical3A_528 = arith.shrui %get3A_525, %shift_right_logical3A_527 : vector<16xi32>
      %gather3A_529 = tpu.vector_load_idx %arg18[%shift_right_logical3A_528] : memref<31264xi32, #tpu.memory_space<vmem>>[vector<16xi32>], vector<16xi32>,
      %and3A_530 = arith.constant 31 : i32
      %and3A_531 = vector.broadcast %and3A_530 : i32 to vector<16xi32>
      %and3A_532 = arith.andi %get3A_525, %and3A_531 : vector<16xi32>
      %shift_right_logical3A_533 = arith.shrui %gather3A_529, %and3A_532 : vector<16xi32>
      %and3A_534 = arith.constant 1 : i32
      %and3A_535 = vector.broadcast %and3A_534 : i32 to vector<16xi32>
      %and3A_536 = arith.andi %shift_right_logical3A_533, %and3A_535 : vector<16xi32>
      %or3A_537 = arith.ori %or3A_517, %and3A_536 : vector<16xi32>
      %mul3A_538 = arith.constant 16 : i32
      %mul3A_539 = arith.muli %scan3A_398, %mul3A_538 : i32
      %add3A_540 = arith.constant 7 : i32
      %add3A_541 = arith.addi %mul3A_539, %add3A_540 : i32
      %mul3A_542 = arith.constant 16 : i32
      %mul3A_543 = arith.muli %add3A_541, %mul3A_542 : i32
      %get3A_544 = arith.index_cast %mul3A_543 : i32 to index
      %get3A_545 = tpu.vector_load %arg19[%get3A_544] {strides = array<i32>} : memref<32768xi32, #tpu.memory_space<vmem>>, vector<16xi32>,
      %shift_right_logical3A_546 = arith.constant 5 : i32
      %shift_right_logical3A_547 = vector.broadcast %shift_right_logical3A_546 : i32 to vector<16xi32>
      %shift_right_logical3A_548 = arith.shrui %get3A_545, %shift_right_logical3A_547 : vector<16xi32>
      %gather3A_549 = tpu.vector_load_idx %arg18[%shift_right_logical3A_548] : memref<31264xi32, #tpu.memory_space<vmem>>[vector<16xi32>], vector<16xi32>,
      %and3A_550 = arith.constant 31 : i32
      %and3A_551 = vector.broadcast %and3A_550 : i32 to vector<16xi32>
      %and3A_552 = arith.andi %get3A_545, %and3A_551 : vector<16xi32>
      %shift_right_logical3A_553 = arith.shrui %gather3A_549, %and3A_552 : vector<16xi32>
      %and3A_554 = arith.constant 1 : i32
      %and3A_555 = vector.broadcast %and3A_554 : i32 to vector<16xi32>
      %and3A_556 = arith.andi %shift_right_logical3A_553, %and3A_555 : vector<16xi32>
      %or3A_557 = arith.ori %or3A_537, %and3A_556 : vector<16xi32>
      %mul3A_558 = arith.constant 16 : i32
      %mul3A_559 = arith.muli %scan3A_398, %mul3A_558 : i32
      %add3A_560 = arith.constant 8 : i32
      %add3A_561 = arith.addi %mul3A_559, %add3A_560 : i32
      %mul3A_562 = arith.constant 16 : i32
      %mul3A_563 = arith.muli %add3A_561, %mul3A_562 : i32
      %get3A_564 = arith.index_cast %mul3A_563 : i32 to index
      %get3A_565 = tpu.vector_load %arg19[%get3A_564] {strides = array<i32>} : memref<32768xi32, #tpu.memory_space<vmem>>, vector<16xi32>,
      %shift_right_logical3A_566 = arith.constant 5 : i32
      %shift_right_logical3A_567 = vector.broadcast %shift_right_logical3A_566 : i32 to vector<16xi32>
      %shift_right_logical3A_568 = arith.shrui %get3A_565, %shift_right_logical3A_567 : vector<16xi32>
      %gather3A_569 = tpu.vector_load_idx %arg18[%shift_right_logical3A_568] : memref<31264xi32, #tpu.memory_space<vmem>>[vector<16xi32>], vector<16xi32>,
      %and3A_570 = arith.constant 31 : i32
      %and3A_571 = vector.broadcast %and3A_570 : i32 to vector<16xi32>
      %and3A_572 = arith.andi %get3A_565, %and3A_571 : vector<16xi32>
      %shift_right_logical3A_573 = arith.shrui %gather3A_569, %and3A_572 : vector<16xi32>
      %and3A_574 = arith.constant 1 : i32
      %and3A_575 = vector.broadcast %and3A_574 : i32 to vector<16xi32>
      %and3A_576 = arith.andi %shift_right_logical3A_573, %and3A_575 : vector<16xi32>
      %or3A_577 = arith.ori %or3A_557, %and3A_576 : vector<16xi32>
      %mul3A_578 = arith.constant 16 : i32
      %mul3A_579 = arith.muli %scan3A_398, %mul3A_578 : i32
      %add3A_580 = arith.constant 9 : i32
      %add3A_581 = arith.addi %mul3A_579, %add3A_580 : i32
      %mul3A_582 = arith.constant 16 : i32
      %mul3A_583 = arith.muli %add3A_581, %mul3A_582 : i32
      %get3A_584 = arith.index_cast %mul3A_583 : i32 to index
      %get3A_585 = tpu.vector_load %arg19[%get3A_584] {strides = array<i32>} : memref<32768xi32, #tpu.memory_space<vmem>>, vector<16xi32>,
      %shift_right_logical3A_586 = arith.constant 5 : i32
      %shift_right_logical3A_587 = vector.broadcast %shift_right_logical3A_586 : i32 to vector<16xi32>
      %shift_right_logical3A_588 = arith.shrui %get3A_585, %shift_right_logical3A_587 : vector<16xi32>
      %gather3A_589 = tpu.vector_load_idx %arg18[%shift_right_logical3A_588] : memref<31264xi32, #tpu.memory_space<vmem>>[vector<16xi32>], vector<16xi32>,
      %and3A_590 = arith.constant 31 : i32
      %and3A_591 = vector.broadcast %and3A_590 : i32 to vector<16xi32>
      %and3A_592 = arith.andi %get3A_585, %and3A_591 : vector<16xi32>
      %shift_right_logical3A_593 = arith.shrui %gather3A_589, %and3A_592 : vector<16xi32>
      %and3A_594 = arith.constant 1 : i32
      %and3A_595 = vector.broadcast %and3A_594 : i32 to vector<16xi32>
      %and3A_596 = arith.andi %shift_right_logical3A_593, %and3A_595 : vector<16xi32>
      %or3A_597 = arith.ori %or3A_577, %and3A_596 : vector<16xi32>
      %mul3A_598 = arith.constant 16 : i32
      %mul3A_599 = arith.muli %scan3A_398, %mul3A_598 : i32
      %add3A_600 = arith.constant 10 : i32
      %add3A_601 = arith.addi %mul3A_599, %add3A_600 : i32
      %mul3A_602 = arith.constant 16 : i32
      %mul3A_603 = arith.muli %add3A_601, %mul3A_602 : i32
      %get3A_604 = arith.index_cast %mul3A_603 : i32 to index
      %get3A_605 = tpu.vector_load %arg19[%get3A_604] {strides = array<i32>} : memref<32768xi32, #tpu.memory_space<vmem>>, vector<16xi32>,
      %shift_right_logical3A_606 = arith.constant 5 : i32
      %shift_right_logical3A_607 = vector.broadcast %shift_right_logical3A_606 : i32 to vector<16xi32>
      %shift_right_logical3A_608 = arith.shrui %get3A_605, %shift_right_logical3A_607 : vector<16xi32>
      %gather3A_609 = tpu.vector_load_idx %arg18[%shift_right_logical3A_608] : memref<31264xi32, #tpu.memory_space<vmem>>[vector<16xi32>], vector<16xi32>,
      %and3A_610 = arith.constant 31 : i32
      %and3A_611 = vector.broadcast %and3A_610 : i32 to vector<16xi32>
      %and3A_612 = arith.andi %get3A_605, %and3A_611 : vector<16xi32>
      %shift_right_logical3A_613 = arith.shrui %gather3A_609, %and3A_612 : vector<16xi32>
      %and3A_614 = arith.constant 1 : i32
      %and3A_615 = vector.broadcast %and3A_614 : i32 to vector<16xi32>
      %and3A_616 = arith.andi %shift_right_logical3A_613, %and3A_615 : vector<16xi32>
      %or3A_617 = arith.ori %or3A_597, %and3A_616 : vector<16xi32>
      %mul3A_618 = arith.constant 16 : i32
      %mul3A_619 = arith.muli %scan3A_398, %mul3A_618 : i32
      %add3A_620 = arith.constant 11 : i32
      %add3A_621 = arith.addi %mul3A_619, %add3A_620 : i32
      %mul3A_622 = arith.constant 16 : i32
      %mul3A_623 = arith.muli %add3A_621, %mul3A_622 : i32
      %get3A_624 = arith.index_cast %mul3A_623 : i32 to index
      %get3A_625 = tpu.vector_load %arg19[%get3A_624] {strides = array<i32>} : memref<32768xi32, #tpu.memory_space<vmem>>, vector<16xi32>,
      %shift_right_logical3A_626 = arith.constant 5 : i32
      %shift_right_logical3A_627 = vector.broadcast %shift_right_logical3A_626 : i32 to vector<16xi32>
      %shift_right_logical3A_628 = arith.shrui %get3A_625, %shift_right_logical3A_627 : vector<16xi32>
      %gather3A_629 = tpu.vector_load_idx %arg18[%shift_right_logical3A_628] : memref<31264xi32, #tpu.memory_space<vmem>>[vector<16xi32>], vector<16xi32>,
      %and3A_630 = arith.constant 31 : i32
      %and3A_631 = vector.broadcast %and3A_630 : i32 to vector<16xi32>
      %and3A_632 = arith.andi %get3A_625, %and3A_631 : vector<16xi32>
      %shift_right_logical3A_633 = arith.shrui %gather3A_629, %and3A_632 : vector<16xi32>
      %and3A_634 = arith.constant 1 : i32
      %and3A_635 = vector.broadcast %and3A_634 : i32 to vector<16xi32>
      %and3A_636 = arith.andi %shift_right_logical3A_633, %and3A_635 : vector<16xi32>
      %or3A_637 = arith.ori %or3A_617, %and3A_636 : vector<16xi32>
      %mul3A_638 = arith.constant 16 : i32
      %mul3A_639 = arith.muli %scan3A_398, %mul3A_638 : i32
      %add3A_640 = arith.constant 12 : i32
      %add3A_641 = arith.addi %mul3A_639, %add3A_640 : i32
      %mul3A_642 = arith.constant 16 : i32
      %mul3A_643 = arith.muli %add3A_641, %mul3A_642 : i32
      %get3A_644 = arith.index_cast %mul3A_643 : i32 to index
      %get3A_645 = tpu.vector_load %arg19[%get3A_644] {strides = array<i32>} : memref<32768xi32, #tpu.memory_space<vmem>>, vector<16xi32>,
      %shift_right_logical3A_646 = arith.constant 5 : i32
      %shift_right_logical3A_647 = vector.broadcast %shift_right_logical3A_646 : i32 to vector<16xi32>
      %shift_right_logical3A_648 = arith.shrui %get3A_645, %shift_right_logical3A_647 : vector<16xi32>
      %gather3A_649 = tpu.vector_load_idx %arg18[%shift_right_logical3A_648] : memref<31264xi32, #tpu.memory_space<vmem>>[vector<16xi32>], vector<16xi32>,
      %and3A_650 = arith.constant 31 : i32
      %and3A_651 = vector.broadcast %and3A_650 : i32 to vector<16xi32>
      %and3A_652 = arith.andi %get3A_645, %and3A_651 : vector<16xi32>
      %shift_right_logical3A_653 = arith.shrui %gather3A_649, %and3A_652 : vector<16xi32>
      %and3A_654 = arith.constant 1 : i32
      %and3A_655 = vector.broadcast %and3A_654 : i32 to vector<16xi32>
      %and3A_656 = arith.andi %shift_right_logical3A_653, %and3A_655 : vector<16xi32>
      %or3A_657 = arith.ori %or3A_637, %and3A_656 : vector<16xi32>
      %mul3A_658 = arith.constant 16 : i32
      %mul3A_659 = arith.muli %scan3A_398, %mul3A_658 : i32
      %add3A_660 = arith.constant 13 : i32
      %add3A_661 = arith.addi %mul3A_659, %add3A_660 : i32
      %mul3A_662 = arith.constant 16 : i32
      %mul3A_663 = arith.muli %add3A_661, %mul3A_662 : i32
      %get3A_664 = arith.index_cast %mul3A_663 : i32 to index
      %get3A_665 = tpu.vector_load %arg19[%get3A_664] {strides = array<i32>} : memref<32768xi32, #tpu.memory_space<vmem>>, vector<16xi32>,
      %shift_right_logical3A_666 = arith.constant 5 : i32
      %shift_right_logical3A_667 = vector.broadcast %shift_right_logical3A_666 : i32 to vector<16xi32>
      %shift_right_logical3A_668 = arith.shrui %get3A_665, %shift_right_logical3A_667 : vector<16xi32>
      %gather3A_669 = tpu.vector_load_idx %arg18[%shift_right_logical3A_668] : memref<31264xi32, #tpu.memory_space<vmem>>[vector<16xi32>], vector<16xi32>,
      %and3A_670 = arith.constant 31 : i32
      %and3A_671 = vector.broadcast %and3A_670 : i32 to vector<16xi32>
      %and3A_672 = arith.andi %get3A_665, %and3A_671 : vector<16xi32>
      %shift_right_logical3A_673 = arith.shrui %gather3A_669, %and3A_672 : vector<16xi32>
      %and3A_674 = arith.constant 1 : i32
      %and3A_675 = vector.broadcast %and3A_674 : i32 to vector<16xi32>
      %and3A_676 = arith.andi %shift_right_logical3A_673, %and3A_675 : vector<16xi32>
      %or3A_677 = arith.ori %or3A_657, %and3A_676 : vector<16xi32>
      %mul3A_678 = arith.constant 16 : i32
      %mul3A_679 = arith.muli %scan3A_398, %mul3A_678 : i32
      %add3A_680 = arith.constant 14 : i32
      %add3A_681 = arith.addi %mul3A_679, %add3A_680 : i32
      %mul3A_682 = arith.constant 16 : i32
      %mul3A_683 = arith.muli %add3A_681, %mul3A_682 : i32
      %get3A_684 = arith.index_cast %mul3A_683 : i32 to index
      %get3A_685 = tpu.vector_load %arg19[%get3A_684] {strides = array<i32>} : memref<32768xi32, #tpu.memory_space<vmem>>, vector<16xi32>,
      %shift_right_logical3A_686 = arith.constant 5 : i32
      %shift_right_logical3A_687 = vector.broadcast %shift_right_logical3A_686 : i32 to vector<16xi32>
      %shift_right_logical3A_688 = arith.shrui %get3A_685, %shift_right_logical3A_687 : vector<16xi32>
      %gather3A_689 = tpu.vector_load_idx %arg18[%shift_right_logical3A_688] : memref<31264xi32, #tpu.memory_space<vmem>>[vector<16xi32>], vector<16xi32>,
      %and3A_690 = arith.constant 31 : i32
      %and3A_691 = vector.broadcast %and3A_690 : i32 to vector<16xi32>
      %and3A_692 = arith.andi %get3A_685, %and3A_691 : vector<16xi32>
      %shift_right_logical3A_693 = arith.shrui %gather3A_689, %and3A_692 : vector<16xi32>
      %and3A_694 = arith.constant 1 : i32
      %and3A_695 = vector.broadcast %and3A_694 : i32 to vector<16xi32>
      %and3A_696 = arith.andi %shift_right_logical3A_693, %and3A_695 : vector<16xi32>
      %or3A_697 = arith.ori %or3A_677, %and3A_696 : vector<16xi32>
      %mul3A_698 = arith.constant 16 : i32
      %mul3A_699 = arith.muli %scan3A_398, %mul3A_698 : i32
      %add3A_700 = arith.constant 15 : i32
      %add3A_701 = arith.addi %mul3A_699, %add3A_700 : i32
      %mul3A_702 = arith.constant 16 : i32
      %mul3A_703 = arith.muli %add3A_701, %mul3A_702 : i32
      %get3A_704 = arith.index_cast %mul3A_703 : i32 to index
      %get3A_705 = tpu.vector_load %arg19[%get3A_704] {strides = array<i32>} : memref<32768xi32, #tpu.memory_space<vmem>>, vector<16xi32>,
      %shift_right_logical3A_706 = arith.constant 5 : i32
      %shift_right_logical3A_707 = vector.broadcast %shift_right_logical3A_706 : i32 to vector<16xi32>
      %shift_right_logical3A_708 = arith.shrui %get3A_705, %shift_right_logical3A_707 : vector<16xi32>
      %gather3A_709 = tpu.vector_load_idx %arg18[%shift_right_logical3A_708] : memref<31264xi32, #tpu.memory_space<vmem>>[vector<16xi32>], vector<16xi32>,
      %and3A_710 = arith.constant 31 : i32
      %and3A_711 = vector.broadcast %and3A_710 : i32 to vector<16xi32>
      %and3A_712 = arith.andi %get3A_705, %and3A_711 : vector<16xi32>
      %shift_right_logical3A_713 = arith.shrui %gather3A_709, %and3A_712 : vector<16xi32>
      %and3A_714 = arith.constant 1 : i32
      %and3A_715 = vector.broadcast %and3A_714 : i32 to vector<16xi32>
      %and3A_716 = arith.andi %shift_right_logical3A_713, %and3A_715 : vector<16xi32>
      %or3A_717 = arith.ori %or3A_697, %and3A_716 : vector<16xi32>
      %reduce_sum3A = arith.constant true
      %reduce_sum3A_718 = vector.broadcast %reduce_sum3A : i1 to vector<16xi1>
      %reduce_sum3A_719 = tpu.scan <sum>, %or3A_717 masked %reduce_sum3A_718 : vector<16xi32>, vector<16xi1> -> vector<16xi32>
      %reduce_sum3A_720 = vector.extract %reduce_sum3A_719[15] : i32 from vector<16xi32>
      %gt3A = arith.constant 0 : i32
      %gt3A_721 = arith.cmpi sgt, %reduce_sum3A_720, %gt3A : i32
      %convert_element_type3A = arith.extui %gt3A_721 : i1 to i32
      %cond3A = arith.constant 0 : i32
      %cond3A_722 = arith.cmpi ne, %convert_element_type3A, %cond3A : i32
      %cond3A_723 = scf.if %cond3A_722 -> (i32) {
        %mul3A_724 = arith.constant 16 : i32
        %mul3A_725 = arith.muli %scan3A_398, %mul3A_724 : i32
        %add3A_726 = arith.constant 0 : i32
        %add3A_727 = arith.addi %mul3A_725, %add3A_726 : i32
        %mul3A_728 = arith.constant 16 : i32
        %mul3A_729 = arith.muli %add3A_727, %mul3A_728 : i32
        %get3A_730 = arith.index_cast %mul3A_729 : i32 to index
        %get3A_731 = tpu.vector_load %arg19[%get3A_730] {strides = array<i32>} : memref<32768xi32, #tpu.memory_space<vmem>>, vector<16xi32>,
        %shift_right_logical3A_732 = arith.constant 5 : i32
        %shift_right_logical3A_733 = vector.broadcast %shift_right_logical3A_732 : i32 to vector<16xi32>
        %shift_right_logical3A_734 = arith.shrui %get3A_731, %shift_right_logical3A_733 : vector<16xi32>
        %gather3A_735 = tpu.vector_load_idx %arg18[%shift_right_logical3A_734] : memref<31264xi32, #tpu.memory_space<vmem>>[vector<16xi32>], vector<16xi32>,
        %and3A_736 = arith.constant 31 : i32
        %and3A_737 = vector.broadcast %and3A_736 : i32 to vector<16xi32>
        %and3A_738 = arith.andi %get3A_731, %and3A_737 : vector<16xi32>
        %shift_right_logical3A_739 = arith.shrui %gather3A_735, %and3A_738 : vector<16xi32>
        %and3A_740 = arith.constant 1 : i32
        %and3A_741 = vector.broadcast %and3A_740 : i32 to vector<16xi32>
        %and3A_742 = arith.andi %shift_right_logical3A_739, %and3A_741 : vector<16xi32>
        %ne3A = arith.constant 0 : i32
        %ne3A_743 = vector.broadcast %ne3A : i32 to vector<16xi32>
        %ne3A_744 = arith.cmpi ne, %and3A_742, %ne3A_743 : vector<16xi32>
        %mul3A_745 = arith.constant 16 : i32
        %mul3A_746 = arith.muli %add3A_727, %mul3A_745 : i32
        %add3A_747 = arith.addi %mul3A_2, %mul3A_746 : i32
        %iota3A_748 = tpu.iota {dimensions = array<i32: 0>} : vector<16xi32>
        %add3A_749 = vector.broadcast %add3A_747 : i32 to vector<16xi32>
        %add3A_750 = arith.addi %add3A_749, %iota3A_748 : vector<16xi32>
        %min3A = arith.constant 112 : i32
        %min3A_751 = arith.minsi %scan3A_399, %min3A : i32
        %swap3A_752 = arith.index_cast %min3A_751 : i32 to index
        %swap3A_753 = tpu.vector_load %arg20[%swap3A_752] masked %ne3A_744 {strides = array<i32>} : memref<128xi32, #tpu.memory_space<vmem>>, vector<16xi32>, vector<16xi1>
        tpu.vector_store %arg20[%swap3A_752], %add3A_750 masked %ne3A_744 {strides = array<i32>} : memref<128xi32, #tpu.memory_space<vmem>>, vector<16xi32>, vector<16xi1>
        %swap3A_754 = arith.index_cast %min3A_751 : i32 to index
        %swap3A_755 = tpu.vector_load %arg21[%swap3A_754] masked %ne3A_744 {strides = array<i32>} : memref<128xi32, #tpu.memory_space<vmem>>, vector<16xi32>, vector<16xi1>
        tpu.vector_store %arg21[%swap3A_754], %get3A_731 masked %ne3A_744 {strides = array<i32>} : memref<128xi32, #tpu.memory_space<vmem>>, vector<16xi32>, vector<16xi1>
        %convert_element_type3A_756 = arith.extui %ne3A_744 : vector<16xi1> to vector<16xi32>
        %reduce_sum3A_757 = arith.constant true
        %reduce_sum3A_758 = vector.broadcast %reduce_sum3A_757 : i1 to vector<16xi1>
        %reduce_sum3A_759 = tpu.scan <sum>, %convert_element_type3A_756 masked %reduce_sum3A_758 : vector<16xi32>, vector<16xi1> -> vector<16xi32>
        %reduce_sum3A_760 = vector.extract %reduce_sum3A_759[15] : i32 from vector<16xi32>
        %add3A_761 = arith.addi %scan3A_399, %reduce_sum3A_760 : i32
        %mul3A_762 = arith.constant 16 : i32
        %mul3A_763 = arith.muli %scan3A_398, %mul3A_762 : i32
        %add3A_764 = arith.constant 1 : i32
        %add3A_765 = arith.addi %mul3A_763, %add3A_764 : i32
        %mul3A_766 = arith.constant 16 : i32
        %mul3A_767 = arith.muli %add3A_765, %mul3A_766 : i32
        %get3A_768 = arith.index_cast %mul3A_767 : i32 to index
        %get3A_769 = tpu.vector_load %arg19[%get3A_768] {strides = array<i32>} : memref<32768xi32, #tpu.memory_space<vmem>>, vector<16xi32>,
        %shift_right_logical3A_770 = arith.constant 5 : i32
        %shift_right_logical3A_771 = vector.broadcast %shift_right_logical3A_770 : i32 to vector<16xi32>
        %shift_right_logical3A_772 = arith.shrui %get3A_769, %shift_right_logical3A_771 : vector<16xi32>
        %gather3A_773 = tpu.vector_load_idx %arg18[%shift_right_logical3A_772] : memref<31264xi32, #tpu.memory_space<vmem>>[vector<16xi32>], vector<16xi32>,
        %and3A_774 = arith.constant 31 : i32
        %and3A_775 = vector.broadcast %and3A_774 : i32 to vector<16xi32>
        %and3A_776 = arith.andi %get3A_769, %and3A_775 : vector<16xi32>
        %shift_right_logical3A_777 = arith.shrui %gather3A_773, %and3A_776 : vector<16xi32>
        %and3A_778 = arith.constant 1 : i32
        %and3A_779 = vector.broadcast %and3A_778 : i32 to vector<16xi32>
        %and3A_780 = arith.andi %shift_right_logical3A_777, %and3A_779 : vector<16xi32>
        %ne3A_781 = arith.constant 0 : i32
        %ne3A_782 = vector.broadcast %ne3A_781 : i32 to vector<16xi32>
        %ne3A_783 = arith.cmpi ne, %and3A_780, %ne3A_782 : vector<16xi32>
        %mul3A_784 = arith.constant 16 : i32
        %mul3A_785 = arith.muli %add3A_765, %mul3A_784 : i32
        %add3A_786 = arith.addi %mul3A_2, %mul3A_785 : i32
        %iota3A_787 = tpu.iota {dimensions = array<i32: 0>} : vector<16xi32>
        %add3A_788 = vector.broadcast %add3A_786 : i32 to vector<16xi32>
        %add3A_789 = arith.addi %add3A_788, %iota3A_787 : vector<16xi32>
        %min3A_790 = arith.constant 112 : i32
        %min3A_791 = arith.minsi %add3A_761, %min3A_790 : i32
        %swap3A_792 = arith.index_cast %min3A_791 : i32 to index
        %swap3A_793 = tpu.vector_load %arg20[%swap3A_792] masked %ne3A_783 {strides = array<i32>} : memref<128xi32, #tpu.memory_space<vmem>>, vector<16xi32>, vector<16xi1>
        tpu.vector_store %arg20[%swap3A_792], %add3A_789 masked %ne3A_783 {strides = array<i32>} : memref<128xi32, #tpu.memory_space<vmem>>, vector<16xi32>, vector<16xi1>
        %swap3A_794 = arith.index_cast %min3A_791 : i32 to index
        %swap3A_795 = tpu.vector_load %arg21[%swap3A_794] masked %ne3A_783 {strides = array<i32>} : memref<128xi32, #tpu.memory_space<vmem>>, vector<16xi32>, vector<16xi1>
        tpu.vector_store %arg21[%swap3A_794], %get3A_769 masked %ne3A_783 {strides = array<i32>} : memref<128xi32, #tpu.memory_space<vmem>>, vector<16xi32>, vector<16xi1>
        %convert_element_type3A_796 = arith.extui %ne3A_783 : vector<16xi1> to vector<16xi32>
        %reduce_sum3A_797 = arith.constant true
        %reduce_sum3A_798 = vector.broadcast %reduce_sum3A_797 : i1 to vector<16xi1>
        %reduce_sum3A_799 = tpu.scan <sum>, %convert_element_type3A_796 masked %reduce_sum3A_798 : vector<16xi32>, vector<16xi1> -> vector<16xi32>
        %reduce_sum3A_800 = vector.extract %reduce_sum3A_799[15] : i32 from vector<16xi32>
        %add3A_801 = arith.addi %add3A_761, %reduce_sum3A_800 : i32
        %mul3A_802 = arith.constant 16 : i32
        %mul3A_803 = arith.muli %scan3A_398, %mul3A_802 : i32
        %add3A_804 = arith.constant 2 : i32
        %add3A_805 = arith.addi %mul3A_803, %add3A_804 : i32
        %mul3A_806 = arith.constant 16 : i32
        %mul3A_807 = arith.muli %add3A_805, %mul3A_806 : i32
        %get3A_808 = arith.index_cast %mul3A_807 : i32 to index
        %get3A_809 = tpu.vector_load %arg19[%get3A_808] {strides = array<i32>} : memref<32768xi32, #tpu.memory_space<vmem>>, vector<16xi32>,
        %shift_right_logical3A_810 = arith.constant 5 : i32
        %shift_right_logical3A_811 = vector.broadcast %shift_right_logical3A_810 : i32 to vector<16xi32>
        %shift_right_logical3A_812 = arith.shrui %get3A_809, %shift_right_logical3A_811 : vector<16xi32>
        %gather3A_813 = tpu.vector_load_idx %arg18[%shift_right_logical3A_812] : memref<31264xi32, #tpu.memory_space<vmem>>[vector<16xi32>], vector<16xi32>,
        %and3A_814 = arith.constant 31 : i32
        %and3A_815 = vector.broadcast %and3A_814 : i32 to vector<16xi32>
        %and3A_816 = arith.andi %get3A_809, %and3A_815 : vector<16xi32>
        %shift_right_logical3A_817 = arith.shrui %gather3A_813, %and3A_816 : vector<16xi32>
        %and3A_818 = arith.constant 1 : i32
        %and3A_819 = vector.broadcast %and3A_818 : i32 to vector<16xi32>
        %and3A_820 = arith.andi %shift_right_logical3A_817, %and3A_819 : vector<16xi32>
        %ne3A_821 = arith.constant 0 : i32
        %ne3A_822 = vector.broadcast %ne3A_821 : i32 to vector<16xi32>
        %ne3A_823 = arith.cmpi ne, %and3A_820, %ne3A_822 : vector<16xi32>
        %mul3A_824 = arith.constant 16 : i32
        %mul3A_825 = arith.muli %add3A_805, %mul3A_824 : i32
        %add3A_826 = arith.addi %mul3A_2, %mul3A_825 : i32
        %iota3A_827 = tpu.iota {dimensions = array<i32: 0>} : vector<16xi32>
        %add3A_828 = vector.broadcast %add3A_826 : i32 to vector<16xi32>
        %add3A_829 = arith.addi %add3A_828, %iota3A_827 : vector<16xi32>
        %min3A_830 = arith.constant 112 : i32
        %min3A_831 = arith.minsi %add3A_801, %min3A_830 : i32
        %swap3A_832 = arith.index_cast %min3A_831 : i32 to index
        %swap3A_833 = tpu.vector_load %arg20[%swap3A_832] masked %ne3A_823 {strides = array<i32>} : memref<128xi32, #tpu.memory_space<vmem>>, vector<16xi32>, vector<16xi1>
        tpu.vector_store %arg20[%swap3A_832], %add3A_829 masked %ne3A_823 {strides = array<i32>} : memref<128xi32, #tpu.memory_space<vmem>>, vector<16xi32>, vector<16xi1>
        %swap3A_834 = arith.index_cast %min3A_831 : i32 to index
        %swap3A_835 = tpu.vector_load %arg21[%swap3A_834] masked %ne3A_823 {strides = array<i32>} : memref<128xi32, #tpu.memory_space<vmem>>, vector<16xi32>, vector<16xi1>
        tpu.vector_store %arg21[%swap3A_834], %get3A_809 masked %ne3A_823 {strides = array<i32>} : memref<128xi32, #tpu.memory_space<vmem>>, vector<16xi32>, vector<16xi1>
        %convert_element_type3A_836 = arith.extui %ne3A_823 : vector<16xi1> to vector<16xi32>
        %reduce_sum3A_837 = arith.constant true
        %reduce_sum3A_838 = vector.broadcast %reduce_sum3A_837 : i1 to vector<16xi1>
        %reduce_sum3A_839 = tpu.scan <sum>, %convert_element_type3A_836 masked %reduce_sum3A_838 : vector<16xi32>, vector<16xi1> -> vector<16xi32>
        %reduce_sum3A_840 = vector.extract %reduce_sum3A_839[15] : i32 from vector<16xi32>
        %add3A_841 = arith.addi %add3A_801, %reduce_sum3A_840 : i32
        %mul3A_842 = arith.constant 16 : i32
        %mul3A_843 = arith.muli %scan3A_398, %mul3A_842 : i32
        %add3A_844 = arith.constant 3 : i32
        %add3A_845 = arith.addi %mul3A_843, %add3A_844 : i32
        %mul3A_846 = arith.constant 16 : i32
        %mul3A_847 = arith.muli %add3A_845, %mul3A_846 : i32
        %get3A_848 = arith.index_cast %mul3A_847 : i32 to index
        %get3A_849 = tpu.vector_load %arg19[%get3A_848] {strides = array<i32>} : memref<32768xi32, #tpu.memory_space<vmem>>, vector<16xi32>,
        %shift_right_logical3A_850 = arith.constant 5 : i32
        %shift_right_logical3A_851 = vector.broadcast %shift_right_logical3A_850 : i32 to vector<16xi32>
        %shift_right_logical3A_852 = arith.shrui %get3A_849, %shift_right_logical3A_851 : vector<16xi32>
        %gather3A_853 = tpu.vector_load_idx %arg18[%shift_right_logical3A_852] : memref<31264xi32, #tpu.memory_space<vmem>>[vector<16xi32>], vector<16xi32>,
        %and3A_854 = arith.constant 31 : i32
        %and3A_855 = vector.broadcast %and3A_854 : i32 to vector<16xi32>
        %and3A_856 = arith.andi %get3A_849, %and3A_855 : vector<16xi32>
        %shift_right_logical3A_857 = arith.shrui %gather3A_853, %and3A_856 : vector<16xi32>
        %and3A_858 = arith.constant 1 : i32
        %and3A_859 = vector.broadcast %and3A_858 : i32 to vector<16xi32>
        %and3A_860 = arith.andi %shift_right_logical3A_857, %and3A_859 : vector<16xi32>
        %ne3A_861 = arith.constant 0 : i32
        %ne3A_862 = vector.broadcast %ne3A_861 : i32 to vector<16xi32>
        %ne3A_863 = arith.cmpi ne, %and3A_860, %ne3A_862 : vector<16xi32>
        %mul3A_864 = arith.constant 16 : i32
        %mul3A_865 = arith.muli %add3A_845, %mul3A_864 : i32
        %add3A_866 = arith.addi %mul3A_2, %mul3A_865 : i32
        %iota3A_867 = tpu.iota {dimensions = array<i32: 0>} : vector<16xi32>
        %add3A_868 = vector.broadcast %add3A_866 : i32 to vector<16xi32>
        %add3A_869 = arith.addi %add3A_868, %iota3A_867 : vector<16xi32>
        %min3A_870 = arith.constant 112 : i32
        %min3A_871 = arith.minsi %add3A_841, %min3A_870 : i32
        %swap3A_872 = arith.index_cast %min3A_871 : i32 to index
        %swap3A_873 = tpu.vector_load %arg20[%swap3A_872] masked %ne3A_863 {strides = array<i32>} : memref<128xi32, #tpu.memory_space<vmem>>, vector<16xi32>, vector<16xi1>
        tpu.vector_store %arg20[%swap3A_872], %add3A_869 masked %ne3A_863 {strides = array<i32>} : memref<128xi32, #tpu.memory_space<vmem>>, vector<16xi32>, vector<16xi1>
        %swap3A_874 = arith.index_cast %min3A_871 : i32 to index
        %swap3A_875 = tpu.vector_load %arg21[%swap3A_874] masked %ne3A_863 {strides = array<i32>} : memref<128xi32, #tpu.memory_space<vmem>>, vector<16xi32>, vector<16xi1>
        tpu.vector_store %arg21[%swap3A_874], %get3A_849 masked %ne3A_863 {strides = array<i32>} : memref<128xi32, #tpu.memory_space<vmem>>, vector<16xi32>, vector<16xi1>
        %convert_element_type3A_876 = arith.extui %ne3A_863 : vector<16xi1> to vector<16xi32>
        %reduce_sum3A_877 = arith.constant true
        %reduce_sum3A_878 = vector.broadcast %reduce_sum3A_877 : i1 to vector<16xi1>
        %reduce_sum3A_879 = tpu.scan <sum>, %convert_element_type3A_876 masked %reduce_sum3A_878 : vector<16xi32>, vector<16xi1> -> vector<16xi32>
        %reduce_sum3A_880 = vector.extract %reduce_sum3A_879[15] : i32 from vector<16xi32>
        %add3A_881 = arith.addi %add3A_841, %reduce_sum3A_880 : i32
        %mul3A_882 = arith.constant 16 : i32
        %mul3A_883 = arith.muli %scan3A_398, %mul3A_882 : i32
        %add3A_884 = arith.constant 4 : i32
        %add3A_885 = arith.addi %mul3A_883, %add3A_884 : i32
        %mul3A_886 = arith.constant 16 : i32
        %mul3A_887 = arith.muli %add3A_885, %mul3A_886 : i32
        %get3A_888 = arith.index_cast %mul3A_887 : i32 to index
        %get3A_889 = tpu.vector_load %arg19[%get3A_888] {strides = array<i32>} : memref<32768xi32, #tpu.memory_space<vmem>>, vector<16xi32>,
        %shift_right_logical3A_890 = arith.constant 5 : i32
        %shift_right_logical3A_891 = vector.broadcast %shift_right_logical3A_890 : i32 to vector<16xi32>
        %shift_right_logical3A_892 = arith.shrui %get3A_889, %shift_right_logical3A_891 : vector<16xi32>
        %gather3A_893 = tpu.vector_load_idx %arg18[%shift_right_logical3A_892] : memref<31264xi32, #tpu.memory_space<vmem>>[vector<16xi32>], vector<16xi32>,
        %and3A_894 = arith.constant 31 : i32
        %and3A_895 = vector.broadcast %and3A_894 : i32 to vector<16xi32>
        %and3A_896 = arith.andi %get3A_889, %and3A_895 : vector<16xi32>
        %shift_right_logical3A_897 = arith.shrui %gather3A_893, %and3A_896 : vector<16xi32>
        %and3A_898 = arith.constant 1 : i32
        %and3A_899 = vector.broadcast %and3A_898 : i32 to vector<16xi32>
        %and3A_900 = arith.andi %shift_right_logical3A_897, %and3A_899 : vector<16xi32>
        %ne3A_901 = arith.constant 0 : i32
        %ne3A_902 = vector.broadcast %ne3A_901 : i32 to vector<16xi32>
        %ne3A_903 = arith.cmpi ne, %and3A_900, %ne3A_902 : vector<16xi32>
        %mul3A_904 = arith.constant 16 : i32
        %mul3A_905 = arith.muli %add3A_885, %mul3A_904 : i32
        %add3A_906 = arith.addi %mul3A_2, %mul3A_905 : i32
        %iota3A_907 = tpu.iota {dimensions = array<i32: 0>} : vector<16xi32>
        %add3A_908 = vector.broadcast %add3A_906 : i32 to vector<16xi32>
        %add3A_909 = arith.addi %add3A_908, %iota3A_907 : vector<16xi32>
        %min3A_910 = arith.constant 112 : i32
        %min3A_911 = arith.minsi %add3A_881, %min3A_910 : i32
        %swap3A_912 = arith.index_cast %min3A_911 : i32 to index
        %swap3A_913 = tpu.vector_load %arg20[%swap3A_912] masked %ne3A_903 {strides = array<i32>} : memref<128xi32, #tpu.memory_space<vmem>>, vector<16xi32>, vector<16xi1>
        tpu.vector_store %arg20[%swap3A_912], %add3A_909 masked %ne3A_903 {strides = array<i32>} : memref<128xi32, #tpu.memory_space<vmem>>, vector<16xi32>, vector<16xi1>
        %swap3A_914 = arith.index_cast %min3A_911 : i32 to index
        %swap3A_915 = tpu.vector_load %arg21[%swap3A_914] masked %ne3A_903 {strides = array<i32>} : memref<128xi32, #tpu.memory_space<vmem>>, vector<16xi32>, vector<16xi1>
        tpu.vector_store %arg21[%swap3A_914], %get3A_889 masked %ne3A_903 {strides = array<i32>} : memref<128xi32, #tpu.memory_space<vmem>>, vector<16xi32>, vector<16xi1>
        %convert_element_type3A_916 = arith.extui %ne3A_903 : vector<16xi1> to vector<16xi32>
        %reduce_sum3A_917 = arith.constant true
        %reduce_sum3A_918 = vector.broadcast %reduce_sum3A_917 : i1 to vector<16xi1>
        %reduce_sum3A_919 = tpu.scan <sum>, %convert_element_type3A_916 masked %reduce_sum3A_918 : vector<16xi32>, vector<16xi1> -> vector<16xi32>
        %reduce_sum3A_920 = vector.extract %reduce_sum3A_919[15] : i32 from vector<16xi32>
        %add3A_921 = arith.addi %add3A_881, %reduce_sum3A_920 : i32
        %mul3A_922 = arith.constant 16 : i32
        %mul3A_923 = arith.muli %scan3A_398, %mul3A_922 : i32
        %add3A_924 = arith.constant 5 : i32
        %add3A_925 = arith.addi %mul3A_923, %add3A_924 : i32
        %mul3A_926 = arith.constant 16 : i32
        %mul3A_927 = arith.muli %add3A_925, %mul3A_926 : i32
        %get3A_928 = arith.index_cast %mul3A_927 : i32 to index
        %get3A_929 = tpu.vector_load %arg19[%get3A_928] {strides = array<i32>} : memref<32768xi32, #tpu.memory_space<vmem>>, vector<16xi32>,
        %shift_right_logical3A_930 = arith.constant 5 : i32
        %shift_right_logical3A_931 = vector.broadcast %shift_right_logical3A_930 : i32 to vector<16xi32>
        %shift_right_logical3A_932 = arith.shrui %get3A_929, %shift_right_logical3A_931 : vector<16xi32>
        %gather3A_933 = tpu.vector_load_idx %arg18[%shift_right_logical3A_932] : memref<31264xi32, #tpu.memory_space<vmem>>[vector<16xi32>], vector<16xi32>,
        %and3A_934 = arith.constant 31 : i32
        %and3A_935 = vector.broadcast %and3A_934 : i32 to vector<16xi32>
        %and3A_936 = arith.andi %get3A_929, %and3A_935 : vector<16xi32>
        %shift_right_logical3A_937 = arith.shrui %gather3A_933, %and3A_936 : vector<16xi32>
        %and3A_938 = arith.constant 1 : i32
        %and3A_939 = vector.broadcast %and3A_938 : i32 to vector<16xi32>
        %and3A_940 = arith.andi %shift_right_logical3A_937, %and3A_939 : vector<16xi32>
        %ne3A_941 = arith.constant 0 : i32
        %ne3A_942 = vector.broadcast %ne3A_941 : i32 to vector<16xi32>
        %ne3A_943 = arith.cmpi ne, %and3A_940, %ne3A_942 : vector<16xi32>
        %mul3A_944 = arith.constant 16 : i32
        %mul3A_945 = arith.muli %add3A_925, %mul3A_944 : i32
        %add3A_946 = arith.addi %mul3A_2, %mul3A_945 : i32
        %iota3A_947 = tpu.iota {dimensions = array<i32: 0>} : vector<16xi32>
        %add3A_948 = vector.broadcast %add3A_946 : i32 to vector<16xi32>
        %add3A_949 = arith.addi %add3A_948, %iota3A_947 : vector<16xi32>
        %min3A_950 = arith.constant 112 : i32
        %min3A_951 = arith.minsi %add3A_921, %min3A_950 : i32
        %swap3A_952 = arith.index_cast %min3A_951 : i32 to index
        %swap3A_953 = tpu.vector_load %arg20[%swap3A_952] masked %ne3A_943 {strides = array<i32>} : memref<128xi32, #tpu.memory_space<vmem>>, vector<16xi32>, vector<16xi1>
        tpu.vector_store %arg20[%swap3A_952], %add3A_949 masked %ne3A_943 {strides = array<i32>} : memref<128xi32, #tpu.memory_space<vmem>>, vector<16xi32>, vector<16xi1>
        %swap3A_954 = arith.index_cast %min3A_951 : i32 to index
        %swap3A_955 = tpu.vector_load %arg21[%swap3A_954] masked %ne3A_943 {strides = array<i32>} : memref<128xi32, #tpu.memory_space<vmem>>, vector<16xi32>, vector<16xi1>
        tpu.vector_store %arg21[%swap3A_954], %get3A_929 masked %ne3A_943 {strides = array<i32>} : memref<128xi32, #tpu.memory_space<vmem>>, vector<16xi32>, vector<16xi1>
        %convert_element_type3A_956 = arith.extui %ne3A_943 : vector<16xi1> to vector<16xi32>
        %reduce_sum3A_957 = arith.constant true
        %reduce_sum3A_958 = vector.broadcast %reduce_sum3A_957 : i1 to vector<16xi1>
        %reduce_sum3A_959 = tpu.scan <sum>, %convert_element_type3A_956 masked %reduce_sum3A_958 : vector<16xi32>, vector<16xi1> -> vector<16xi32>
        %reduce_sum3A_960 = vector.extract %reduce_sum3A_959[15] : i32 from vector<16xi32>
        %add3A_961 = arith.addi %add3A_921, %reduce_sum3A_960 : i32
        %mul3A_962 = arith.constant 16 : i32
        %mul3A_963 = arith.muli %scan3A_398, %mul3A_962 : i32
        %add3A_964 = arith.constant 6 : i32
        %add3A_965 = arith.addi %mul3A_963, %add3A_964 : i32
        %mul3A_966 = arith.constant 16 : i32
        %mul3A_967 = arith.muli %add3A_965, %mul3A_966 : i32
        %get3A_968 = arith.index_cast %mul3A_967 : i32 to index
        %get3A_969 = tpu.vector_load %arg19[%get3A_968] {strides = array<i32>} : memref<32768xi32, #tpu.memory_space<vmem>>, vector<16xi32>,
        %shift_right_logical3A_970 = arith.constant 5 : i32
        %shift_right_logical3A_971 = vector.broadcast %shift_right_logical3A_970 : i32 to vector<16xi32>
        %shift_right_logical3A_972 = arith.shrui %get3A_969, %shift_right_logical3A_971 : vector<16xi32>
        %gather3A_973 = tpu.vector_load_idx %arg18[%shift_right_logical3A_972] : memref<31264xi32, #tpu.memory_space<vmem>>[vector<16xi32>], vector<16xi32>,
        %and3A_974 = arith.constant 31 : i32
        %and3A_975 = vector.broadcast %and3A_974 : i32 to vector<16xi32>
        %and3A_976 = arith.andi %get3A_969, %and3A_975 : vector<16xi32>
        %shift_right_logical3A_977 = arith.shrui %gather3A_973, %and3A_976 : vector<16xi32>
        %and3A_978 = arith.constant 1 : i32
        %and3A_979 = vector.broadcast %and3A_978 : i32 to vector<16xi32>
        %and3A_980 = arith.andi %shift_right_logical3A_977, %and3A_979 : vector<16xi32>
        %ne3A_981 = arith.constant 0 : i32
        %ne3A_982 = vector.broadcast %ne3A_981 : i32 to vector<16xi32>
        %ne3A_983 = arith.cmpi ne, %and3A_980, %ne3A_982 : vector<16xi32>
        %mul3A_984 = arith.constant 16 : i32
        %mul3A_985 = arith.muli %add3A_965, %mul3A_984 : i32
        %add3A_986 = arith.addi %mul3A_2, %mul3A_985 : i32
        %iota3A_987 = tpu.iota {dimensions = array<i32: 0>} : vector<16xi32>
        %add3A_988 = vector.broadcast %add3A_986 : i32 to vector<16xi32>
        %add3A_989 = arith.addi %add3A_988, %iota3A_987 : vector<16xi32>
        %min3A_990 = arith.constant 112 : i32
        %min3A_991 = arith.minsi %add3A_961, %min3A_990 : i32
        %swap3A_992 = arith.index_cast %min3A_991 : i32 to index
        %swap3A_993 = tpu.vector_load %arg20[%swap3A_992] masked %ne3A_983 {strides = array<i32>} : memref<128xi32, #tpu.memory_space<vmem>>, vector<16xi32>, vector<16xi1>
        tpu.vector_store %arg20[%swap3A_992], %add3A_989 masked %ne3A_983 {strides = array<i32>} : memref<128xi32, #tpu.memory_space<vmem>>, vector<16xi32>, vector<16xi1>
        %swap3A_994 = arith.index_cast %min3A_991 : i32 to index
        %swap3A_995 = tpu.vector_load %arg21[%swap3A_994] masked %ne3A_983 {strides = array<i32>} : memref<128xi32, #tpu.memory_space<vmem>>, vector<16xi32>, vector<16xi1>
        tpu.vector_store %arg21[%swap3A_994], %get3A_969 masked %ne3A_983 {strides = array<i32>} : memref<128xi32, #tpu.memory_space<vmem>>, vector<16xi32>, vector<16xi1>
        %convert_element_type3A_996 = arith.extui %ne3A_983 : vector<16xi1> to vector<16xi32>
        %reduce_sum3A_997 = arith.constant true
        %reduce_sum3A_998 = vector.broadcast %reduce_sum3A_997 : i1 to vector<16xi1>
        %reduce_sum3A_999 = tpu.scan <sum>, %convert_element_type3A_996 masked %reduce_sum3A_998 : vector<16xi32>, vector<16xi1> -> vector<16xi32>
        %reduce_sum3A_1000 = vector.extract %reduce_sum3A_999[15] : i32 from vector<16xi32>
        %add3A_1001 = arith.addi %add3A_961, %reduce_sum3A_1000 : i32
        %mul3A_1002 = arith.constant 16 : i32
        %mul3A_1003 = arith.muli %scan3A_398, %mul3A_1002 : i32
        %add3A_1004 = arith.constant 7 : i32
        %add3A_1005 = arith.addi %mul3A_1003, %add3A_1004 : i32
        %mul3A_1006 = arith.constant 16 : i32
        %mul3A_1007 = arith.muli %add3A_1005, %mul3A_1006 : i32
        %get3A_1008 = arith.index_cast %mul3A_1007 : i32 to index
        %get3A_1009 = tpu.vector_load %arg19[%get3A_1008] {strides = array<i32>} : memref<32768xi32, #tpu.memory_space<vmem>>, vector<16xi32>,
        %shift_right_logical3A_1010 = arith.constant 5 : i32
        %shift_right_logical3A_1011 = vector.broadcast %shift_right_logical3A_1010 : i32 to vector<16xi32>
        %shift_right_logical3A_1012 = arith.shrui %get3A_1009, %shift_right_logical3A_1011 : vector<16xi32>
        %gather3A_1013 = tpu.vector_load_idx %arg18[%shift_right_logical3A_1012] : memref<31264xi32, #tpu.memory_space<vmem>>[vector<16xi32>], vector<16xi32>,
        %and3A_1014 = arith.constant 31 : i32
        %and3A_1015 = vector.broadcast %and3A_1014 : i32 to vector<16xi32>
        %and3A_1016 = arith.andi %get3A_1009, %and3A_1015 : vector<16xi32>
        %shift_right_logical3A_1017 = arith.shrui %gather3A_1013, %and3A_1016 : vector<16xi32>
        %and3A_1018 = arith.constant 1 : i32
        %and3A_1019 = vector.broadcast %and3A_1018 : i32 to vector<16xi32>
        %and3A_1020 = arith.andi %shift_right_logical3A_1017, %and3A_1019 : vector<16xi32>
        %ne3A_1021 = arith.constant 0 : i32
        %ne3A_1022 = vector.broadcast %ne3A_1021 : i32 to vector<16xi32>
        %ne3A_1023 = arith.cmpi ne, %and3A_1020, %ne3A_1022 : vector<16xi32>
        %mul3A_1024 = arith.constant 16 : i32
        %mul3A_1025 = arith.muli %add3A_1005, %mul3A_1024 : i32
        %add3A_1026 = arith.addi %mul3A_2, %mul3A_1025 : i32
        %iota3A_1027 = tpu.iota {dimensions = array<i32: 0>} : vector<16xi32>
        %add3A_1028 = vector.broadcast %add3A_1026 : i32 to vector<16xi32>
        %add3A_1029 = arith.addi %add3A_1028, %iota3A_1027 : vector<16xi32>
        %min3A_1030 = arith.constant 112 : i32
        %min3A_1031 = arith.minsi %add3A_1001, %min3A_1030 : i32
        %swap3A_1032 = arith.index_cast %min3A_1031 : i32 to index
        %swap3A_1033 = tpu.vector_load %arg20[%swap3A_1032] masked %ne3A_1023 {strides = array<i32>} : memref<128xi32, #tpu.memory_space<vmem>>, vector<16xi32>, vector<16xi1>
        tpu.vector_store %arg20[%swap3A_1032], %add3A_1029 masked %ne3A_1023 {strides = array<i32>} : memref<128xi32, #tpu.memory_space<vmem>>, vector<16xi32>, vector<16xi1>
        %swap3A_1034 = arith.index_cast %min3A_1031 : i32 to index
        %swap3A_1035 = tpu.vector_load %arg21[%swap3A_1034] masked %ne3A_1023 {strides = array<i32>} : memref<128xi32, #tpu.memory_space<vmem>>, vector<16xi32>, vector<16xi1>
        tpu.vector_store %arg21[%swap3A_1034], %get3A_1009 masked %ne3A_1023 {strides = array<i32>} : memref<128xi32, #tpu.memory_space<vmem>>, vector<16xi32>, vector<16xi1>
        %convert_element_type3A_1036 = arith.extui %ne3A_1023 : vector<16xi1> to vector<16xi32>
        %reduce_sum3A_1037 = arith.constant true
        %reduce_sum3A_1038 = vector.broadcast %reduce_sum3A_1037 : i1 to vector<16xi1>
        %reduce_sum3A_1039 = tpu.scan <sum>, %convert_element_type3A_1036 masked %reduce_sum3A_1038 : vector<16xi32>, vector<16xi1> -> vector<16xi32>
        %reduce_sum3A_1040 = vector.extract %reduce_sum3A_1039[15] : i32 from vector<16xi32>
        %add3A_1041 = arith.addi %add3A_1001, %reduce_sum3A_1040 : i32
        %mul3A_1042 = arith.constant 16 : i32
        %mul3A_1043 = arith.muli %scan3A_398, %mul3A_1042 : i32
        %add3A_1044 = arith.constant 8 : i32
        %add3A_1045 = arith.addi %mul3A_1043, %add3A_1044 : i32
        %mul3A_1046 = arith.constant 16 : i32
        %mul3A_1047 = arith.muli %add3A_1045, %mul3A_1046 : i32
        %get3A_1048 = arith.index_cast %mul3A_1047 : i32 to index
        %get3A_1049 = tpu.vector_load %arg19[%get3A_1048] {strides = array<i32>} : memref<32768xi32, #tpu.memory_space<vmem>>, vector<16xi32>,
        %shift_right_logical3A_1050 = arith.constant 5 : i32
        %shift_right_logical3A_1051 = vector.broadcast %shift_right_logical3A_1050 : i32 to vector<16xi32>
        %shift_right_logical3A_1052 = arith.shrui %get3A_1049, %shift_right_logical3A_1051 : vector<16xi32>
        %gather3A_1053 = tpu.vector_load_idx %arg18[%shift_right_logical3A_1052] : memref<31264xi32, #tpu.memory_space<vmem>>[vector<16xi32>], vector<16xi32>,
        %and3A_1054 = arith.constant 31 : i32
        %and3A_1055 = vector.broadcast %and3A_1054 : i32 to vector<16xi32>
        %and3A_1056 = arith.andi %get3A_1049, %and3A_1055 : vector<16xi32>
        %shift_right_logical3A_1057 = arith.shrui %gather3A_1053, %and3A_1056 : vector<16xi32>
        %and3A_1058 = arith.constant 1 : i32
        %and3A_1059 = vector.broadcast %and3A_1058 : i32 to vector<16xi32>
        %and3A_1060 = arith.andi %shift_right_logical3A_1057, %and3A_1059 : vector<16xi32>
        %ne3A_1061 = arith.constant 0 : i32
        %ne3A_1062 = vector.broadcast %ne3A_1061 : i32 to vector<16xi32>
        %ne3A_1063 = arith.cmpi ne, %and3A_1060, %ne3A_1062 : vector<16xi32>
        %mul3A_1064 = arith.constant 16 : i32
        %mul3A_1065 = arith.muli %add3A_1045, %mul3A_1064 : i32
        %add3A_1066 = arith.addi %mul3A_2, %mul3A_1065 : i32
        %iota3A_1067 = tpu.iota {dimensions = array<i32: 0>} : vector<16xi32>
        %add3A_1068 = vector.broadcast %add3A_1066 : i32 to vector<16xi32>
        %add3A_1069 = arith.addi %add3A_1068, %iota3A_1067 : vector<16xi32>
        %min3A_1070 = arith.constant 112 : i32
        %min3A_1071 = arith.minsi %add3A_1041, %min3A_1070 : i32
        %swap3A_1072 = arith.index_cast %min3A_1071 : i32 to index
        %swap3A_1073 = tpu.vector_load %arg20[%swap3A_1072] masked %ne3A_1063 {strides = array<i32>} : memref<128xi32, #tpu.memory_space<vmem>>, vector<16xi32>, vector<16xi1>
        tpu.vector_store %arg20[%swap3A_1072], %add3A_1069 masked %ne3A_1063 {strides = array<i32>} : memref<128xi32, #tpu.memory_space<vmem>>, vector<16xi32>, vector<16xi1>
        %swap3A_1074 = arith.index_cast %min3A_1071 : i32 to index
        %swap3A_1075 = tpu.vector_load %arg21[%swap3A_1074] masked %ne3A_1063 {strides = array<i32>} : memref<128xi32, #tpu.memory_space<vmem>>, vector<16xi32>, vector<16xi1>
        tpu.vector_store %arg21[%swap3A_1074], %get3A_1049 masked %ne3A_1063 {strides = array<i32>} : memref<128xi32, #tpu.memory_space<vmem>>, vector<16xi32>, vector<16xi1>
        %convert_element_type3A_1076 = arith.extui %ne3A_1063 : vector<16xi1> to vector<16xi32>
        %reduce_sum3A_1077 = arith.constant true
        %reduce_sum3A_1078 = vector.broadcast %reduce_sum3A_1077 : i1 to vector<16xi1>
        %reduce_sum3A_1079 = tpu.scan <sum>, %convert_element_type3A_1076 masked %reduce_sum3A_1078 : vector<16xi32>, vector<16xi1> -> vector<16xi32>
        %reduce_sum3A_1080 = vector.extract %reduce_sum3A_1079[15] : i32 from vector<16xi32>
        %add3A_1081 = arith.addi %add3A_1041, %reduce_sum3A_1080 : i32
        %mul3A_1082 = arith.constant 16 : i32
        %mul3A_1083 = arith.muli %scan3A_398, %mul3A_1082 : i32
        %add3A_1084 = arith.constant 9 : i32
        %add3A_1085 = arith.addi %mul3A_1083, %add3A_1084 : i32
        %mul3A_1086 = arith.constant 16 : i32
        %mul3A_1087 = arith.muli %add3A_1085, %mul3A_1086 : i32
        %get3A_1088 = arith.index_cast %mul3A_1087 : i32 to index
        %get3A_1089 = tpu.vector_load %arg19[%get3A_1088] {strides = array<i32>} : memref<32768xi32, #tpu.memory_space<vmem>>, vector<16xi32>,
        %shift_right_logical3A_1090 = arith.constant 5 : i32
        %shift_right_logical3A_1091 = vector.broadcast %shift_right_logical3A_1090 : i32 to vector<16xi32>
        %shift_right_logical3A_1092 = arith.shrui %get3A_1089, %shift_right_logical3A_1091 : vector<16xi32>
        %gather3A_1093 = tpu.vector_load_idx %arg18[%shift_right_logical3A_1092] : memref<31264xi32, #tpu.memory_space<vmem>>[vector<16xi32>], vector<16xi32>,
        %and3A_1094 = arith.constant 31 : i32
        %and3A_1095 = vector.broadcast %and3A_1094 : i32 to vector<16xi32>
        %and3A_1096 = arith.andi %get3A_1089, %and3A_1095 : vector<16xi32>
        %shift_right_logical3A_1097 = arith.shrui %gather3A_1093, %and3A_1096 : vector<16xi32>
        %and3A_1098 = arith.constant 1 : i32
        %and3A_1099 = vector.broadcast %and3A_1098 : i32 to vector<16xi32>
        %and3A_1100 = arith.andi %shift_right_logical3A_1097, %and3A_1099 : vector<16xi32>
        %ne3A_1101 = arith.constant 0 : i32
        %ne3A_1102 = vector.broadcast %ne3A_1101 : i32 to vector<16xi32>
        %ne3A_1103 = arith.cmpi ne, %and3A_1100, %ne3A_1102 : vector<16xi32>
        %mul3A_1104 = arith.constant 16 : i32
        %mul3A_1105 = arith.muli %add3A_1085, %mul3A_1104 : i32
        %add3A_1106 = arith.addi %mul3A_2, %mul3A_1105 : i32
        %iota3A_1107 = tpu.iota {dimensions = array<i32: 0>} : vector<16xi32>
        %add3A_1108 = vector.broadcast %add3A_1106 : i32 to vector<16xi32>
        %add3A_1109 = arith.addi %add3A_1108, %iota3A_1107 : vector<16xi32>
        %min3A_1110 = arith.constant 112 : i32
        %min3A_1111 = arith.minsi %add3A_1081, %min3A_1110 : i32
        %swap3A_1112 = arith.index_cast %min3A_1111 : i32 to index
        %swap3A_1113 = tpu.vector_load %arg20[%swap3A_1112] masked %ne3A_1103 {strides = array<i32>} : memref<128xi32, #tpu.memory_space<vmem>>, vector<16xi32>, vector<16xi1>
        tpu.vector_store %arg20[%swap3A_1112], %add3A_1109 masked %ne3A_1103 {strides = array<i32>} : memref<128xi32, #tpu.memory_space<vmem>>, vector<16xi32>, vector<16xi1>
        %swap3A_1114 = arith.index_cast %min3A_1111 : i32 to index
        %swap3A_1115 = tpu.vector_load %arg21[%swap3A_1114] masked %ne3A_1103 {strides = array<i32>} : memref<128xi32, #tpu.memory_space<vmem>>, vector<16xi32>, vector<16xi1>
        tpu.vector_store %arg21[%swap3A_1114], %get3A_1089 masked %ne3A_1103 {strides = array<i32>} : memref<128xi32, #tpu.memory_space<vmem>>, vector<16xi32>, vector<16xi1>
        %convert_element_type3A_1116 = arith.extui %ne3A_1103 : vector<16xi1> to vector<16xi32>
        %reduce_sum3A_1117 = arith.constant true
        %reduce_sum3A_1118 = vector.broadcast %reduce_sum3A_1117 : i1 to vector<16xi1>
        %reduce_sum3A_1119 = tpu.scan <sum>, %convert_element_type3A_1116 masked %reduce_sum3A_1118 : vector<16xi32>, vector<16xi1> -> vector<16xi32>
        %reduce_sum3A_1120 = vector.extract %reduce_sum3A_1119[15] : i32 from vector<16xi32>
        %add3A_1121 = arith.addi %add3A_1081, %reduce_sum3A_1120 : i32
        %mul3A_1122 = arith.constant 16 : i32
        %mul3A_1123 = arith.muli %scan3A_398, %mul3A_1122 : i32
        %add3A_1124 = arith.constant 10 : i32
        %add3A_1125 = arith.addi %mul3A_1123, %add3A_1124 : i32
        %mul3A_1126 = arith.constant 16 : i32
        %mul3A_1127 = arith.muli %add3A_1125, %mul3A_1126 : i32
        %get3A_1128 = arith.index_cast %mul3A_1127 : i32 to index
        %get3A_1129 = tpu.vector_load %arg19[%get3A_1128] {strides = array<i32>} : memref<32768xi32, #tpu.memory_space<vmem>>, vector<16xi32>,
        %shift_right_logical3A_1130 = arith.constant 5 : i32
        %shift_right_logical3A_1131 = vector.broadcast %shift_right_logical3A_1130 : i32 to vector<16xi32>
        %shift_right_logical3A_1132 = arith.shrui %get3A_1129, %shift_right_logical3A_1131 : vector<16xi32>
        %gather3A_1133 = tpu.vector_load_idx %arg18[%shift_right_logical3A_1132] : memref<31264xi32, #tpu.memory_space<vmem>>[vector<16xi32>], vector<16xi32>,
        %and3A_1134 = arith.constant 31 : i32
        %and3A_1135 = vector.broadcast %and3A_1134 : i32 to vector<16xi32>
        %and3A_1136 = arith.andi %get3A_1129, %and3A_1135 : vector<16xi32>
        %shift_right_logical3A_1137 = arith.shrui %gather3A_1133, %and3A_1136 : vector<16xi32>
        %and3A_1138 = arith.constant 1 : i32
        %and3A_1139 = vector.broadcast %and3A_1138 : i32 to vector<16xi32>
        %and3A_1140 = arith.andi %shift_right_logical3A_1137, %and3A_1139 : vector<16xi32>
        %ne3A_1141 = arith.constant 0 : i32
        %ne3A_1142 = vector.broadcast %ne3A_1141 : i32 to vector<16xi32>
        %ne3A_1143 = arith.cmpi ne, %and3A_1140, %ne3A_1142 : vector<16xi32>
        %mul3A_1144 = arith.constant 16 : i32
        %mul3A_1145 = arith.muli %add3A_1125, %mul3A_1144 : i32
        %add3A_1146 = arith.addi %mul3A_2, %mul3A_1145 : i32
        %iota3A_1147 = tpu.iota {dimensions = array<i32: 0>} : vector<16xi32>
        %add3A_1148 = vector.broadcast %add3A_1146 : i32 to vector<16xi32>
        %add3A_1149 = arith.addi %add3A_1148, %iota3A_1147 : vector<16xi32>
        %min3A_1150 = arith.constant 112 : i32
        %min3A_1151 = arith.minsi %add3A_1121, %min3A_1150 : i32
        %swap3A_1152 = arith.index_cast %min3A_1151 : i32 to index
        %swap3A_1153 = tpu.vector_load %arg20[%swap3A_1152] masked %ne3A_1143 {strides = array<i32>} : memref<128xi32, #tpu.memory_space<vmem>>, vector<16xi32>, vector<16xi1>
        tpu.vector_store %arg20[%swap3A_1152], %add3A_1149 masked %ne3A_1143 {strides = array<i32>} : memref<128xi32, #tpu.memory_space<vmem>>, vector<16xi32>, vector<16xi1>
        %swap3A_1154 = arith.index_cast %min3A_1151 : i32 to index
        %swap3A_1155 = tpu.vector_load %arg21[%swap3A_1154] masked %ne3A_1143 {strides = array<i32>} : memref<128xi32, #tpu.memory_space<vmem>>, vector<16xi32>, vector<16xi1>
        tpu.vector_store %arg21[%swap3A_1154], %get3A_1129 masked %ne3A_1143 {strides = array<i32>} : memref<128xi32, #tpu.memory_space<vmem>>, vector<16xi32>, vector<16xi1>
        %convert_element_type3A_1156 = arith.extui %ne3A_1143 : vector<16xi1> to vector<16xi32>
        %reduce_sum3A_1157 = arith.constant true
        %reduce_sum3A_1158 = vector.broadcast %reduce_sum3A_1157 : i1 to vector<16xi1>
        %reduce_sum3A_1159 = tpu.scan <sum>, %convert_element_type3A_1156 masked %reduce_sum3A_1158 : vector<16xi32>, vector<16xi1> -> vector<16xi32>
        %reduce_sum3A_1160 = vector.extract %reduce_sum3A_1159[15] : i32 from vector<16xi32>
        %add3A_1161 = arith.addi %add3A_1121, %reduce_sum3A_1160 : i32
        %mul3A_1162 = arith.constant 16 : i32
        %mul3A_1163 = arith.muli %scan3A_398, %mul3A_1162 : i32
        %add3A_1164 = arith.constant 11 : i32
        %add3A_1165 = arith.addi %mul3A_1163, %add3A_1164 : i32
        %mul3A_1166 = arith.constant 16 : i32
        %mul3A_1167 = arith.muli %add3A_1165, %mul3A_1166 : i32
        %get3A_1168 = arith.index_cast %mul3A_1167 : i32 to index
        %get3A_1169 = tpu.vector_load %arg19[%get3A_1168] {strides = array<i32>} : memref<32768xi32, #tpu.memory_space<vmem>>, vector<16xi32>,
        %shift_right_logical3A_1170 = arith.constant 5 : i32
        %shift_right_logical3A_1171 = vector.broadcast %shift_right_logical3A_1170 : i32 to vector<16xi32>
        %shift_right_logical3A_1172 = arith.shrui %get3A_1169, %shift_right_logical3A_1171 : vector<16xi32>
        %gather3A_1173 = tpu.vector_load_idx %arg18[%shift_right_logical3A_1172] : memref<31264xi32, #tpu.memory_space<vmem>>[vector<16xi32>], vector<16xi32>,
        %and3A_1174 = arith.constant 31 : i32
        %and3A_1175 = vector.broadcast %and3A_1174 : i32 to vector<16xi32>
        %and3A_1176 = arith.andi %get3A_1169, %and3A_1175 : vector<16xi32>
        %shift_right_logical3A_1177 = arith.shrui %gather3A_1173, %and3A_1176 : vector<16xi32>
        %and3A_1178 = arith.constant 1 : i32
        %and3A_1179 = vector.broadcast %and3A_1178 : i32 to vector<16xi32>
        %and3A_1180 = arith.andi %shift_right_logical3A_1177, %and3A_1179 : vector<16xi32>
        %ne3A_1181 = arith.constant 0 : i32
        %ne3A_1182 = vector.broadcast %ne3A_1181 : i32 to vector<16xi32>
        %ne3A_1183 = arith.cmpi ne, %and3A_1180, %ne3A_1182 : vector<16xi32>
        %mul3A_1184 = arith.constant 16 : i32
        %mul3A_1185 = arith.muli %add3A_1165, %mul3A_1184 : i32
        %add3A_1186 = arith.addi %mul3A_2, %mul3A_1185 : i32
        %iota3A_1187 = tpu.iota {dimensions = array<i32: 0>} : vector<16xi32>
        %add3A_1188 = vector.broadcast %add3A_1186 : i32 to vector<16xi32>
        %add3A_1189 = arith.addi %add3A_1188, %iota3A_1187 : vector<16xi32>
        %min3A_1190 = arith.constant 112 : i32
        %min3A_1191 = arith.minsi %add3A_1161, %min3A_1190 : i32
        %swap3A_1192 = arith.index_cast %min3A_1191 : i32 to index
        %swap3A_1193 = tpu.vector_load %arg20[%swap3A_1192] masked %ne3A_1183 {strides = array<i32>} : memref<128xi32, #tpu.memory_space<vmem>>, vector<16xi32>, vector<16xi1>
        tpu.vector_store %arg20[%swap3A_1192], %add3A_1189 masked %ne3A_1183 {strides = array<i32>} : memref<128xi32, #tpu.memory_space<vmem>>, vector<16xi32>, vector<16xi1>
        %swap3A_1194 = arith.index_cast %min3A_1191 : i32 to index
        %swap3A_1195 = tpu.vector_load %arg21[%swap3A_1194] masked %ne3A_1183 {strides = array<i32>} : memref<128xi32, #tpu.memory_space<vmem>>, vector<16xi32>, vector<16xi1>
        tpu.vector_store %arg21[%swap3A_1194], %get3A_1169 masked %ne3A_1183 {strides = array<i32>} : memref<128xi32, #tpu.memory_space<vmem>>, vector<16xi32>, vector<16xi1>
        %convert_element_type3A_1196 = arith.extui %ne3A_1183 : vector<16xi1> to vector<16xi32>
        %reduce_sum3A_1197 = arith.constant true
        %reduce_sum3A_1198 = vector.broadcast %reduce_sum3A_1197 : i1 to vector<16xi1>
        %reduce_sum3A_1199 = tpu.scan <sum>, %convert_element_type3A_1196 masked %reduce_sum3A_1198 : vector<16xi32>, vector<16xi1> -> vector<16xi32>
        %reduce_sum3A_1200 = vector.extract %reduce_sum3A_1199[15] : i32 from vector<16xi32>
        %add3A_1201 = arith.addi %add3A_1161, %reduce_sum3A_1200 : i32
        %mul3A_1202 = arith.constant 16 : i32
        %mul3A_1203 = arith.muli %scan3A_398, %mul3A_1202 : i32
        %add3A_1204 = arith.constant 12 : i32
        %add3A_1205 = arith.addi %mul3A_1203, %add3A_1204 : i32
        %mul3A_1206 = arith.constant 16 : i32
        %mul3A_1207 = arith.muli %add3A_1205, %mul3A_1206 : i32
        %get3A_1208 = arith.index_cast %mul3A_1207 : i32 to index
        %get3A_1209 = tpu.vector_load %arg19[%get3A_1208] {strides = array<i32>} : memref<32768xi32, #tpu.memory_space<vmem>>, vector<16xi32>,
        %shift_right_logical3A_1210 = arith.constant 5 : i32
        %shift_right_logical3A_1211 = vector.broadcast %shift_right_logical3A_1210 : i32 to vector<16xi32>
        %shift_right_logical3A_1212 = arith.shrui %get3A_1209, %shift_right_logical3A_1211 : vector<16xi32>
        %gather3A_1213 = tpu.vector_load_idx %arg18[%shift_right_logical3A_1212] : memref<31264xi32, #tpu.memory_space<vmem>>[vector<16xi32>], vector<16xi32>,
        %and3A_1214 = arith.constant 31 : i32
        %and3A_1215 = vector.broadcast %and3A_1214 : i32 to vector<16xi32>
        %and3A_1216 = arith.andi %get3A_1209, %and3A_1215 : vector<16xi32>
        %shift_right_logical3A_1217 = arith.shrui %gather3A_1213, %and3A_1216 : vector<16xi32>
        %and3A_1218 = arith.constant 1 : i32
        %and3A_1219 = vector.broadcast %and3A_1218 : i32 to vector<16xi32>
        %and3A_1220 = arith.andi %shift_right_logical3A_1217, %and3A_1219 : vector<16xi32>
        %ne3A_1221 = arith.constant 0 : i32
        %ne3A_1222 = vector.broadcast %ne3A_1221 : i32 to vector<16xi32>
        %ne3A_1223 = arith.cmpi ne, %and3A_1220, %ne3A_1222 : vector<16xi32>
        %mul3A_1224 = arith.constant 16 : i32
        %mul3A_1225 = arith.muli %add3A_1205, %mul3A_1224 : i32
        %add3A_1226 = arith.addi %mul3A_2, %mul3A_1225 : i32
        %iota3A_1227 = tpu.iota {dimensions = array<i32: 0>} : vector<16xi32>
        %add3A_1228 = vector.broadcast %add3A_1226 : i32 to vector<16xi32>
        %add3A_1229 = arith.addi %add3A_1228, %iota3A_1227 : vector<16xi32>
        %min3A_1230 = arith.constant 112 : i32
        %min3A_1231 = arith.minsi %add3A_1201, %min3A_1230 : i32
        %swap3A_1232 = arith.index_cast %min3A_1231 : i32 to index
        %swap3A_1233 = tpu.vector_load %arg20[%swap3A_1232] masked %ne3A_1223 {strides = array<i32>} : memref<128xi32, #tpu.memory_space<vmem>>, vector<16xi32>, vector<16xi1>
        tpu.vector_store %arg20[%swap3A_1232], %add3A_1229 masked %ne3A_1223 {strides = array<i32>} : memref<128xi32, #tpu.memory_space<vmem>>, vector<16xi32>, vector<16xi1>
        %swap3A_1234 = arith.index_cast %min3A_1231 : i32 to index
        %swap3A_1235 = tpu.vector_load %arg21[%swap3A_1234] masked %ne3A_1223 {strides = array<i32>} : memref<128xi32, #tpu.memory_space<vmem>>, vector<16xi32>, vector<16xi1>
        tpu.vector_store %arg21[%swap3A_1234], %get3A_1209 masked %ne3A_1223 {strides = array<i32>} : memref<128xi32, #tpu.memory_space<vmem>>, vector<16xi32>, vector<16xi1>
        %convert_element_type3A_1236 = arith.extui %ne3A_1223 : vector<16xi1> to vector<16xi32>
        %reduce_sum3A_1237 = arith.constant true
        %reduce_sum3A_1238 = vector.broadcast %reduce_sum3A_1237 : i1 to vector<16xi1>
        %reduce_sum3A_1239 = tpu.scan <sum>, %convert_element_type3A_1236 masked %reduce_sum3A_1238 : vector<16xi32>, vector<16xi1> -> vector<16xi32>
        %reduce_sum3A_1240 = vector.extract %reduce_sum3A_1239[15] : i32 from vector<16xi32>
        %add3A_1241 = arith.addi %add3A_1201, %reduce_sum3A_1240 : i32
        %mul3A_1242 = arith.constant 16 : i32
        %mul3A_1243 = arith.muli %scan3A_398, %mul3A_1242 : i32
        %add3A_1244 = arith.constant 13 : i32
        %add3A_1245 = arith.addi %mul3A_1243, %add3A_1244 : i32
        %mul3A_1246 = arith.constant 16 : i32
        %mul3A_1247 = arith.muli %add3A_1245, %mul3A_1246 : i32
        %get3A_1248 = arith.index_cast %mul3A_1247 : i32 to index
        %get3A_1249 = tpu.vector_load %arg19[%get3A_1248] {strides = array<i32>} : memref<32768xi32, #tpu.memory_space<vmem>>, vector<16xi32>,
        %shift_right_logical3A_1250 = arith.constant 5 : i32
        %shift_right_logical3A_1251 = vector.broadcast %shift_right_logical3A_1250 : i32 to vector<16xi32>
        %shift_right_logical3A_1252 = arith.shrui %get3A_1249, %shift_right_logical3A_1251 : vector<16xi32>
        %gather3A_1253 = tpu.vector_load_idx %arg18[%shift_right_logical3A_1252] : memref<31264xi32, #tpu.memory_space<vmem>>[vector<16xi32>], vector<16xi32>,
        %and3A_1254 = arith.constant 31 : i32
        %and3A_1255 = vector.broadcast %and3A_1254 : i32 to vector<16xi32>
        %and3A_1256 = arith.andi %get3A_1249, %and3A_1255 : vector<16xi32>
        %shift_right_logical3A_1257 = arith.shrui %gather3A_1253, %and3A_1256 : vector<16xi32>
        %and3A_1258 = arith.constant 1 : i32
        %and3A_1259 = vector.broadcast %and3A_1258 : i32 to vector<16xi32>
        %and3A_1260 = arith.andi %shift_right_logical3A_1257, %and3A_1259 : vector<16xi32>
        %ne3A_1261 = arith.constant 0 : i32
        %ne3A_1262 = vector.broadcast %ne3A_1261 : i32 to vector<16xi32>
        %ne3A_1263 = arith.cmpi ne, %and3A_1260, %ne3A_1262 : vector<16xi32>
        %mul3A_1264 = arith.constant 16 : i32
        %mul3A_1265 = arith.muli %add3A_1245, %mul3A_1264 : i32
        %add3A_1266 = arith.addi %mul3A_2, %mul3A_1265 : i32
        %iota3A_1267 = tpu.iota {dimensions = array<i32: 0>} : vector<16xi32>
        %add3A_1268 = vector.broadcast %add3A_1266 : i32 to vector<16xi32>
        %add3A_1269 = arith.addi %add3A_1268, %iota3A_1267 : vector<16xi32>
        %min3A_1270 = arith.constant 112 : i32
        %min3A_1271 = arith.minsi %add3A_1241, %min3A_1270 : i32
        %swap3A_1272 = arith.index_cast %min3A_1271 : i32 to index
        %swap3A_1273 = tpu.vector_load %arg20[%swap3A_1272] masked %ne3A_1263 {strides = array<i32>} : memref<128xi32, #tpu.memory_space<vmem>>, vector<16xi32>, vector<16xi1>
        tpu.vector_store %arg20[%swap3A_1272], %add3A_1269 masked %ne3A_1263 {strides = array<i32>} : memref<128xi32, #tpu.memory_space<vmem>>, vector<16xi32>, vector<16xi1>
        %swap3A_1274 = arith.index_cast %min3A_1271 : i32 to index
        %swap3A_1275 = tpu.vector_load %arg21[%swap3A_1274] masked %ne3A_1263 {strides = array<i32>} : memref<128xi32, #tpu.memory_space<vmem>>, vector<16xi32>, vector<16xi1>
        tpu.vector_store %arg21[%swap3A_1274], %get3A_1249 masked %ne3A_1263 {strides = array<i32>} : memref<128xi32, #tpu.memory_space<vmem>>, vector<16xi32>, vector<16xi1>
        %convert_element_type3A_1276 = arith.extui %ne3A_1263 : vector<16xi1> to vector<16xi32>
        %reduce_sum3A_1277 = arith.constant true
        %reduce_sum3A_1278 = vector.broadcast %reduce_sum3A_1277 : i1 to vector<16xi1>
        %reduce_sum3A_1279 = tpu.scan <sum>, %convert_element_type3A_1276 masked %reduce_sum3A_1278 : vector<16xi32>, vector<16xi1> -> vector<16xi32>
        %reduce_sum3A_1280 = vector.extract %reduce_sum3A_1279[15] : i32 from vector<16xi32>
        %add3A_1281 = arith.addi %add3A_1241, %reduce_sum3A_1280 : i32
        %mul3A_1282 = arith.constant 16 : i32
        %mul3A_1283 = arith.muli %scan3A_398, %mul3A_1282 : i32
        %add3A_1284 = arith.constant 14 : i32
        %add3A_1285 = arith.addi %mul3A_1283, %add3A_1284 : i32
        %mul3A_1286 = arith.constant 16 : i32
        %mul3A_1287 = arith.muli %add3A_1285, %mul3A_1286 : i32
        %get3A_1288 = arith.index_cast %mul3A_1287 : i32 to index
        %get3A_1289 = tpu.vector_load %arg19[%get3A_1288] {strides = array<i32>} : memref<32768xi32, #tpu.memory_space<vmem>>, vector<16xi32>,
        %shift_right_logical3A_1290 = arith.constant 5 : i32
        %shift_right_logical3A_1291 = vector.broadcast %shift_right_logical3A_1290 : i32 to vector<16xi32>
        %shift_right_logical3A_1292 = arith.shrui %get3A_1289, %shift_right_logical3A_1291 : vector<16xi32>
        %gather3A_1293 = tpu.vector_load_idx %arg18[%shift_right_logical3A_1292] : memref<31264xi32, #tpu.memory_space<vmem>>[vector<16xi32>], vector<16xi32>,
        %and3A_1294 = arith.constant 31 : i32
        %and3A_1295 = vector.broadcast %and3A_1294 : i32 to vector<16xi32>
        %and3A_1296 = arith.andi %get3A_1289, %and3A_1295 : vector<16xi32>
        %shift_right_logical3A_1297 = arith.shrui %gather3A_1293, %and3A_1296 : vector<16xi32>
        %and3A_1298 = arith.constant 1 : i32
        %and3A_1299 = vector.broadcast %and3A_1298 : i32 to vector<16xi32>
        %and3A_1300 = arith.andi %shift_right_logical3A_1297, %and3A_1299 : vector<16xi32>
        %ne3A_1301 = arith.constant 0 : i32
        %ne3A_1302 = vector.broadcast %ne3A_1301 : i32 to vector<16xi32>
        %ne3A_1303 = arith.cmpi ne, %and3A_1300, %ne3A_1302 : vector<16xi32>
        %mul3A_1304 = arith.constant 16 : i32
        %mul3A_1305 = arith.muli %add3A_1285, %mul3A_1304 : i32
        %add3A_1306 = arith.addi %mul3A_2, %mul3A_1305 : i32
        %iota3A_1307 = tpu.iota {dimensions = array<i32: 0>} : vector<16xi32>
        %add3A_1308 = vector.broadcast %add3A_1306 : i32 to vector<16xi32>
        %add3A_1309 = arith.addi %add3A_1308, %iota3A_1307 : vector<16xi32>
        %min3A_1310 = arith.constant 112 : i32
        %min3A_1311 = arith.minsi %add3A_1281, %min3A_1310 : i32
        %swap3A_1312 = arith.index_cast %min3A_1311 : i32 to index
        %swap3A_1313 = tpu.vector_load %arg20[%swap3A_1312] masked %ne3A_1303 {strides = array<i32>} : memref<128xi32, #tpu.memory_space<vmem>>, vector<16xi32>, vector<16xi1>
        tpu.vector_store %arg20[%swap3A_1312], %add3A_1309 masked %ne3A_1303 {strides = array<i32>} : memref<128xi32, #tpu.memory_space<vmem>>, vector<16xi32>, vector<16xi1>
        %swap3A_1314 = arith.index_cast %min3A_1311 : i32 to index
        %swap3A_1315 = tpu.vector_load %arg21[%swap3A_1314] masked %ne3A_1303 {strides = array<i32>} : memref<128xi32, #tpu.memory_space<vmem>>, vector<16xi32>, vector<16xi1>
        tpu.vector_store %arg21[%swap3A_1314], %get3A_1289 masked %ne3A_1303 {strides = array<i32>} : memref<128xi32, #tpu.memory_space<vmem>>, vector<16xi32>, vector<16xi1>
        %convert_element_type3A_1316 = arith.extui %ne3A_1303 : vector<16xi1> to vector<16xi32>
        %reduce_sum3A_1317 = arith.constant true
        %reduce_sum3A_1318 = vector.broadcast %reduce_sum3A_1317 : i1 to vector<16xi1>
        %reduce_sum3A_1319 = tpu.scan <sum>, %convert_element_type3A_1316 masked %reduce_sum3A_1318 : vector<16xi32>, vector<16xi1> -> vector<16xi32>
        %reduce_sum3A_1320 = vector.extract %reduce_sum3A_1319[15] : i32 from vector<16xi32>
        %add3A_1321 = arith.addi %add3A_1281, %reduce_sum3A_1320 : i32
        %mul3A_1322 = arith.constant 16 : i32
        %mul3A_1323 = arith.muli %scan3A_398, %mul3A_1322 : i32
        %add3A_1324 = arith.constant 15 : i32
        %add3A_1325 = arith.addi %mul3A_1323, %add3A_1324 : i32
        %mul3A_1326 = arith.constant 16 : i32
        %mul3A_1327 = arith.muli %add3A_1325, %mul3A_1326 : i32
        %get3A_1328 = arith.index_cast %mul3A_1327 : i32 to index
        %get3A_1329 = tpu.vector_load %arg19[%get3A_1328] {strides = array<i32>} : memref<32768xi32, #tpu.memory_space<vmem>>, vector<16xi32>,
        %shift_right_logical3A_1330 = arith.constant 5 : i32
        %shift_right_logical3A_1331 = vector.broadcast %shift_right_logical3A_1330 : i32 to vector<16xi32>
        %shift_right_logical3A_1332 = arith.shrui %get3A_1329, %shift_right_logical3A_1331 : vector<16xi32>
        %gather3A_1333 = tpu.vector_load_idx %arg18[%shift_right_logical3A_1332] : memref<31264xi32, #tpu.memory_space<vmem>>[vector<16xi32>], vector<16xi32>,
        %and3A_1334 = arith.constant 31 : i32
        %and3A_1335 = vector.broadcast %and3A_1334 : i32 to vector<16xi32>
        %and3A_1336 = arith.andi %get3A_1329, %and3A_1335 : vector<16xi32>
        %shift_right_logical3A_1337 = arith.shrui %gather3A_1333, %and3A_1336 : vector<16xi32>
        %and3A_1338 = arith.constant 1 : i32
        %and3A_1339 = vector.broadcast %and3A_1338 : i32 to vector<16xi32>
        %and3A_1340 = arith.andi %shift_right_logical3A_1337, %and3A_1339 : vector<16xi32>
        %ne3A_1341 = arith.constant 0 : i32
        %ne3A_1342 = vector.broadcast %ne3A_1341 : i32 to vector<16xi32>
        %ne3A_1343 = arith.cmpi ne, %and3A_1340, %ne3A_1342 : vector<16xi32>
        %mul3A_1344 = arith.constant 16 : i32
        %mul3A_1345 = arith.muli %add3A_1325, %mul3A_1344 : i32
        %add3A_1346 = arith.addi %mul3A_2, %mul3A_1345 : i32
        %iota3A_1347 = tpu.iota {dimensions = array<i32: 0>} : vector<16xi32>
        %add3A_1348 = vector.broadcast %add3A_1346 : i32 to vector<16xi32>
        %add3A_1349 = arith.addi %add3A_1348, %iota3A_1347 : vector<16xi32>
        %min3A_1350 = arith.constant 112 : i32
        %min3A_1351 = arith.minsi %add3A_1321, %min3A_1350 : i32
        %swap3A_1352 = arith.index_cast %min3A_1351 : i32 to index
        %swap3A_1353 = tpu.vector_load %arg20[%swap3A_1352] masked %ne3A_1343 {strides = array<i32>} : memref<128xi32, #tpu.memory_space<vmem>>, vector<16xi32>, vector<16xi1>
        tpu.vector_store %arg20[%swap3A_1352], %add3A_1349 masked %ne3A_1343 {strides = array<i32>} : memref<128xi32, #tpu.memory_space<vmem>>, vector<16xi32>, vector<16xi1>
        %swap3A_1354 = arith.index_cast %min3A_1351 : i32 to index
        %swap3A_1355 = tpu.vector_load %arg21[%swap3A_1354] masked %ne3A_1343 {strides = array<i32>} : memref<128xi32, #tpu.memory_space<vmem>>, vector<16xi32>, vector<16xi1>
        tpu.vector_store %arg21[%swap3A_1354], %get3A_1329 masked %ne3A_1343 {strides = array<i32>} : memref<128xi32, #tpu.memory_space<vmem>>, vector<16xi32>, vector<16xi1>
        %convert_element_type3A_1356 = arith.extui %ne3A_1343 : vector<16xi1> to vector<16xi32>
        %reduce_sum3A_1357 = arith.constant true
        %reduce_sum3A_1358 = vector.broadcast %reduce_sum3A_1357 : i1 to vector<16xi1>
        %reduce_sum3A_1359 = tpu.scan <sum>, %convert_element_type3A_1356 masked %reduce_sum3A_1358 : vector<16xi32>, vector<16xi1> -> vector<16xi32>
        %reduce_sum3A_1360 = vector.extract %reduce_sum3A_1359[15] : i32 from vector<16xi32>
        %add3A_1361 = arith.addi %add3A_1321, %reduce_sum3A_1360 : i32
        scf.yield %add3A_1361 : i32
      } else {
        scf.yield %scan3A_399 : i32
      }
      scf.yield %cond3A_723 : i32
    }
    %scan3A_42 = arith.constant 128 : i32
    %dma_start3A_43 = arith.constant 0 : i32
    %dma_start3A_44 = tpu.memref_slice %arg4[%dma_start3A_43] : memref<1000000xi32, #tpu.memory_space<hbm>> -> memref<1000000xi32, #tpu.memory_space<hbm>>
    tpu.enqueue_indirect_dma source(%dma_start3A_44 : memref<1000000xi32, #tpu.memory_space<hbm>>) target(%arg22 : memref<128xi32, #tpu.memory_space<vmem>>) offsets(%arg20 : memref<128xi32, #tpu.memory_space<vmem>>) semaphore(%arg29 : memref<!tpu.dma_semaphore, #tpu.memory_space<semaphore_mem>>)
    %dma_start3A_45 = arith.constant 0 : i32
    %dma_start3A_46 = tpu.memref_slice %arg5[%dma_start3A_45] : memref<1000000xi32, #tpu.memory_space<hbm>> -> memref<1000000xi32, #tpu.memory_space<hbm>>
    tpu.enqueue_indirect_dma source(%dma_start3A_46 : memref<1000000xi32, #tpu.memory_space<hbm>>) target(%arg23 : memref<128xi32, #tpu.memory_space<vmem>>) offsets(%arg20 : memref<128xi32, #tpu.memory_space<vmem>>) semaphore(%arg29 : memref<!tpu.dma_semaphore, #tpu.memory_space<semaphore_mem>>)
    %dma_start3A_47 = arith.constant 0 : i32
    %dma_start3A_48 = tpu.memref_slice %arg6[%dma_start3A_47] : memref<1000000xf32, #tpu.memory_space<hbm>> -> memref<1000000xf32, #tpu.memory_space<hbm>>
    tpu.enqueue_indirect_dma source(%dma_start3A_48 : memref<1000000xf32, #tpu.memory_space<hbm>>) target(%arg24 : memref<128xf32, #tpu.memory_space<vmem>>) offsets(%arg20 : memref<128xi32, #tpu.memory_space<vmem>>) semaphore(%arg29 : memref<!tpu.dma_semaphore, #tpu.memory_space<semaphore_mem>>)
    %dma_wait3A_49 = arith.constant 0 : i32
    %dma_wait3A_50 = tpu.memref_slice %arg4[%dma_wait3A_49] : memref<1000000xi32, #tpu.memory_space<hbm>> -> memref<1000000xi32, #tpu.memory_space<hbm>>
    tpu.wait_indirect_dma semaphore(%arg29 : memref<!tpu.dma_semaphore, #tpu.memory_space<semaphore_mem>>) src(%dma_wait3A_50 : memref<1000000xi32, #tpu.memory_space<hbm>>) dst(%arg22 : memref<128xi32, #tpu.memory_space<vmem>>)
    %dma_wait3A_51 = arith.constant 0 : i32
    %dma_wait3A_52 = tpu.memref_slice %arg5[%dma_wait3A_51] : memref<1000000xi32, #tpu.memory_space<hbm>> -> memref<1000000xi32, #tpu.memory_space<hbm>>
    tpu.wait_indirect_dma semaphore(%arg29 : memref<!tpu.dma_semaphore, #tpu.memory_space<semaphore_mem>>) src(%dma_wait3A_52 : memref<1000000xi32, #tpu.memory_space<hbm>>) dst(%arg23 : memref<128xi32, #tpu.memory_space<vmem>>)
    %dma_start3A_53 = arith.constant 0 : i32
    %dma_start3A_54 = tpu.memref_slice %arg7[%dma_start3A_53] : memref<100000xf32, #tpu.memory_space<hbm>> -> memref<100000xf32, #tpu.memory_space<hbm>>
    tpu.enqueue_indirect_dma source(%dma_start3A_54 : memref<100000xf32, #tpu.memory_space<hbm>>) target(%arg25 : memref<128xf32, #tpu.memory_space<vmem>>) offsets(%arg22 : memref<128xi32, #tpu.memory_space<vmem>>) semaphore(%arg29 : memref<!tpu.dma_semaphore, #tpu.memory_space<semaphore_mem>>)
    %dma_start3A_55 = arith.constant 0 : i32
    %dma_start3A_56 = arith.constant 0 : i32
    %dma_start3A_57 = tpu.memref_slice %arg9[%dma_start3A_55, %dma_start3A_56] : memref<100000x16xf32, #tpu.memory_space<hbm>> -> memref<100000x16xf32, #tpu.memory_space<hbm>>
    tpu.enqueue_indirect_dma source(%dma_start3A_57 : memref<100000x16xf32, #tpu.memory_space<hbm>>) target(%arg27 : memref<128x16xf32, #tpu.memory_space<vmem>>) offsets(%arg22 : memref<128xi32, #tpu.memory_space<vmem>>) semaphore(%arg29 : memref<!tpu.dma_semaphore, #tpu.memory_space<semaphore_mem>>)
    %dma_start3A_58 = arith.constant 0 : i32
    %dma_start3A_59 = tpu.memref_slice %arg8[%dma_start3A_58] : memref<100000xf32, #tpu.memory_space<hbm>> -> memref<100000xf32, #tpu.memory_space<hbm>>
    tpu.enqueue_indirect_dma source(%dma_start3A_59 : memref<100000xf32, #tpu.memory_space<hbm>>) target(%arg26 : memref<128xf32, #tpu.memory_space<vmem>>) offsets(%arg23 : memref<128xi32, #tpu.memory_space<vmem>>) semaphore(%arg29 : memref<!tpu.dma_semaphore, #tpu.memory_space<semaphore_mem>>)
    %dma_start3A_60 = arith.constant 0 : i32
    %dma_start3A_61 = arith.constant 0 : i32
    %dma_start3A_62 = tpu.memref_slice %arg10[%dma_start3A_60, %dma_start3A_61] : memref<100000x16xf32, #tpu.memory_space<hbm>> -> memref<100000x16xf32, #tpu.memory_space<hbm>>
    tpu.enqueue_indirect_dma source(%dma_start3A_62 : memref<100000x16xf32, #tpu.memory_space<hbm>>) target(%arg28 : memref<128x16xf32, #tpu.memory_space<vmem>>) offsets(%arg23 : memref<128xi32, #tpu.memory_space<vmem>>) semaphore(%arg29 : memref<!tpu.dma_semaphore, #tpu.memory_space<semaphore_mem>>)
    %dma_wait3A_63 = arith.constant 0 : i32
    %dma_wait3A_64 = tpu.memref_slice %arg6[%dma_wait3A_63] : memref<1000000xf32, #tpu.memory_space<hbm>> -> memref<1000000xf32, #tpu.memory_space<hbm>>
    tpu.wait_indirect_dma semaphore(%arg29 : memref<!tpu.dma_semaphore, #tpu.memory_space<semaphore_mem>>) src(%dma_wait3A_64 : memref<1000000xf32, #tpu.memory_space<hbm>>) dst(%arg24 : memref<128xf32, #tpu.memory_space<vmem>>)
    %dma_wait3A_65 = arith.constant 0 : i32
    %dma_wait3A_66 = tpu.memref_slice %arg7[%dma_wait3A_65] : memref<100000xf32, #tpu.memory_space<hbm>> -> memref<100000xf32, #tpu.memory_space<hbm>>
    tpu.wait_indirect_dma semaphore(%arg29 : memref<!tpu.dma_semaphore, #tpu.memory_space<semaphore_mem>>) src(%dma_wait3A_66 : memref<100000xf32, #tpu.memory_space<hbm>>) dst(%arg25 : memref<128xf32, #tpu.memory_space<vmem>>)
    %dma_wait3A_67 = arith.constant 0 : i32
    %dma_wait3A_68 = arith.constant 0 : i32
    %dma_wait3A_69 = tpu.memref_slice %arg9[%dma_wait3A_67, %dma_wait3A_68] : memref<100000x16xf32, #tpu.memory_space<hbm>> -> memref<100000x16xf32, #tpu.memory_space<hbm>>
    tpu.wait_indirect_dma semaphore(%arg29 : memref<!tpu.dma_semaphore, #tpu.memory_space<semaphore_mem>>) src(%dma_wait3A_69 : memref<100000x16xf32, #tpu.memory_space<hbm>>) dst(%arg27 : memref<128x16xf32, #tpu.memory_space<vmem>>)
    %dma_wait3A_70 = arith.constant 0 : i32
    %dma_wait3A_71 = tpu.memref_slice %arg8[%dma_wait3A_70] : memref<100000xf32, #tpu.memory_space<hbm>> -> memref<100000xf32, #tpu.memory_space<hbm>>
    tpu.wait_indirect_dma semaphore(%arg29 : memref<!tpu.dma_semaphore, #tpu.memory_space<semaphore_mem>>) src(%dma_wait3A_71 : memref<100000xf32, #tpu.memory_space<hbm>>) dst(%arg26 : memref<128xf32, #tpu.memory_space<vmem>>)
    %dma_wait3A_72 = arith.constant 0 : i32
    %dma_wait3A_73 = arith.constant 0 : i32
    %dma_wait3A_74 = tpu.memref_slice %arg10[%dma_wait3A_72, %dma_wait3A_73] : memref<100000x16xf32, #tpu.memory_space<hbm>> -> memref<100000x16xf32, #tpu.memory_space<hbm>>
    tpu.wait_indirect_dma semaphore(%arg29 : memref<!tpu.dma_semaphore, #tpu.memory_space<semaphore_mem>>) src(%dma_wait3A_74 : memref<100000x16xf32, #tpu.memory_space<hbm>>) dst(%arg28 : memref<128x16xf32, #tpu.memory_space<vmem>>)
    %iota3A = tpu.iota {dimensions = array<i32: 0>} : vector<16xi32>
    %add3A_75 = arith.constant 0 : i32
    %add3A_76 = vector.broadcast %add3A_75 : i32 to vector<16xi32>
    %add3A_77 = arith.addi %iota3A, %add3A_76 : vector<16xi32>
    %ge3A = vector.broadcast %scan3A_41 : i32 to vector<16xi32>
    %ge3A_78 = arith.cmpi sge, %add3A_77, %ge3A : vector<16xi32>
    %get3A = arith.constant 0 : index
    %get3A_79 = tpu.vector_load %arg21[%get3A] {strides = array<i32>} : memref<128xi32, #tpu.memory_space<vmem>>, vector<16xi32>,
    %jit3A = arith.constant -1 : i32
    %broadcast_in_dim3A_80 = vector.broadcast %jit3A : i32 to vector<16xi32>
    %select_n3A = arith.select %ge3A_78, %broadcast_in_dim3A_80, %get3A_79 : vector<16xi1>, vector<16xi32>
    %swap3A_81 = arith.constant 0 : index
    %swap3A_82 = tpu.vector_load %arg21[%swap3A_81] {strides = array<i32>} : memref<128xi32, #tpu.memory_space<vmem>>, vector<16xi32>,
    tpu.vector_store %arg21[%swap3A_81], %select_n3A {strides = array<i32>} : memref<128xi32, #tpu.memory_space<vmem>>, vector<16xi32>,
    %get3A_83 = arith.constant 0 : index
    %get3A_84 = tpu.vector_load %arg22[%get3A_83] {strides = array<i32>} : memref<128xi32, #tpu.memory_space<vmem>>, vector<16xi32>,
    %jit3A_85 = arith.constant 100351 : i32
    %broadcast_in_dim3A_86 = vector.broadcast %jit3A_85 : i32 to vector<16xi32>
    %select_n3A_87 = arith.select %ge3A_78, %broadcast_in_dim3A_86, %get3A_84 : vector<16xi1>, vector<16xi32>
    %swap3A_88 = arith.constant 0 : index
    %swap3A_89 = tpu.vector_load %arg22[%swap3A_88] {strides = array<i32>} : memref<128xi32, #tpu.memory_space<vmem>>, vector<16xi32>,
    tpu.vector_store %arg22[%swap3A_88], %select_n3A_87 {strides = array<i32>} : memref<128xi32, #tpu.memory_space<vmem>>, vector<16xi32>,
    %get3A_90 = arith.constant 0 : index
    %get3A_91 = tpu.vector_load %arg23[%get3A_90] {strides = array<i32>} : memref<128xi32, #tpu.memory_space<vmem>>, vector<16xi32>,
    %jit3A_92 = arith.constant 100351 : i32
    %broadcast_in_dim3A_93 = vector.broadcast %jit3A_92 : i32 to vector<16xi32>
    %select_n3A_94 = arith.select %ge3A_78, %broadcast_in_dim3A_93, %get3A_91 : vector<16xi1>, vector<16xi32>
    %swap3A_95 = arith.constant 0 : index
    %swap3A_96 = tpu.vector_load %arg23[%swap3A_95] {strides = array<i32>} : memref<128xi32, #tpu.memory_space<vmem>>, vector<16xi32>,
    tpu.vector_store %arg23[%swap3A_95], %select_n3A_94 {strides = array<i32>} : memref<128xi32, #tpu.memory_space<vmem>>, vector<16xi32>,
    %get3A_97 = arith.constant 0 : index
    %get3A_98 = tpu.vector_load %arg24[%get3A_97] {strides = array<i32>} : memref<128xf32, #tpu.memory_space<vmem>>, vector<16xf32>,
    %jit3A_99 = arith.constant 0.000000e+00 : f32
    %broadcast_in_dim3A_100 = vector.broadcast %jit3A_99 : f32 to vector<16xf32>
    %select_n3A_101 = arith.select %ge3A_78, %broadcast_in_dim3A_100, %get3A_98 : vector<16xi1>, vector<16xf32>
    %swap3A_102 = arith.constant 0 : index
    %swap3A_103 = tpu.vector_load %arg24[%swap3A_102] {strides = array<i32>} : memref<128xf32, #tpu.memory_space<vmem>>, vector<16xf32>,
    tpu.vector_store %arg24[%swap3A_102], %select_n3A_101 {strides = array<i32>} : memref<128xf32, #tpu.memory_space<vmem>>, vector<16xf32>,
    %get3A_104 = arith.constant 0 : index
    %get3A_105 = tpu.vector_load %arg25[%get3A_104] {strides = array<i32>} : memref<128xf32, #tpu.memory_space<vmem>>, vector<16xf32>,
    %get3A_106 = arith.constant 0 : index
    %get3A_107 = tpu.vector_load %arg26[%get3A_106] {strides = array<i32>} : memref<128xf32, #tpu.memory_space<vmem>>, vector<16xf32>,
    %add3A_108 = arith.addf %get3A_105, %get3A_107 : vector<16xf32>
    %swap3A_109 = arith.constant 0 : index
    %swap3A_110 = tpu.vector_load %arg25[%swap3A_109] {strides = array<i32>} : memref<128xf32, #tpu.memory_space<vmem>>, vector<16xf32>,
    tpu.vector_store %arg25[%swap3A_109], %add3A_108 {strides = array<i32>} : memref<128xf32, #tpu.memory_space<vmem>>, vector<16xf32>,
    %iota3A_111 = tpu.iota {dimensions = array<i32: 0>} : vector<16xi32>
    %add3A_112 = arith.constant 16 : i32
    %add3A_113 = vector.broadcast %add3A_112 : i32 to vector<16xi32>
    %add3A_114 = arith.addi %iota3A_111, %add3A_113 : vector<16xi32>
    %ge3A_115 = vector.broadcast %scan3A_41 : i32 to vector<16xi32>
    %ge3A_116 = arith.cmpi sge, %add3A_114, %ge3A_115 : vector<16xi32>
    %get3A_117 = arith.constant 16 : index
    %get3A_118 = tpu.vector_load %arg21[%get3A_117] {strides = array<i32>} : memref<128xi32, #tpu.memory_space<vmem>>, vector<16xi32>,
    %jit3A_119 = arith.constant -1 : i32
    %broadcast_in_dim3A_120 = vector.broadcast %jit3A_119 : i32 to vector<16xi32>
    %select_n3A_121 = arith.select %ge3A_116, %broadcast_in_dim3A_120, %get3A_118 : vector<16xi1>, vector<16xi32>
    %swap3A_122 = arith.constant 16 : index
    %swap3A_123 = tpu.vector_load %arg21[%swap3A_122] {strides = array<i32>} : memref<128xi32, #tpu.memory_space<vmem>>, vector<16xi32>,
    tpu.vector_store %arg21[%swap3A_122], %select_n3A_121 {strides = array<i32>} : memref<128xi32, #tpu.memory_space<vmem>>, vector<16xi32>,
    %get3A_124 = arith.constant 16 : index
    %get3A_125 = tpu.vector_load %arg22[%get3A_124] {strides = array<i32>} : memref<128xi32, #tpu.memory_space<vmem>>, vector<16xi32>,
    %jit3A_126 = arith.constant 100351 : i32
    %broadcast_in_dim3A_127 = vector.broadcast %jit3A_126 : i32 to vector<16xi32>
    %select_n3A_128 = arith.select %ge3A_116, %broadcast_in_dim3A_127, %get3A_125 : vector<16xi1>, vector<16xi32>
    %swap3A_129 = arith.constant 16 : index
    %swap3A_130 = tpu.vector_load %arg22[%swap3A_129] {strides = array<i32>} : memref<128xi32, #tpu.memory_space<vmem>>, vector<16xi32>,
    tpu.vector_store %arg22[%swap3A_129], %select_n3A_128 {strides = array<i32>} : memref<128xi32, #tpu.memory_space<vmem>>, vector<16xi32>,
    %get3A_131 = arith.constant 16 : index
    %get3A_132 = tpu.vector_load %arg23[%get3A_131] {strides = array<i32>} : memref<128xi32, #tpu.memory_space<vmem>>, vector<16xi32>,
    %jit3A_133 = arith.constant 100351 : i32
    %broadcast_in_dim3A_134 = vector.broadcast %jit3A_133 : i32 to vector<16xi32>
    %select_n3A_135 = arith.select %ge3A_116, %broadcast_in_dim3A_134, %get3A_132 : vector<16xi1>, vector<16xi32>
    %swap3A_136 = arith.constant 16 : index
    %swap3A_137 = tpu.vector_load %arg23[%swap3A_136] {strides = array<i32>} : memref<128xi32, #tpu.memory_space<vmem>>, vector<16xi32>,
    tpu.vector_store %arg23[%swap3A_136], %select_n3A_135 {strides = array<i32>} : memref<128xi32, #tpu.memory_space<vmem>>, vector<16xi32>,
    %get3A_138 = arith.constant 16 : index
    %get3A_139 = tpu.vector_load %arg24[%get3A_138] {strides = array<i32>} : memref<128xf32, #tpu.memory_space<vmem>>, vector<16xf32>,
    %jit3A_140 = arith.constant 0.000000e+00 : f32
    %broadcast_in_dim3A_141 = vector.broadcast %jit3A_140 : f32 to vector<16xf32>
    %select_n3A_142 = arith.select %ge3A_116, %broadcast_in_dim3A_141, %get3A_139 : vector<16xi1>, vector<16xf32>
    %swap3A_143 = arith.constant 16 : index
    %swap3A_144 = tpu.vector_load %arg24[%swap3A_143] {strides = array<i32>} : memref<128xf32, #tpu.memory_space<vmem>>, vector<16xf32>,
    tpu.vector_store %arg24[%swap3A_143], %select_n3A_142 {strides = array<i32>} : memref<128xf32, #tpu.memory_space<vmem>>, vector<16xf32>,
    %get3A_145 = arith.constant 16 : index
    %get3A_146 = tpu.vector_load %arg25[%get3A_145] {strides = array<i32>} : memref<128xf32, #tpu.memory_space<vmem>>, vector<16xf32>,
    %get3A_147 = arith.constant 16 : index
    %get3A_148 = tpu.vector_load %arg26[%get3A_147] {strides = array<i32>} : memref<128xf32, #tpu.memory_space<vmem>>, vector<16xf32>,
    %add3A_149 = arith.addf %get3A_146, %get3A_148 : vector<16xf32>
    %swap3A_150 = arith.constant 16 : index
    %swap3A_151 = tpu.vector_load %arg25[%swap3A_150] {strides = array<i32>} : memref<128xf32, #tpu.memory_space<vmem>>, vector<16xf32>,
    tpu.vector_store %arg25[%swap3A_150], %add3A_149 {strides = array<i32>} : memref<128xf32, #tpu.memory_space<vmem>>, vector<16xf32>,
    %iota3A_152 = tpu.iota {dimensions = array<i32: 0>} : vector<16xi32>
    %add3A_153 = arith.constant 32 : i32
    %add3A_154 = vector.broadcast %add3A_153 : i32 to vector<16xi32>
    %add3A_155 = arith.addi %iota3A_152, %add3A_154 : vector<16xi32>
    %ge3A_156 = vector.broadcast %scan3A_41 : i32 to vector<16xi32>
    %ge3A_157 = arith.cmpi sge, %add3A_155, %ge3A_156 : vector<16xi32>
    %get3A_158 = arith.constant 32 : index
    %get3A_159 = tpu.vector_load %arg21[%get3A_158] {strides = array<i32>} : memref<128xi32, #tpu.memory_space<vmem>>, vector<16xi32>,
    %jit3A_160 = arith.constant -1 : i32
    %broadcast_in_dim3A_161 = vector.broadcast %jit3A_160 : i32 to vector<16xi32>
    %select_n3A_162 = arith.select %ge3A_157, %broadcast_in_dim3A_161, %get3A_159 : vector<16xi1>, vector<16xi32>
    %swap3A_163 = arith.constant 32 : index
    %swap3A_164 = tpu.vector_load %arg21[%swap3A_163] {strides = array<i32>} : memref<128xi32, #tpu.memory_space<vmem>>, vector<16xi32>,
    tpu.vector_store %arg21[%swap3A_163], %select_n3A_162 {strides = array<i32>} : memref<128xi32, #tpu.memory_space<vmem>>, vector<16xi32>,
    %get3A_165 = arith.constant 32 : index
    %get3A_166 = tpu.vector_load %arg22[%get3A_165] {strides = array<i32>} : memref<128xi32, #tpu.memory_space<vmem>>, vector<16xi32>,
    %jit3A_167 = arith.constant 100351 : i32
    %broadcast_in_dim3A_168 = vector.broadcast %jit3A_167 : i32 to vector<16xi32>
    %select_n3A_169 = arith.select %ge3A_157, %broadcast_in_dim3A_168, %get3A_166 : vector<16xi1>, vector<16xi32>
    %swap3A_170 = arith.constant 32 : index
    %swap3A_171 = tpu.vector_load %arg22[%swap3A_170] {strides = array<i32>} : memref<128xi32, #tpu.memory_space<vmem>>, vector<16xi32>,
    tpu.vector_store %arg22[%swap3A_170], %select_n3A_169 {strides = array<i32>} : memref<128xi32, #tpu.memory_space<vmem>>, vector<16xi32>,
    %get3A_172 = arith.constant 32 : index
    %get3A_173 = tpu.vector_load %arg23[%get3A_172] {strides = array<i32>} : memref<128xi32, #tpu.memory_space<vmem>>, vector<16xi32>,
    %jit3A_174 = arith.constant 100351 : i32
    %broadcast_in_dim3A_175 = vector.broadcast %jit3A_174 : i32 to vector<16xi32>
    %select_n3A_176 = arith.select %ge3A_157, %broadcast_in_dim3A_175, %get3A_173 : vector<16xi1>, vector<16xi32>
    %swap3A_177 = arith.constant 32 : index
    %swap3A_178 = tpu.vector_load %arg23[%swap3A_177] {strides = array<i32>} : memref<128xi32, #tpu.memory_space<vmem>>, vector<16xi32>,
    tpu.vector_store %arg23[%swap3A_177], %select_n3A_176 {strides = array<i32>} : memref<128xi32, #tpu.memory_space<vmem>>, vector<16xi32>,
    %get3A_179 = arith.constant 32 : index
    %get3A_180 = tpu.vector_load %arg24[%get3A_179] {strides = array<i32>} : memref<128xf32, #tpu.memory_space<vmem>>, vector<16xf32>,
    %jit3A_181 = arith.constant 0.000000e+00 : f32
    %broadcast_in_dim3A_182 = vector.broadcast %jit3A_181 : f32 to vector<16xf32>
    %select_n3A_183 = arith.select %ge3A_157, %broadcast_in_dim3A_182, %get3A_180 : vector<16xi1>, vector<16xf32>
    %swap3A_184 = arith.constant 32 : index
    %swap3A_185 = tpu.vector_load %arg24[%swap3A_184] {strides = array<i32>} : memref<128xf32, #tpu.memory_space<vmem>>, vector<16xf32>,
    tpu.vector_store %arg24[%swap3A_184], %select_n3A_183 {strides = array<i32>} : memref<128xf32, #tpu.memory_space<vmem>>, vector<16xf32>,
    %get3A_186 = arith.constant 32 : index
    %get3A_187 = tpu.vector_load %arg25[%get3A_186] {strides = array<i32>} : memref<128xf32, #tpu.memory_space<vmem>>, vector<16xf32>,
    %get3A_188 = arith.constant 32 : index
    %get3A_189 = tpu.vector_load %arg26[%get3A_188] {strides = array<i32>} : memref<128xf32, #tpu.memory_space<vmem>>, vector<16xf32>,
    %add3A_190 = arith.addf %get3A_187, %get3A_189 : vector<16xf32>
    %swap3A_191 = arith.constant 32 : index
    %swap3A_192 = tpu.vector_load %arg25[%swap3A_191] {strides = array<i32>} : memref<128xf32, #tpu.memory_space<vmem>>, vector<16xf32>,
    tpu.vector_store %arg25[%swap3A_191], %add3A_190 {strides = array<i32>} : memref<128xf32, #tpu.memory_space<vmem>>, vector<16xf32>,
    %iota3A_193 = tpu.iota {dimensions = array<i32: 0>} : vector<16xi32>
    %add3A_194 = arith.constant 48 : i32
    %add3A_195 = vector.broadcast %add3A_194 : i32 to vector<16xi32>
    %add3A_196 = arith.addi %iota3A_193, %add3A_195 : vector<16xi32>
    %ge3A_197 = vector.broadcast %scan3A_41 : i32 to vector<16xi32>
    %ge3A_198 = arith.cmpi sge, %add3A_196, %ge3A_197 : vector<16xi32>
    %get3A_199 = arith.constant 48 : index
    %get3A_200 = tpu.vector_load %arg21[%get3A_199] {strides = array<i32>} : memref<128xi32, #tpu.memory_space<vmem>>, vector<16xi32>,
    %jit3A_201 = arith.constant -1 : i32
    %broadcast_in_dim3A_202 = vector.broadcast %jit3A_201 : i32 to vector<16xi32>
    %select_n3A_203 = arith.select %ge3A_198, %broadcast_in_dim3A_202, %get3A_200 : vector<16xi1>, vector<16xi32>
    %swap3A_204 = arith.constant 48 : index
    %swap3A_205 = tpu.vector_load %arg21[%swap3A_204] {strides = array<i32>} : memref<128xi32, #tpu.memory_space<vmem>>, vector<16xi32>,
    tpu.vector_store %arg21[%swap3A_204], %select_n3A_203 {strides = array<i32>} : memref<128xi32, #tpu.memory_space<vmem>>, vector<16xi32>,
    %get3A_206 = arith.constant 48 : index
    %get3A_207 = tpu.vector_load %arg22[%get3A_206] {strides = array<i32>} : memref<128xi32, #tpu.memory_space<vmem>>, vector<16xi32>,
    %jit3A_208 = arith.constant 100351 : i32
    %broadcast_in_dim3A_209 = vector.broadcast %jit3A_208 : i32 to vector<16xi32>
    %select_n3A_210 = arith.select %ge3A_198, %broadcast_in_dim3A_209, %get3A_207 : vector<16xi1>, vector<16xi32>
    %swap3A_211 = arith.constant 48 : index
    %swap3A_212 = tpu.vector_load %arg22[%swap3A_211] {strides = array<i32>} : memref<128xi32, #tpu.memory_space<vmem>>, vector<16xi32>,
    tpu.vector_store %arg22[%swap3A_211], %select_n3A_210 {strides = array<i32>} : memref<128xi32, #tpu.memory_space<vmem>>, vector<16xi32>,
    %get3A_213 = arith.constant 48 : index
    %get3A_214 = tpu.vector_load %arg23[%get3A_213] {strides = array<i32>} : memref<128xi32, #tpu.memory_space<vmem>>, vector<16xi32>,
    %jit3A_215 = arith.constant 100351 : i32
    %broadcast_in_dim3A_216 = vector.broadcast %jit3A_215 : i32 to vector<16xi32>
    %select_n3A_217 = arith.select %ge3A_198, %broadcast_in_dim3A_216, %get3A_214 : vector<16xi1>, vector<16xi32>
    %swap3A_218 = arith.constant 48 : index
    %swap3A_219 = tpu.vector_load %arg23[%swap3A_218] {strides = array<i32>} : memref<128xi32, #tpu.memory_space<vmem>>, vector<16xi32>,
    tpu.vector_store %arg23[%swap3A_218], %select_n3A_217 {strides = array<i32>} : memref<128xi32, #tpu.memory_space<vmem>>, vector<16xi32>,
    %get3A_220 = arith.constant 48 : index
    %get3A_221 = tpu.vector_load %arg24[%get3A_220] {strides = array<i32>} : memref<128xf32, #tpu.memory_space<vmem>>, vector<16xf32>,
    %jit3A_222 = arith.constant 0.000000e+00 : f32
    %broadcast_in_dim3A_223 = vector.broadcast %jit3A_222 : f32 to vector<16xf32>
    %select_n3A_224 = arith.select %ge3A_198, %broadcast_in_dim3A_223, %get3A_221 : vector<16xi1>, vector<16xf32>
    %swap3A_225 = arith.constant 48 : index
    %swap3A_226 = tpu.vector_load %arg24[%swap3A_225] {strides = array<i32>} : memref<128xf32, #tpu.memory_space<vmem>>, vector<16xf32>,
    tpu.vector_store %arg24[%swap3A_225], %select_n3A_224 {strides = array<i32>} : memref<128xf32, #tpu.memory_space<vmem>>, vector<16xf32>,
    %get3A_227 = arith.constant 48 : index
    %get3A_228 = tpu.vector_load %arg25[%get3A_227] {strides = array<i32>} : memref<128xf32, #tpu.memory_space<vmem>>, vector<16xf32>,
    %get3A_229 = arith.constant 48 : index
    %get3A_230 = tpu.vector_load %arg26[%get3A_229] {strides = array<i32>} : memref<128xf32, #tpu.memory_space<vmem>>, vector<16xf32>,
    %add3A_231 = arith.addf %get3A_228, %get3A_230 : vector<16xf32>
    %swap3A_232 = arith.constant 48 : index
    %swap3A_233 = tpu.vector_load %arg25[%swap3A_232] {strides = array<i32>} : memref<128xf32, #tpu.memory_space<vmem>>, vector<16xf32>,
    tpu.vector_store %arg25[%swap3A_232], %add3A_231 {strides = array<i32>} : memref<128xf32, #tpu.memory_space<vmem>>, vector<16xf32>,
    %iota3A_234 = tpu.iota {dimensions = array<i32: 0>} : vector<16xi32>
    %add3A_235 = arith.constant 64 : i32
    %add3A_236 = vector.broadcast %add3A_235 : i32 to vector<16xi32>
    %add3A_237 = arith.addi %iota3A_234, %add3A_236 : vector<16xi32>
    %ge3A_238 = vector.broadcast %scan3A_41 : i32 to vector<16xi32>
    %ge3A_239 = arith.cmpi sge, %add3A_237, %ge3A_238 : vector<16xi32>
    %get3A_240 = arith.constant 64 : index
    %get3A_241 = tpu.vector_load %arg21[%get3A_240] {strides = array<i32>} : memref<128xi32, #tpu.memory_space<vmem>>, vector<16xi32>,
    %jit3A_242 = arith.constant -1 : i32
    %broadcast_in_dim3A_243 = vector.broadcast %jit3A_242 : i32 to vector<16xi32>
    %select_n3A_244 = arith.select %ge3A_239, %broadcast_in_dim3A_243, %get3A_241 : vector<16xi1>, vector<16xi32>
    %swap3A_245 = arith.constant 64 : index
    %swap3A_246 = tpu.vector_load %arg21[%swap3A_245] {strides = array<i32>} : memref<128xi32, #tpu.memory_space<vmem>>, vector<16xi32>,
    tpu.vector_store %arg21[%swap3A_245], %select_n3A_244 {strides = array<i32>} : memref<128xi32, #tpu.memory_space<vmem>>, vector<16xi32>,
    %get3A_247 = arith.constant 64 : index
    %get3A_248 = tpu.vector_load %arg22[%get3A_247] {strides = array<i32>} : memref<128xi32, #tpu.memory_space<vmem>>, vector<16xi32>,
    %jit3A_249 = arith.constant 100351 : i32
    %broadcast_in_dim3A_250 = vector.broadcast %jit3A_249 : i32 to vector<16xi32>
    %select_n3A_251 = arith.select %ge3A_239, %broadcast_in_dim3A_250, %get3A_248 : vector<16xi1>, vector<16xi32>
    %swap3A_252 = arith.constant 64 : index
    %swap3A_253 = tpu.vector_load %arg22[%swap3A_252] {strides = array<i32>} : memref<128xi32, #tpu.memory_space<vmem>>, vector<16xi32>,
    tpu.vector_store %arg22[%swap3A_252], %select_n3A_251 {strides = array<i32>} : memref<128xi32, #tpu.memory_space<vmem>>, vector<16xi32>,
    %get3A_254 = arith.constant 64 : index
    %get3A_255 = tpu.vector_load %arg23[%get3A_254] {strides = array<i32>} : memref<128xi32, #tpu.memory_space<vmem>>, vector<16xi32>,
    %jit3A_256 = arith.constant 100351 : i32
    %broadcast_in_dim3A_257 = vector.broadcast %jit3A_256 : i32 to vector<16xi32>
    %select_n3A_258 = arith.select %ge3A_239, %broadcast_in_dim3A_257, %get3A_255 : vector<16xi1>, vector<16xi32>
    %swap3A_259 = arith.constant 64 : index
    %swap3A_260 = tpu.vector_load %arg23[%swap3A_259] {strides = array<i32>} : memref<128xi32, #tpu.memory_space<vmem>>, vector<16xi32>,
    tpu.vector_store %arg23[%swap3A_259], %select_n3A_258 {strides = array<i32>} : memref<128xi32, #tpu.memory_space<vmem>>, vector<16xi32>,
    %get3A_261 = arith.constant 64 : index
    %get3A_262 = tpu.vector_load %arg24[%get3A_261] {strides = array<i32>} : memref<128xf32, #tpu.memory_space<vmem>>, vector<16xf32>,
    %jit3A_263 = arith.constant 0.000000e+00 : f32
    %broadcast_in_dim3A_264 = vector.broadcast %jit3A_263 : f32 to vector<16xf32>
    %select_n3A_265 = arith.select %ge3A_239, %broadcast_in_dim3A_264, %get3A_262 : vector<16xi1>, vector<16xf32>
    %swap3A_266 = arith.constant 64 : index
    %swap3A_267 = tpu.vector_load %arg24[%swap3A_266] {strides = array<i32>} : memref<128xf32, #tpu.memory_space<vmem>>, vector<16xf32>,
    tpu.vector_store %arg24[%swap3A_266], %select_n3A_265 {strides = array<i32>} : memref<128xf32, #tpu.memory_space<vmem>>, vector<16xf32>,
    %get3A_268 = arith.constant 64 : index
    %get3A_269 = tpu.vector_load %arg25[%get3A_268] {strides = array<i32>} : memref<128xf32, #tpu.memory_space<vmem>>, vector<16xf32>,
    %get3A_270 = arith.constant 64 : index
    %get3A_271 = tpu.vector_load %arg26[%get3A_270] {strides = array<i32>} : memref<128xf32, #tpu.memory_space<vmem>>, vector<16xf32>,
    %add3A_272 = arith.addf %get3A_269, %get3A_271 : vector<16xf32>
    %swap3A_273 = arith.constant 64 : index
    %swap3A_274 = tpu.vector_load %arg25[%swap3A_273] {strides = array<i32>} : memref<128xf32, #tpu.memory_space<vmem>>, vector<16xf32>,
    tpu.vector_store %arg25[%swap3A_273], %add3A_272 {strides = array<i32>} : memref<128xf32, #tpu.memory_space<vmem>>, vector<16xf32>,
    %iota3A_275 = tpu.iota {dimensions = array<i32: 0>} : vector<16xi32>
    %add3A_276 = arith.constant 80 : i32
    %add3A_277 = vector.broadcast %add3A_276 : i32 to vector<16xi32>
    %add3A_278 = arith.addi %iota3A_275, %add3A_277 : vector<16xi32>
    %ge3A_279 = vector.broadcast %scan3A_41 : i32 to vector<16xi32>
    %ge3A_280 = arith.cmpi sge, %add3A_278, %ge3A_279 : vector<16xi32>
    %get3A_281 = arith.constant 80 : index
    %get3A_282 = tpu.vector_load %arg21[%get3A_281] {strides = array<i32>} : memref<128xi32, #tpu.memory_space<vmem>>, vector<16xi32>,
    %jit3A_283 = arith.constant -1 : i32
    %broadcast_in_dim3A_284 = vector.broadcast %jit3A_283 : i32 to vector<16xi32>
    %select_n3A_285 = arith.select %ge3A_280, %broadcast_in_dim3A_284, %get3A_282 : vector<16xi1>, vector<16xi32>
    %swap3A_286 = arith.constant 80 : index
    %swap3A_287 = tpu.vector_load %arg21[%swap3A_286] {strides = array<i32>} : memref<128xi32, #tpu.memory_space<vmem>>, vector<16xi32>,
    tpu.vector_store %arg21[%swap3A_286], %select_n3A_285 {strides = array<i32>} : memref<128xi32, #tpu.memory_space<vmem>>, vector<16xi32>,
    %get3A_288 = arith.constant 80 : index
    %get3A_289 = tpu.vector_load %arg22[%get3A_288] {strides = array<i32>} : memref<128xi32, #tpu.memory_space<vmem>>, vector<16xi32>,
    %jit3A_290 = arith.constant 100351 : i32
    %broadcast_in_dim3A_291 = vector.broadcast %jit3A_290 : i32 to vector<16xi32>
    %select_n3A_292 = arith.select %ge3A_280, %broadcast_in_dim3A_291, %get3A_289 : vector<16xi1>, vector<16xi32>
    %swap3A_293 = arith.constant 80 : index
    %swap3A_294 = tpu.vector_load %arg22[%swap3A_293] {strides = array<i32>} : memref<128xi32, #tpu.memory_space<vmem>>, vector<16xi32>,
    tpu.vector_store %arg22[%swap3A_293], %select_n3A_292 {strides = array<i32>} : memref<128xi32, #tpu.memory_space<vmem>>, vector<16xi32>,
    %get3A_295 = arith.constant 80 : index
    %get3A_296 = tpu.vector_load %arg23[%get3A_295] {strides = array<i32>} : memref<128xi32, #tpu.memory_space<vmem>>, vector<16xi32>,
    %jit3A_297 = arith.constant 100351 : i32
    %broadcast_in_dim3A_298 = vector.broadcast %jit3A_297 : i32 to vector<16xi32>
    %select_n3A_299 = arith.select %ge3A_280, %broadcast_in_dim3A_298, %get3A_296 : vector<16xi1>, vector<16xi32>
    %swap3A_300 = arith.constant 80 : index
    %swap3A_301 = tpu.vector_load %arg23[%swap3A_300] {strides = array<i32>} : memref<128xi32, #tpu.memory_space<vmem>>, vector<16xi32>,
    tpu.vector_store %arg23[%swap3A_300], %select_n3A_299 {strides = array<i32>} : memref<128xi32, #tpu.memory_space<vmem>>, vector<16xi32>,
    %get3A_302 = arith.constant 80 : index
    %get3A_303 = tpu.vector_load %arg24[%get3A_302] {strides = array<i32>} : memref<128xf32, #tpu.memory_space<vmem>>, vector<16xf32>,
    %jit3A_304 = arith.constant 0.000000e+00 : f32
    %broadcast_in_dim3A_305 = vector.broadcast %jit3A_304 : f32 to vector<16xf32>
    %select_n3A_306 = arith.select %ge3A_280, %broadcast_in_dim3A_305, %get3A_303 : vector<16xi1>, vector<16xf32>
    %swap3A_307 = arith.constant 80 : index
    %swap3A_308 = tpu.vector_load %arg24[%swap3A_307] {strides = array<i32>} : memref<128xf32, #tpu.memory_space<vmem>>, vector<16xf32>,
    tpu.vector_store %arg24[%swap3A_307], %select_n3A_306 {strides = array<i32>} : memref<128xf32, #tpu.memory_space<vmem>>, vector<16xf32>,
    %get3A_309 = arith.constant 80 : index
    %get3A_310 = tpu.vector_load %arg25[%get3A_309] {strides = array<i32>} : memref<128xf32, #tpu.memory_space<vmem>>, vector<16xf32>,
    %get3A_311 = arith.constant 80 : index
    %get3A_312 = tpu.vector_load %arg26[%get3A_311] {strides = array<i32>} : memref<128xf32, #tpu.memory_space<vmem>>, vector<16xf32>,
    %add3A_313 = arith.addf %get3A_310, %get3A_312 : vector<16xf32>
    %swap3A_314 = arith.constant 80 : index
    %swap3A_315 = tpu.vector_load %arg25[%swap3A_314] {strides = array<i32>} : memref<128xf32, #tpu.memory_space<vmem>>, vector<16xf32>,
    tpu.vector_store %arg25[%swap3A_314], %add3A_313 {strides = array<i32>} : memref<128xf32, #tpu.memory_space<vmem>>, vector<16xf32>,
    %iota3A_316 = tpu.iota {dimensions = array<i32: 0>} : vector<16xi32>
    %add3A_317 = arith.constant 96 : i32
    %add3A_318 = vector.broadcast %add3A_317 : i32 to vector<16xi32>
    %add3A_319 = arith.addi %iota3A_316, %add3A_318 : vector<16xi32>
    %ge3A_320 = vector.broadcast %scan3A_41 : i32 to vector<16xi32>
    %ge3A_321 = arith.cmpi sge, %add3A_319, %ge3A_320 : vector<16xi32>
    %get3A_322 = arith.constant 96 : index
    %get3A_323 = tpu.vector_load %arg21[%get3A_322] {strides = array<i32>} : memref<128xi32, #tpu.memory_space<vmem>>, vector<16xi32>,
    %jit3A_324 = arith.constant -1 : i32
    %broadcast_in_dim3A_325 = vector.broadcast %jit3A_324 : i32 to vector<16xi32>
    %select_n3A_326 = arith.select %ge3A_321, %broadcast_in_dim3A_325, %get3A_323 : vector<16xi1>, vector<16xi32>
    %swap3A_327 = arith.constant 96 : index
    %swap3A_328 = tpu.vector_load %arg21[%swap3A_327] {strides = array<i32>} : memref<128xi32, #tpu.memory_space<vmem>>, vector<16xi32>,
    tpu.vector_store %arg21[%swap3A_327], %select_n3A_326 {strides = array<i32>} : memref<128xi32, #tpu.memory_space<vmem>>, vector<16xi32>,
    %get3A_329 = arith.constant 96 : index
    %get3A_330 = tpu.vector_load %arg22[%get3A_329] {strides = array<i32>} : memref<128xi32, #tpu.memory_space<vmem>>, vector<16xi32>,
    %jit3A_331 = arith.constant 100351 : i32
    %broadcast_in_dim3A_332 = vector.broadcast %jit3A_331 : i32 to vector<16xi32>
    %select_n3A_333 = arith.select %ge3A_321, %broadcast_in_dim3A_332, %get3A_330 : vector<16xi1>, vector<16xi32>
    %swap3A_334 = arith.constant 96 : index
    %swap3A_335 = tpu.vector_load %arg22[%swap3A_334] {strides = array<i32>} : memref<128xi32, #tpu.memory_space<vmem>>, vector<16xi32>,
    tpu.vector_store %arg22[%swap3A_334], %select_n3A_333 {strides = array<i32>} : memref<128xi32, #tpu.memory_space<vmem>>, vector<16xi32>,
    %get3A_336 = arith.constant 96 : index
    %get3A_337 = tpu.vector_load %arg23[%get3A_336] {strides = array<i32>} : memref<128xi32, #tpu.memory_space<vmem>>, vector<16xi32>,
    %jit3A_338 = arith.constant 100351 : i32
    %broadcast_in_dim3A_339 = vector.broadcast %jit3A_338 : i32 to vector<16xi32>
    %select_n3A_340 = arith.select %ge3A_321, %broadcast_in_dim3A_339, %get3A_337 : vector<16xi1>, vector<16xi32>
    %swap3A_341 = arith.constant 96 : index
    %swap3A_342 = tpu.vector_load %arg23[%swap3A_341] {strides = array<i32>} : memref<128xi32, #tpu.memory_space<vmem>>, vector<16xi32>,
    tpu.vector_store %arg23[%swap3A_341], %select_n3A_340 {strides = array<i32>} : memref<128xi32, #tpu.memory_space<vmem>>, vector<16xi32>,
    %get3A_343 = arith.constant 96 : index
    %get3A_344 = tpu.vector_load %arg24[%get3A_343] {strides = array<i32>} : memref<128xf32, #tpu.memory_space<vmem>>, vector<16xf32>,
    %jit3A_345 = arith.constant 0.000000e+00 : f32
    %broadcast_in_dim3A_346 = vector.broadcast %jit3A_345 : f32 to vector<16xf32>
    %select_n3A_347 = arith.select %ge3A_321, %broadcast_in_dim3A_346, %get3A_344 : vector<16xi1>, vector<16xf32>
    %swap3A_348 = arith.constant 96 : index
    %swap3A_349 = tpu.vector_load %arg24[%swap3A_348] {strides = array<i32>} : memref<128xf32, #tpu.memory_space<vmem>>, vector<16xf32>,
    tpu.vector_store %arg24[%swap3A_348], %select_n3A_347 {strides = array<i32>} : memref<128xf32, #tpu.memory_space<vmem>>, vector<16xf32>,
    %get3A_350 = arith.constant 96 : index
    %get3A_351 = tpu.vector_load %arg25[%get3A_350] {strides = array<i32>} : memref<128xf32, #tpu.memory_space<vmem>>, vector<16xf32>,
    %get3A_352 = arith.constant 96 : index
    %get3A_353 = tpu.vector_load %arg26[%get3A_352] {strides = array<i32>} : memref<128xf32, #tpu.memory_space<vmem>>, vector<16xf32>,
    %add3A_354 = arith.addf %get3A_351, %get3A_353 : vector<16xf32>
    %swap3A_355 = arith.constant 96 : index
    %swap3A_356 = tpu.vector_load %arg25[%swap3A_355] {strides = array<i32>} : memref<128xf32, #tpu.memory_space<vmem>>, vector<16xf32>,
    tpu.vector_store %arg25[%swap3A_355], %add3A_354 {strides = array<i32>} : memref<128xf32, #tpu.memory_space<vmem>>, vector<16xf32>,
    %iota3A_357 = tpu.iota {dimensions = array<i32: 0>} : vector<16xi32>
    %add3A_358 = arith.constant 112 : i32
    %add3A_359 = vector.broadcast %add3A_358 : i32 to vector<16xi32>
    %add3A_360 = arith.addi %iota3A_357, %add3A_359 : vector<16xi32>
    %ge3A_361 = vector.broadcast %scan3A_41 : i32 to vector<16xi32>
    %ge3A_362 = arith.cmpi sge, %add3A_360, %ge3A_361 : vector<16xi32>
    %get3A_363 = arith.constant 112 : index
    %get3A_364 = tpu.vector_load %arg21[%get3A_363] {strides = array<i32>} : memref<128xi32, #tpu.memory_space<vmem>>, vector<16xi32>,
    %jit3A_365 = arith.constant -1 : i32
    %broadcast_in_dim3A_366 = vector.broadcast %jit3A_365 : i32 to vector<16xi32>
    %select_n3A_367 = arith.select %ge3A_362, %broadcast_in_dim3A_366, %get3A_364 : vector<16xi1>, vector<16xi32>
    %swap3A_368 = arith.constant 112 : index
    %swap3A_369 = tpu.vector_load %arg21[%swap3A_368] {strides = array<i32>} : memref<128xi32, #tpu.memory_space<vmem>>, vector<16xi32>,
    tpu.vector_store %arg21[%swap3A_368], %select_n3A_367 {strides = array<i32>} : memref<128xi32, #tpu.memory_space<vmem>>, vector<16xi32>,
    %get3A_370 = arith.constant 112 : index
    %get3A_371 = tpu.vector_load %arg22[%get3A_370] {strides = array<i32>} : memref<128xi32, #tpu.memory_space<vmem>>, vector<16xi32>,
    %jit3A_372 = arith.constant 100351 : i32
    %broadcast_in_dim3A_373 = vector.broadcast %jit3A_372 : i32 to vector<16xi32>
    %select_n3A_374 = arith.select %ge3A_362, %broadcast_in_dim3A_373, %get3A_371 : vector<16xi1>, vector<16xi32>
    %swap3A_375 = arith.constant 112 : index
    %swap3A_376 = tpu.vector_load %arg22[%swap3A_375] {strides = array<i32>} : memref<128xi32, #tpu.memory_space<vmem>>, vector<16xi32>,
    tpu.vector_store %arg22[%swap3A_375], %select_n3A_374 {strides = array<i32>} : memref<128xi32, #tpu.memory_space<vmem>>, vector<16xi32>,
    %get3A_377 = arith.constant 112 : index
    %get3A_378 = tpu.vector_load %arg23[%get3A_377] {strides = array<i32>} : memref<128xi32, #tpu.memory_space<vmem>>, vector<16xi32>,
    %jit3A_379 = arith.constant 100351 : i32
    %broadcast_in_dim3A_380 = vector.broadcast %jit3A_379 : i32 to vector<16xi32>
    %select_n3A_381 = arith.select %ge3A_362, %broadcast_in_dim3A_380, %get3A_378 : vector<16xi1>, vector<16xi32>
    %swap3A_382 = arith.constant 112 : index
    %swap3A_383 = tpu.vector_load %arg23[%swap3A_382] {strides = array<i32>} : memref<128xi32, #tpu.memory_space<vmem>>, vector<16xi32>,
    tpu.vector_store %arg23[%swap3A_382], %select_n3A_381 {strides = array<i32>} : memref<128xi32, #tpu.memory_space<vmem>>, vector<16xi32>,
    %get3A_384 = arith.constant 112 : index
    %get3A_385 = tpu.vector_load %arg24[%get3A_384] {strides = array<i32>} : memref<128xf32, #tpu.memory_space<vmem>>, vector<16xf32>,
    %jit3A_386 = arith.constant 0.000000e+00 : f32
    %broadcast_in_dim3A_387 = vector.broadcast %jit3A_386 : f32 to vector<16xf32>
    %select_n3A_388 = arith.select %ge3A_362, %broadcast_in_dim3A_387, %get3A_385 : vector<16xi1>, vector<16xf32>
    %swap3A_389 = arith.constant 112 : index
    %swap3A_390 = tpu.vector_load %arg24[%swap3A_389] {strides = array<i32>} : memref<128xf32, #tpu.memory_space<vmem>>, vector<16xf32>,
    tpu.vector_store %arg24[%swap3A_389], %select_n3A_388 {strides = array<i32>} : memref<128xf32, #tpu.memory_space<vmem>>, vector<16xf32>,
    %get3A_391 = arith.constant 112 : index
    %get3A_392 = tpu.vector_load %arg25[%get3A_391] {strides = array<i32>} : memref<128xf32, #tpu.memory_space<vmem>>, vector<16xf32>,
    %get3A_393 = arith.constant 112 : index
    %get3A_394 = tpu.vector_load %arg26[%get3A_393] {strides = array<i32>} : memref<128xf32, #tpu.memory_space<vmem>>, vector<16xf32>,
    %add3A_395 = arith.addf %get3A_392, %get3A_394 : vector<16xf32>
    %swap3A_396 = arith.constant 112 : index
    %swap3A_397 = tpu.vector_load %arg25[%swap3A_396] {strides = array<i32>} : memref<128xf32, #tpu.memory_space<vmem>>, vector<16xf32>,
    tpu.vector_store %arg25[%swap3A_396], %add3A_395 {strides = array<i32>} : memref<128xf32, #tpu.memory_space<vmem>>, vector<16xf32>,
    "tpu.region"() ({
      %run_scoped3A = tpu.sem_alloc : memref<!tpu.dma_semaphore, #tpu.memory_space<semaphore_mem>>
      %dma_start3A_398 = arith.constant 0 : i32
      %dma_start3A_399 = tpu.memref_slice %arg11[%add3A, %dma_start3A_398] : memref<32x128xi32, #tpu.memory_space<hbm>> -> memref<1x128xi32, #tpu.memory_space<hbm>>
      %dma_start3A_400 = tpu.memref_squeeze %dma_start3A_399 : memref<1x128xi32, #tpu.memory_space<hbm>> -> memref<128xi32, #tpu.memory_space<hbm>>
      %dma_start3A_401 = arith.constant 0 : i32
      %dma_start3A_402 = tpu.memref_slice %arg11[%add3A, %dma_start3A_401] : memref<32x128xi32, #tpu.memory_space<hbm>> -> memref<1x128xi32, #tpu.memory_space<hbm>>
      %dma_start3A_403 = tpu.memref_squeeze %dma_start3A_402 : memref<1x128xi32, #tpu.memory_space<hbm>> -> memref<128xi32, #tpu.memory_space<hbm>>
      tpu.enqueue_dma source(%arg21 : memref<128xi32, #tpu.memory_space<vmem>>) target(%dma_start3A_403 : memref<128xi32, #tpu.memory_space<hbm>>) target_semaphore(%run_scoped3A : memref<!tpu.dma_semaphore, #tpu.memory_space<semaphore_mem>>)
      %dma_wait3A_404 = arith.constant 0 : i32
      %dma_wait3A_405 = tpu.memref_slice %arg11[%add3A, %dma_wait3A_404] : memref<32x128xi32, #tpu.memory_space<hbm>> -> memref<1x128xi32, #tpu.memory_space<hbm>>
      %dma_wait3A_406 = tpu.memref_squeeze %dma_wait3A_405 : memref<1x128xi32, #tpu.memory_space<hbm>> -> memref<128xi32, #tpu.memory_space<hbm>>
      %dma_wait3A_407 = arith.constant 0 : i32
      %dma_wait3A_408 = tpu.memref_slice %arg11[%add3A, %dma_wait3A_407] : memref<32x128xi32, #tpu.memory_space<hbm>> -> memref<1x128xi32, #tpu.memory_space<hbm>>
      %dma_wait3A_409 = tpu.memref_squeeze %dma_wait3A_408 : memref<1x128xi32, #tpu.memory_space<hbm>> -> memref<128xi32, #tpu.memory_space<hbm>>
      tpu.wait_dma2 semaphore(%run_scoped3A : memref<!tpu.dma_semaphore, #tpu.memory_space<semaphore_mem>>) src(%arg21 : memref<128xi32, #tpu.memory_space<vmem>>) dst(%dma_wait3A_409 : memref<128xi32, #tpu.memory_space<hbm>>)
      tpu.yield
    }) : () -> ()
    "tpu.region"() ({
      %run_scoped3A = tpu.sem_alloc : memref<!tpu.dma_semaphore, #tpu.memory_space<semaphore_mem>>
      %dma_start3A_398 = arith.constant 0 : i32
      %dma_start3A_399 = tpu.memref_slice %arg12[%add3A, %dma_start3A_398] : memref<32x128xi32, #tpu.memory_space<hbm>> -> memref<1x128xi32, #tpu.memory_space<hbm>>
      %dma_start3A_400 = tpu.memref_squeeze %dma_start3A_399 : memref<1x128xi32, #tpu.memory_space<hbm>> -> memref<128xi32, #tpu.memory_space<hbm>>
      %dma_start3A_401 = arith.constant 0 : i32
      %dma_start3A_402 = tpu.memref_slice %arg12[%add3A, %dma_start3A_401] : memref<32x128xi32, #tpu.memory_space<hbm>> -> memref<1x128xi32, #tpu.memory_space<hbm>>
      %dma_start3A_403 = tpu.memref_squeeze %dma_start3A_402 : memref<1x128xi32, #tpu.memory_space<hbm>> -> memref<128xi32, #tpu.memory_space<hbm>>
      tpu.enqueue_dma source(%arg22 : memref<128xi32, #tpu.memory_space<vmem>>) target(%dma_start3A_403 : memref<128xi32, #tpu.memory_space<hbm>>) target_semaphore(%run_scoped3A : memref<!tpu.dma_semaphore, #tpu.memory_space<semaphore_mem>>)
      %dma_wait3A_404 = arith.constant 0 : i32
      %dma_wait3A_405 = tpu.memref_slice %arg12[%add3A, %dma_wait3A_404] : memref<32x128xi32, #tpu.memory_space<hbm>> -> memref<1x128xi32, #tpu.memory_space<hbm>>
      %dma_wait3A_406 = tpu.memref_squeeze %dma_wait3A_405 : memref<1x128xi32, #tpu.memory_space<hbm>> -> memref<128xi32, #tpu.memory_space<hbm>>
      %dma_wait3A_407 = arith.constant 0 : i32
      %dma_wait3A_408 = tpu.memref_slice %arg12[%add3A, %dma_wait3A_407] : memref<32x128xi32, #tpu.memory_space<hbm>> -> memref<1x128xi32, #tpu.memory_space<hbm>>
      %dma_wait3A_409 = tpu.memref_squeeze %dma_wait3A_408 : memref<1x128xi32, #tpu.memory_space<hbm>> -> memref<128xi32, #tpu.memory_space<hbm>>
      tpu.wait_dma2 semaphore(%run_scoped3A : memref<!tpu.dma_semaphore, #tpu.memory_space<semaphore_mem>>) src(%arg22 : memref<128xi32, #tpu.memory_space<vmem>>) dst(%dma_wait3A_409 : memref<128xi32, #tpu.memory_space<hbm>>)
      tpu.yield
    }) : () -> ()
    "tpu.region"() ({
      %run_scoped3A = tpu.sem_alloc : memref<!tpu.dma_semaphore, #tpu.memory_space<semaphore_mem>>
      %dma_start3A_398 = arith.constant 0 : i32
      %dma_start3A_399 = tpu.memref_slice %arg13[%add3A, %dma_start3A_398] : memref<32x128xi32, #tpu.memory_space<hbm>> -> memref<1x128xi32, #tpu.memory_space<hbm>>
      %dma_start3A_400 = tpu.memref_squeeze %dma_start3A_399 : memref<1x128xi32, #tpu.memory_space<hbm>> -> memref<128xi32, #tpu.memory_space<hbm>>
      %dma_start3A_401 = arith.constant 0 : i32
      %dma_start3A_402 = tpu.memref_slice %arg13[%add3A, %dma_start3A_401] : memref<32x128xi32, #tpu.memory_space<hbm>> -> memref<1x128xi32, #tpu.memory_space<hbm>>
      %dma_start3A_403 = tpu.memref_squeeze %dma_start3A_402 : memref<1x128xi32, #tpu.memory_space<hbm>> -> memref<128xi32, #tpu.memory_space<hbm>>
      tpu.enqueue_dma source(%arg23 : memref<128xi32, #tpu.memory_space<vmem>>) target(%dma_start3A_403 : memref<128xi32, #tpu.memory_space<hbm>>) target_semaphore(%run_scoped3A : memref<!tpu.dma_semaphore, #tpu.memory_space<semaphore_mem>>)
      %dma_wait3A_404 = arith.constant 0 : i32
      %dma_wait3A_405 = tpu.memref_slice %arg13[%add3A, %dma_wait3A_404] : memref<32x128xi32, #tpu.memory_space<hbm>> -> memref<1x128xi32, #tpu.memory_space<hbm>>
      %dma_wait3A_406 = tpu.memref_squeeze %dma_wait3A_405 : memref<1x128xi32, #tpu.memory_space<hbm>> -> memref<128xi32, #tpu.memory_space<hbm>>
      %dma_wait3A_407 = arith.constant 0 : i32
      %dma_wait3A_408 = tpu.memref_slice %arg13[%add3A, %dma_wait3A_407] : memref<32x128xi32, #tpu.memory_space<hbm>> -> memref<1x128xi32, #tpu.memory_space<hbm>>
      %dma_wait3A_409 = tpu.memref_squeeze %dma_wait3A_408 : memref<1x128xi32, #tpu.memory_space<hbm>> -> memref<128xi32, #tpu.memory_space<hbm>>
      tpu.wait_dma2 semaphore(%run_scoped3A : memref<!tpu.dma_semaphore, #tpu.memory_space<semaphore_mem>>) src(%arg23 : memref<128xi32, #tpu.memory_space<vmem>>) dst(%dma_wait3A_409 : memref<128xi32, #tpu.memory_space<hbm>>)
      tpu.yield
    }) : () -> ()
    "tpu.region"() ({
      %run_scoped3A = tpu.sem_alloc : memref<!tpu.dma_semaphore, #tpu.memory_space<semaphore_mem>>
      %dma_start3A_398 = arith.constant 0 : i32
      %dma_start3A_399 = tpu.memref_slice %arg14[%add3A, %dma_start3A_398] : memref<32x128xf32, #tpu.memory_space<hbm>> -> memref<1x128xf32, #tpu.memory_space<hbm>>
      %dma_start3A_400 = tpu.memref_squeeze %dma_start3A_399 : memref<1x128xf32, #tpu.memory_space<hbm>> -> memref<128xf32, #tpu.memory_space<hbm>>
      %dma_start3A_401 = arith.constant 0 : i32
      %dma_start3A_402 = tpu.memref_slice %arg14[%add3A, %dma_start3A_401] : memref<32x128xf32, #tpu.memory_space<hbm>> -> memref<1x128xf32, #tpu.memory_space<hbm>>
      %dma_start3A_403 = tpu.memref_squeeze %dma_start3A_402 : memref<1x128xf32, #tpu.memory_space<hbm>> -> memref<128xf32, #tpu.memory_space<hbm>>
      tpu.enqueue_dma source(%arg24 : memref<128xf32, #tpu.memory_space<vmem>>) target(%dma_start3A_403 : memref<128xf32, #tpu.memory_space<hbm>>) target_semaphore(%run_scoped3A : memref<!tpu.dma_semaphore, #tpu.memory_space<semaphore_mem>>)
      %dma_wait3A_404 = arith.constant 0 : i32
      %dma_wait3A_405 = tpu.memref_slice %arg14[%add3A, %dma_wait3A_404] : memref<32x128xf32, #tpu.memory_space<hbm>> -> memref<1x128xf32, #tpu.memory_space<hbm>>
      %dma_wait3A_406 = tpu.memref_squeeze %dma_wait3A_405 : memref<1x128xf32, #tpu.memory_space<hbm>> -> memref<128xf32, #tpu.memory_space<hbm>>
      %dma_wait3A_407 = arith.constant 0 : i32
      %dma_wait3A_408 = tpu.memref_slice %arg14[%add3A, %dma_wait3A_407] : memref<32x128xf32, #tpu.memory_space<hbm>> -> memref<1x128xf32, #tpu.memory_space<hbm>>
      %dma_wait3A_409 = tpu.memref_squeeze %dma_wait3A_408 : memref<1x128xf32, #tpu.memory_space<hbm>> -> memref<128xf32, #tpu.memory_space<hbm>>
      tpu.wait_dma2 semaphore(%run_scoped3A : memref<!tpu.dma_semaphore, #tpu.memory_space<semaphore_mem>>) src(%arg24 : memref<128xf32, #tpu.memory_space<vmem>>) dst(%dma_wait3A_409 : memref<128xf32, #tpu.memory_space<hbm>>)
      tpu.yield
    }) : () -> ()
    "tpu.region"() ({
      %run_scoped3A = tpu.sem_alloc : memref<!tpu.dma_semaphore, #tpu.memory_space<semaphore_mem>>
      %dma_start3A_398 = arith.constant 0 : i32
      %dma_start3A_399 = tpu.memref_slice %arg15[%add3A, %dma_start3A_398] : memref<32x128xf32, #tpu.memory_space<hbm>> -> memref<1x128xf32, #tpu.memory_space<hbm>>
      %dma_start3A_400 = tpu.memref_squeeze %dma_start3A_399 : memref<1x128xf32, #tpu.memory_space<hbm>> -> memref<128xf32, #tpu.memory_space<hbm>>
      %dma_start3A_401 = arith.constant 0 : i32
      %dma_start3A_402 = tpu.memref_slice %arg15[%add3A, %dma_start3A_401] : memref<32x128xf32, #tpu.memory_space<hbm>> -> memref<1x128xf32, #tpu.memory_space<hbm>>
      %dma_start3A_403 = tpu.memref_squeeze %dma_start3A_402 : memref<1x128xf32, #tpu.memory_space<hbm>> -> memref<128xf32, #tpu.memory_space<hbm>>
      tpu.enqueue_dma source(%arg25 : memref<128xf32, #tpu.memory_space<vmem>>) target(%dma_start3A_403 : memref<128xf32, #tpu.memory_space<hbm>>) target_semaphore(%run_scoped3A : memref<!tpu.dma_semaphore, #tpu.memory_space<semaphore_mem>>)
      %dma_wait3A_404 = arith.constant 0 : i32
      %dma_wait3A_405 = tpu.memref_slice %arg15[%add3A, %dma_wait3A_404] : memref<32x128xf32, #tpu.memory_space<hbm>> -> memref<1x128xf32, #tpu.memory_space<hbm>>
      %dma_wait3A_406 = tpu.memref_squeeze %dma_wait3A_405 : memref<1x128xf32, #tpu.memory_space<hbm>> -> memref<128xf32, #tpu.memory_space<hbm>>
      %dma_wait3A_407 = arith.constant 0 : i32
      %dma_wait3A_408 = tpu.memref_slice %arg15[%add3A, %dma_wait3A_407] : memref<32x128xf32, #tpu.memory_space<hbm>> -> memref<1x128xf32, #tpu.memory_space<hbm>>
      %dma_wait3A_409 = tpu.memref_squeeze %dma_wait3A_408 : memref<1x128xf32, #tpu.memory_space<hbm>> -> memref<128xf32, #tpu.memory_space<hbm>>
      tpu.wait_dma2 semaphore(%run_scoped3A : memref<!tpu.dma_semaphore, #tpu.memory_space<semaphore_mem>>) src(%arg25 : memref<128xf32, #tpu.memory_space<vmem>>) dst(%dma_wait3A_409 : memref<128xf32, #tpu.memory_space<hbm>>)
      tpu.yield
    }) : () -> ()
    "tpu.region"() ({
      %run_scoped3A = tpu.sem_alloc : memref<!tpu.dma_semaphore, #tpu.memory_space<semaphore_mem>>
      %dma_start3A_398 = arith.constant 0 : i32
      %dma_start3A_399 = arith.constant 0 : i32
      %dma_start3A_400 = tpu.memref_slice %arg16[%add3A, %dma_start3A_398, %dma_start3A_399] : memref<32x128x16xf32, #tpu.memory_space<hbm>> -> memref<1x128x16xf32, #tpu.memory_space<hbm>>
      %dma_start3A_401 = tpu.memref_squeeze %dma_start3A_400 : memref<1x128x16xf32, #tpu.memory_space<hbm>> -> memref<128x16xf32, #tpu.memory_space<hbm>>
      %dma_start3A_402 = arith.constant 0 : i32
      %dma_start3A_403 = arith.constant 0 : i32
      %dma_start3A_404 = tpu.memref_slice %arg16[%add3A, %dma_start3A_402, %dma_start3A_403] : memref<32x128x16xf32, #tpu.memory_space<hbm>> -> memref<1x128x16xf32, #tpu.memory_space<hbm>>
      %dma_start3A_405 = tpu.memref_squeeze %dma_start3A_404 : memref<1x128x16xf32, #tpu.memory_space<hbm>> -> memref<128x16xf32, #tpu.memory_space<hbm>>
      tpu.enqueue_dma source(%arg27 : memref<128x16xf32, #tpu.memory_space<vmem>>) target(%dma_start3A_405 : memref<128x16xf32, #tpu.memory_space<hbm>>) target_semaphore(%run_scoped3A : memref<!tpu.dma_semaphore, #tpu.memory_space<semaphore_mem>>)
      %dma_wait3A_406 = arith.constant 0 : i32
      %dma_wait3A_407 = arith.constant 0 : i32
      %dma_wait3A_408 = tpu.memref_slice %arg16[%add3A, %dma_wait3A_406, %dma_wait3A_407] : memref<32x128x16xf32, #tpu.memory_space<hbm>> -> memref<1x128x16xf32, #tpu.memory_space<hbm>>
      %dma_wait3A_409 = tpu.memref_squeeze %dma_wait3A_408 : memref<1x128x16xf32, #tpu.memory_space<hbm>> -> memref<128x16xf32, #tpu.memory_space<hbm>>
      %dma_wait3A_410 = arith.constant 0 : i32
      %dma_wait3A_411 = arith.constant 0 : i32
      %dma_wait3A_412 = tpu.memref_slice %arg16[%add3A, %dma_wait3A_410, %dma_wait3A_411] : memref<32x128x16xf32, #tpu.memory_space<hbm>> -> memref<1x128x16xf32, #tpu.memory_space<hbm>>
      %dma_wait3A_413 = tpu.memref_squeeze %dma_wait3A_412 : memref<1x128x16xf32, #tpu.memory_space<hbm>> -> memref<128x16xf32, #tpu.memory_space<hbm>>
      tpu.wait_dma2 semaphore(%run_scoped3A : memref<!tpu.dma_semaphore, #tpu.memory_space<semaphore_mem>>) src(%arg27 : memref<128x16xf32, #tpu.memory_space<vmem>>) dst(%dma_wait3A_413 : memref<128x16xf32, #tpu.memory_space<hbm>>)
      tpu.yield
    }) : () -> ()
    "tpu.region"() ({
      %run_scoped3A = tpu.sem_alloc : memref<!tpu.dma_semaphore, #tpu.memory_space<semaphore_mem>>
      %dma_start3A_398 = arith.constant 0 : i32
      %dma_start3A_399 = arith.constant 0 : i32
      %dma_start3A_400 = tpu.memref_slice %arg17[%add3A, %dma_start3A_398, %dma_start3A_399] : memref<32x128x16xf32, #tpu.memory_space<hbm>> -> memref<1x128x16xf32, #tpu.memory_space<hbm>>
      %dma_start3A_401 = tpu.memref_squeeze %dma_start3A_400 : memref<1x128x16xf32, #tpu.memory_space<hbm>> -> memref<128x16xf32, #tpu.memory_space<hbm>>
      %dma_start3A_402 = arith.constant 0 : i32
      %dma_start3A_403 = arith.constant 0 : i32
      %dma_start3A_404 = tpu.memref_slice %arg17[%add3A, %dma_start3A_402, %dma_start3A_403] : memref<32x128x16xf32, #tpu.memory_space<hbm>> -> memref<1x128x16xf32, #tpu.memory_space<hbm>>
      %dma_start3A_405 = tpu.memref_squeeze %dma_start3A_404 : memref<1x128x16xf32, #tpu.memory_space<hbm>> -> memref<128x16xf32, #tpu.memory_space<hbm>>
      tpu.enqueue_dma source(%arg28 : memref<128x16xf32, #tpu.memory_space<vmem>>) target(%dma_start3A_405 : memref<128x16xf32, #tpu.memory_space<hbm>>) target_semaphore(%run_scoped3A : memref<!tpu.dma_semaphore, #tpu.memory_space<semaphore_mem>>)
      %dma_wait3A_406 = arith.constant 0 : i32
      %dma_wait3A_407 = arith.constant 0 : i32
      %dma_wait3A_408 = tpu.memref_slice %arg17[%add3A, %dma_wait3A_406, %dma_wait3A_407] : memref<32x128x16xf32, #tpu.memory_space<hbm>> -> memref<1x128x16xf32, #tpu.memory_space<hbm>>
      %dma_wait3A_409 = tpu.memref_squeeze %dma_wait3A_408 : memref<1x128x16xf32, #tpu.memory_space<hbm>> -> memref<128x16xf32, #tpu.memory_space<hbm>>
      %dma_wait3A_410 = arith.constant 0 : i32
      %dma_wait3A_411 = arith.constant 0 : i32
      %dma_wait3A_412 = tpu.memref_slice %arg17[%add3A, %dma_wait3A_410, %dma_wait3A_411] : memref<32x128x16xf32, #tpu.memory_space<hbm>> -> memref<1x128x16xf32, #tpu.memory_space<hbm>>
      %dma_wait3A_413 = tpu.memref_squeeze %dma_wait3A_412 : memref<1x128x16xf32, #tpu.memory_space<hbm>> -> memref<128x16xf32, #tpu.memory_space<hbm>>
      tpu.wait_dma2 semaphore(%run_scoped3A : memref<!tpu.dma_semaphore, #tpu.memory_space<semaphore_mem>>) src(%arg28 : memref<128x16xf32, #tpu.memory_space<vmem>>) dst(%dma_wait3A_413 : memref<128x16xf32, #tpu.memory_space<hbm>>)
      tpu.yield
    }) : () -> ()
    return
  }
}

module attributes {stable_mosaic.version = 14 : i64} {
  func.func @_finish_body(%arg0: memref<4096x16xf32, #tpu.memory_space<vmem>>, %arg1: memref<4096x16xf32, #tpu.memory_space<vmem>>, %arg2: memref<4096x1xf32, #tpu.memory_space<vmem>>, %arg3: memref<4096x1xf32, #tpu.memory_space<vmem>>, %arg4: memref<4096x1xi32, #tpu.memory_space<vmem>>, %arg5: memref<2048x16xf32, #tpu.memory_space<vmem>>, %arg6: memref<2048x1xf32, #tpu.memory_space<vmem>>, %arg7: memref<2048x16xf32, #tpu.memory_space<vmem>>, %arg8: memref<2048x1xf32, #tpu.memory_space<vmem>>, %arg9: memref<256x16xf32, #tpu.memory_space<vmem>>, %arg10: memref<256x1xf32, #tpu.memory_space<vmem>>, %arg11: memref<1x256xf32, #tpu.memory_space<vmem>>, %arg12: memref<1x256xi32, #tpu.memory_space<vmem>>, %arg13: memref<1x1xf32, #tpu.memory_space<vmem>>, %arg14: memref<1x1xf32, #tpu.memory_space<vmem>>) attributes {dimension_semantics = [], scalar_prefetch = 0 : i64, scratch_operands = 0 : i64, tpu.core_type = #tpu.core_type<tc>} {
    %get3A = arith.constant 0 : index
    %get3A_0 = arith.constant 0 : index
    %get3A_1 = vector.load %arg4[%get3A, %get3A_0] : memref<4096x1xi32, #tpu.memory_space<vmem>>, vector<4096x1xi32>
    %get3A_2 = arith.constant 0 : index
    %get3A_3 = arith.constant 0 : index
    %get3A_4 = vector.load %arg12[%get3A_2, %get3A_3] : memref<1x256xi32, #tpu.memory_space<vmem>>, vector<1x256xi32>
    %eq3A = vector.broadcast %get3A_1 : vector<4096x1xi32> to vector<4096x256xi32>
    %eq3A_5 = vector.broadcast %get3A_4 : vector<1x256xi32> to vector<4096x256xi32>
    %eq3A_6 = arith.cmpi eq, %eq3A, %eq3A_5 : vector<4096x256xi32>
    %convert_element_type3A = arith.extui %eq3A_6 : vector<4096x256xi1> to vector<4096x256xi32>
    %convert_element_type3A_7 = arith.sitofp %convert_element_type3A : vector<4096x256xi32> to vector<4096x256xf32>
    %get3A_8 = arith.constant 0 : index
    %get3A_9 = arith.constant 0 : index
    %get3A_10 = vector.load %arg9[%get3A_8, %get3A_9] : memref<256x16xf32, #tpu.memory_space<vmem>>, vector<256x16xf32>
    %dot_general3A = arith.constant dense<0.000000e+00> : vector<4096x16xf32>
    %dot_general3A_11 = tpu.matmul %convert_element_type3A_7, %get3A_10, %dot_general3A {dimension_numbers = #tpu.dot_dimension_numbers<[1], [0], [0], [1], [0, 0, 1, 1], [], []>, transpose_lhs_hint = false} : vector<4096x256xf32>, vector<256x16xf32>, vector<4096x16xf32> -> vector<4096x16xf32>
    %get3A_12 = arith.constant 0 : index
    %get3A_13 = arith.constant 0 : index
    %get3A_14 = vector.load %arg10[%get3A_12, %get3A_13] : memref<256x1xf32, #tpu.memory_space<vmem>>, vector<256x1xf32>
    %dot_general3A_15 = arith.constant dense<0.000000e+00> : vector<4096x1xf32>
    %dot_general3A_16 = tpu.matmul %convert_element_type3A_7, %get3A_14, %dot_general3A_15 {dimension_numbers = #tpu.dot_dimension_numbers<[1], [0], [0], [1], [0, 0, 1, 1], [], []>, transpose_lhs_hint = false} : vector<4096x256xf32>, vector<256x1xf32>, vector<4096x1xf32> -> vector<4096x1xf32>
    %get3A_17 = arith.constant 0 : index
    %get3A_18 = arith.constant 0 : index
    %get3A_19 = vector.load %arg0[%get3A_17, %get3A_18] : memref<4096x16xf32, #tpu.memory_space<vmem>>, vector<4096x16xf32>
    %sub3A = arith.subf %dot_general3A_11, %get3A_19 : vector<4096x16xf32>
    %add3A = arith.constant 9.99999997E-7 : f32
    %add3A_20 = vector.broadcast %add3A : f32 to vector<4096x16xf32>
    %add3A_21 = arith.addf %sub3A, %add3A_20 : vector<4096x16xf32>
    %integer_pow3A = arith.mulf %add3A_21, %add3A_21 : vector<4096x16xf32>
    %reduce_sum3A = arith.constant dense<0.000000e+00> : vector<4096xf32>
    %reduce_sum3A_22 = vector.multi_reduction <add>, %integer_pow3A, %reduce_sum3A [1] : vector<4096x16xf32> to vector<4096xf32>
    %broadcast_in_dim3A = vector.shape_cast %reduce_sum3A_22 : vector<4096xf32> to vector<4096x1xf32>
    %sqrt3A = math.sqrt %broadcast_in_dim3A : vector<4096x1xf32>
    %get3A_23 = arith.constant 0 : index
    %get3A_24 = arith.constant 0 : index
    %get3A_25 = vector.load %arg1[%get3A_23, %get3A_24] : memref<4096x16xf32, #tpu.memory_space<vmem>>, vector<4096x16xf32>
    %sub3A_26 = arith.subf %dot_general3A_11, %get3A_25 : vector<4096x16xf32>
    %add3A_27 = arith.constant 9.99999997E-7 : f32
    %add3A_28 = vector.broadcast %add3A_27 : f32 to vector<4096x16xf32>
    %add3A_29 = arith.addf %sub3A_26, %add3A_28 : vector<4096x16xf32>
    %integer_pow3A_30 = arith.mulf %add3A_29, %add3A_29 : vector<4096x16xf32>
    %reduce_sum3A_31 = arith.constant dense<0.000000e+00> : vector<4096xf32>
    %reduce_sum3A_32 = vector.multi_reduction <add>, %integer_pow3A_30, %reduce_sum3A_31 [1] : vector<4096x16xf32> to vector<4096xf32>
    %broadcast_in_dim3A_33 = vector.shape_cast %reduce_sum3A_32 : vector<4096xf32> to vector<4096x1xf32>
    %sqrt3A_34 = math.sqrt %broadcast_in_dim3A_33 : vector<4096x1xf32>
    %get3A_35 = arith.constant 0 : index
    %get3A_36 = arith.constant 0 : index
    %get3A_37 = vector.load %arg2[%get3A_35, %get3A_36] : memref<4096x1xf32, #tpu.memory_space<vmem>>, vector<4096x1xf32>
    %get3A_38 = arith.constant 0 : index
    %get3A_39 = arith.constant 0 : index
    %get3A_40 = vector.load %arg3[%get3A_38, %get3A_39] : memref<4096x1xf32, #tpu.memory_space<vmem>>, vector<4096x1xf32>
    %add3A_41 = arith.addf %get3A_40, %dot_general3A_16 : vector<4096x1xf32>
    %sub3A_42 = arith.subf %add3A_41, %sqrt3A : vector<4096x1xf32>
    %sub3A_43 = arith.subf %sub3A_42, %sqrt3A_34 : vector<4096x1xf32>
    %mul3A = arith.mulf %get3A_37, %sub3A_43 : vector<4096x1xf32>
    %reduce_sum3A_44 = vector.shape_cast %mul3A : vector<4096x1xf32> to vector<1x4096x1xf32>
    %reduce_sum3A_45 = arith.constant dense<0.000000e+00> : vector<1xf32>
    %reduce_sum3A_46 = vector.multi_reduction <add>, %reduce_sum3A_44, %reduce_sum3A_45 [1, 2] : vector<1x4096x1xf32> to vector<1xf32>
    %reduce_sum3A_47 = vector.shape_cast %reduce_sum3A_46 : vector<1xf32> to vector<1x1x1xf32>
    %reduce_sum3A_48 = vector.extract %reduce_sum3A_47[0, 0, 0] : f32 from vector<1x1x1xf32>
    %reshape3A = vector.broadcast %reduce_sum3A_48 : f32 to vector<1x1xf32>
    %swap3A = arith.constant 0 : index
    %swap3A_49 = arith.constant 0 : index
    %swap3A_50 = vector.load %arg13[%swap3A, %swap3A_49] : memref<1x1xf32, #tpu.memory_space<vmem>>, vector<1x1xf32>
    tpu.vector_store %arg13[%swap3A, %swap3A_49], %reshape3A {strides = array<i32>} : memref<1x1xf32, #tpu.memory_space<vmem>>, vector<1x1xf32>,
    %reduce_or3A = arith.constant 1.000000e+00 : f32
    %reduce_or3A_51 = arith.constant 0.000000e+00 : f32
    %reduce_or3A_52 = vector.broadcast %reduce_or3A : f32 to vector<4096x256xf32>
    %reduce_or3A_53 = vector.broadcast %reduce_or3A_51 : f32 to vector<4096x256xf32>
    %reduce_or3A_54 = arith.select %eq3A_6, %reduce_or3A_52, %reduce_or3A_53 : vector<4096x256xi1>, vector<4096x256xf32>
    %reduce_or3A_55 = arith.constant dense<0xFF800000> : vector<256xf32>
    %reduce_or3A_56 = vector.multi_reduction <maximumf>, %reduce_or3A_54, %reduce_or3A_55 [0] : vector<4096x256xf32> to vector<256xf32>
    %reduce_or3A_57 = arith.constant 0.000000e+00 : f32
    %reduce_or3A_58 = vector.broadcast %reduce_or3A_57 : f32 to vector<256xf32>
    %reduce_or3A_59 = arith.cmpf ogt, %reduce_or3A_56, %reduce_or3A_58 : vector<256xf32>
    %broadcast_in_dim3A_60 = vector.shape_cast %reduce_or3A_59 : vector<256xi1> to vector<1x256xi1>
    %get3A_61 = arith.constant 0 : index
    %get3A_62 = arith.constant 0 : index
    %get3A_63 = vector.load %arg9[%get3A_61, %get3A_62] : memref<256x16xf32, #tpu.memory_space<vmem>>, vector<256x16xf32>
    %mul3A_64 = arith.mulf %get3A_63, %get3A_63 : vector<256x16xf32>
    %reduce_sum3A_65 = arith.constant dense<0.000000e+00> : vector<256xf32>
    %reduce_sum3A_66 = vector.multi_reduction <add>, %mul3A_64, %reduce_sum3A_65 [1] : vector<256x16xf32> to vector<256xf32>
    %broadcast_in_dim3A_67 = vector.shape_cast %reduce_sum3A_66 : vector<256xf32> to vector<1x256xf32>
    %get3A_68 = arith.constant 0 : index
    %get3A_69 = arith.constant 0 : index
    %get3A_70 = vector.load %arg5[%get3A_68, %get3A_69] : memref<2048x16xf32, #tpu.memory_space<vmem>>, vector<2048x16xf32>
    %add3A_71 = arith.constant 9.99999997E-7 : f32
    %add3A_72 = vector.broadcast %add3A_71 : f32 to vector<2048x16xf32>
    %add3A_73 = arith.addf %get3A_70, %add3A_72 : vector<2048x16xf32>
    %dot_general3A_74 = arith.constant dense<0.000000e+00> : vector<2048x256xf32>
    %dot_general3A_75 = tpu.matmul %add3A_73, %get3A_63, %dot_general3A_74 {dimension_numbers = #tpu.dot_dimension_numbers<[1], [1], [0], [0], [0, 0, 1, 0], [], []>, transpose_lhs_hint = false} : vector<2048x16xf32>, vector<256x16xf32>, vector<2048x256xf32> -> vector<2048x256xf32>
    %mul3A_76 = arith.mulf %add3A_73, %add3A_73 : vector<2048x16xf32>
    %reduce_sum3A_77 = arith.constant dense<0.000000e+00> : vector<2048xf32>
    %reduce_sum3A_78 = vector.multi_reduction <add>, %mul3A_76, %reduce_sum3A_77 [1] : vector<2048x16xf32> to vector<2048xf32>
    %broadcast_in_dim3A_79 = vector.shape_cast %reduce_sum3A_78 : vector<2048xf32> to vector<2048x1xf32>
    %add3A_80 = vector.broadcast %broadcast_in_dim3A_79 : vector<2048x1xf32> to vector<2048x256xf32>
    %add3A_81 = vector.broadcast %broadcast_in_dim3A_67 : vector<1x256xf32> to vector<2048x256xf32>
    %add3A_82 = arith.addf %add3A_80, %add3A_81 : vector<2048x256xf32>
    %mul3A_83 = arith.constant 2.000000e+00 : f32
    %mul3A_84 = vector.broadcast %mul3A_83 : f32 to vector<2048x256xf32>
    %mul3A_85 = arith.mulf %mul3A_84, %dot_general3A_75 : vector<2048x256xf32>
    %sub3A_86 = arith.subf %add3A_82, %mul3A_85 : vector<2048x256xf32>
    %max3A = arith.constant 0.000000e+00 : f32
    %max3A_87 = vector.broadcast %max3A : f32 to vector<2048x256xf32>
    %max3A_88 = arith.maximumf %sub3A_86, %max3A_87 : vector<2048x256xf32>
    %sqrt3A_89 = math.sqrt %max3A_88 : vector<2048x256xf32>
    %add3A_90 = arith.constant 9.99999997E-7 : f32
    %add3A_91 = vector.broadcast %add3A_90 : f32 to vector<2048x256xf32>
    %add3A_92 = arith.addf %sqrt3A_89, %add3A_91 : vector<2048x256xf32>
    %get3A_93 = arith.constant 0 : index
    %get3A_94 = arith.constant 0 : index
    %get3A_95 = vector.load %arg6[%get3A_93, %get3A_94] : memref<2048x1xf32, #tpu.memory_space<vmem>>, vector<2048x1xf32>
    %exp3A = math.exp %get3A_95 : vector<2048x1xf32>
    %neg3A = arith.constant 0.000000e+00 : f32
    %neg3A_96 = vector.broadcast %neg3A : f32 to vector<2048x256xf32>
    %neg3A_97 = arith.subf %neg3A_96, %add3A_92 : vector<2048x256xf32>
    %exp3A_98 = math.exp %neg3A_97 : vector<2048x256xf32>
    %mul3A_99 = vector.broadcast %exp3A : vector<2048x1xf32> to vector<2048x256xf32>
    %mul3A_100 = arith.mulf %mul3A_99, %exp3A_98 : vector<2048x256xf32>
    %reduce_sum3A_101 = arith.constant dense<0.000000e+00> : vector<256xf32>
    %reduce_sum3A_102 = vector.multi_reduction <add>, %mul3A_100, %reduce_sum3A_101 [0] : vector<2048x256xf32> to vector<256xf32>
    %broadcast_in_dim3A_103 = vector.shape_cast %reduce_sum3A_102 : vector<256xf32> to vector<1x256xf32>
    %get3A_104 = arith.constant 0 : index
    %get3A_105 = arith.constant 0 : index
    %get3A_106 = vector.load %arg7[%get3A_104, %get3A_105] : memref<2048x16xf32, #tpu.memory_space<vmem>>, vector<2048x16xf32>
    %add3A_107 = arith.constant 9.99999997E-7 : f32
    %add3A_108 = vector.broadcast %add3A_107 : f32 to vector<2048x16xf32>
    %add3A_109 = arith.addf %get3A_106, %add3A_108 : vector<2048x16xf32>
    %dot_general3A_110 = arith.constant dense<0.000000e+00> : vector<2048x256xf32>
    %dot_general3A_111 = tpu.matmul %add3A_109, %get3A_63, %dot_general3A_110 {dimension_numbers = #tpu.dot_dimension_numbers<[1], [1], [0], [0], [0, 0, 1, 0], [], []>, transpose_lhs_hint = false} : vector<2048x16xf32>, vector<256x16xf32>, vector<2048x256xf32> -> vector<2048x256xf32>
    %mul3A_112 = arith.mulf %add3A_109, %add3A_109 : vector<2048x16xf32>
    %reduce_sum3A_113 = arith.constant dense<0.000000e+00> : vector<2048xf32>
    %reduce_sum3A_114 = vector.multi_reduction <add>, %mul3A_112, %reduce_sum3A_113 [1] : vector<2048x16xf32> to vector<2048xf32>
    %broadcast_in_dim3A_115 = vector.shape_cast %reduce_sum3A_114 : vector<2048xf32> to vector<2048x1xf32>
    %add3A_116 = vector.broadcast %broadcast_in_dim3A_115 : vector<2048x1xf32> to vector<2048x256xf32>
    %add3A_117 = vector.broadcast %broadcast_in_dim3A_67 : vector<1x256xf32> to vector<2048x256xf32>
    %add3A_118 = arith.addf %add3A_116, %add3A_117 : vector<2048x256xf32>
    %mul3A_119 = arith.constant 2.000000e+00 : f32
    %mul3A_120 = vector.broadcast %mul3A_119 : f32 to vector<2048x256xf32>
    %mul3A_121 = arith.mulf %mul3A_120, %dot_general3A_111 : vector<2048x256xf32>
    %sub3A_122 = arith.subf %add3A_118, %mul3A_121 : vector<2048x256xf32>
    %max3A_123 = arith.constant 0.000000e+00 : f32
    %max3A_124 = vector.broadcast %max3A_123 : f32 to vector<2048x256xf32>
    %max3A_125 = arith.maximumf %sub3A_122, %max3A_124 : vector<2048x256xf32>
    %sqrt3A_126 = math.sqrt %max3A_125 : vector<2048x256xf32>
    %add3A_127 = arith.constant 9.99999997E-7 : f32
    %add3A_128 = vector.broadcast %add3A_127 : f32 to vector<2048x256xf32>
    %add3A_129 = arith.addf %sqrt3A_126, %add3A_128 : vector<2048x256xf32>
    %get3A_130 = arith.constant 0 : index
    %get3A_131 = arith.constant 0 : index
    %get3A_132 = vector.load %arg8[%get3A_130, %get3A_131] : memref<2048x1xf32, #tpu.memory_space<vmem>>, vector<2048x1xf32>
    %exp3A_133 = math.exp %get3A_132 : vector<2048x1xf32>
    %neg3A_134 = arith.constant 0.000000e+00 : f32
    %neg3A_135 = vector.broadcast %neg3A_134 : f32 to vector<2048x256xf32>
    %neg3A_136 = arith.subf %neg3A_135, %add3A_129 : vector<2048x256xf32>
    %exp3A_137 = math.exp %neg3A_136 : vector<2048x256xf32>
    %mul3A_138 = vector.broadcast %exp3A_133 : vector<2048x1xf32> to vector<2048x256xf32>
    %mul3A_139 = arith.mulf %mul3A_138, %exp3A_137 : vector<2048x256xf32>
    %reduce_sum3A_140 = arith.constant dense<0.000000e+00> : vector<256xf32>
    %reduce_sum3A_141 = vector.multi_reduction <add>, %mul3A_139, %reduce_sum3A_140 [0] : vector<2048x256xf32> to vector<256xf32>
    %broadcast_in_dim3A_142 = vector.shape_cast %reduce_sum3A_141 : vector<256xf32> to vector<1x256xf32>
    %get3A_143 = arith.constant 0 : index
    %get3A_144 = arith.constant 0 : index
    %get3A_145 = vector.load %arg11[%get3A_143, %get3A_144] : memref<1x256xf32, #tpu.memory_space<vmem>>, vector<1x256xf32>
    %exp3A_146 = math.exp %get3A_145 : vector<1x256xf32>
    %mul3A_147 = arith.mulf %broadcast_in_dim3A_103, %exp3A_146 : vector<1x256xf32>
    %mul3A_148 = arith.mulf %mul3A_147, %broadcast_in_dim3A_142 : vector<1x256xf32>
    %jit3A = arith.constant 0.000000e+00 : f32
    %broadcast_in_dim3A_149 = vector.broadcast %jit3A : f32 to vector<1x256xf32>
    %select_n3A = arith.select %broadcast_in_dim3A_60, %mul3A_148, %broadcast_in_dim3A_149 : vector<1x256xi1>, vector<1x256xf32>
    %reduce_sum3A_150 = vector.shape_cast %select_n3A : vector<1x256xf32> to vector<1x1x256xf32>
    %reduce_sum3A_151 = arith.constant dense<0.000000e+00> : vector<1xf32>
    %reduce_sum3A_152 = vector.multi_reduction <add>, %reduce_sum3A_150, %reduce_sum3A_151 [1, 2] : vector<1x1x256xf32> to vector<1xf32>
    %reduce_sum3A_153 = vector.shape_cast %reduce_sum3A_152 : vector<1xf32> to vector<1x1x1xf32>
    %reduce_sum3A_154 = vector.extract %reduce_sum3A_153[0, 0, 0] : f32 from vector<1x1x1xf32>
    %reshape3A_155 = vector.broadcast %reduce_sum3A_154 : f32 to vector<1x1xf32>
    %swap3A_156 = arith.constant 0 : index
    %swap3A_157 = arith.constant 0 : index
    %swap3A_158 = vector.load %arg14[%swap3A_156, %swap3A_157] : memref<1x1xf32, #tpu.memory_space<vmem>>, vector<1x1xf32>
    tpu.vector_store %arg14[%swap3A_156, %swap3A_157], %reshape3A_155 {strides = array<i32>} : memref<1x1xf32, #tpu.memory_space<vmem>>, vector<1x1xf32>,
    return
  }
}

</mosaic_0001>

<sc_bundles>
// kernel: kernel.5.cloned.1.call-start
scs
__scs_entry_jumppad:
0x0: {  	(pc) =	sbr.rel $0x88, $3  }
0x1: {  	(tag) =	ssettag $0x0;
	lr =	simm.s32 $0x1  }
0x2: {  	[smem:$0x3F97] =	sst lr;
	_ =	strace $0xD0000000  }
0x3: {  	_ = 	snop  }
0x4: {  	_ = 	snop  }
0x5: {  	_ = 	snop  }
0x6: {  	_ = 	snop  }
0x7: {  	_ = 	snop  }
__scs_overlays_trampoline_lowered:
0x8: {  	[smem:$0x3FA6] =	sst s0  }
0x9: {  	[smem:$0x3FA7] =	sst s1  }
0xa: {  	[smem:$0x3FA8] =	sst s2  }
0xb: {  	[smem:$0x3FA9] =	sst s3  }
0xc: {  	[smem:$0x3FAA] =	sst s4  }
0xd: {  	[smem:$0x3FAB] =	sst s5  }
0xe: {  	[smem:$0x3FAC] =	sst s6  }
0xf: {  	[smem:$0x3FAD] =	sst s7  }
0x10: {  	[smem:$0x3FAE] =	sst s8  }
0x11: {  	[smem:$0x3FAF] =	sst s9;
	s0 =	simm.s32 @!p0 $0x0  }
0x12: {  	s1 =	sld [smem:$0x3F95];
	s0 =	simm.s32 @p0 $0x1  }
0x13: {  	[smem:$0x3FB0] =	sst s0;
	s0 =	simm.s32 @!p1 $0x0  }
0x14: {  	s2 =	sld [smem:$0x3F94];
	s0 =	simm.s32 @p1 $0x1  }
0x15: {  	[smem:$0x3FB1] =	sst s0;
	s0 =	simm.s32 @!p2 $0x0  }
0x16: {  	s3 =	sld [smem:$0x3FDB];
	s0 =	simm.s32 @p2 $0x1  }
0x17: {  	s4 =	simm.s32 $0x1BF5;
	[smem:$0x3FB3] =	sst s0  }
0x18: {  	s0 =	sld [smem:$0x3F96];
	_ =	swait.ge [sflag:s4], $0x0  }
0x19: {  	s7 =	sld [smem:$0x3F97]  }
0x1a: {  	s8 =	sadd.s32 $0xFFFFE003, lr  }
0x1b: {  	s9 =	sadd.s32 $0xFFFFFEF7, lr;
	s5 =	simm.s32 $0xFFFFFFFF;
	p2 =	slt.u32 s8, $0xFFFFF086  }
0x1c: {  	p1 =	slt.u32 s9, $0xF7A;
	s5 =	simm.s32 @!p2 $0x0  }
0x1d: {  	s5 =	simm.s32 @p1 $0x1;
	p0 =	seq.s32 s7, s2  }
0x1e: {  	s7 =	smul.u32 @!p0 $0xF7A, s2;
	p2 =	seq.s32 @!p0 s5, $0x0  }
0x1f: {  	s9 =	smul.u32 $0xF7A, s1;
	s8 =	simm.s32 @!p0 $0x1BF5;
	p2 =	por !p2, p0  }
0x20: {  	[sflag:s8] =	ssyncset.s32 @!p0 $0xFFFFF086;
	s6 =	sadd.s32 @!p0 s3, s7;
	s7 =	simm.s32 @!p0 $0x108  }
0x21: {  	s3 =	sadd.s32 s3, s9;
	s6 =	sadd.s32 @!p0 $0x88, s6;
	s7 =	simm.s32 @p2 $0x1082  }
0x22: {  	[simem:s7], [sflag:s8] =	dma.local @!p0 [hbm:s6], $0xF7A  }
0x23: {  	s9 =	sor.u32 $0xD0000000, s2;
	s6 =	simm.s32 $0x108;
	_ =	swait.ge @!p0 [sflag:s8], $0x0  }
0x24: {  	s3 =	sadd.s32 $0x88, s3;
	s6 =	simm.s32 @!p1 $0x1082;
	[sflag:s4] =	ssyncset.s32 $0xFFFFF086  }
0x25: {  	[simem:s6], [sflag:s4] =	dma.local [hbm:s3], $0xF7A  }
0x26: {  	[smem:$0x3F97] =	sst s1;
	(tag) =	ssettag s2;
	_ =	strace s9  }
0x27: {  	s1 =	sld [smem:$0x3FA7]  }
0x28: {  	s2 =	sld [smem:$0x3FA8]  }
0x29: {  	s4 =	sld [smem:$0x3FAA]  }
0x2a: {  	p0 =	seq.s32 s5, $0x0;
	s5 =	sld [smem:$0x3FAB]  }
0x2b: {  	s6 =	sld [smem:$0x3FAC]  }
0x2c: {  	s7 =	sld [smem:$0x3FAD]  }
0x2d: {  	s3 =	simm.s32 $0x108;
	s8 =	sld [smem:$0x3FAE]  }
0x2e: {  	s3 =	simm.s32 @!p0 $0x1082;
	s9 =	sld [smem:$0x3FAF]  }
0x2f: {  	lr =	sadd.s32 s0, s3;
	s0 =	sld [smem:$0x3FA6]  }
0x30: {  	s3 =	sld [smem:$0x3FA9]  }
0x31: {  	[smem:$0x3FB2] =	sst s10  }
0x32: {  	s10 =	sld [smem:$0x3FB0];
	_ =	sdelay $0x3  }
0x33: {  	p0 =	seq.s32 s10, $0x1;
	s10 =	sld [smem:$0x3FB2];
	_ =	sdelay $0x3  }
0x34: {  	[smem:$0x3FB2] =	sst s10  }
0x35: {  	s10 =	sld [smem:$0x3FB1];
	_ =	sdelay $0x3  }
0x36: {  	p1 =	seq.s32 s10, $0x1;
	s10 =	sld [smem:$0x3FB2];
	_ =	sdelay $0x3  }
0x37: {  	[smem:$0x3FB2] =	sst s10  }
0x38: {  	s10 =	sld [smem:$0x3FB3]  }
0x39: {  	_ = 	snop;
	(pc) =	sbr.ind lr, $3  }
0x3a: {  	_ = 	snop  }
0x3b: {  	_ = 	snop  }
0x3c: {  	p2 =	seq.s32 s10, $0x1;
	s10 =	sld [smem:$0x3FB2]  }
0x3d: {  	_ =	shalt  }
0x3e: {  	_ =	shalt  }
0x3f: {  	_ =	shalt  }
0x40: {  	_ =	shalt  }
0x41: {  	_ =	shalt  }
0x42: {  	_ =	shalt  }
0x43: {  	_ =	shalt  }
0x44: {  	_ =	shalt  }
0x45: {  	_ =	shalt  }
0x46: {  	_ =	shalt  }
0x47: {  	_ =	shalt  }
0x48: {  	_ =	shalt  }
0x49: {  	_ =	shalt  }
0x4a: {  	_ =	shalt  }
0x4b: {  	_ =	shalt  }
0x4c: {  	_ =	shalt  }
0x4d: {  	_ =	shalt  }
0x4e: {  	_ =	shalt  }
0x4f: {  	_ =	shalt  }
0x50: {  	_ =	shalt  }
0x51: {  	_ =	shalt  }
0x52: {  	_ =	shalt  }
0x53: {  	_ =	shalt  }
0x54: {  	_ =	shalt  }
0x55: {  	_ =	shalt  }
0x56: {  	_ =	shalt  }
0x57: {  	_ =	shalt  }
0x58: {  	_ =	shalt  }
0x59: {  	_ =	shalt  }
0x5a: {  	_ =	shalt  }
0x5b: {  	_ =	shalt  }
0x5c: {  	_ =	shalt  }
0x5d: {  	_ =	shalt  }
0x5e: {  	_ =	shalt  }
0x5f: {  	_ =	shalt  }
0x60: {  	_ =	shalt  }
0x61: {  	_ =	shalt  }
0x62: {  	_ =	shalt  }
0x63: {  	_ =	shalt  }
0x64: {  	_ =	shalt  }
0x65: {  	_ =	shalt  }
0x66: {  	_ =	shalt  }
0x67: {  	_ =	shalt  }
0x68: {  	_ =	shalt  }
0x69: {  	_ =	shalt  }
0x6a: {  	_ =	shalt  }
0x6b: {  	_ =	shalt  }
0x6c: {  	_ =	shalt  }
0x6d: {  	_ =	shalt  }
0x6e: {  	_ =	shalt  }
0x6f: {  	_ =	shalt  }
0x70: {  	_ =	shalt  }
0x71: {  	_ =	shalt  }
0x72: {  	_ =	shalt  }
0x73: {  	_ =	shalt  }
0x74: {  	_ =	shalt  }
0x75: {  	_ =	shalt  }
0x76: {  	_ =	shalt  }
0x77: {  	_ =	shalt  }
0x78: {  	_ =	shalt  }
0x79: {  	_ =	shalt  }
0x7a: {  	_ =	shalt  }
0x7b: {  	_ =	shalt  }
0x7c: {  	_ =	shalt  }
0x7d: {  	_ =	shalt  }
0x7e: {  	_ =	shalt  }
0x7f: {  	_ =	shalt  }
0x80: {  	_ =	shalt  }
0x81: {  	_ =	shalt  }
0x82: {  	_ =	shalt  }
0x83: {  	_ =	shalt  }
0x84: {  	_ =	shalt  }
0x85: {  	_ =	shalt  }
0x86: {  	_ =	shalt  }
0x87: {  	_ =	shalt  }
.Lfunc_end0:
.L_simem_size_0:
called_computation_lowered:
.L_overlay_start_0:
0x88: {  	s2 =	sld [smem:$0x3FD9]  }
0x89: {  	s3 =	sld [smem:$0x3FFE];
	_ =	sdelay $0x1  }
0x8a: {  	s1 =	srdreg.scid  }
0x8b: {  	s0 =	sand.u32 $0x1, s1  }
0x8c: {  	s17 =	sshll.u32 s0, $0xA;
	s2 =	sadd.s32 s3, s2  }
0x8d: {  	s2 =	sadd.s32 s2, s17  }
0x8e: {  	[smem:$0x3FBE] =	sst s2  }
0x8f: {  	_ = 	snop  }
0x90: {  	s2 =	sld [smem:$0x3FC5]  }
0x91: {  	s18 =	sld [smem:$0x3FC4]  }
0x92: {  	s4 =	sld [smem:$0x3FC3]  }
0x93: {  	s5 =	sld [smem:$0x3FC1]  }
0x94: {  	s6 =	sld [smem:$0x3FC0];
	(tm) =	ssettm $0x1  }
0x95: {  	s7 =	sld [smem:$0x3FFB];
	_ =	sdelay $0x3  }
0x96: {  	_ =	strace s7  }
0x97: {  	s7 =	sld [smem:$0x3FFC];
	_ =	sdelay $0x3  }
0x98: {  	_ =	strace s7  }
0x99: {  	s7 =	sld [smem:$0x3FFD];
	_ =	sdelay $0x3  }
0x9a: {  	_ =	strace s7  }
0x9b: {  	_ =	strace $0x8FFFFFFF  }
0x9c: {  	s19 =	sld [smem:$0x3FDB];
	_ =	sdelay $0x1  }
0x9d: {  	s8 =	simm.s32 $_scs_section_size  }
0x9e: {  	s9 =	simm.s32 $_size__tile_overlayer_lowered;
	s10 =	simm.s32 $_tile_overlayer_lowered  }
0x9f: {  	s22 =	simm.s32 $0x1BFF;
	s21 =	sshll.u32 s10, $0x1;
	s7 =	sadd.s32 s8, s19  }
0xa0: {  	s11 =	simm.s32 $0x0;
	s20 =	sshll.u32 s9, $0x1;
	s9 =	sadd.s32 s21, s7  }
0xa1: {  	[timem:s11], [sflag:s22] =	dma.local [hbm:s9], s20  }
0xa2: {  	_ =	swait.ge [sflag:s22], s20  }
0xa3: {  	s8 =	ssub.s32 $0x0, s20;
	[sflag:s22] =	ssyncset.done $0x0  }
0xa4: {  	[sflag:s22] =	ssyncadd.s32 s8;
	_ =	sdelay $0x1  }
0xa5: {  	s23 =	simm.s32 $0x1B8B  }
0xa6: {  	_ =	swait.ge [sflag:s23], $0x1  }
0xa7: {  	[sflag:s23] =	ssyncset.done $0x0  }
0xa8: {  	s25 =	simm.s32 $0x1B8E;
	s24 =	sld [smem:$0x3FFE];
	[sflag:s23] =	ssyncadd.s32 $0xFFFFFFFF  }
0xa9: {  	s26 =	simm.s32 $execute0_lowered;
	[smem:$0x3FD2] =	sst s25  }
0xaa: {  	s9 =	sshll.u32 s26, $0x1;
	_ =	strace $0x80000046;
	[dreg:$0x1] =	wrdreg $0xFFFFFFFF  }
0xab: {  	s28 =	simm.s32 $_size_execute0_lowered;
	s7 =	sadd.s32 s7, s9;
	[dreg:$0x0] =	wrdreg $0x0  }
0xac: {  	s9 =	sshll.u32 s28, $0x1;
	[dreg:$0x2] =	wrdreg s7  }
0xad: {  	[dreg:$0x3] =	wrdreg s9  }
0xae: {  	[dreg:$0x4] =	wrdreg $0xC0  }
0xaf: {  	_ =	task [dreg:s11], $0x5FFFF  }
0xb0: {  	[dreg:$0x1] =	wrdreg $0xFFFFFFFF  }
0xb1: {  	[dreg:$0x0] =	wrdreg $0x60  }
0xb2: {  	[dreg:$0x2] =	wrdreg s24  }
0xb3: {  	[dreg:$0x3] =	wrdreg s5  }
0xb4: {  	[dreg:$0x4] =	wrdreg s6  }
0xb5: {  	[dreg:$0x5] =	wrdreg s4  }
0xb6: {  	[dreg:$0x6] =	wrdreg s2  }
0xb7: {  	[dreg:$0x7] =	wrdreg s18  }
0xb8: {  	[dreg:$0x8] =	wrdreg $0x9  }
0xb9: {  	_ =	task.clear_ibuf [dreg:s11], $0x9FFFF;
	_ =	strace $0x90000046  }
0xba: {  	s29 =	simm.s32 $0x9;
	_ =	strace $0x80000048  }
0xbb: {  	_ =	swait.ge [sflag:s29], $0x1  }
0xbc: {  	[sflag:s29] =	ssyncadd.s32 $0xFFFFFFFF  }
0xbd: {  	_ =	strace $0x90000048  }
0xbe: {  	_ =	sfence  }
0xbf: {  	s30 =	sld [smem:$0x0];
	_ =	sdelay $0x2  }
0xc0: {  	s31 =	sshll.u32 s1, $0xD;
	s1 =	sshrl.u32 s1, $0x2  }
0xc1: {  	s3 =	sand.u32 $0x4000, s31;
	s1 =	sadd.s32 s1, s30  }
0xc2: {  	s0 =	sor.u32 s3, s0;
	s1 =	sshll.u32 s1, $0x11  }
0xc3: {  	s0 =	sor.u32 s1, s0  }
0xc4: {  	s0 =	sadd.s32 $0x8F2B, s0  }
0xc5: {  	[sflag:s0] =	ssyncadd.remote.s32 $0x1  }
0xc6: {  	_ =	sfence.sel $0xFFFF  }
0xc7: {  	[dreg:$0x0] =	wrdreg $0xFFFFFFFF;
	(pc) =	sbr.abs _section_cstart, $3  }
0xc8: {  	[dreg:$0x1] =	wrdreg $0xFFFFFFFF  }
0xc9: {  	_ =	task.clear_ibuf [dreg:s11], $0x2FFFF;
	_ =	strace $0x9FFFFFFF  }
0xca: {  	(tm) =	ssettm $0x7FFFFFFF  }
0xcb: {  	_ =	shalt  }
tec
execute0_lowered:
.L_overlay_start_1:
0x0: {  	(tag) =	ssettag $0x1  }
0x1: {  	s0 =	rddreg [dreg:$0x0]  }
0x2: {  	s1 =	srdreg.scid;
	s6 =	stileid.u32  }
0x3: {  	s7 =	simm.s32 $0x0;
	s22 =	simm.s32 $0x1;
	s23 =	simm.s32 $0x80  }
0x4: {  	s24 =	simm.s32 $0xFA20;
	s25 =	simm.s32 $0xFB20;
	s28 =	simm.s32 $0xFC20  }
0x5: {  	s29 =	simm.s32 $0xFCA0;
	s30 =	simm.s32 $0xFDA0;
	s1 =	sand.u32 $0x1, s1  }
0x6: {  	s2 =	sshll.u32 s6, $0x1;
	[smem:$0x7FF] =	sst s7;
	s8 =	sadd.s32 $0x22800, s0  }
0x7: {  	s9 =	sadd.s32 $0x1BA000, s0;
	s10 =	sadd.s32 $0x189200, s0;
	s31 =	sshll.u32 s6, $0x10  }
0x8: {  	s2 =	sor.u32 s1, s2;
	_ =	strace $0x80000047;
	s5 =	ssub.s32 $0x2, s1  }
0x9: {  	s1 =	sshll.u32 s1, $0xF;
	s3 =	sshll.u32 s2, $0xC;
	s4 =	sshll.u32 s2, $0x4  }
0xa: {  	s2 =	sshll.u32 s2, $0x8;
	s26 =	sshrl.u32 s5, $0x1;
	s20 =	sor.u32 s1, s31  }
0xb: {  	s1 =	simm.s32 $0x2;
	s3 =	sadd.s32 s3, s0;
	s4 =	sadd.s32 s4, s0  }
.Ltmp0:
0xc: {  	s0 =	sadd.s32 s2, s0;
	s2 =	ssub.s32 s5, s26;
	(pc) =	sbr.rel .LBB2_1-.Ltmp0, $4  }
0xd: {  	s26 =	simm.s32 $0xFBA0;
	s11 =	sadd.s32 $0x2800, s3;
	s12 =	sadd.s32 $0x23A00, s4  }
0xe: {  	s13 =	sadd.s32 $0x27E00, s4;
	s14 =	sadd.s32 $0x28000, s4;
	s15 =	sadd.s32 $0x23C00, s4  }
0xf: {  	s16 =	sadd.s32 $0x23800, s4;
	s17 =	sadd.s32 $0x23E00, s0;
	s18 =	sadd.s32 $0x25E00, s0  }
0x10: {  	v0 =	vimm.s32 $0x0;
	v1 =	vlaneseq.u32;
	s19 =	smax.u32 s2, $0x1;
	s0 =	simm.s32 $0x105A0;
	s2 =	simm.s32 $0x0  }
.LBB2_5:
0x11: {  	s3 =	rddreg [dreg:$0x1]  }
0x12: {  	[tilespmem:s25], [sflag:$0x1] =	stream.indirect.gather [hbm4b:s3+s23], $0x1, s24, s23, $0xb8;
	[tilespmem:$0x10DA0] =	vst v63  }
0x13: {  	s4 =	rddreg [dreg:$0x2]  }
0x14: {  	[tilespmem:s26], [sflag:$0x1] =	stream.indirect.gather [hbm4b:s4+s23], $0x1, s24, s23, $0xb8;
	[tilespmem:$0x10DA0] =	vst v63  }
0x15: {  	s5 =	rddreg [dreg:$0x3]  }
0x16: {  	[tilespmem:s28], [sflag:$0x1] =	stream.indirect.gather [hbm4b:s5+s23], $0x1, s24, s23, $0xb8;
	[tilespmem:$0x10DA0] =	vst v63  }
0x17: {  	_ =	swait.ge [sflag:s22], $0x80  }
0x18: {  	[sflag:s22] =	ssyncset.done $0x0  }
0x19: {  	[sflag:s22] =	ssyncadd.s32 $0xFFFFFF80  }
0x1a: {  	_ =	swait.ge [sflag:s22], $0x80  }
0x1b: {  	[sflag:s22] =	ssyncset.done $0x0  }
0x1c: {  	[sflag:s22] =	ssyncadd.s32 $0xFFFFFF80  }
0x1d: {  	s6 =	rddreg [dreg:$0x4]  }
0x1e: {  	[tilespmem:s29], [sflag:$0x1] =	stream.indirect.gather [hbm4b:s6+s23], $0x1, s25, s23, $0xb8;
	[tilespmem:$0x10DA0] =	vst v63  }
0x1f: {  	_ = 	snop  }
0x20: {  	[tilespmem:s30], [sflag:$0x1] =	stream.indirect.gather [hbm4b:s9+s23], $0x10, s25, s23, $0xb8;
	[tilespmem:$0x10DA0] =	vst v63  }
0x21: {  	s4 =	simm.s32 $0xFD20;
	s21 =	rddreg [dreg:$0x5]  }
0x22: {  	[tilespmem:s4], [sflag:$0x1] =	stream.indirect.gather [hbm4b:s21+s23], $0x1, s26, s23, $0xb8;
	[tilespmem:$0x10DA0] =	vst v63  }
0x23: {  	_ = 	snop  }
0x24: {  	[tilespmem:s0], [sflag:$0x1] =	stream.indirect.gather [hbm4b:s10+s23], $0x10, s26, s23, $0xb8;
	[tilespmem:$0x10DA0] =	vst v63  }
0x25: {  	_ =	swait.ge [sflag:s22], $0x80  }
0x26: {  	[sflag:s22] =	ssyncset.done $0x0  }
0x27: {  	[sflag:s22] =	ssyncadd.s32 $0xFFFFFF80  }
0x28: {  	_ =	swait.ge [sflag:s22], $0x80  }
0x29: {  	[sflag:s22] =	ssyncset.done $0x0  }
0x2a: {  	[sflag:s22] =	ssyncadd.s32 $0xFFFFFF80  }
0x2b: {  	_ =	swait.ge [sflag:s22], $0x800  }
0x2c: {  	[sflag:s22] =	ssyncset.done $0x0  }
0x2d: {  	[sflag:s22] =	ssyncadd.s32 $0xFFFFF800  }
0x2e: {  	_ =	swait.ge [sflag:s22], $0x80  }
0x2f: {  	[sflag:s22] =	ssyncset.done $0x0  }
0x30: {  	[sflag:s22] =	ssyncadd.s32 $0xFFFFFF80  }
0x31: {  	_ =	swait.ge [sflag:s22], $0x800  }
0x32: {  	[sflag:s22] =	ssyncset.done $0x0  }
0x33: {  	[sflag:s22] =	ssyncadd.s32 $0xFFFFF800  }
0x34: {  	v2 =	vld [tilespmem:$0xFAA0]  }
0x35: {  	v3 =	vld [tilespmem:$0xFB20]  }
0x36: {  	v4 =	vld [tilespmem:$0xFBA0]  }
0x37: {  	v5 =	vld [tilespmem:$0xFC20]  }
0x38: {  	v6 =	vld [tilespmem:$0xFCA0]  }
0x39: {  	v7 =	vld [tilespmem:$0xFD20]  }
0x3a: {  	v8 =	vld [tilespmem:$0xFAB0]  }
0x3b: {  	v9 =	vld [tilespmem:$0xFB30]  }
0x3c: {  	v10 =	vld [tilespmem:$0xFBB0]  }
0x3d: {  	v11 =	vld [tilespmem:$0xFC30]  }
0x3e: {  	v12 =	vld [tilespmem:$0xFCB0]  }
0x3f: {  	v13 =	vld [tilespmem:$0xFD30]  }
0x40: {  	v14 =	vmov s31;
	v15 =	vadd.s32 $0x1, v1;
	v16 =	vld [tilespmem:$0xFAC0]  }
0x41: {  	v63 =	vadd.s32 $0x11, v1;
	vm0 =	vlt.s32 v14, v15;
	v60 =	vld [tilespmem:$0xFB40]  }
0x42: {  	vm9 =	vlt.s32 v14, v63;
	v17 =	vld [tilespmem:$0xFBC0];
	v2 =	vsel vm0, $0xFFFFFFFF, v2  }
0x43: {  	v61 =	vld [tilespmem:$0xFCC0];
	v19 =	vsel vm9, $0xFFFFFFFF, v8;
	[tilespmem:$0xFAA0] =	vst v2  }
0x44: {  	v18 =	vld [tilespmem:$0xFD40];
	v21 =	vsel vm9, $0x187FF, v9;
	[tilespmem:$0xFAB0] =	vst v19  }
0x45: {  	v27 =	vadd.s32 $0x21, v1;
	v31 =	vld [tilespmem:$0xFAE0];
	v23 =	vsel vm9, $0x187FF, v10;
	[tilespmem:$0xFB30] =	vst v21  }
0x46: {  	vm10 =	vlt.s32 v14, v27;
	v33 =	vld [tilespmem:$0xFB60];
	v25 =	vsel vm9, $0x0, v11;
	[tilespmem:$0xFBB0] =	vst v23  }
0x47: {  	v35 =	vld [tilespmem:$0xFBE0];
	v30 =	vsel vm10, $0xFFFFFFFF, v16;
	[tilespmem:$0xFC30] =	vst v25  }
0x48: {  	v41 =	vadd.s32 $0x41, v1;
	v37 =	vld [tilespmem:$0xFC60];
	v32 =	vsel vm10, $0x187FF, v60;
	[tilespmem:$0xFAC0] =	vst v30  }
0x49: {  	vm12 =	vlt.s32 v14, v41;
	v20 =	vld [tilespmem:$0xFB50];
	v34 =	vsel vm10, $0x187FF, v17;
	[tilespmem:$0xFB40] =	vst v32  }
0x4a: {  	v22 =	vld [tilespmem:$0xFBD0];
	v43 =	vsel vm12, $0xFFFFFFFF, v31;
	[tilespmem:$0xFBC0] =	vst v34  }
0x4b: {  	v24 =	vld [tilespmem:$0xFC50];
	v45 =	vsel vm12, $0x187FF, v33;
	[tilespmem:$0xFAE0] =	vst v43  }
0x4c: {  	v28 =	vld [tilespmem:$0xFCD0];
	v47 =	vsel vm12, $0x187FF, v35;
	[tilespmem:$0xFB60] =	vst v45  }
0x4d: {  	v54 =	vld [tilespmem:$0xFD00];
	v49 =	vsel vm12, $0x0, v37;
	[tilespmem:$0xFBE0] =	vst v47  }
0x4e: {  	v55 =	vld [tilespmem:$0xFD80];
	v2 =	vsel vm0, $0x187FF, v3;
	[tilespmem:$0xFC60] =	vst v49  }
0x4f: {  	v3 =	vld [tilespmem:$0xFC40];
	[tilespmem:$0xFB20] =	vst v2;
	v2 =	vsel vm0, $0x187FF, v4  }
0x50: {  	v29 =	vld [tilespmem:$0xFD50];
	v62 =	vadd.f32 v7, v6;
	[tilespmem:$0xFBA0] =	vst v2;
	v2 =	vsel vm0, $0x0, v5  }
0x51: {  	v26 =	vadd.f32 v13, v12;
	[tilespmem:$0xFC20] =	vst v2;
	v2 =	vld [tilespmem:$0xFAD0]  }
0x52: {  	v38 =	vld [tilespmem:$0xFD60];
	[tilespmem:$0xFCA0] =	vst v62;
	v4 =	vadd.f32 v18, v61  }
0x53: {  	v39 =	vld [tilespmem:$0xFAF0];
	[tilespmem:$0xFCB0] =	vst v26  }
0x54: {  	v36 =	vadd.s32 $0x31, v1;
	v40 =	vld [tilespmem:$0xFB70];
	v61 =	vadd.f32 v55, v54;
	[tilespmem:$0xFCC0] =	vst v4;
	v3 =	vsel vm10, $0x0, v3  }
0x55: {  	vm11 =	vlt.s32 v14, v36;
	[tilespmem:$0xFC40] =	vst v3;
	v3 =	vld [tilespmem:$0xFCE0]  }
0x56: {  	v42 =	vld [tilespmem:$0xFBF0];
	[tilespmem:$0xFD00] =	vst v61;
	v2 =	vsel vm11, $0xFFFFFFFF, v2  }
0x57: {  	v44 =	vld [tilespmem:$0xFCF0];
	[tilespmem:$0xFAD0] =	vst v2;
	v2 =	vsel vm11, $0x187FF, v20  }
0x58: {  	v46 =	vld [tilespmem:$0xFD70];
	[tilespmem:$0xFB50] =	vst v2;
	v2 =	vsel vm11, $0x187FF, v22  }
0x59: {  	v48 =	vld [tilespmem:$0xFB00];
	v5 =	vadd.f32 v29, v28;
	[tilespmem:$0xFBD0] =	vst v2;
	v2 =	vsel vm11, $0x0, v24  }
0x5a: {  	v50 =	vadd.s32 $0x51, v1;
	v3 =	vadd.f32 v38, v3;
	[tilespmem:$0xFC50] =	vst v2;
	v2 =	vld [tilespmem:$0xFC70]  }
0x5b: {  	vm13 =	vlt.s32 v14, v50;
	v51 =	vld [tilespmem:$0xFB80];
	[tilespmem:$0xFCD0] =	vst v5  }
0x5c: {  	v52 =	vld [tilespmem:$0xFC00];
	[tilespmem:$0xFCE0] =	vst v3;
	v3 =	vsel vm13, $0xFFFFFFFF, v39  }
0x5d: {  	v53 =	vld [tilespmem:$0xFC80];
	[tilespmem:$0xFAF0] =	vst v3;
	v3 =	vsel vm13, $0x187FF, v40  }
0x5e: {  	v57 =	vld [tilespmem:$0xFB10];
	[tilespmem:$0xFB70] =	vst v3;
	v3 =	vsel vm13, $0x187FF, v42  }
0x5f: {  	v56 =	vadd.s32 $0x61, v1;
	v58 =	vld [tilespmem:$0xFC10];
	[tilespmem:$0xFBF0] =	vst v3;
	v3 =	vadd.f32 v46, v44;
	v2 =	vsel vm13, $0x0, v2  }
0x60: {  	vm14 =	vlt.s32 v14, v56;
	v63 =	vld [tilespmem:$0xFD90];
	[tilespmem:$0xFC70] =	vst v2  }
0x61: {  	v2 =	vld [tilespmem:$0xFB90];
	[tilespmem:$0xFCF0] =	vst v3;
	v3 =	vsel vm14, $0xFFFFFFFF, v48  }
0x62: {  	v60 =	vld [tilespmem:$0xFD10];
	[tilespmem:$0xFB00] =	vst v3;
	v3 =	vsel vm14, $0x187FF, v51  }
0x63: {  	v62 =	vadd.s32 $0x71, v1;
	[tilespmem:$0xFB80] =	vst v3;
	v3 =	vsel vm14, $0x187FF, v52  }
0x64: {  	v59 =	vld [tilespmem:$0xFC90];
	vm15 =	vlt.s32 v14, v62;
	[tilespmem:$0xFC00] =	vst v3;
	v3 =	vsel vm14, $0x0, v53  }
0x65: {  	[tilespmem:$0xFC80] =	vst v3;
	v3 =	vsel vm15, $0xFFFFFFFF, v57  }
0x66: {  	[tilespmem:$0xFB10] =	vst v3;
	v2 =	vsel vm15, $0x187FF, v2  }
0x67: {  	v3 =	vadd.f32 v63, v60;
	[tilespmem:$0xFB90] =	vst v2;
	v2 =	vsel vm15, $0x187FF, v58  }
0x68: {  	[tilespmem:$0xFC10] =	vst v2  }
0x69: {  	v2 =	vsel vm15, $0x0, v59;
	[tilespmem:$0xFD10] =	vst v3  }
0x6a: {  	s31 =	simm.s32 $0xFAA0;
	[tilespmem:$0xFC90] =	vst v2  }
0x6b: {  	[hbm4b:s12+s7] =	stream.linear.scatter [tilespmem:s31], [sflag:$0x2], $0x80, $0x38;
	[tilespmem:$0x10DA0] =	vst v63  }
0x6c: {  	_ =	swait.ge [sflag:s1], $0x80  }
0x6d: {  	[sflag:s1] =	ssyncset.done $0x0  }
0x6e: {  	[sflag:s1] =	ssyncadd.s32 $0xFFFFFF80  }
0x6f: {  	[hbm4b:s13+s7] =	stream.linear.scatter [tilespmem:s25], [sflag:$0x2], $0x80, $0x38;
	[tilespmem:$0x10DA0] =	vst v63  }
0x70: {  	_ =	swait.ge [sflag:s1], $0x80  }
0x71: {  	[sflag:s1] =	ssyncset.done $0x0  }
0x72: {  	[sflag:s1] =	ssyncadd.s32 $0xFFFFFF80  }
0x73: {  	[hbm4b:s14+s7] =	stream.linear.scatter [tilespmem:s26], [sflag:$0x2], $0x80, $0x38;
	[tilespmem:$0x10DA0] =	vst v63  }
0x74: {  	_ =	swait.ge [sflag:s1], $0x80  }
0x75: {  	[sflag:s1] =	ssyncset.done $0x0  }
0x76: {  	[sflag:s1] =	ssyncadd.s32 $0xFFFFFF80  }
0x77: {  	[hbm4b:s15+s7] =	stream.linear.scatter [tilespmem:s28], [sflag:$0x2], $0x80, $0x38;
	[tilespmem:$0x10DA0] =	vst v63  }
0x78: {  	_ =	swait.ge [sflag:s1], $0x80  }
0x79: {  	[sflag:s1] =	ssyncset.done $0x0  }
0x7a: {  	[sflag:s1] =	ssyncadd.s32 $0xFFFFFF80  }
0x7b: {  	[hbm4b:s16+s7] =	stream.linear.scatter [tilespmem:s29], [sflag:$0x2], $0x80, $0x38;
	[tilespmem:$0x10DA0] =	vst v63  }
0x7c: {  	_ =	swait.ge [sflag:s1], $0x80  }
0x7d: {  	[sflag:s1] =	ssyncset.done $0x0  }
0x7e: {  	[sflag:s1] =	ssyncadd.s32 $0xFFFFFF80  }
0x7f: {  	[hbm4b:s17+s7] =	stream.linear.scatter [tilespmem:s30], [sflag:$0x2], $0x800, $0x38;
	[tilespmem:$0x10DA0] =	vst v63  }
0x80: {  	s2 =	sadd.s32 $0x1, s2;
	_ =	swait.ge [sflag:s1], $0x800  }
0x81: {  	p0 =	sne.s32 s2, s19;
	[sflag:s1] =	ssyncset.done $0x0  }
.Ltmp1:
0x82: {  	[sflag:s1] =	ssyncadd.s32 $0xFFFFF800;
	(pc) =	sbr.rel @!p0 .LBB2_6-.Ltmp1, $4  }
0x83: {  	[hbm4b:s18+s7] =	stream.linear.scatter [tilespmem:s0], [sflag:$0x2], $0x800, $0x38;
	[tilespmem:$0x10DA0] =	vst v63  }
0x84: {  	_ =	swait.ge [sflag:s1], $0x800  }
0x85: {  	[sflag:s1] =	ssyncset.done $0x0  }
0x86: {  	[sflag:s1] =	ssyncadd.s32 $0xFFFFF800  }
.LBB2_1:
0x87: {  	[tilespmem:s7], [sflag:$0x1] =	stream.linear.gather [hbm4b:s8+s7], $0x7A20, $0x38;
	[tilespmem:$0x10DA0] =	vst v63  }
0x88: {  	s3 =	simm.s32 $0x7A20  }
0x89: {  	[tilespmem:s3], [sflag:$0x1] =	stream.linear.gather [hbm4b:s11+s7], $0x8000, $0x38;
	[tilespmem:$0x10DA0] =	vst v63  }
0x8a: {  	_ =	swait.ge [sflag:s22], $0x7A20  }
0x8b: {  	[sflag:s22] =	ssyncset.done $0x0  }
0x8c: {  	[sflag:s22] =	ssyncadd.s32 $0xFFFF85E0  }
0x8d: {  	_ =	swait.ge [sflag:s22], $0x8000  }
0x8e: {  	[sflag:s22] =	ssyncset.done $0x0  }
0x8f: {  	[sflag:s22] =	ssyncadd.s32 $0xFFFF8000  }
0x90: {  	[tilespmem:$0xFA20] =	vst v0  }
0x91: {  	[tilespmem:$0xFAA0] =	vst v0  }
0x92: {  	[tilespmem:$0xFA30] =	vst v0  }
0x93: {  	[tilespmem:$0xFAB0] =	vst v0  }
0x94: {  	[tilespmem:$0xFA40] =	vst v0  }
0x95: {  	[tilespmem:$0xFAC0] =	vst v0  }
0x96: {  	[tilespmem:$0xFA50] =	vst v0  }
0x97: {  	[tilespmem:$0xFAD0] =	vst v0  }
0x98: {  	[tilespmem:$0xFA60] =	vst v0  }
0x99: {  	[tilespmem:$0xFAE0] =	vst v0  }
0x9a: {  	[tilespmem:$0xFA70] =	vst v0  }
.Ltmp2:
0x9b: {  	[tilespmem:$0xFAF0] =	vst v0;
	(pc) =	sbr.rel .LBB2_2-.Ltmp2, $4  }
0x9c: {  	[tilespmem:$0xFA80] =	vst v0  }
0x9d: {  	[tilespmem:$0xFB00] =	vst v0  }
0x9e: {  	[tilespmem:$0xFA90] =	vst v0  }
0x9f: {  	s5 =	simm.s32 $0x0;
	s31 =	simm.s32 $0x0;
	s3 =	simm.s32 $0x7AA0;
	[tilespmem:$0xFB10] =	vst v0  }
.LBB2_4:
0xa0: {  	s5 =	sadd.s32 $0x100, s5  }
0xa1: {  	p0 =	sne.s32 s5, $0x8000  }
.Ltmp3:
0xa2: {  	_ = 	snop;
	(pc) =	sbr.rel @!p0 .LBB2_5-.Ltmp3, $2  }
0xa3: {  	_ =	sdelay $0x2  }
0xa4: {  	s3 =	sadd.s32 $0x100, s3  }
.LBB2_2:
0xa5: {  	v2 =	vld [tilespmem:s3+$0xFFFFFF90]  }
0xa6: {  	v3 =	vld [tilespmem:s3+$0xFFFFFFA0]  }
0xa7: {  	v4 =	vld [tilespmem:s3+$0xFFFFFFB0]  }
0xa8: {  	v5 =	vld [tilespmem:s3+$0xFFFFFFC0]  }
0xa9: {  	v6 =	vld [tilespmem:s3+$0xFFFFFFD0]  }
0xaa: {  	v8 =	vld [tilespmem:s3+$0xFFFFFFE0]  }
0xab: {  	v14 =	vld [tilespmem:s3+$0xFFFFFFF0]  }
0xac: {  	v15 =	vld [tilespmem:s3+$0x0]  }
0xad: {  	v16 =	vld [tilespmem:s3+$0x10]  }
0xae: {  	v17 =	vld [tilespmem:s3+$0x20];
	v7 =	vshrl.u32 v2, $0x5  }
0xaf: {  	v18 =	vld [tilespmem:s3+$0x30]  }
0xb0: {  	v20 =	vld [tilespmem:s3+$0x40];
	v9 =	vshrl.u32 v3, $0x5  }
0xb1: {  	v22 =	vld [tilespmem:s3+$0x50];
	v10 =	vshrl.u32 v4, $0x5  }
0xb2: {  	v23 =	vld [tilespmem:s3+$0x60];
	v11 =	vshrl.u32 v5, $0x5  }
0xb3: {  	v12 =	vshrl.u32 v6, $0x5;
	v7 =	vld.idx.msk [tilespmem:v7+s7+$0x0], $0xffff  }
0xb4: {  	v25 =	vld [tilespmem:s3+$0x70];
	v13 =	vshrl.u32 v8, $0x5  }
0xb5: {  	v9 =	vld.idx.msk [tilespmem:v9+s7+$0x0], $0xffff  }
0xb6: {  	v19 =	vshrl.u32 v14, $0x5;
	v10 =	vld.idx.msk [tilespmem:v10+s7+$0x0], $0xffff  }
0xb7: {  	v2 =	vand.u32 $0x1F, v2;
	v21 =	vshrl.u32 v15, $0x5;
	v11 =	vld.idx.msk [tilespmem:v11+s7+$0x0], $0xffff  }
0xb8: {  	v12 =	vld.idx.msk [tilespmem:v12+s7+$0x0], $0xffff;
	v7 =	vshrl.u32 v7, v2;
	v2 =	vand.u32 $0x1F, v3;
	v3 =	vshrl.u32 v16, $0x5  }
0xb9: {  	v4 =	vand.u32 $0x1F, v4;
	v24 =	vshrl.u32 v17, $0x5;
	v5 =	vand.u32 $0x1F, v5;
	v13 =	vld.idx.msk [tilespmem:v13+s7+$0x0], $0xffff  }
0xba: {  	v42 =	vshrl.u32 v18, $0x5;
	v6 =	vand.u32 $0x1F, v6;
	v9 =	vshrl.u32 v9, v2;
	v2 =	vld [tilespmem:s3+$0xFFFFFF80]  }
0xbb: {  	v44 =	vshrl.u32 v20, $0x5;
	v46 =	vshrl.u32 v22, $0x5;
	v8 =	vand.u32 $0x1F, v8;
	v43 =	vld.idx.msk [tilespmem:v19+s7+$0x0], $0xffff  }
0xbc: {  	v47 =	vshrl.u32 v23, $0x5;
	v45 =	vld.idx.msk [tilespmem:v21+s7+$0x0], $0xffff;
	v4 =	vshrl.u32 v10, v4;
	v7 =	vor.u32 v9, v7  }
0xbd: {  	v14 =	vand.u32 $0x1F, v14;
	v5 =	vshrl.u32 v11, v5;
	v4 =	vor.u32 v4, v7;
	v3 =	vld.idx.msk [tilespmem:v3+s7+$0x0], $0xffff  }
0xbe: {  	v48 =	vld.idx.msk [tilespmem:v24+s7+$0x0], $0xffff;
	v6 =	vshrl.u32 v12, v6;
	v4 =	vor.u32 v5, v4;
	v5 =	vshrl.u32 v25, $0x5  }
0xbf: {  	v8 =	vshrl.u32 v13, v8;
	v10 =	vld.idx.msk [tilespmem:v42+s7+$0x0], $0xffff;
	v4 =	vor.u32 v6, v4;
	v49 =	vshrl.u32 v2, $0x5  }
0xc0: {  	v50 =	vand.u32 $0x1F, v15;
	v51 =	vld.idx.msk [tilespmem:v44+s7+$0x0], $0xffff;
	v11 =	vshrl.u32 v43, v14;
	v4 =	vor.u32 v8, v4  }
0xc1: {  	v52 =	vand.u32 $0x1F, v16;
	v9 =	vld.idx.msk [tilespmem:v46+s7+$0x0], $0xffff;
	v8 =	vshrl.u32 v45, v50;
	v4 =	vor.u32 v11, v4  }
0xc2: {  	v53 =	vand.u32 $0x1F, v17;
	v7 =	vld.idx.msk [tilespmem:v47+s7+$0x0], $0xffff;
	v4 =	vor.u32 v8, v4;
	v3 =	vshrl.u32 v3, v52  }
0xc3: {  	v55 =	vand.u32 $0x1F, v18;
	v54 =	vshrl.u32 v48, v53;
	v5 =	vld.idx.msk [tilespmem:v5+s7+$0x0], $0xffff;
	v3 =	vor.u32 v3, v4  }
0xc4: {  	v57 =	vand.u32 $0x1F, v20;
	v56 =	vshrl.u32 v10, v55;
	v4 =	vld.idx.msk [tilespmem:v49+s7+$0x0], $0xffff;
	v3 =	vor.u32 v54, v3  }
0xc5: {  	v59 =	vand.u32 $0x1F, v22;
	v58 =	vshrl.u32 v51, v57;
	v3 =	vor.u32 v56, v3  }
0xc6: {  	v61 =	vand.u32 $0x1F, v23;
	v60 =	vshrl.u32 v9, v59;
	v3 =	vor.u32 v58, v3  }
0xc7: {  	v62 =	vand.u32 $0x1F, v25;
	v7 =	vshrl.u32 v7, v61;
	v3 =	vor.u32 v60, v3  }
0xc8: {  	v63 =	vand.u32 $0x1F, v2;
	v5 =	vshrl.u32 v5, v62;
	v7 =	vor.u32 v7, v3  }
0xc9: {  	v3 =	vshrl.u32 v4, v63;
	v4 =	vor.u32 v5, v7  }
0xca: {  	v4 =	vor.u32 v3, v4  }
0xcb: {  	v4 =	vand.u32 $0x1, v4  }
0xcc: {  	(xrf0) =	vadd.scan.msk.s32 $0xffff, v4;
	_ =	sdelay $0x5  }
0xcd: {  	v4, _, _ =	vpop (xrf0)  }
0xce: {  	(v2sf) =	vpush v4, $0xF;
	_ =	sdelay $0xe  }
0xcf: {  	s6 =	spop (v2sf)  }
0xd0: {  	p0 =	slt.s32 s6, $0x1  }
.Ltmp4:
0xd1: {  	_ = 	snop;
	(pc) =	sbr.rel @p0 .LBB2_4-.Ltmp4, $1  }
0xd2: {  	_ =	sdelay $0x3  }
0xd3: {  	v3 =	vand.u32 $0x1, v3  }
0xd4: {  	s6 =	sadd.s32 s5, s20;
	p0 =	slt.s32 s31, $0x70;
	s21 =	smov.u32 s31;
	(xrf0) =	vadd.scan.msk.s32 $0xffff, v3  }
0xd5: {  	vm0 =	veq.s32 v3, $0x1;
	v4 =	vor.u32 s6, v1;
	s21 =	simm.s32 @!p0 $0x70  }
0xd6: {  	[tilespmem:s21+$0xFA20] =	vst.msk vm0, v4  }
0xd7: {  	[tilespmem:s21+$0xFAA0] =	vst.msk vm0, v2  }
0xd8: {  	v2 =	vld [tilespmem:s3+$0xFFFFFF90];
	_ =	sdelay $0x1  }
0xd9: {  	v3, _, _ =	vpop (xrf0)  }
0xda: {  	(v2sf) =	vpush v3, $0xF;
	_ =	sdelay $0x1  }
0xdb: {  	v3 =	vshrl.u32 v2, $0x5;
	_ =	sdelay $0x4  }
0xdc: {  	v3 =	vld.idx.msk [tilespmem:v3+s7+$0x0], $0xffff;
	_ =	sdelay $0x3  }
0xdd: {  	v40 =	vand.u32 $0x1F, v2  }
0xde: {  	v3 =	vshrl.u32 v3, v40  }
0xdf: {  	v3 =	vand.u32 $0x1, v3  }
0xe0: {  	(xrf0) =	vadd.scan.msk.s32 $0xffff, v3  }
0xe1: {  	s4 =	spop (v2sf)  }
0xe2: {  	s4 =	sadd.s32 s31, s4;
	s31 =	sadd.s32 $0x10, s6  }
0xe3: {  	vm13 =	veq.s32 v3, $0x1;
	p0 =	slt.s32 s4, $0x70;
	s21 =	smov.u32 s4;
	v3 =	vor.u32 s31, v1  }
0xe4: {  	s21 =	simm.s32 @!p0 $0x70  }
0xe5: {  	[tilespmem:s21+$0xFA20] =	vst.msk vm13, v3  }
0xe6: {  	v3, _, _ =	vpop (xrf0);
	[tilespmem:s21+$0xFAA0] =	vst.msk vm13, v2  }
0xe7: {  	(v2sf) =	vpush v3, $0xF;
	v2 =	vld [tilespmem:s3+$0xFFFFFFA0];
	_ =	sdelay $0x4  }
0xe8: {  	v3 =	vshrl.u32 v2, $0x5;
	_ =	sdelay $0x4  }
0xe9: {  	v3 =	vld.idx.msk [tilespmem:v3+s7+$0x0], $0xffff;
	_ =	sdelay $0x3  }
0xea: {  	v41 =	vand.u32 $0x1F, v2  }
0xeb: {  	s21 =	spop (v2sf);
	v3 =	vshrl.u32 v3, v41  }
0xec: {  	s4 =	sadd.s32 s4, s21;
	v3 =	vand.u32 $0x1, v3  }
0xed: {  	s21 =	sadd.s32 $0x20, s6;
	p0 =	slt.s32 s4, $0x70;
	s31 =	smov.u32 s4;
	(xrf0) =	vadd.scan.msk.s32 $0xffff, v3  }
0xee: {  	vm14 =	veq.s32 v3, $0x1;
	v42 =	vor.u32 s21, v1;
	s31 =	simm.s32 @!p0 $0x70  }
0xef: {  	[tilespmem:s31+$0xFA20] =	vst.msk vm14, v42  }
0xf0: {  	[tilespmem:s31+$0xFAA0] =	vst.msk vm14, v2  }
0xf1: {  	v2 =	vld [tilespmem:s3+$0xFFFFFFB0];
	_ =	sdelay $0x1  }
0xf2: {  	v3, _, _ =	vpop (xrf0)  }
0xf3: {  	(v2sf) =	vpush v3, $0xF;
	_ =	sdelay $0x1  }
0xf4: {  	v3 =	vshrl.u32 v2, $0x5;
	_ =	sdelay $0x4  }
0xf5: {  	v3 =	vld.idx.msk [tilespmem:v3+s7+$0x0], $0xffff;
	_ =	sdelay $0x3  }
0xf6: {  	v43 =	vand.u32 $0x1F, v2  }
0xf7: {  	v3 =	vshrl.u32 v3, v43  }
0xf8: {  	v3 =	vand.u32 $0x1, v3  }
0xf9: {  	(xrf0) =	vadd.scan.msk.s32 $0xffff, v3  }
0xfa: {  	s21 =	spop (v2sf)  }
0xfb: {  	s4 =	sadd.s32 s4, s21;
	s21 =	sadd.s32 $0x30, s6  }
0xfc: {  	vm15 =	veq.s32 v3, $0x1;
	p0 =	slt.s32 s4, $0x70;
	s31 =	smov.u32 s4;
	v3 =	vor.u32 s21, v1  }
0xfd: {  	s31 =	simm.s32 @!p0 $0x70  }
0xfe: {  	[tilespmem:s31+$0xFA20] =	vst.msk vm15, v3  }
0xff: {  	v3, _, _ =	vpop (xrf0);
	[tilespmem:s31+$0xFAA0] =	vst.msk vm15, v2  }
0x100: {  	(v2sf) =	vpush v3, $0xF;
	v2 =	vld [tilespmem:s3+$0xFFFFFFC0];
	_ =	sdelay $0x4  }
0x101: {  	v3 =	vshrl.u32 v2, $0x5;
	_ =	sdelay $0x4  }
0x102: {  	v3 =	vld.idx.msk [tilespmem:v3+s7+$0x0], $0xffff;
	_ =	sdelay $0x3  }
0x103: {  	v44 =	vand.u32 $0x1F, v2  }
0x104: {  	s21 =	spop (v2sf);
	v3 =	vshrl.u32 v3, v44  }
0x105: {  	s4 =	sadd.s32 s4, s21;
	v3 =	vand.u32 $0x1, v3  }
0x106: {  	s21 =	sadd.s32 $0x40, s6;
	p0 =	slt.s32 s4, $0x70;
	s31 =	smov.u32 s4;
	(xrf0) =	vadd.scan.msk.s32 $0xffff, v3  }
0x107: {  	vm4 =	veq.s32 v3, $0x1;
	v45 =	vor.u32 s21, v1;
	s31 =	simm.s32 @!p0 $0x70  }
0x108: {  	[tilespmem:s31+$0xFA20] =	vst.msk vm4, v45  }
0x109: {  	[tilespmem:s31+$0xFAA0] =	vst.msk vm4, v2  }
0x10a: {  	v2 =	vld [tilespmem:s3+$0xFFFFFFD0];
	_ =	sdelay $0x1  }
0x10b: {  	v3, _, _ =	vpop (xrf0)  }
0x10c: {  	(v2sf) =	vpush v3, $0xF;
	_ =	sdelay $0x1  }
0x10d: {  	v3 =	vshrl.u32 v2, $0x5;
	_ =	sdelay $0x4  }
0x10e: {  	v3 =	vld.idx.msk [tilespmem:v3+s7+$0x0], $0xffff;
	_ =	sdelay $0x3  }
0x10f: {  	v46 =	vand.u32 $0x1F, v2  }
0x110: {  	v3 =	vshrl.u32 v3, v46  }
0x111: {  	v3 =	vand.u32 $0x1, v3  }
0x112: {  	(xrf0) =	vadd.scan.msk.s32 $0xffff, v3  }
0x113: {  	s21 =	spop (v2sf)  }
0x114: {  	s4 =	sadd.s32 s4, s21;
	s21 =	sadd.s32 $0x50, s6  }
0x115: {  	vm5 =	veq.s32 v3, $0x1;
	p0 =	slt.s32 s4, $0x70;
	s31 =	smov.u32 s4;
	v3 =	vor.u32 s21, v1  }
0x116: {  	s31 =	simm.s32 @!p0 $0x70  }
0x117: {  	[tilespmem:s31+$0xFA20] =	vst.msk vm5, v3  }
0x118: {  	v3, _, _ =	vpop (xrf0);
	[tilespmem:s31+$0xFAA0] =	vst.msk vm5, v2  }
0x119: {  	(v2sf) =	vpush v3, $0xF;
	v2 =	vld [tilespmem:s3+$0xFFFFFFE0];
	_ =	sdelay $0x4  }
0x11a: {  	v3 =	vshrl.u32 v2, $0x5;
	_ =	sdelay $0x4  }
0x11b: {  	v3 =	vld.idx.msk [tilespmem:v3+s7+$0x0], $0xffff;
	_ =	sdelay $0x3  }
0x11c: {  	v47 =	vand.u32 $0x1F, v2  }
0x11d: {  	s21 =	spop (v2sf);
	v3 =	vshrl.u32 v3, v47  }
0x11e: {  	s4 =	sadd.s32 s4, s21;
	v3 =	vand.u32 $0x1, v3  }
0x11f: {  	s21 =	sadd.s32 $0x60, s6;
	p0 =	slt.s32 s4, $0x70;
	s31 =	smov.u32 s4;
	(xrf0) =	vadd.scan.msk.s32 $0xffff, v3  }
0x120: {  	vm6 =	veq.s32 v3, $0x1;
	v48 =	vor.u32 s21, v1;
	s31 =	simm.s32 @!p0 $0x70  }
0x121: {  	[tilespmem:s31+$0xFA20] =	vst.msk vm6, v48  }
0x122: {  	[tilespmem:s31+$0xFAA0] =	vst.msk vm6, v2  }
0x123: {  	v2 =	vld [tilespmem:s3+$0xFFFFFFF0];
	_ =	sdelay $0x1  }
0x124: {  	v3, _, _ =	vpop (xrf0)  }
0x125: {  	(v2sf) =	vpush v3, $0xF;
	_ =	sdelay $0x1  }
0x126: {  	v3 =	vshrl.u32 v2, $0x5;
	_ =	sdelay $0x4  }
0x127: {  	v3 =	vld.idx.msk [tilespmem:v3+s7+$0x0], $0xffff;
	_ =	sdelay $0x3  }
0x128: {  	v49 =	vand.u32 $0x1F, v2  }
0x129: {  	v3 =	vshrl.u32 v3, v49  }
0x12a: {  	v3 =	vand.u32 $0x1, v3  }
0x12b: {  	(xrf0) =	vadd.scan.msk.s32 $0xffff, v3  }
0x12c: {  	s21 =	spop (v2sf)  }
0x12d: {  	s4 =	sadd.s32 s4, s21;
	s21 =	sadd.s32 $0x70, s6  }
0x12e: {  	vm7 =	veq.s32 v3, $0x1;
	p0 =	slt.s32 s4, $0x70;
	s31 =	smov.u32 s4;
	v3 =	vor.u32 s21, v1  }
0x12f: {  	s31 =	simm.s32 @!p0 $0x70  }
0x130: {  	[tilespmem:s31+$0xFA20] =	vst.msk vm7, v3  }
0x131: {  	v3, _, _ =	vpop (xrf0);
	[tilespmem:s31+$0xFAA0] =	vst.msk vm7, v2  }
0x132: {  	(v2sf) =	vpush v3, $0xF;
	v2 =	vld [tilespmem:s3+$0x0];
	_ =	sdelay $0x4  }
0x133: {  	v3 =	vshrl.u32 v2, $0x5;
	_ =	sdelay $0x4  }
0x134: {  	v3 =	vld.idx.msk [tilespmem:v3+s7+$0x0], $0xffff;
	_ =	sdelay $0x3  }
0x135: {  	v50 =	vand.u32 $0x1F, v2  }
0x136: {  	s21 =	spop (v2sf);
	v3 =	vshrl.u32 v3, v50  }
0x137: {  	s4 =	sadd.s32 s4, s21;
	v3 =	vand.u32 $0x1, v3  }
0x138: {  	s21 =	sadd.s32 $0x80, s6;
	p0 =	slt.s32 s4, $0x70;
	s31 =	smov.u32 s4;
	(xrf0) =	vadd.scan.msk.s32 $0xffff, v3  }
0x139: {  	vm8 =	veq.s32 v3, $0x1;
	v51 =	vor.u32 s21, v1;
	s31 =	simm.s32 @!p0 $0x70  }
0x13a: {  	[tilespmem:s31+$0xFA20] =	vst.msk vm8, v51  }
0x13b: {  	[tilespmem:s31+$0xFAA0] =	vst.msk vm8, v2  }
0x13c: {  	v2 =	vld [tilespmem:s3+$0x10];
	_ =	sdelay $0x1  }
0x13d: {  	v3, _, _ =	vpop (xrf0)  }
0x13e: {  	(v2sf) =	vpush v3, $0xF;
	_ =	sdelay $0x1  }
0x13f: {  	v3 =	vshrl.u32 v2, $0x5;
	_ =	sdelay $0x4  }
0x140: {  	v3 =	vld.idx.msk [tilespmem:v3+s7+$0x0], $0xffff;
	_ =	sdelay $0x3  }
0x141: {  	v52 =	vand.u32 $0x1F, v2  }
0x142: {  	v3 =	vshrl.u32 v3, v52  }
0x143: {  	v3 =	vand.u32 $0x1, v3  }
0x144: {  	(xrf0) =	vadd.scan.msk.s32 $0xffff, v3  }
0x145: {  	s21 =	spop (v2sf)  }
0x146: {  	s4 =	sadd.s32 s4, s21;
	s21 =	sadd.s32 $0x90, s6  }
0x147: {  	vm9 =	veq.s32 v3, $0x1;
	p0 =	slt.s32 s4, $0x70;
	s31 =	smov.u32 s4;
	v3 =	vor.u32 s21, v1  }
0x148: {  	s31 =	simm.s32 @!p0 $0x70  }
0x149: {  	[tilespmem:s31+$0xFA20] =	vst.msk vm9, v3  }
0x14a: {  	v3, _, _ =	vpop (xrf0);
	[tilespmem:s31+$0xFAA0] =	vst.msk vm9, v2  }
0x14b: {  	(v2sf) =	vpush v3, $0xF;
	v2 =	vld [tilespmem:s3+$0x20];
	_ =	sdelay $0x4  }
0x14c: {  	v3 =	vshrl.u32 v2, $0x5;
	_ =	sdelay $0x4  }
0x14d: {  	v3 =	vld.idx.msk [tilespmem:v3+s7+$0x0], $0xffff;
	_ =	sdelay $0x3  }
0x14e: {  	v53 =	vand.u32 $0x1F, v2  }
0x14f: {  	s21 =	spop (v2sf);
	v3 =	vshrl.u32 v3, v53  }
0x150: {  	s4 =	sadd.s32 s4, s21;
	v3 =	vand.u32 $0x1, v3  }
0x151: {  	s21 =	sadd.s32 $0xA0, s6;
	p0 =	slt.s32 s4, $0x70;
	s31 =	smov.u32 s4;
	(xrf0) =	vadd.scan.msk.s32 $0xffff, v3  }
0x152: {  	vm10 =	veq.s32 v3, $0x1;
	v54 =	vor.u32 s21, v1;
	s31 =	simm.s32 @!p0 $0x70  }
0x153: {  	[tilespmem:s31+$0xFA20] =	vst.msk vm10, v54  }
0x154: {  	[tilespmem:s31+$0xFAA0] =	vst.msk vm10, v2  }
0x155: {  	v2 =	vld [tilespmem:s3+$0x30];
	_ =	sdelay $0x1  }
0x156: {  	v3, _, _ =	vpop (xrf0)  }
0x157: {  	(v2sf) =	vpush v3, $0xF;
	_ =	sdelay $0x1  }
0x158: {  	v3 =	vshrl.u32 v2, $0x5;
	_ =	sdelay $0x4  }
0x159: {  	v3 =	vld.idx.msk [tilespmem:v3+s7+$0x0], $0xffff;
	_ =	sdelay $0x3  }
0x15a: {  	v55 =	vand.u32 $0x1F, v2  }
0x15b: {  	v3 =	vshrl.u32 v3, v55  }
0x15c: {  	v3 =	vand.u32 $0x1, v3  }
0x15d: {  	(xrf0) =	vadd.scan.msk.s32 $0xffff, v3  }
0x15e: {  	s21 =	spop (v2sf)  }
0x15f: {  	s4 =	sadd.s32 s4, s21;
	s21 =	sadd.s32 $0xB0, s6  }
0x160: {  	vm11 =	veq.s32 v3, $0x1;
	p0 =	slt.s32 s4, $0x70;
	s31 =	smov.u32 s4;
	v3 =	vor.u32 s21, v1  }
0x161: {  	s31 =	simm.s32 @!p0 $0x70  }
0x162: {  	[tilespmem:s31+$0xFA20] =	vst.msk vm11, v3  }
0x163: {  	v3, _, _ =	vpop (xrf0);
	[tilespmem:s31+$0xFAA0] =	vst.msk vm11, v2  }
0x164: {  	(v2sf) =	vpush v3, $0xF;
	v2 =	vld [tilespmem:s3+$0x40];
	_ =	sdelay $0x4  }
0x165: {  	v3 =	vshrl.u32 v2, $0x5;
	_ =	sdelay $0x4  }
0x166: {  	v3 =	vld.idx.msk [tilespmem:v3+s7+$0x0], $0xffff;
	_ =	sdelay $0x3  }
0x167: {  	v56 =	vand.u32 $0x1F, v2  }
0x168: {  	s21 =	spop (v2sf);
	v3 =	vshrl.u32 v3, v56  }
0x169: {  	s4 =	sadd.s32 s4, s21;
	v3 =	vand.u32 $0x1, v3  }
0x16a: {  	s21 =	sadd.s32 $0xC0, s6;
	p0 =	slt.s32 s4, $0x70;
	s31 =	smov.u32 s4;
	(xrf0) =	vadd.scan.msk.s32 $0xffff, v3  }
0x16b: {  	vm12 =	veq.s32 v3, $0x1;
	v57 =	vor.u32 s21, v1;
	s31 =	simm.s32 @!p0 $0x70  }
0x16c: {  	[tilespmem:s31+$0xFA20] =	vst.msk vm12, v57  }
0x16d: {  	[tilespmem:s31+$0xFAA0] =	vst.msk vm12, v2  }
0x16e: {  	v2 =	vld [tilespmem:s3+$0x50];
	_ =	sdelay $0x1  }
0x16f: {  	v3, _, _ =	vpop (xrf0)  }
0x170: {  	(v2sf) =	vpush v3, $0xF;
	_ =	sdelay $0x1  }
0x171: {  	v3 =	vshrl.u32 v2, $0x5;
	_ =	sdelay $0x4  }
0x172: {  	v3 =	vld.idx.msk [tilespmem:v3+s7+$0x0], $0xffff;
	_ =	sdelay $0x3  }
0x173: {  	v58 =	vand.u32 $0x1F, v2  }
0x174: {  	v3 =	vshrl.u32 v3, v58  }
0x175: {  	v3 =	vand.u32 $0x1, v3  }
0x176: {  	(xrf0) =	vadd.scan.msk.s32 $0xffff, v3  }
0x177: {  	s21 =	spop (v2sf)  }
0x178: {  	s4 =	sadd.s32 s4, s21;
	s21 =	sadd.s32 $0xD0, s6  }
0x179: {  	vm13 =	veq.s32 v3, $0x1;
	v3 =	vor.u32 s21, v1  }
0x17a: {  	p0 =	slt.s32 s4, $0x70;
	s31 =	smov.u32 s4  }
0x17b: {  	s31 =	simm.s32 @!p0 $0x70  }
0x17c: {  	[tilespmem:s31+$0xFA20] =	vst.msk vm13, v3;
	v3, _, _ =	vpop (xrf0)  }
0x17d: {  	[tilespmem:s31+$0xFAA0] =	vst.msk vm13, v2;
	(v2sf) =	vpush v3, $0xF  }
0x17e: {  	v2 =	vld [tilespmem:s3+$0x60];
	_ =	sdelay $0x4  }
0x17f: {  	v3 =	vshrl.u32 v2, $0x5;
	_ =	sdelay $0x4  }
0x180: {  	v3 =	vld.idx.msk [tilespmem:v3+s7+$0x0], $0xffff;
	_ =	sdelay $0x3  }
0x181: {  	v59 =	vand.u32 $0x1F, v2;
	s21 =	spop (v2sf)  }
0x182: {  	v3 =	vshrl.u32 v3, v59;
	s4 =	sadd.s32 s4, s21  }
0x183: {  	v3 =	vand.u32 $0x1, v3;
	s21 =	sadd.s32 $0xE0, s6;
	p0 =	slt.s32 s4, $0x70;
	s31 =	smov.u32 s4  }
0x184: {  	v60 =	vor.u32 s21, v1;
	vm14 =	veq.s32 v3, $0x1;
	s31 =	simm.s32 @!p0 $0x70  }
0x185: {  	[tilespmem:s31+$0xFA20] =	vst.msk vm14, v60  }
0x186: {  	[tilespmem:s31+$0xFAA0] =	vst.msk vm14, v2  }
0x187: {  	v2 =	vld [tilespmem:s3+$0x70];
	_ =	sdelay $0x4  }
0x188: {  	v61 =	vshrl.u32 v2, $0x5;
	_ =	sdelay $0x4  }
0x189: {  	v4 =	vld.idx.msk [tilespmem:v61+s7+$0x0], $0xffff;
	_ =	sdelay $0x2  }
0x18a: {  	(xrf0) =	vadd.scan.msk.s32 $0xffff, v3  }
0x18b: {  	v3 =	vand.u32 $0x1F, v2  }
0x18c: {  	v3 =	vshrl.u32 v4, v3  }
0x18d: {  	v3 =	vand.u32 $0x1, v3  }
0x18e: {  	(xrf0) =	vadd.scan.msk.s32 $0xffff, v3;
	_ =	sdelay $0x1  }
0x18f: {  	v62, _, _ =	vpop (xrf0)  }
0x190: {  	(v2sf) =	vpush v62, $0xF;
	_ =	sdelay $0x2  }
0x191: {  	v63, _, _ =	vpop (xrf0)  }
0x192: {  	(v2sf) =	vpush v63, $0xF;
	_ =	sdelay $0xa  }
0x193: {  	s21 =	spop (v2sf)  }
.Ltmp5:
0x194: {  	s4 =	sadd.s32 s4, s21;
	(pc) =	sbr.rel .LBB2_4-.Ltmp5, $4  }
0x195: {  	s6 =	sadd.s32 $0xF0, s6;
	p0 =	slt.s32 s4, $0x70;
	s21 =	smov.u32 s4  }
0x196: {  	vm15 =	veq.s32 v3, $0x1;
	v3 =	vor.u32 s6, v1;
	s21 =	simm.s32 @!p0 $0x70  }
0x197: {  	[tilespmem:s21+$0xFA20] =	vst.msk vm15, v3;
	s6 =	spop (v2sf)  }
0x198: {  	[tilespmem:s21+$0xFAA0] =	vst.msk vm15, v2;
	s31 =	sadd.s32 s4, s6  }
.LBB2_6:
0x199: {  	_ =	sfence.sel $0x180000  }
0x19a: {  	[bflag:$0x0] =	sbarrier.arrive $0xFFFF  }
0x19b: {  	_ =	strace $0x90000047  }
0x19c: {  	s0 =	stileid.u32;
	[bflag:$0x2] =	sbarrier.arrive $0xFFFF  }
0x19d: {  	p0 =	sne.s32 s0, $0x0;
	s0 =	rddreg [dreg:$0x6]  }
0x19e: {  	s0 =	sadd.s32 @!p0 $0x100000, s0  }
0x19f: {  	[sflag:s0] =	ssyncadd.tile.s32 @!p0 $0x1;
	_ =	shalt  }
.Lfunc_end2:
_tile_overlayer_lowered:
.L_overlay_start_2:
0x1a0: {  	(tag) =	ssettag $0x2  }
0x1a1: {  	s0 =	rddreg [dreg:$0x0];
	s2 =	stileid.u32  }
0x1a2: {  	s1 =	rddreg [dreg:$0x1];
	p0 =	sne.s32 s2, $0x0  }
0x1a3: {  	s3 =	rddreg [dreg:$0x2];
	[bflag:$0x3] =	sbarrier.arrive $0xFFFF;
	s2 =	simm.s32 @!p0 $0x1C02  }
0x1a4: {  	[timem:s3], [sflag:s2] =	dma.local @!p0 [hbm:s0], s1  }
0x1a5: {  	s0 =	simm.s32 @!p0 $0x2  }
0x1a6: {  	_ =	swait.ge @!p0 [sflag:s0], s1  }
0x1a7: {  	s1 =	ssub.s32 @!p0 $0x0, s1;
	[sflag:s0] =	ssyncset.done @!p0 $0x0  }
0x1a8: {  	[sflag:s0] =	ssyncadd.s32 @!p0 s1  }
0x1a9: {  	[bflag:$0x3] =	sbarrier.arrive $0xFFFF  }
0x1aa: {  	_ =	shalt  }

// kernel: kernel.8.cloned.1.call-start
scs
__scs_entry_jumppad:
0x0: {  	(pc) =	sbr.rel $0x88, $3  }
0x1: {  	(tag) =	ssettag $0x0;
	lr =	simm.s32 $0x1  }
0x2: {  	[smem:$0x3F97] =	sst lr;
	_ =	strace $0xD0000000  }
0x3: {  	_ = 	snop  }
0x4: {  	_ = 	snop  }
0x5: {  	_ = 	snop  }
0x6: {  	_ = 	snop  }
0x7: {  	_ = 	snop  }
__scs_overlays_trampoline_lowered:
0x8: {  	[smem:$0x3FA6] =	sst s0  }
0x9: {  	[smem:$0x3FA7] =	sst s1  }
0xa: {  	[smem:$0x3FA8] =	sst s2  }
0xb: {  	[smem:$0x3FA9] =	sst s3  }
0xc: {  	[smem:$0x3FAA] =	sst s4  }
0xd: {  	[smem:$0x3FAB] =	sst s5  }
0xe: {  	[smem:$0x3FAC] =	sst s6  }
0xf: {  	[smem:$0x3FAD] =	sst s7  }
0x10: {  	[smem:$0x3FAE] =	sst s8  }
0x11: {  	[smem:$0x3FAF] =	sst s9;
	s0 =	simm.s32 @!p0 $0x0  }
0x12: {  	s1 =	sld [smem:$0x3F95];
	s0 =	simm.s32 @p0 $0x1  }
0x13: {  	[smem:$0x3FB0] =	sst s0;
	s0 =	simm.s32 @!p1 $0x0  }
0x14: {  	s2 =	sld [smem:$0x3F94];
	s0 =	simm.s32 @p1 $0x1  }
0x15: {  	[smem:$0x3FB1] =	sst s0;
	s0 =	simm.s32 @!p2 $0x0  }
0x16: {  	s3 =	sld [smem:$0x3FDB];
	s0 =	simm.s32 @p2 $0x1  }
0x17: {  	s4 =	simm.s32 $0x1BF5;
	[smem:$0x3FB3] =	sst s0  }
0x18: {  	s0 =	sld [smem:$0x3F96];
	_ =	swait.ge [sflag:s4], $0x0  }
0x19: {  	s7 =	sld [smem:$0x3F97]  }
0x1a: {  	s8 =	sadd.s32 $0xFFFFE003, lr  }
0x1b: {  	s9 =	sadd.s32 $0xFFFFFEF7, lr;
	s5 =	simm.s32 $0xFFFFFFFF;
	p2 =	slt.u32 s8, $0xFFFFF086  }
0x1c: {  	p1 =	slt.u32 s9, $0xF7A;
	s5 =	simm.s32 @!p2 $0x0  }
0x1d: {  	s5 =	simm.s32 @p1 $0x1;
	p0 =	seq.s32 s7, s2  }
0x1e: {  	s7 =	smul.u32 @!p0 $0xF7A, s2;
	p2 =	seq.s32 @!p0 s5, $0x0  }
0x1f: {  	s9 =	smul.u32 $0xF7A, s1;
	s8 =	simm.s32 @!p0 $0x1BF5;
	p2 =	por !p2, p0  }
0x20: {  	[sflag:s8] =	ssyncset.s32 @!p0 $0xFFFFF086;
	s6 =	sadd.s32 @!p0 s3, s7;
	s7 =	simm.s32 @!p0 $0x108  }
0x21: {  	s3 =	sadd.s32 s3, s9;
	s6 =	sadd.s32 @!p0 $0x88, s6;
	s7 =	simm.s32 @p2 $0x1082  }
0x22: {  	[simem:s7], [sflag:s8] =	dma.local @!p0 [hbm:s6], $0xF7A  }
0x23: {  	s9 =	sor.u32 $0xD0000000, s2;
	s6 =	simm.s32 $0x108;
	_ =	swait.ge @!p0 [sflag:s8], $0x0  }
0x24: {  	s3 =	sadd.s32 $0x88, s3;
	s6 =	simm.s32 @!p1 $0x1082;
	[sflag:s4] =	ssyncset.s32 $0xFFFFF086  }
0x25: {  	[simem:s6], [sflag:s4] =	dma.local [hbm:s3], $0xF7A  }
0x26: {  	[smem:$0x3F97] =	sst s1;
	(tag) =	ssettag s2;
	_ =	strace s9  }
0x27: {  	s1 =	sld [smem:$0x3FA7]  }
0x28: {  	s2 =	sld [smem:$0x3FA8]  }
0x29: {  	s4 =	sld [smem:$0x3FAA]  }
0x2a: {  	p0 =	seq.s32 s5, $0x0;
	s5 =	sld [smem:$0x3FAB]  }
0x2b: {  	s6 =	sld [smem:$0x3FAC]  }
0x2c: {  	s7 =	sld [smem:$0x3FAD]  }
0x2d: {  	s3 =	simm.s32 $0x108;
	s8 =	sld [smem:$0x3FAE]  }
0x2e: {  	s3 =	simm.s32 @!p0 $0x1082;
	s9 =	sld [smem:$0x3FAF]  }
0x2f: {  	lr =	sadd.s32 s0, s3;
	s0 =	sld [smem:$0x3FA6]  }
0x30: {  	s3 =	sld [smem:$0x3FA9]  }
0x31: {  	[smem:$0x3FB2] =	sst s10  }
0x32: {  	s10 =	sld [smem:$0x3FB0];
	_ =	sdelay $0x3  }
0x33: {  	p0 =	seq.s32 s10, $0x1;
	s10 =	sld [smem:$0x3FB2];
	_ =	sdelay $0x3  }
0x34: {  	[smem:$0x3FB2] =	sst s10  }
0x35: {  	s10 =	sld [smem:$0x3FB1];
	_ =	sdelay $0x3  }
0x36: {  	p1 =	seq.s32 s10, $0x1;
	s10 =	sld [smem:$0x3FB2];
	_ =	sdelay $0x3  }
0x37: {  	[smem:$0x3FB2] =	sst s10  }
0x38: {  	s10 =	sld [smem:$0x3FB3]  }
0x39: {  	_ = 	snop;
	(pc) =	sbr.ind lr, $3  }
0x3a: {  	_ = 	snop  }
0x3b: {  	_ = 	snop  }
0x3c: {  	p2 =	seq.s32 s10, $0x1;
	s10 =	sld [smem:$0x3FB2]  }
0x3d: {  	_ =	shalt  }
0x3e: {  	_ =	shalt  }
0x3f: {  	_ =	shalt  }
0x40: {  	_ =	shalt  }
0x41: {  	_ =	shalt  }
0x42: {  	_ =	shalt  }
0x43: {  	_ =	shalt  }
0x44: {  	_ =	shalt  }
0x45: {  	_ =	shalt  }
0x46: {  	_ =	shalt  }
0x47: {  	_ =	shalt  }
0x48: {  	_ =	shalt  }
0x49: {  	_ =	shalt  }
0x4a: {  	_ =	shalt  }
0x4b: {  	_ =	shalt  }
0x4c: {  	_ =	shalt  }
0x4d: {  	_ =	shalt  }
0x4e: {  	_ =	shalt  }
0x4f: {  	_ =	shalt  }
0x50: {  	_ =	shalt  }
0x51: {  	_ =	shalt  }
0x52: {  	_ =	shalt  }
0x53: {  	_ =	shalt  }
0x54: {  	_ =	shalt  }
0x55: {  	_ =	shalt  }
0x56: {  	_ =	shalt  }
0x57: {  	_ =	shalt  }
0x58: {  	_ =	shalt  }
0x59: {  	_ =	shalt  }
0x5a: {  	_ =	shalt  }
0x5b: {  	_ =	shalt  }
0x5c: {  	_ =	shalt  }
0x5d: {  	_ =	shalt  }
0x5e: {  	_ =	shalt  }
0x5f: {  	_ =	shalt  }
0x60: {  	_ =	shalt  }
0x61: {  	_ =	shalt  }
0x62: {  	_ =	shalt  }
0x63: {  	_ =	shalt  }
0x64: {  	_ =	shalt  }
0x65: {  	_ =	shalt  }
0x66: {  	_ =	shalt  }
0x67: {  	_ =	shalt  }
0x68: {  	_ =	shalt  }
0x69: {  	_ =	shalt  }
0x6a: {  	_ =	shalt  }
0x6b: {  	_ =	shalt  }
0x6c: {  	_ =	shalt  }
0x6d: {  	_ =	shalt  }
0x6e: {  	_ =	shalt  }
0x6f: {  	_ =	shalt  }
0x70: {  	_ =	shalt  }
0x71: {  	_ =	shalt  }
0x72: {  	_ =	shalt  }
0x73: {  	_ =	shalt  }
0x74: {  	_ =	shalt  }
0x75: {  	_ =	shalt  }
0x76: {  	_ =	shalt  }
0x77: {  	_ =	shalt  }
0x78: {  	_ =	shalt  }
0x79: {  	_ =	shalt  }
0x7a: {  	_ =	shalt  }
0x7b: {  	_ =	shalt  }
0x7c: {  	_ =	shalt  }
0x7d: {  	_ =	shalt  }
0x7e: {  	_ =	shalt  }
0x7f: {  	_ =	shalt  }
0x80: {  	_ =	shalt  }
0x81: {  	_ =	shalt  }
0x82: {  	_ =	shalt  }
0x83: {  	_ =	shalt  }
0x84: {  	_ =	shalt  }
0x85: {  	_ =	shalt  }
0x86: {  	_ =	shalt  }
0x87: {  	_ =	shalt  }
.Lfunc_end0:
.L_simem_size_0:
called_computation.1_lowered:
.L_overlay_start_0:
0x88: {  	s2 =	sld [smem:$0x3FD9]  }
0x89: {  	s3 =	sld [smem:$0x3FFE];
	_ =	sdelay $0x1  }
0x8a: {  	s1 =	srdreg.scid  }
0x8b: {  	s0 =	sand.u32 $0x1, s1  }
0x8c: {  	s17 =	sshll.u32 s0, $0xA;
	s2 =	sadd.s32 s3, s2  }
0x8d: {  	s2 =	sadd.s32 s2, s17  }
0x8e: {  	[smem:$0x3FBE] =	sst s2  }
0x8f: {  	_ = 	snop  }
0x90: {  	s2 =	sld [smem:$0x3FC5]  }
0x91: {  	s18 =	sld [smem:$0x3FC4];
	(tm) =	ssettm $0x1  }
0x92: {  	s4 =	sld [smem:$0x3FFB];
	_ =	sdelay $0x3  }
0x93: {  	_ =	strace s4  }
0x94: {  	s4 =	sld [smem:$0x3FFC];
	_ =	sdelay $0x3  }
0x95: {  	_ =	strace s4  }
0x96: {  	s4 =	sld [smem:$0x3FFD];
	_ =	sdelay $0x3  }
0x97: {  	_ =	strace s4  }
0x98: {  	_ =	strace $0x8FFFFFFF  }
0x99: {  	s19 =	sld [smem:$0x3FDB];
	_ =	sdelay $0x1  }
0x9a: {  	s5 =	simm.s32 $_scs_section_size  }
0x9b: {  	s6 =	simm.s32 $_size__tile_overlayer_lowered;
	s7 =	simm.s32 $_tile_overlayer_lowered  }
0x9c: {  	s22 =	simm.s32 $0x1BFF;
	s21 =	sshll.u32 s7, $0x1;
	s4 =	sadd.s32 s5, s19  }
0x9d: {  	s8 =	simm.s32 $0x0;
	s20 =	sshll.u32 s6, $0x1;
	s6 =	sadd.s32 s21, s4  }
0x9e: {  	[timem:s8], [sflag:s22] =	dma.local [hbm:s6], s20  }
0x9f: {  	_ =	swait.ge [sflag:s22], s20  }
0xa0: {  	s5 =	ssub.s32 $0x0, s20;
	[sflag:s22] =	ssyncset.done $0x0  }
0xa1: {  	[sflag:s22] =	ssyncadd.s32 s5;
	_ =	sdelay $0x1  }
0xa2: {  	s23 =	simm.s32 $0x1B8B  }
0xa3: {  	_ =	swait.ge [sflag:s23], $0x1  }
0xa4: {  	[sflag:s23] =	ssyncset.done $0x0  }
0xa5: {  	s25 =	simm.s32 $0x1B8E;
	s24 =	sld [smem:$0x3FFE];
	[sflag:s23] =	ssyncadd.s32 $0xFFFFFFFF  }
0xa6: {  	s26 =	simm.s32 $execute0_lowered;
	[smem:$0x3FD2] =	sst s25  }
0xa7: {  	s6 =	sshll.u32 s26, $0x1;
	_ =	strace $0x80000049;
	[dreg:$0x1] =	wrdreg $0xFFFFFFFF  }
0xa8: {  	s28 =	simm.s32 $_size_execute0_lowered;
	s4 =	sadd.s32 s4, s6;
	[dreg:$0x0] =	wrdreg $0x0  }
0xa9: {  	s6 =	sshll.u32 s28, $0x1;
	[dreg:$0x2] =	wrdreg s4  }
0xaa: {  	[dreg:$0x3] =	wrdreg s6  }
0xab: {  	[dreg:$0x4] =	wrdreg $0xC0  }
0xac: {  	_ =	task [dreg:s8], $0x5FFFF  }
0xad: {  	[dreg:$0x1] =	wrdreg $0xFFFFFFFF  }
0xae: {  	[dreg:$0x0] =	wrdreg $0x60  }
0xaf: {  	[dreg:$0x2] =	wrdreg s24  }
0xb0: {  	[dreg:$0x3] =	wrdreg s2  }
0xb1: {  	[dreg:$0x4] =	wrdreg s18  }
0xb2: {  	[dreg:$0x5] =	wrdreg $0x0  }
0xb3: {  	[dreg:$0x6] =	wrdreg $0x9  }
0xb4: {  	_ =	task.clear_ibuf [dreg:s8], $0x7FFFF;
	_ =	strace $0x90000049  }
0xb5: {  	s29 =	simm.s32 $0x9;
	_ =	strace $0x8000004B  }
0xb6: {  	_ =	swait.ge [sflag:s29], $0x1  }
0xb7: {  	[sflag:s29] =	ssyncadd.s32 $0xFFFFFFFF  }
0xb8: {  	_ =	strace $0x9000004B  }
0xb9: {  	_ =	sfence  }
0xba: {  	s30 =	sld [smem:$0x0];
	_ =	sdelay $0x2  }
0xbb: {  	s31 =	sshll.u32 s1, $0xD;
	s1 =	sshrl.u32 s1, $0x2  }
0xbc: {  	s3 =	sand.u32 $0x4000, s31;
	s1 =	sadd.s32 s1, s30  }
0xbd: {  	s0 =	sor.u32 s3, s0;
	s1 =	sshll.u32 s1, $0x11  }
0xbe: {  	s0 =	sor.u32 s1, s0  }
0xbf: {  	s0 =	sadd.s32 $0x8F2B, s0  }
0xc0: {  	[sflag:s0] =	ssyncadd.remote.s32 $0x1  }
0xc1: {  	_ =	sfence.sel $0xFFFF  }
0xc2: {  	[dreg:$0x0] =	wrdreg $0xFFFFFFFF;
	(pc) =	sbr.abs _section_cstart, $3  }
0xc3: {  	[dreg:$0x1] =	wrdreg $0xFFFFFFFF  }
0xc4: {  	_ =	task.clear_ibuf [dreg:s8], $0x2FFFF;
	_ =	strace $0x9FFFFFFF  }
0xc5: {  	(tm) =	ssettm $0x7FFFFFFF  }
tec
execute0_lowered:
.L_overlay_start_1:
0x0: {  	(tag) =	ssettag $0x1  }
0x1: {  	s0 =	rddreg [dreg:$0x0]  }
0x2: {  	s4 =	rddreg [dreg:$0x3];
	s5 =	simm.s32 $0x0;
	s9 =	stileid.u32  }
0x3: {  	s3 =	srdreg.scid;
	s28 =	simm.s32 $0x1A00;
	s29 =	simm.s32 $0x3280  }
0x4: {  	s30 =	simm.s32 $0x3300;
	s31 =	simm.s32 $0x3380;
	[smem:$0x7FF] =	sst s5  }
0x5: {  	s6 =	smul.u32 $0x1880, s9;
	s1 =	sshll.u32 s9, $0x5;
	s7 =	sadd.s32 $0x1BA000, s0  }
0x6: {  	s3 =	sand.u32 $0x1, s3;
	s21 =	sadd.s32 $0x189200, s0;
	s22 =	sadd.s32 $0x5E00, s0  }
0x7: {  	s8 =	sadd.s32 $0x5A00, s0;
	s11 =	sadd.s32 $0x6E00, s0;
	s12 =	sadd.s32 $0x5C00, s0  }
0x8: {  	s16 =	sshll.u32 s9, $0x4;
	_ =	strace $0x8000004A;
	[dreg:$0x5] =	wrdreg s7  }
0x9: {  	s17 =	sshll.u32 s9, $0x8;
	s26 =	sshll.u32 s9, $0x6;
	[dreg:$0x6] =	wrdreg s21  }
0xa: {  	s1 =	sadd.s32 s1, s0;
	[dreg:$0x7] =	wrdreg s22;
	s23 =	ssub.s32 $0x2, s3  }
0xb: {  	[dreg:$0x8] =	wrdreg s8;
	p0 =	seq.s32 s3, $0x1;
	s20 =	sor.u32 $0x1C02, s26  }
0xc: {  	s22 =	simm.s32 $0x2;
	s26 =	simm.s32 $0x1900;
	s2 =	sshrl.u32 s6, $0x3  }
.Ltmp0:
0xd: {  	s24 =	sshrl.u32 s23, $0x1;
	s13 =	sadd.s32 s6, s4;
	(pc) =	sbr.rel .LBB2_1-.Ltmp0, $4  }
0xe: {  	v0 =	vimm.s32 $0x1;
	v1 =	vlaneseq.u32;
	s15 =	sadd.s32 $0x27E00, s1;
	s18 =	sadd.s32 $0x28000, s1;
	s2 =	sadd.s32 s2, s0  }
0xf: {  	v2 =	vimm.s32 $0x0;
	v3 =	vadd.s32 $0x1, v1;
	v4 =	vadd.s32 $0x11, v1;
	s25 =	ssub.s32 s23, s24;
	s21 =	sshrl.u32 s13, $0x3;
	s23 =	simm.s32 $0x1880  }
0x10: {  	v5 =	vadd.s32 $0x21, v1;
	v6 =	vadd.s32 $0x31, v1;
	v7 =	vadd.s32 $0x41, v1;
	s24 =	simm.s32 $0x80;
	s0 =	simm.s32 $0x1;
	s14 =	sadd.s32 $0x2800, s2  }
0x11: {  	v8 =	vadd.s32 $0x51, v1;
	v9 =	vadd.s32 $0x61, v1;
	v10 =	vadd.s32 $0x71, v1;
	s19 =	smax.u32 s25, $0x1;
	s25 =	simm.s32 $0x1980;
	s2 =	simm.s32 $0x0  }
.LBB2_11:
0x12: {  	s8 =	rddreg [dreg:$0x2]  }
0x13: {  	s9 =	rddreg [dreg:$0x6];
	s7 =	smov.u32 s12;
	s3 =	smov.u32 s11  }
.LBB2_12:
0x14: {  	[tilespmem:s30], [sflag:$0x1] =	stream.indirect.gather [hbm4b:s8+s24], $0x1, s29, s24, $0xb8;
	[tilespmem:$0x3B80] =	vst v63  }
0x15: {  	_ = 	snop  }
0x16: {  	[tilespmem:s31], [sflag:$0x1] =	stream.indirect.gather [hbm4b:s9+s24], $0x10, s29, s24, $0xb8;
	[tilespmem:$0x3B80] =	vst v63  }
0x17: {  	_ =	swait.ge [sflag:s0], $0x80  }
0x18: {  	[sflag:s0] =	ssyncset.done $0x0  }
0x19: {  	[sflag:s0] =	ssyncadd.s32 $0xFFFFFF80  }
0x1a: {  	_ =	swait.ge [sflag:s0], $0x800  }
0x1b: {  	[sflag:s0] =	ssyncset.done $0x0  }
0x1c: {  	[sflag:s0] =	ssyncadd.s32 $0xFFFFF800  }
0x1d: {  	v11 =	vld [tilespmem:$0x3300]  }
0x1e: {  	v12 =	vld [tilespmem:$0x3310]  }
0x1f: {  	v13 =	vld [tilespmem:$0x3320]  }
0x20: {  	v14 =	vmov s1;
	v15 =	vld [tilespmem:$0x3330]  }
0x21: {  	vm0 =	vlt.s32 v14, v3;
	v16 =	vld [tilespmem:$0x3340]  }
0x22: {  	vm9 =	vlt.s32 v14, v4;
	v17 =	vld [tilespmem:$0x3350];
	v11 =	vsel vm0, $0xF149F2CA, v11  }
0x23: {  	vm10 =	vlt.s32 v14, v5;
	v62 =	vld [tilespmem:$0x3360];
	[tilespmem:$0x3300] =	vst v11;
	v11 =	vsel vm9, $0xF149F2CA, v12  }
0x24: {  	vm11 =	vlt.s32 v14, v6;
	v63 =	vld [tilespmem:$0x3370];
	[tilespmem:$0x3310] =	vst v11;
	v11 =	vsel vm10, $0xF149F2CA, v13  }
0x25: {  	vm12 =	vlt.s32 v14, v7;
	[tilespmem:$0x3320] =	vst v11;
	v11 =	vsel vm11, $0xF149F2CA, v15  }
0x26: {  	vm13 =	vlt.s32 v14, v8;
	[tilespmem:$0x3330] =	vst v11;
	v11 =	vsel vm12, $0xF149F2CA, v16  }
0x27: {  	vm14 =	vlt.s32 v14, v9;
	[tilespmem:$0x3340] =	vst v11;
	v11 =	vsel vm13, $0xF149F2CA, v17  }
0x28: {  	vm15 =	vlt.s32 v14, v10;
	[tilespmem:$0x3350] =	vst v11;
	v11 =	vsel vm14, $0xF149F2CA, v62  }
0x29: {  	[tilespmem:$0x3360] =	vst v11;
	v11 =	vsel vm15, $0xF149F2CA, v63  }
0x2a: {  	s9 =	sadd.s32 s7, s16;
	[tilespmem:$0x3370] =	vst v11  }
0x2b: {  	[hbm4b:s9+s5] =	stream.linear.scatter [tilespmem:s30], [sflag:$0x2], $0x80, $0x38;
	[tilespmem:$0x3B80] =	vst v63  }
0x2c: {  	s2 =	sadd.s32 $0x1, s2;
	_ =	swait.ge [sflag:s22], $0x80  }
0x2d: {  	p1 =	sne.s32 s2, s19;
	[sflag:s22] =	ssyncset.done $0x0  }
.Ltmp1:
0x2e: {  	s10 =	sadd.s32 s3, s17;
	[sflag:s22] =	ssyncadd.s32 $0xFFFFFF80;
	(pc) =	sbr.rel @!p1 .LBB2_13-.Ltmp1, $4  }
0x2f: {  	[hbm4b:s10+s5] =	stream.linear.scatter [tilespmem:s31], [sflag:$0x2], $0x800, $0x38;
	[tilespmem:$0x3B80] =	vst v63  }
0x30: {  	_ =	swait.ge [sflag:s22], $0x800  }
0x31: {  	[sflag:s22] =	ssyncset.done $0x0  }
0x32: {  	[sflag:s22] =	ssyncadd.s32 $0xFFFFF800  }
.LBB2_1:
0x33: {  	[spmem:s21], [sflag:s20] =	dma.local [hbm:s14], $0x310  }
0x34: {  	_ =	swait.ge [sflag:s22], $0x310  }
0x35: {  	[sflag:s22] =	ssyncset.done $0x0  }
0x36: {  	[sflag:s22] =	ssyncadd.s32 $0xFFFFFCF0  }
0x37: {  	[tilespmem:$0x1980] =	vst v0  }
0x38: {  	[tilespmem:$0x1990] =	vst v0  }
0x39: {  	[tilespmem:$0x19A0] =	vst v0  }
0x3a: {  	[tilespmem:$0x19B0] =	vst v0  }
0x3b: {  	[tilespmem:$0x19C0] =	vst v0  }
.Ltmp2:
0x3c: {  	[tilespmem:$0x19D0] =	vst v0;
	(pc) =	sbr.rel @!p0 .LBB2_2-.Ltmp2, $4  }
0x3d: {  	[tilespmem:$0x19E0] =	vst v0  }
0x3e: {  	[tilespmem:$0x19F0] =	vst v0  }
0x3f: {  	[bflag:$0x0] =	sbarrier.arrive $0xFFFF  }
0x40: {  	s1 =	simm.s32 $0x0  }
0x41: {  	[tilespmem:s23], [sflag:$0x2] =	stream.linear.gather [hbm4b:s18+s1], $0x100, $0x38;
	[tilespmem:$0x3B80] =	vst v63  }
0x42: {  	_ =	swait.ge [sflag:s22], $0x100  }
0x43: {  	[sflag:s22] =	ssyncset.done $0x0  }
0x44: {  	[sflag:s22] =	ssyncadd.s32 $0xFFFFFF00  }
0x45: {  	[spmem:s4] =	stream.indirect.scatter.add.s32 [tilespmem:s25], [sflag:$0x2], $0x1, s23, s24, $0xb8;
	[tilespmem:$0x3B80] =	vst v63  }
0x46: {  	_ =	swait.ge [sflag:s22], $0x80  }
0x47: {  	[sflag:s22] =	ssyncset.done $0x0  }
0x48: {  	[sflag:s22] =	ssyncadd.s32 $0xFFFFFF80  }
0x49: {  	[spmem:s4] =	stream.indirect.scatter.add.s32 [tilespmem:s25], [sflag:$0x2], $0x1, s26, s24, $0xb8;
	[tilespmem:$0x3B80] =	vst v63  }
0x4a: {  	_ =	swait.ge [sflag:s22], $0x80  }
0x4b: {  	[sflag:s22] =	ssyncset.done $0x0  }
0x4c: {  	[sflag:s22] =	ssyncadd.s32 $0xFFFFFF80  }
0x4d: {  	[bflag:$0x0] =	sbarrier.arrive $0xFFFF  }
0x4e: {  	[tilespmem:s28], [sflag:$0x2] =	stream.linear.gather [spmem:s13], $0x1880, $0x38;
	[tilespmem:$0x3B80] =	vst v63  }
0x4f: {  	_ =	swait.ge [sflag:s22], $0x1880  }
0x50: {  	[sflag:s22] =	ssyncset.done $0x0  }
0x51: {  	[sflag:s22] =	ssyncadd.s32 $0xFFFFE780  }
0x52: {  	[tilespmem:$0x3280] =	vst v2  }
0x53: {  	[tilespmem:$0x3290] =	vst v2  }
0x54: {  	[tilespmem:$0x32A0] =	vst v2  }
.Ltmp3:
0x55: {  	[tilespmem:$0x32B0] =	vst v2;
	(pc) =	sbr.rel .LBB2_8-.Ltmp3, $4  }
0x56: {  	[tilespmem:$0x32C0] =	vst v2  }
0x57: {  	[tilespmem:$0x32D0] =	vst v2  }
0x58: {  	[tilespmem:$0x32E0] =	vst v2  }
0x59: {  	s3 =	simm.s32 $0x1A40;
	s7 =	simm.s32 $0x0;
	[tilespmem:$0x32F0] =	vst v2  }
.LBB2_10:
0x5a: {  	s7 =	sadd.s32 $0x80, s7  }
0x5b: {  	p1 =	sne.s32 s7, $0x1880  }
.Ltmp4:
0x5c: {  	_ = 	snop;
	(pc) =	sbr.rel @!p1 .LBB2_11-.Ltmp4, $2  }
0x5d: {  	_ =	sdelay $0x2  }
0x5e: {  	s3 =	sadd.s32 $0x80, s3  }
.LBB2_8:
0x5f: {  	v11 =	vld [tilespmem:s3+$0xFFFFFFD0]  }
0x60: {  	v12 =	vld [tilespmem:s3+$0xFFFFFFE0]  }
0x61: {  	v13 =	vld [tilespmem:s3+$0xFFFFFFF0]  }
0x62: {  	v14 =	vld [tilespmem:s3+$0x0]  }
0x63: {  	v15 =	vld [tilespmem:s3+$0x10]  }
0x64: {  	v16 =	vld [tilespmem:s3+$0x20]  }
0x65: {  	v17 =	vld [tilespmem:s3+$0x30];
	v12 =	vor.u32 v12, v11  }
0x66: {  	v11 =	vld [tilespmem:s3+$0xFFFFFFC0];
	v12 =	vor.u32 v13, v12  }
0x67: {  	v12 =	vor.u32 v14, v12  }
0x68: {  	v12 =	vor.u32 v15, v12  }
0x69: {  	v12 =	vor.u32 v16, v12  }
0x6a: {  	v12 =	vor.u32 v17, v12  }
0x6b: {  	v12 =	vor.u32 v11, v12  }
0x6c: {  	(xrf0) =	vadd.scan.msk.s32 $0xffff, v12;
	_ =	sdelay $0x5  }
0x6d: {  	v12, _, _ =	vpop (xrf0)  }
0x6e: {  	(v2sf) =	vpush v12, $0xF;
	_ =	sdelay $0xe  }
0x6f: {  	s8 =	spop (v2sf)  }
0x70: {  	p1 =	slt.s32 s8, $0x1  }
.Ltmp5:
0x71: {  	_ = 	snop;
	(pc) =	sbr.rel @p1 .LBB2_10-.Ltmp5, $1  }
0x72: {  	_ =	sdelay $0x3  }
0x73: {  	s8 =	sadd.s32 s7, s6  }
0x74: {  	v12 =	vmov s8  }
0x75: {  	vm0 =	vgt.s32 v11, $0x0;
	p1 =	slt.s32 s1, $0x70;
	s9 =	smov.u32 s1;
	vm1 =	vlt.u32 v12, $0x186A0  }
0x76: {  	v11 =	vor.u32 s8, v1;
	s9 =	simm.s32 @!p1 $0x70;
	vm0 =	vmand vm1, vm0  }
0x77: {  	[tilespmem:s9+$0x3280] =	vst.msk vm0, v11;
	v11 =	vsel vm0, $0x1, v2  }
0x78: {  	(xrf0) =	vadd.scan.msk.s32 $0xffff, v11;
	v11 =	vld [tilespmem:s3+$0xFFFFFFD0];
	_ =	sdelay $0x2  }
0x79: {  	s9 =	sadd.s32 $0x10, s8  }
0x7a: {  	v57 =	vmov s9  }
0x7b: {  	vm15 =	vlt.u32 v57, $0x186A0;
	vm14 =	vgt.s32 v11, $0x0  }
0x7c: {  	v11, _, _ =	vpop (xrf0);
	vm0 =	vmand vm15, vm14  }
0x7d: {  	(v2sf) =	vpush v11, $0xF;
	v11 =	vsel vm0, $0x1, v2  }
0x7e: {  	(xrf0) =	vadd.scan.msk.s32 $0xffff, v11;
	_ =	sdelay $0x5  }
0x7f: {  	v11, _, _ =	vpop (xrf0)  }
0x80: {  	(v2sf) =	vpush v11, $0xF;
	_ =	sdelay $0x6  }
0x81: {  	s10 =	spop (v2sf)  }
0x82: {  	s1 =	sadd.s32 s1, s10  }
0x83: {  	p1 =	slt.s32 s1, $0x70;
	s10 =	smov.u32 s1  }
0x84: {  	v11 =	vor.u32 s9, v1;
	s10 =	simm.s32 @!p1 $0x70  }
0x85: {  	[tilespmem:s10+$0x3280] =	vst.msk vm0, v11  }
0x86: {  	v11 =	vld [tilespmem:s3+$0xFFFFFFE0];
	_ =	sdelay $0x2  }
0x87: {  	s10 =	sadd.s32 $0x20, s8;
	s9 =	spop (v2sf)  }
0x88: {  	v58 =	vmov s10;
	s1 =	sadd.s32 s1, s9  }
0x89: {  	vm5 =	vlt.u32 v58, $0x186A0;
	vm4 =	vgt.s32 v11, $0x0;
	p1 =	slt.s32 s1, $0x70;
	s9 =	smov.u32 s1  }
0x8a: {  	v11 =	vor.u32 s10, v1;
	vm0 =	vmand vm5, vm4;
	s9 =	simm.s32 @!p1 $0x70  }
0x8b: {  	[tilespmem:s9+$0x3280] =	vst.msk vm0, v11;
	v11 =	vsel vm0, $0x1, v2  }
0x8c: {  	(xrf0) =	vadd.scan.msk.s32 $0xffff, v11;
	v11 =	vld [tilespmem:s3+$0xFFFFFFF0];
	_ =	sdelay $0x2  }
0x8d: {  	s9 =	sadd.s32 $0x30, s8  }
0x8e: {  	v59 =	vmov s9  }
0x8f: {  	vm7 =	vlt.u32 v59, $0x186A0;
	vm6 =	vgt.s32 v11, $0x0  }
0x90: {  	v11, _, _ =	vpop (xrf0);
	vm0 =	vmand vm7, vm6  }
0x91: {  	(v2sf) =	vpush v11, $0xF;
	v11 =	vsel vm0, $0x1, v2  }
0x92: {  	(xrf0) =	vadd.scan.msk.s32 $0xffff, v11;
	_ =	sdelay $0x5  }
0x93: {  	v11, _, _ =	vpop (xrf0)  }
0x94: {  	(v2sf) =	vpush v11, $0xF;
	_ =	sdelay $0x6  }
0x95: {  	s10 =	spop (v2sf)  }
0x96: {  	s1 =	sadd.s32 s1, s10  }
0x97: {  	p1 =	slt.s32 s1, $0x70;
	s10 =	smov.u32 s1  }
0x98: {  	v11 =	vor.u32 s9, v1;
	s10 =	simm.s32 @!p1 $0x70  }
0x99: {  	[tilespmem:s10+$0x3280] =	vst.msk vm0, v11  }
0x9a: {  	v11 =	vld [tilespmem:s3+$0x0];
	_ =	sdelay $0x2  }
0x9b: {  	s10 =	sadd.s32 $0x40, s8;
	s9 =	spop (v2sf)  }
0x9c: {  	v60 =	vmov s10;
	s1 =	sadd.s32 s1, s9  }
0x9d: {  	vm9 =	vlt.u32 v60, $0x186A0;
	vm8 =	vgt.s32 v11, $0x0;
	p1 =	slt.s32 s1, $0x70;
	s9 =	smov.u32 s1  }
0x9e: {  	v11 =	vor.u32 s10, v1;
	vm0 =	vmand vm9, vm8;
	s9 =	simm.s32 @!p1 $0x70  }
0x9f: {  	[tilespmem:s9+$0x3280] =	vst.msk vm0, v11;
	v11 =	vsel vm0, $0x1, v2  }
0xa0: {  	(xrf0) =	vadd.scan.msk.s32 $0xffff, v11;
	v11 =	vld [tilespmem:s3+$0x10];
	_ =	sdelay $0x2  }
0xa1: {  	s9 =	sadd.s32 $0x50, s8  }
0xa2: {  	v61 =	vmov s9  }
0xa3: {  	vm11 =	vlt.u32 v61, $0x186A0;
	vm10 =	vgt.s32 v11, $0x0  }
0xa4: {  	v11, _, _ =	vpop (xrf0);
	vm0 =	vmand vm11, vm10  }
0xa5: {  	(v2sf) =	vpush v11, $0xF;
	v11 =	vsel vm0, $0x1, v2  }
0xa6: {  	(xrf0) =	vadd.scan.msk.s32 $0xffff, v11;
	_ =	sdelay $0x5  }
0xa7: {  	v11, _, _ =	vpop (xrf0)  }
0xa8: {  	(v2sf) =	vpush v11, $0xF;
	_ =	sdelay $0x6  }
0xa9: {  	s10 =	spop (v2sf)  }
0xaa: {  	s1 =	sadd.s32 s1, s10  }
0xab: {  	p1 =	slt.s32 s1, $0x70;
	s10 =	smov.u32 s1  }
0xac: {  	v11 =	vor.u32 s9, v1;
	s10 =	simm.s32 @!p1 $0x70  }
0xad: {  	[tilespmem:s10+$0x3280] =	vst.msk vm0, v11  }
0xae: {  	v11 =	vld [tilespmem:s3+$0x20];
	_ =	sdelay $0x2  }
0xaf: {  	s10 =	sadd.s32 $0x60, s8;
	s9 =	spop (v2sf)  }
0xb0: {  	v62 =	vmov s10;
	s1 =	sadd.s32 s1, s9  }
0xb1: {  	vm13 =	vlt.u32 v62, $0x186A0;
	vm12 =	vgt.s32 v11, $0x0;
	p1 =	slt.s32 s1, $0x70;
	s9 =	smov.u32 s1  }
0xb2: {  	v11 =	vor.u32 s10, v1;
	vm0 =	vmand vm13, vm12;
	s9 =	simm.s32 @!p1 $0x70  }
0xb3: {  	[tilespmem:s9+$0x3280] =	vst.msk vm0, v11  }
0xb4: {  	v11 =	vld [tilespmem:s3+$0x30];
	_ =	sdelay $0x2  }
0xb5: {  	s8 =	sadd.s32 $0x70, s8  }
0xb6: {  	v13 =	vmov s8;
	v63 =	vsel vm0, $0x1, v2  }
0xb7: {  	vm15 =	vlt.u32 v13, $0x186A0;
	(xrf0) =	vadd.scan.msk.s32 $0xffff, v63;
	vm14 =	vgt.s32 v11, $0x0  }
0xb8: {  	vm0 =	vmand vm15, vm14  }
0xb9: {  	v11 =	vsel vm0, $0x1, v2  }
0xba: {  	(xrf0) =	vadd.scan.msk.s32 $0xffff, v11;
	_ =	sdelay $0x2  }
0xbb: {  	v11, _, _ =	vpop (xrf0)  }
0xbc: {  	(v2sf) =	vpush v11, $0xF;
	_ =	sdelay $0x1  }
0xbd: {  	v11, _, _ =	vpop (xrf0)  }
0xbe: {  	(v2sf) =	vpush v11, $0xF;
	_ =	sdelay $0xb  }
.Ltmp6:
0xbf: {  	s10 =	spop (v2sf);
	(pc) =	sbr.rel .LBB2_10-.Ltmp6, $4  }
0xc0: {  	s1 =	sadd.s32 s1, s10  }
0xc1: {  	p1 =	slt.s32 s1, $0x70;
	s9 =	smov.u32 s1  }
0xc2: {  	v11 =	vor.u32 s8, v1;
	s9 =	simm.s32 @!p1 $0x70;
	s10 =	spop (v2sf)  }
0xc3: {  	[tilespmem:s9+$0x3280] =	vst.msk vm0, v11;
	s1 =	sadd.s32 s1, s10  }
.LBB2_2:
0xc4: {  	[tilespmem:s23], [sflag:$0x2] =	stream.linear.gather [hbm4b:s15+s1], $0x100, $0x38;
	[tilespmem:$0x3B80] =	vst v63  }
0xc5: {  	_ =	swait.ge [sflag:s22], $0x100  }
0xc6: {  	[sflag:s22] =	ssyncset.done $0x0  }
0xc7: {  	[sflag:s22] =	ssyncadd.s32 $0xFFFFFF00  }
0xc8: {  	[spmem:s4] =	stream.indirect.scatter.add.s32 [tilespmem:s25], [sflag:$0x2], $0x1, s23, s24, $0xb8;
	[tilespmem:$0x3B80] =	vst v63  }
0xc9: {  	_ =	swait.ge [sflag:s22], $0x80  }
0xca: {  	[sflag:s22] =	ssyncset.done $0x0  }
0xcb: {  	[sflag:s22] =	ssyncadd.s32 $0xFFFFFF80  }
0xcc: {  	[spmem:s4] =	stream.indirect.scatter.add.s32 [tilespmem:s25], [sflag:$0x2], $0x1, s26, s24, $0xb8;
	[tilespmem:$0x3B80] =	vst v63  }
0xcd: {  	_ =	swait.ge [sflag:s22], $0x80  }
0xce: {  	[sflag:s22] =	ssyncset.done $0x0  }
0xcf: {  	[sflag:s22] =	ssyncadd.s32 $0xFFFFFF80  }
0xd0: {  	[bflag:$0x0] =	sbarrier.arrive $0xFFFF  }
0xd1: {  	[tilespmem:s28], [sflag:$0x2] =	stream.linear.gather [spmem:s13], $0x1880, $0x38;
	[tilespmem:$0x3B80] =	vst v63  }
0xd2: {  	_ =	swait.ge [sflag:s22], $0x1880  }
0xd3: {  	[sflag:s22] =	ssyncset.done $0x0  }
0xd4: {  	[sflag:s22] =	ssyncadd.s32 $0xFFFFE780  }
0xd5: {  	[tilespmem:$0x3280] =	vst v2  }
0xd6: {  	[tilespmem:$0x3290] =	vst v2  }
0xd7: {  	[tilespmem:$0x32A0] =	vst v2  }
.Ltmp7:
0xd8: {  	[tilespmem:$0x32B0] =	vst v2;
	(pc) =	sbr.rel .LBB2_3-.Ltmp7, $4  }
0xd9: {  	[tilespmem:$0x32C0] =	vst v2  }
0xda: {  	[tilespmem:$0x32D0] =	vst v2  }
0xdb: {  	[tilespmem:$0x32E0] =	vst v2  }
0xdc: {  	s3 =	simm.s32 $0x1A40;
	s7 =	simm.s32 $0x0;
	[tilespmem:$0x32F0] =	vst v2  }
.LBB2_5:
0xdd: {  	s7 =	sadd.s32 $0x80, s7  }
0xde: {  	p1 =	seq.s32 s7, $0x1880  }
.Ltmp8:
0xdf: {  	_ = 	snop;
	(pc) =	sbr.rel @p1 .LBB2_6-.Ltmp8, $2  }
0xe0: {  	_ =	sdelay $0x2  }
0xe1: {  	s3 =	sadd.s32 $0x80, s3  }
.LBB2_3:
0xe2: {  	v11 =	vld [tilespmem:s3+$0xFFFFFFD0]  }
0xe3: {  	v12 =	vld [tilespmem:s3+$0xFFFFFFE0]  }
0xe4: {  	v13 =	vld [tilespmem:s3+$0xFFFFFFF0]  }
0xe5: {  	v14 =	vld [tilespmem:s3+$0x0]  }
0xe6: {  	v15 =	vld [tilespmem:s3+$0x10]  }
0xe7: {  	v16 =	vld [tilespmem:s3+$0x20]  }
0xe8: {  	v17 =	vld [tilespmem:s3+$0x30];
	v12 =	vor.u32 v12, v11  }
0xe9: {  	v11 =	vld [tilespmem:s3+$0xFFFFFFC0];
	v12 =	vor.u32 v13, v12  }
0xea: {  	v12 =	vor.u32 v14, v12  }
0xeb: {  	v12 =	vor.u32 v15, v12  }
0xec: {  	v12 =	vor.u32 v16, v12  }
0xed: {  	v12 =	vor.u32 v17, v12  }
0xee: {  	v12 =	vor.u32 v11, v12  }
0xef: {  	(xrf0) =	vadd.scan.msk.s32 $0xffff, v12;
	_ =	sdelay $0x5  }
0xf0: {  	v12, _, _ =	vpop (xrf0)  }
0xf1: {  	(v2sf) =	vpush v12, $0xF;
	_ =	sdelay $0xe  }
0xf2: {  	s8 =	spop (v2sf)  }
0xf3: {  	p1 =	slt.s32 s8, $0x1  }
.Ltmp9:
0xf4: {  	_ = 	snop;
	(pc) =	sbr.rel @p1 .LBB2_5-.Ltmp9, $1  }
0xf5: {  	_ =	sdelay $0x3  }
0xf6: {  	s8 =	sadd.s32 s7, s6  }
0xf7: {  	v12 =	vmov s8  }
0xf8: {  	vm0 =	vgt.s32 v11, $0x0;
	p1 =	slt.s32 s1, $0x70;
	s9 =	smov.u32 s1;
	vm1 =	vlt.u32 v12, $0x186A0  }
0xf9: {  	v11 =	vor.u32 s8, v1;
	s9 =	simm.s32 @!p1 $0x70;
	vm0 =	vmand vm1, vm0  }
0xfa: {  	[tilespmem:s9+$0x3280] =	vst.msk vm0, v11;
	v11 =	vsel vm0, $0x1, v2  }
0xfb: {  	(xrf0) =	vadd.scan.msk.s32 $0xffff, v11;
	v11 =	vld [tilespmem:s3+$0xFFFFFFD0];
	_ =	sdelay $0x2  }
0xfc: {  	s9 =	sadd.s32 $0x10, s8  }
0xfd: {  	v57 =	vmov s9  }
0xfe: {  	vm15 =	vlt.u32 v57, $0x186A0;
	vm14 =	vgt.s32 v11, $0x0  }
0xff: {  	v11, _, _ =	vpop (xrf0);
	vm0 =	vmand vm15, vm14  }
0x100: {  	(v2sf) =	vpush v11, $0xF;
	v11 =	vsel vm0, $0x1, v2  }
0x101: {  	(xrf0) =	vadd.scan.msk.s32 $0xffff, v11;
	_ =	sdelay $0x5  }
0x102: {  	v11, _, _ =	vpop (xrf0)  }
0x103: {  	(v2sf) =	vpush v11, $0xF;
	_ =	sdelay $0x6  }
0x104: {  	s10 =	spop (v2sf)  }
0x105: {  	s1 =	sadd.s32 s1, s10  }
0x106: {  	p1 =	slt.s32 s1, $0x70;
	s10 =	smov.u32 s1  }
0x107: {  	v11 =	vor.u32 s9, v1;
	s10 =	simm.s32 @!p1 $0x70  }
0x108: {  	[tilespmem:s10+$0x3280] =	vst.msk vm0, v11  }
0x109: {  	v11 =	vld [tilespmem:s3+$0xFFFFFFE0];
	_ =	sdelay $0x2  }
0x10a: {  	s10 =	sadd.s32 $0x20, s8;
	s9 =	spop (v2sf)  }
0x10b: {  	v58 =	vmov s10;
	s1 =	sadd.s32 s1, s9  }
0x10c: {  	vm5 =	vlt.u32 v58, $0x186A0;
	vm4 =	vgt.s32 v11, $0x0;
	p1 =	slt.s32 s1, $0x70;
	s9 =	smov.u32 s1  }
0x10d: {  	v11 =	vor.u32 s10, v1;
	vm0 =	vmand vm5, vm4;
	s9 =	simm.s32 @!p1 $0x70  }
0x10e: {  	[tilespmem:s9+$0x3280] =	vst.msk vm0, v11;
	v11 =	vsel vm0, $0x1, v2  }
0x10f: {  	(xrf0) =	vadd.scan.msk.s32 $0xffff, v11;
	v11 =	vld [tilespmem:s3+$0xFFFFFFF0];
	_ =	sdelay $0x2  }
0x110: {  	s9 =	sadd.s32 $0x30, s8  }
0x111: {  	v59 =	vmov s9  }
0x112: {  	vm7 =	vlt.u32 v59, $0x186A0;
	vm6 =	vgt.s32 v11, $0x0  }
0x113: {  	v11, _, _ =	vpop (xrf0);
	vm0 =	vmand vm7, vm6  }
0x114: {  	(v2sf) =	vpush v11, $0xF;
	v11 =	vsel vm0, $0x1, v2  }
0x115: {  	(xrf0) =	vadd.scan.msk.s32 $0xffff, v11;
	_ =	sdelay $0x5  }
0x116: {  	v11, _, _ =	vpop (xrf0)  }
0x117: {  	(v2sf) =	vpush v11, $0xF;
	_ =	sdelay $0x6  }
0x118: {  	s10 =	spop (v2sf)  }
0x119: {  	s1 =	sadd.s32 s1, s10  }
0x11a: {  	p1 =	slt.s32 s1, $0x70;
	s10 =	smov.u32 s1  }
0x11b: {  	v11 =	vor.u32 s9, v1;
	s10 =	simm.s32 @!p1 $0x70  }
0x11c: {  	[tilespmem:s10+$0x3280] =	vst.msk vm0, v11  }
0x11d: {  	v11 =	vld [tilespmem:s3+$0x0];
	_ =	sdelay $0x2  }
0x11e: {  	s10 =	sadd.s32 $0x40, s8;
	s9 =	spop (v2sf)  }
0x11f: {  	v60 =	vmov s10;
	s1 =	sadd.s32 s1, s9  }
0x120: {  	vm9 =	vlt.u32 v60, $0x186A0;
	vm8 =	vgt.s32 v11, $0x0;
	p1 =	slt.s32 s1, $0x70;
	s9 =	smov.u32 s1  }
0x121: {  	v11 =	vor.u32 s10, v1;
	vm0 =	vmand vm9, vm8;
	s9 =	simm.s32 @!p1 $0x70  }
0x122: {  	[tilespmem:s9+$0x3280] =	vst.msk vm0, v11;
	v11 =	vsel vm0, $0x1, v2  }
0x123: {  	(xrf0) =	vadd.scan.msk.s32 $0xffff, v11;
	v11 =	vld [tilespmem:s3+$0x10];
	_ =	sdelay $0x2  }
0x124: {  	s9 =	sadd.s32 $0x50, s8  }
0x125: {  	v61 =	vmov s9  }
0x126: {  	vm11 =	vlt.u32 v61, $0x186A0;
	vm10 =	vgt.s32 v11, $0x0  }
0x127: {  	v11, _, _ =	vpop (xrf0);
	vm0 =	vmand vm11, vm10  }
0x128: {  	(v2sf) =	vpush v11, $0xF;
	v11 =	vsel vm0, $0x1, v2  }
0x129: {  	(xrf0) =	vadd.scan.msk.s32 $0xffff, v11;
	_ =	sdelay $0x5  }
0x12a: {  	v11, _, _ =	vpop (xrf0)  }
0x12b: {  	(v2sf) =	vpush v11, $0xF;
	_ =	sdelay $0x6  }
0x12c: {  	s10 =	spop (v2sf)  }
0x12d: {  	s1 =	sadd.s32 s1, s10  }
0x12e: {  	p1 =	slt.s32 s1, $0x70;
	s10 =	smov.u32 s1  }
0x12f: {  	v11 =	vor.u32 s9, v1;
	s10 =	simm.s32 @!p1 $0x70  }
0x130: {  	[tilespmem:s10+$0x3280] =	vst.msk vm0, v11  }
0x131: {  	v11 =	vld [tilespmem:s3+$0x20];
	_ =	sdelay $0x2  }
0x132: {  	s10 =	sadd.s32 $0x60, s8;
	s9 =	spop (v2sf)  }
0x133: {  	v62 =	vmov s10;
	s1 =	sadd.s32 s1, s9  }
0x134: {  	vm13 =	vlt.u32 v62, $0x186A0;
	vm12 =	vgt.s32 v11, $0x0;
	p1 =	slt.s32 s1, $0x70;
	s9 =	smov.u32 s1  }
0x135: {  	v11 =	vor.u32 s10, v1;
	vm0 =	vmand vm13, vm12;
	s9 =	simm.s32 @!p1 $0x70  }
0x136: {  	[tilespmem:s9+$0x3280] =	vst.msk vm0, v11  }
0x137: {  	v11 =	vld [tilespmem:s3+$0x30];
	_ =	sdelay $0x2  }
0x138: {  	s8 =	sadd.s32 $0x70, s8  }
0x139: {  	v13 =	vmov s8;
	v63 =	vsel vm0, $0x1, v2  }
0x13a: {  	vm15 =	vlt.u32 v13, $0x186A0;
	(xrf0) =	vadd.scan.msk.s32 $0xffff, v63;
	vm14 =	vgt.s32 v11, $0x0  }
0x13b: {  	vm0 =	vmand vm15, vm14  }
0x13c: {  	v11 =	vsel vm0, $0x1, v2  }
0x13d: {  	(xrf0) =	vadd.scan.msk.s32 $0xffff, v11;
	_ =	sdelay $0x2  }
0x13e: {  	v11, _, _ =	vpop (xrf0)  }
0x13f: {  	(v2sf) =	vpush v11, $0xF;
	_ =	sdelay $0x1  }
0x140: {  	v11, _, _ =	vpop (xrf0)  }
0x141: {  	(v2sf) =	vpush v11, $0xF;
	_ =	sdelay $0xb  }
.Ltmp10:
0x142: {  	s10 =	spop (v2sf);
	(pc) =	sbr.rel .LBB2_5-.Ltmp10, $4  }
0x143: {  	s1 =	sadd.s32 s1, s10  }
0x144: {  	p1 =	slt.s32 s1, $0x70;
	s9 =	smov.u32 s1  }
0x145: {  	v11 =	vor.u32 s8, v1;
	s9 =	simm.s32 @!p1 $0x70;
	s10 =	spop (v2sf)  }
0x146: {  	[tilespmem:s9+$0x3280] =	vst.msk vm0, v11;
	s1 =	sadd.s32 s1, s10  }
.LBB2_6:
.Ltmp11:
0x147: {  	(pc) =	sbr.rel .LBB2_12-.Ltmp11, $4  }
0x148: {  	s8 =	rddreg [dreg:$0x1]  }
0x149: {  	s9 =	rddreg [dreg:$0x5]  }
0x14a: {  	s7 =	rddreg [dreg:$0x8]  }
0x14b: {  	s3 =	rddreg [dreg:$0x7]  }
.LBB2_13:
0x14c: {  	_ =	sfence.sel $0x180000  }
0x14d: {  	[bflag:$0x0] =	sbarrier.arrive $0xFFFF  }
0x14e: {  	_ =	strace $0x9000004A  }
0x14f: {  	s0 =	stileid.u32;
	[bflag:$0x2] =	sbarrier.arrive $0xFFFF  }
0x150: {  	p0 =	sne.s32 s0, $0x0;
	s0 =	rddreg [dreg:$0x4]  }
0x151: {  	s0 =	sadd.s32 @!p0 $0x100000, s0  }
0x152: {  	[sflag:s0] =	ssyncadd.tile.s32 @!p0 $0x1;
	_ =	shalt  }
.Lfunc_end2:
_tile_overlayer_lowered:
.L_overlay_start_2:
0x153: {  	(tag) =	ssettag $0x2  }
0x154: {  	s0 =	rddreg [dreg:$0x0];
	s2 =	stileid.u32  }
0x155: {  	s1 =	rddreg [dreg:$0x1];
	p0 =	sne.s32 s2, $0x0  }
0x156: {  	s3 =	rddreg [dreg:$0x2];
	[bflag:$0x3] =	sbarrier.arrive $0xFFFF;
	s2 =	simm.s32 @!p0 $0x1C02  }
0x157: {  	[timem:s3], [sflag:s2] =	dma.local @!p0 [hbm:s0], s1  }
0x158: {  	s0 =	simm.s32 @!p0 $0x2  }
0x159: {  	_ =	swait.ge @!p0 [sflag:s0], s1  }
0x15a: {  	s1 =	ssub.s32 @!p0 $0x0, s1;
	[sflag:s0] =	ssyncset.done @!p0 $0x0  }
0x15b: {  	[sflag:s0] =	ssyncadd.s32 @!p0 s1  }
0x15c: {  	[bflag:$0x3] =	sbarrier.arrive $0xFFFF  }
0x15d: {  	_ =	shalt  }

</sc_bundles>
